<compile_context>
chip_gen: v7x
topology: tpu7x:2x2x1
jax: 0.10.2.dev20260603
libtpu: 0.0.44.dev20260713+nightly
codegen_flags: <defaults>
</compile_context>

<pallas_src>
import functools

import jax
import jax.numpy as jnp
from jax import lax
from jax.experimental import pallas as pl
from jax.experimental.pallas import tpu as pltpu
from jax.experimental.pallas import tpu_sc as plsc

B = 4
C0 = 9
N = 4096
K = 20
C = 64
CL = 128
EPS = 1e-5
TN = 4096
NT = N // TN
ROWS = B * K * N
NW = 32
RPW = ROWS // NW
CH = 128
GR = 5
NGRP = RPW // (CH * GR)
_f32 = jnp.float32


def _sc_gather_call(qflat, idx3, nrows):
    mesh = plsc.VectorSubcoreMesh(core_axis_name="c", subcore_axis_name="s")
    rpw = nrows // NW
    ngrp = rpw // (CH * GR)

    @functools.partial(
        pl.kernel,
        out_type=jax.ShapeDtypeStruct((nrows, CL), _f32),
        mesh=mesh,
        scratch_types=[
            pltpu.VMEM((rpw // CH, CH), jnp.int32),
            pltpu.VMEM((GR * CH, CL), _f32),
            pltpu.SemaphoreType.DMA,
        ],
    )
    def gath(q_hbm, idx_hbm, g_hbm, idx_v, rows_v, sem):
        wid = lax.axis_index("s") * 2 + lax.axis_index("c")
        base = wid * rpw
        pltpu.sync_copy(idx_hbm.at[wid], idx_v)

        def group(gi, carry):
            goff = gi * (GR * CH)
            cps = [
                pltpu.async_copy(
                    q_hbm.at[idx_v.at[gi * GR + j]],
                    rows_v.at[pl.ds(j * CH, CH)],
                    sem,
                )
                for j in range(GR)
            ]
            for cp in cps:
                cp.wait()
            pltpu.sync_copy(rows_v, g_hbm.at[pl.ds(base + goff, GR * CH)])
            return carry

        lax.fori_loop(0, ngrp, group, 0)

    return gath(qflat, idx3)


def _gather_rows(qflat, idxf):
    nrows = idxf.shape[0]
    return _sc_gather_call(qflat, idxf.reshape(NW, nrows // (NW * CH), CH),
                           nrows)


def _sumrows2(x):
    return jnp.concatenate(
        [jnp.sum(x, 0, keepdims=True), jnp.sum(x * x, 0, keepdims=True)], 0
    )


def _dot(a, b):
    return jnp.dot(a, b, preferred_element_type=_f32)


def _doth(a, b):
    return jnp.dot(a, b, preferred_element_type=_f32,
                   precision=lax.Precision.HIGHEST)


def _edge(x, g, we):
    lane = lax.broadcasted_iota(jnp.int32, x.shape, 1)
    e = jnp.where(lane < C, x, g - x)
    return _dot(e, we)


def _fin_body(m1_ref, m2_ref, mu_ref, iv_ref, x_ref):
    b = pl.program_id(0)
    m = jnp.where(b < B // 2, m1_ref[0], m2_ref[0])
    x = jnp.maximum((m - mu_ref[...]) * iv_ref[...], 0.0)
    x_ref[0] = x + pltpu.roll(x, C, 1)


def _fin(m1, m2, mu, iv):
    hb = B // 2
    return pl.pallas_call(
        _fin_body,
        grid=(B, NT),
        in_specs=[
            pl.BlockSpec((1, TN, CL), lambda b, t: (jnp.minimum(b, hb - 1), t, 0)),
            pl.BlockSpec((1, TN, CL), lambda b, t: (jnp.maximum(b - hb, 0), t, 0)),
            pl.BlockSpec((1, CL), lambda b, t: (0, 0)),
            pl.BlockSpec((1, CL), lambda b, t: (0, 0)),
        ],
        out_specs=pl.BlockSpec((1, TN, CL), lambda b, t: (b, t, 0)),
        out_shape=jax.ShapeDtypeStruct((B, N, CL), _f32),
    )(m1, m2, mu, iv)


def _ecstats_body(g_ref, x_ref, we_ref, s_ref):
    k = pl.program_id(2)
    h = _edge(x_ref[0], g_ref[0, 0], we_ref[...])
    ps = _sumrows2(h)[None, None]

    @pl.when(k == 0)
    def _():
        s_ref[...] = ps

    @pl.when(k > 0)
    def _():
        s_ref[...] += ps


def _ec_stats(g4, x, we, boff, nb):
    return pl.pallas_call(
        _ecstats_body,
        grid=(nb, NT, K),
        in_specs=[
            pl.BlockSpec((1, 1, TN, CL), lambda b, t, k: (b, k, t, 0)),
            pl.BlockSpec((1, TN, CL), lambda b, t, k: (b + boff, t, 0)),
            pl.BlockSpec((CL, CL), lambda b, t, k: (0, 0)),
        ],
        out_specs=pl.BlockSpec((1, 1, 2, CL), lambda b, t, k: (b, t, 0, 0)),
        out_shape=jax.ShapeDtypeStruct((nb, NT, 2, CL), _f32),
    )(g4, x, we)


def _ecmain_body(g_ref, x_ref, we_ref, mu_ref, iv_ref, w2_ref, m_ref, s_ref):
    k = pl.program_id(2)
    h1 = _edge(x_ref[0], g_ref[0, 0], we_ref[...])
    a = jnp.maximum((h1 - mu_ref[...]) * iv_ref[...], 0.0)
    h2 = _dot(a, w2_ref[...])
    ps = _sumrows2(h2)[None, None]

    @pl.when(k == 0)
    def _():
        s_ref[...] = ps
        m_ref[0] = h2

    @pl.when(k > 0)
    def _():
        s_ref[...] += ps
        m_ref[0] = jnp.maximum(m_ref[0], h2)


def _ec_main(g4, x, we, mu, iv, w2t, boff, nb):
    return pl.pallas_call(
        _ecmain_body,
        grid=(nb, NT, K),
        in_specs=[
            pl.BlockSpec((1, 1, TN, CL), lambda b, t, k: (b, k, t, 0)),
            pl.BlockSpec((1, TN, CL), lambda b, t, k: (b + boff, t, 0)),
            pl.BlockSpec((CL, CL), lambda b, t, k: (0, 0)),
            pl.BlockSpec((1, CL), lambda b, t, k: (0, 0)),
            pl.BlockSpec((1, CL), lambda b, t, k: (0, 0)),
            pl.BlockSpec((CL, CL), lambda b, t, k: (0, 0)),
        ],
        out_specs=[
            pl.BlockSpec((1, TN, CL), lambda b, t, k: (b, t, 0)),
            pl.BlockSpec((1, 1, 2, CL), lambda b, t, k: (b, t, 0, 0)),
        ],
        out_shape=[
            jax.ShapeDtypeStruct((nb, N, CL), _f32),
            jax.ShapeDtypeStruct((nb, NT, 2, CL), _f32),
        ],
    )(g4, x, we, mu, iv, w2t)


def _local_body(x1_ref, x2_ref, x3_ref, w1_ref, w2_ref, w3_ref, mx_ref, s_ref):
    b, t = pl.program_id(0), pl.program_id(1)
    raw = (
        _dot(x1_ref[0], w1_ref[...])
        + _dot(x2_ref[0], w2_ref[...])
        + _dot(x3_ref[0], w3_ref[...])
    )

    s_ref[...] = _sumrows2(raw)[None, None]
    rmax = jnp.max(raw, axis=0, keepdims=True)

    @pl.when(t == 0)
    def _():
        mx_ref[0] = rmax

    @pl.when(t > 0)
    def _():
        mx_ref[0] = jnp.maximum(mx_ref[0], rmax)


def _local(x1, x2, x3, w1, w2, w3):
    return pl.pallas_call(
        _local_body,
        grid=(B, NT),
        in_specs=[pl.BlockSpec((1, TN, CL), lambda b, t: (b, t, 0))] * 3
        + [pl.BlockSpec((CL, 1024), lambda b, t: (0, 0))] * 3,
        out_specs=[
            pl.BlockSpec((1, 1, 1024), lambda b, t: (b, 0, 0)),
            pl.BlockSpec((1, 1, 2, 1024), lambda b, t: (b, t, 0, 0)),
        ],
        out_shape=[
            jax.ShapeDtypeStruct((B, 1, 1024), _f32),
            jax.ShapeDtypeStruct((B, NT, 2, 1024), _f32),
        ],
    )(x1, x2, x3, w1, w2, w3)


def _useg_body(mx_ref, mu_ref, iv_ref, wg_ref, u_ref):
    g = jnp.maximum((mx_ref[...] - mu_ref[...]) * iv_ref[...], 0.0)
    u_ref[...] = _dot(g, wg_ref[...])


def _useg(mx, mu, iv, wg):
    return pl.pallas_call(
        _useg_body,
        out_shape=jax.ShapeDtypeStruct((B, 512), _f32),
    )(mx, mu, iv, wg)


def _s0_body(x1_ref, x2_ref, x3_ref, w1_ref, w2_ref, w3_ref, u_ref, r_ref, s_ref):
    b, t = pl.program_id(0), pl.program_id(1)
    raw = (
        _dot(x1_ref[0], w1_ref[...])
        + _dot(x2_ref[0], w2_ref[...])
        + _dot(x3_ref[0], w3_ref[...])
        + u_ref[0]
    )

    s_ref[...] = _sumrows2(raw)[None, None]
    r_ref[0] = raw


def _s0(x1, x2, x3, w1, w2, w3, u3):
    return pl.pallas_call(
        _s0_body,
        grid=(B, NT),
        in_specs=[pl.BlockSpec((1, TN, CL), lambda b, t: (b, t, 0))] * 3
        + [pl.BlockSpec((CL, 512), lambda b, t: (0, 0))] * 3
        + [pl.BlockSpec((1, 1, 512), lambda b, t: (b, 0, 0))],
        out_specs=[
            pl.BlockSpec((1, TN, 512), lambda b, t: (b, t, 0)),
            pl.BlockSpec((1, 1, 2, 512), lambda b, t: (b, t, 0, 0)),
        ],
        out_shape=[
            jax.ShapeDtypeStruct((B, N, 512), _f32),
            jax.ShapeDtypeStruct((B, NT, 2, 512), _f32),
        ],
    )(x1, x2, x3, w1, w2, w3, u3)


def _s1_body(r0_ref, mu_ref, iv_ref, w_ref, r1_ref, s_ref):
    b, t = pl.program_id(0), pl.program_id(1)
    a = jnp.maximum((r0_ref[0] - mu_ref[...]) * iv_ref[...], 0.0)
    raw = _dot(a, w_ref[...])

    s_ref[...] = _sumrows2(raw)[None, None]
    r1_ref[0] = raw


def _s1(r0, mu, iv, wt):
    return pl.pallas_call(
        _s1_body,
        grid=(B, NT),
        in_specs=[
            pl.BlockSpec((1, TN, 512), lambda b, t: (b, t, 0)),
            pl.BlockSpec((1, 512), lambda b, t: (0, 0)),
            pl.BlockSpec((1, 512), lambda b, t: (0, 0)),
            pl.BlockSpec((512, 256), lambda b, t: (0, 0)),
        ],
        out_specs=[
            pl.BlockSpec((1, TN, 256), lambda b, t: (b, t, 0)),
            pl.BlockSpec((1, 1, 2, 256), lambda b, t: (b, t, 0, 0)),
        ],
        out_shape=[
            jax.ShapeDtypeStruct((B, N, 256), _f32),
            jax.ShapeDtypeStruct((B, NT, 2, 256), _f32),
        ],
    )(r0, mu, iv, wt)


def _s2_body(r1_ref, mu_ref, iv_ref, w_ref, bias_ref, o_ref):
    a = jnp.maximum((r1_ref[0] - mu_ref[...]) * iv_ref[...], 0.0)
    o_ref[0] = _dot(a, w_ref[...]) + bias_ref[...]


def _s2(r1, mu, iv, wt, bias):
    return pl.pallas_call(
        _s2_body,
        grid=(B, NT),
        in_specs=[
            pl.BlockSpec((1, TN, 256), lambda b, t: (b, t, 0)),
            pl.BlockSpec((1, 256), lambda b, t: (0, 0)),
            pl.BlockSpec((1, 256), lambda b, t: (0, 0)),
            pl.BlockSpec((256, 128), lambda b, t: (0, 0)),
            pl.BlockSpec((1, 128), lambda b, t: (0, 0)),
        ],
        out_specs=pl.BlockSpec((1, TN, 128), lambda b, t: (b, t, 0)),
        out_shape=jax.ShapeDtypeStruct((B, N, 128), _f32),
    )(r1, mu, iv, wt, bias)


def _bn_from_sums(s, count):
    s = jnp.sum(s, axis=(0, 1))
    mean = s[0] / count
    var = s[1] / count - mean * mean
    inv = 1.0 / jnp.sqrt(var + EPS)
    return mean[None, :], inv[None, :]


def kernel(points, knn_ind,
           ec0_w0, ec0_g0, ec0_b0, ec0_w1, ec0_g1, ec0_b1,
           ec1_w0, ec1_g0, ec1_b0, ec1_w1, ec1_g1, ec1_b1,
           ec2_w0, ec2_g0, ec2_b0, ec2_w1, ec2_g1, ec2_b1,
           local_w, local_g, local_b,
           seg0_w, seg0_g, seg0_b,
           seg1_w, seg1_g, seg1_b,
           logit_w, logit_b):
    x0 = jnp.transpose(points, (0, 2, 1))
    x0 = jnp.pad(x0, ((0, 0), (0, 0), (0, C - C0)))
    x0 = jnp.concatenate([x0, x0], axis=-1)
    boff = (jnp.arange(B, dtype=jnp.int32) * N)[:, None, None]
    idxf = jnp.transpose(knn_ind + boff, (0, 2, 1)).reshape(ROWS)

    ecw = [(ec0_w0, ec0_w1), (ec1_w0, ec1_w1), (ec2_w0, ec2_w1)]
    feats = []
    x = x0
    for li, (w0, w1) in enumerate(ecw):
        cin = C0 if li == 0 else C
        wc, wd = w0[:, :cin], w0[:, cin:]
        we = jnp.zeros((CL, CL), _f32)
        we = we.at[0:cin, 0:C].set(wc.T)
        we = we.at[C:C + cin, 0:C].set(wd.T)
        xf = x.reshape(B * N, CL)
        hb = B // 2
        hr = ROWS // 2
        ga = _gather_rows(xf, idxf[:hr]).reshape(hb, K, N, CL)
        gb = _gather_rows(xf, idxf[hr:]).reshape(hb, K, N, CL)
        s1a = _ec_stats(ga, x, we, 0, hb)
        s1b = _ec_stats(gb, x, we, hb, hb)
        mu1, iv1 = _bn_from_sums(jnp.concatenate([s1a, s1b], 0), float(ROWS))
        w2t = jnp.pad(w1.T, ((0, CL - C), (0, CL - C)))
        ma, s2a = _ec_main(ga, x, we, mu1, iv1, w2t, 0, hb)
        mb, s2b = _ec_main(gb, x, we, mu1, iv1, w2t, hb, hb)
        s2 = jnp.concatenate([s2a, s2b], 0)
        x = _fin(ma, mb, *_bn_from_sums(s2, float(ROWS)))
        feats.append(x)
    x1f, x2f, x3f = feats

    lwt = local_w.T
    lws = [jnp.pad(lwt[i * C:(i + 1) * C], ((0, CL - C), (0, 0)))
           for i in range(3)]
    mx, sl = _local(x1f, x2f, x3f, *lws)
    mul, ivl = _bn_from_sums(sl, float(B * N))
    u = _useg(mx.reshape(B, 1024), mul, ivl, seg0_w[:, :1024].T)
    wc_ = seg0_w[:, 1024:].T
    wcs = [jnp.pad(wc_[i * C:(i + 1) * C], ((0, CL - C), (0, 0)))
           for i in range(3)]
    r0, s0s = _s0(x1f, x2f, x3f, *wcs, u.reshape(B, 1, 512))
    mu0, iv0 = _bn_from_sums(s0s, float(B * N))
    r1, s1s = _s1(r0, mu0, iv0, seg1_w.T)
    mu1s, iv1s = _bn_from_sums(s1s, float(B * N))
    wl = jnp.pad(logit_w.T, ((0, 0), (0, 128 - 13)))
    bl = jnp.pad(logit_b, (0, 128 - 13))[None, :]
    lo = _s2(r1, mu1s, iv1s, wl, bl)
    return jnp.transpose(lo[:, :, :13], (0, 2, 1))

# --- scband reference (transcript-rebuilt; emitter-appended) ---
"""Pipeline reference for scband-dgcnnsem-seg-7206955123039 (READ-ONLY COPY).

The authoritative reference and input builder live on the scoring server;
editing this copy changes nothing except your own understanding.
"""

import jax, jax.numpy as jnp
import numpy as np

B, C_IN, N, K = 4, 9, 4096, 20
EC = [(9, (64, 64)), (64, (64, 64)), (64, (64, 64))]
INTER = 1024
GLOBAL = (512, 256)
OUT = 13


def _bn(x, g, b, axes, eps=1e-5):
    m = jnp.mean(x, axis=axes, keepdims=True)
    v = jnp.var(x, axis=axes, keepdims=True)
    return g * (x - m) / jnp.sqrt(v + eps) + b


def setup_inputs(seed=0) -> dict:
    key = jax.random.key(seed)
    keys = iter(jax.random.split(key, 64))
    inp = {}
    inp['points'] = jax.random.normal(next(keys), (B, C_IN, N), dtype=jnp.float32)
    inp['knn_ind'] = jax.random.randint(next(keys), (B, N, K), 0, N, dtype=jnp.int32)

    def w(o, i):
        return (jax.random.normal(next(keys), (o, i), dtype=jnp.float32) / np.sqrt(i)).astype(jnp.float32)

    for li, (cin, outs) in enumerate(EC):
        prev = 2 * cin
        for ci, co in enumerate(outs):
            inp['ec%d_w%d' % (li, ci)] = w(co, prev)
            inp['ec%d_g%d' % (li, ci)] = jnp.ones((co,), jnp.float32)
            inp['ec%d_b%d' % (li, ci)] = jnp.zeros((co,), jnp.float32)
            prev = co
    concat = sum(o[-1] for _, o in EC)
    inp['local_w'] = w(INTER, concat)
    inp['local_g'] = jnp.ones((INTER,), jnp.float32)
    inp['local_b'] = jnp.zeros((INTER,), jnp.float32)
    prev = INTER + concat
    for si, co in enumerate(GLOBAL):
        inp['seg%d_w' % si] = w(co, prev)
        inp['seg%d_g' % si] = jnp.ones((co,), jnp.float32)
        inp['seg%d_b' % si] = jnp.zeros((co,), jnp.float32)
        prev = co
    inp['logit_w'] = w(OUT, GLOBAL[-1])
    inp['logit_b'] = jnp.zeros((OUT,), jnp.float32)
    return inp


def _forward(points, knn_ind, params):
    x = jnp.transpose(points, (0, 2, 1))  # [B, N, C]
    feats = []
    for li in range(len(EC)):
        nb = jax.vmap(lambda xt, idx: xt[idx])(x, knn_ind)  # gather: [B, N, K, C]
        central = jnp.broadcast_to(x[:, :, None, :], nb.shape)
        h = jnp.concatenate([central, nb - central], axis=-1)  # edge features [B,N,K,2C]
        for ci in range(2):
            h = jnp.einsum('bnkc,oc->bnko', h, params['ec%d_w%d' % (li, ci)])
            h = _bn(h, params['ec%d_g%d' % (li, ci)], params['ec%d_b%d' % (li, ci)], (0, 1, 2))
            h = jax.nn.relu(h)
        x = jnp.max(h, axis=2)  # max over k neighbors -> [B, N, 64]
        feats.append(x)
    concat = jnp.concatenate(feats, axis=-1)  # [B, N, 192]
    loc = jnp.einsum('bnc,oc->bno', concat, params['local_w'])
    loc = jax.nn.relu(_bn(loc, params['local_g'], params['local_b'], (0, 1)))  # [B, N, 1024]
    g = jnp.max(loc, axis=1)  # global max pool over points [B, 1024]
    gexp = jnp.broadcast_to(g[:, None, :], (loc.shape[0], loc.shape[1], g.shape[-1]))
    h = jnp.concatenate([gexp, concat], axis=-1)  # [B, N, 1216]
    for si in range(len(GLOBAL)):
        h = jnp.einsum('bnc,oc->bno', h, params['seg%d_w' % si])
        h = jax.nn.relu(_bn(h, params['seg%d_g' % si], params['seg%d_b' % si], (0, 1)))
    # dropout is identity at inference
    logit = jnp.einsum('bnc,oc->bno', h, params['logit_w']) + params['logit_b']
    return jnp.transpose(logit, (0, 2, 1))  # seg_logit: [B, OUT, N]


def reference(points, knn_ind,
              ec0_w0, ec0_g0, ec0_b0, ec0_w1, ec0_g1, ec0_b1,
              ec1_w0, ec1_g0, ec1_b0, ec1_w1, ec1_g1, ec1_b1,
              ec2_w0, ec2_g0, ec2_b0, ec2_w1, ec2_g1, ec2_b1,
              local_w, local_g, local_b,
              seg0_w, seg0_g, seg0_b,
              seg1_w, seg1_g, seg1_b,
              logit_w, logit_b):
    params = {
        'ec0_w0': ec0_w0, 'ec0_g0': ec0_g0, 'ec0_b0': ec0_b0,
        'ec0_w1': ec0_w1, 'ec0_g1': ec0_g1, 'ec0_b1': ec0_b1,
        'ec1_w0': ec1_w0, 'ec1_g0': ec1_g0, 'ec1_b0': ec1_b0,
        'ec1_w1': ec1_w1, 'ec1_g1': ec1_g1, 'ec1_b1': ec1_b1,
        'ec2_w0': ec2_w0, 'ec2_g0': ec2_g0, 'ec2_b0': ec2_b0,
        'ec2_w1': ec2_w1, 'ec2_g1': ec2_g1, 'ec2_b1': ec2_b1,
        'local_w': local_w, 'local_g': local_g, 'local_b': local_b,
        'seg0_w': seg0_w, 'seg0_g': seg0_g, 'seg0_b': seg0_b,
        'seg1_w': seg1_w, 'seg1_g': seg1_g, 'seg1_b': seg1_b,
        'logit_w': logit_w, 'logit_b': logit_b,
    }
    return _forward(points, knn_ind, params)

if __name__ == "__main__":
    import jax
    _d = setup_inputs()
    print(jax.jit(kernel)(*tuple(_d.values())))

</pallas_src>

<mosaic_0001>
#map = affine_map<(d0, d1) -> (0, 0)>
#map1 = affine_map<(d0, d1) -> (0, 0, 0)>
module attributes {stable_mosaic.version = 14 : i64} {
  func.func @gath(%arg0: i32, %arg1: i32, %arg2: memref<16384x128xf32, #tpu.memory_space<hbm>>, %arg3: memref<32x40x128xi32, #tpu.memory_space<hbm>>, %arg4: memref<163840x128xf32, #tpu.memory_space<hbm>>, %arg5: memref<40x128xi32, #tpu.memory_space<vmem>>, %arg6: memref<640x128xf32, #tpu.memory_space<vmem>>, %arg7: memref<!tpu.dma_semaphore, #tpu.memory_space<semaphore_mem>>) attributes {dimension_semantics = [#tpu.dimension_semantics<core_parallel>, #tpu.dimension_semantics<subcore_parallel>], iteration_bounds = array<i64: 2, 16>, scalar_prefetch = 0 : i64, scratch_operands = 3 : i64, tpu.core_type = #tpu.core_type<sc_vector_subcore>, window_params = [{transform_indices = #map}, {transform_indices = #map1}, {transform_indices = #map}]} {
    %mul3A = arith.constant 2 : i32
    %mul3A_0 = arith.muli %arg1, %mul3A : i32
    %add3A = arith.addi %mul3A_0, %arg0 : i32
    %mul3A_1 = arith.constant 5120 : i32
    %mul3A_2 = arith.muli %add3A, %mul3A_1 : i32
    "tpu.region"() ({
      %run_scoped3A = tpu.sem_alloc : memref<!tpu.dma_semaphore, #tpu.memory_space<semaphore_mem>>
      %dma_start3A = arith.constant 0 : i32
      %dma_start3A_8 = arith.constant 0 : i32
      %dma_start3A_9 = tpu.memref_slice %arg3[%add3A, %dma_start3A, %dma_start3A_8] : memref<32x40x128xi32, #tpu.memory_space<hbm>> -> memref<1x40x128xi32, #tpu.memory_space<hbm>>
      %dma_start3A_10 = tpu.memref_squeeze %dma_start3A_9 : memref<1x40x128xi32, #tpu.memory_space<hbm>> -> memref<40x128xi32, #tpu.memory_space<hbm>>
      %dma_start3A_11 = arith.constant 0 : i32
      %dma_start3A_12 = arith.constant 0 : i32
      %dma_start3A_13 = tpu.memref_slice %arg3[%add3A, %dma_start3A_11, %dma_start3A_12] : memref<32x40x128xi32, #tpu.memory_space<hbm>> -> memref<1x40x128xi32, #tpu.memory_space<hbm>>
      %dma_start3A_14 = tpu.memref_squeeze %dma_start3A_13 : memref<1x40x128xi32, #tpu.memory_space<hbm>> -> memref<40x128xi32, #tpu.memory_space<hbm>>
      tpu.enqueue_dma source(%dma_start3A_14 : memref<40x128xi32, #tpu.memory_space<hbm>>) target(%arg5 : memref<40x128xi32, #tpu.memory_space<vmem>>) target_semaphore(%run_scoped3A : memref<!tpu.dma_semaphore, #tpu.memory_space<semaphore_mem>>)
      %dma_wait3A = arith.constant 0 : i32
      %dma_wait3A_15 = arith.constant 0 : i32
      %dma_wait3A_16 = tpu.memref_slice %arg3[%add3A, %dma_wait3A, %dma_wait3A_15] : memref<32x40x128xi32, #tpu.memory_space<hbm>> -> memref<1x40x128xi32, #tpu.memory_space<hbm>>
      %dma_wait3A_17 = tpu.memref_squeeze %dma_wait3A_16 : memref<1x40x128xi32, #tpu.memory_space<hbm>> -> memref<40x128xi32, #tpu.memory_space<hbm>>
      %dma_wait3A_18 = arith.constant 0 : i32
      %dma_wait3A_19 = arith.constant 0 : i32
      %dma_wait3A_20 = tpu.memref_slice %arg3[%add3A, %dma_wait3A_18, %dma_wait3A_19] : memref<32x40x128xi32, #tpu.memory_space<hbm>> -> memref<1x40x128xi32, #tpu.memory_space<hbm>>
      %dma_wait3A_21 = tpu.memref_squeeze %dma_wait3A_20 : memref<1x40x128xi32, #tpu.memory_space<hbm>> -> memref<40x128xi32, #tpu.memory_space<hbm>>
      tpu.wait_dma2 semaphore(%run_scoped3A : memref<!tpu.dma_semaphore, #tpu.memory_space<semaphore_mem>>) src(%dma_wait3A_21 : memref<40x128xi32, #tpu.memory_space<hbm>>) dst(%arg5 : memref<40x128xi32, #tpu.memory_space<vmem>>)
      tpu.yield
    }) : () -> ()
    %scan3A = arith.constant 0 : i32
    %scan3A_3 = arith.constant 0 : i32
    %scan3A_4 = arith.constant 8 : i32
    %scan3A_5 = arith.addi %scan3A_3, %scan3A_4 : i32
    %scan3A_6 = arith.constant 1 : i32
    scf.for %scan3A_8 = %scan3A_3 to %scan3A_5 step %scan3A_6  : i32 {
      %mul3A_9 = arith.constant 640 : i32
      %mul3A_10 = arith.muli %scan3A_8, %mul3A_9 : i32
      %mul3A_11 = arith.constant 5 : i32
      %mul3A_12 = arith.muli %scan3A_8, %mul3A_11 : i32
      %add3A_13 = arith.constant 0 : i32
      %add3A_14 = arith.addi %mul3A_12, %add3A_13 : i32
      %dma_start3A = arith.constant 0 : i32
      %dma_start3A_15 = arith.constant 0 : i32
      %dma_start3A_16 = tpu.memref_slice %arg6[%dma_start3A, %dma_start3A_15] : memref<640x128xf32, #tpu.memory_space<vmem>> -> memref<128x128xf32, #tpu.memory_space<vmem>>
      %dma_start3A_17 = arith.constant 0 : i32
      %dma_start3A_18 = tpu.memref_slice %arg5[%add3A_14, %dma_start3A_17] : memref<40x128xi32, #tpu.memory_space<vmem>> -> memref<1x128xi32, #tpu.memory_space<vmem>>
      %dma_start3A_19 = tpu.memref_squeeze %dma_start3A_18 : memref<1x128xi32, #tpu.memory_space<vmem>> -> memref<128xi32, #tpu.memory_space<vmem>>
      %dma_start3A_20 = arith.constant 0 : i32
      %dma_start3A_21 = arith.constant 0 : i32
      %dma_start3A_22 = tpu.memref_slice %arg2[%dma_start3A_20, %dma_start3A_21] : memref<16384x128xf32, #tpu.memory_space<hbm>> -> memref<16384x128xf32, #tpu.memory_space<hbm>>
      tpu.enqueue_indirect_dma source(%dma_start3A_22 : memref<16384x128xf32, #tpu.memory_space<hbm>>) target(%dma_start3A_16 : memref<128x128xf32, #tpu.memory_space<vmem>>) offsets(%dma_start3A_19 : memref<128xi32, #tpu.memory_space<vmem>>) semaphore(%arg7 : memref<!tpu.dma_semaphore, #tpu.memory_space<semaphore_mem>>)
      %mul3A_23 = arith.constant 5 : i32
      %mul3A_24 = arith.muli %scan3A_8, %mul3A_23 : i32
      %add3A_25 = arith.constant 1 : i32
      %add3A_26 = arith.addi %mul3A_24, %add3A_25 : i32
      %dma_start3A_27 = arith.constant 128 : i32
      %dma_start3A_28 = arith.constant 0 : i32
      %dma_start3A_29 = tpu.memref_slice %arg6[%dma_start3A_27, %dma_start3A_28] : memref<640x128xf32, #tpu.memory_space<vmem>> -> memref<128x128xf32, #tpu.memory_space<vmem>>
      %dma_start3A_30 = arith.constant 0 : i32
      %dma_start3A_31 = tpu.memref_slice %arg5[%add3A_26, %dma_start3A_30] : memref<40x128xi32, #tpu.memory_space<vmem>> -> memref<1x128xi32, #tpu.memory_space<vmem>>
      %dma_start3A_32 = tpu.memref_squeeze %dma_start3A_31 : memref<1x128xi32, #tpu.memory_space<vmem>> -> memref<128xi32, #tpu.memory_space<vmem>>
      %dma_start3A_33 = arith.constant 0 : i32
      %dma_start3A_34 = arith.constant 0 : i32
      %dma_start3A_35 = tpu.memref_slice %arg2[%dma_start3A_33, %dma_start3A_34] : memref<16384x128xf32, #tpu.memory_space<hbm>> -> memref<16384x128xf32, #tpu.memory_space<hbm>>
      tpu.enqueue_indirect_dma source(%dma_start3A_35 : memref<16384x128xf32, #tpu.memory_space<hbm>>) target(%dma_start3A_29 : memref<128x128xf32, #tpu.memory_space<vmem>>) offsets(%dma_start3A_32 : memref<128xi32, #tpu.memory_space<vmem>>) semaphore(%arg7 : memref<!tpu.dma_semaphore, #tpu.memory_space<semaphore_mem>>)
      %mul3A_36 = arith.constant 5 : i32
      %mul3A_37 = arith.muli %scan3A_8, %mul3A_36 : i32
      %add3A_38 = arith.constant 2 : i32
      %add3A_39 = arith.addi %mul3A_37, %add3A_38 : i32
      %dma_start3A_40 = arith.constant 256 : i32
      %dma_start3A_41 = arith.constant 0 : i32
      %dma_start3A_42 = tpu.memref_slice %arg6[%dma_start3A_40, %dma_start3A_41] : memref<640x128xf32, #tpu.memory_space<vmem>> -> memref<128x128xf32, #tpu.memory_space<vmem>>
      %dma_start3A_43 = arith.constant 0 : i32
      %dma_start3A_44 = tpu.memref_slice %arg5[%add3A_39, %dma_start3A_43] : memref<40x128xi32, #tpu.memory_space<vmem>> -> memref<1x128xi32, #tpu.memory_space<vmem>>
      %dma_start3A_45 = tpu.memref_squeeze %dma_start3A_44 : memref<1x128xi32, #tpu.memory_space<vmem>> -> memref<128xi32, #tpu.memory_space<vmem>>
      %dma_start3A_46 = arith.constant 0 : i32
      %dma_start3A_47 = arith.constant 0 : i32
      %dma_start3A_48 = tpu.memref_slice %arg2[%dma_start3A_46, %dma_start3A_47] : memref<16384x128xf32, #tpu.memory_space<hbm>> -> memref<16384x128xf32, #tpu.memory_space<hbm>>
      tpu.enqueue_indirect_dma source(%dma_start3A_48 : memref<16384x128xf32, #tpu.memory_space<hbm>>) target(%dma_start3A_42 : memref<128x128xf32, #tpu.memory_space<vmem>>) offsets(%dma_start3A_45 : memref<128xi32, #tpu.memory_space<vmem>>) semaphore(%arg7 : memref<!tpu.dma_semaphore, #tpu.memory_space<semaphore_mem>>)
      %mul3A_49 = arith.constant 5 : i32
      %mul3A_50 = arith.muli %scan3A_8, %mul3A_49 : i32
      %add3A_51 = arith.constant 3 : i32
      %add3A_52 = arith.addi %mul3A_50, %add3A_51 : i32
      %dma_start3A_53 = arith.constant 384 : i32
      %dma_start3A_54 = arith.constant 0 : i32
      %dma_start3A_55 = tpu.memref_slice %arg6[%dma_start3A_53, %dma_start3A_54] : memref<640x128xf32, #tpu.memory_space<vmem>> -> memref<128x128xf32, #tpu.memory_space<vmem>>
      %dma_start3A_56 = arith.constant 0 : i32
      %dma_start3A_57 = tpu.memref_slice %arg5[%add3A_52, %dma_start3A_56] : memref<40x128xi32, #tpu.memory_space<vmem>> -> memref<1x128xi32, #tpu.memory_space<vmem>>
      %dma_start3A_58 = tpu.memref_squeeze %dma_start3A_57 : memref<1x128xi32, #tpu.memory_space<vmem>> -> memref<128xi32, #tpu.memory_space<vmem>>
      %dma_start3A_59 = arith.constant 0 : i32
      %dma_start3A_60 = arith.constant 0 : i32
      %dma_start3A_61 = tpu.memref_slice %arg2[%dma_start3A_59, %dma_start3A_60] : memref<16384x128xf32, #tpu.memory_space<hbm>> -> memref<16384x128xf32, #tpu.memory_space<hbm>>
      tpu.enqueue_indirect_dma source(%dma_start3A_61 : memref<16384x128xf32, #tpu.memory_space<hbm>>) target(%dma_start3A_55 : memref<128x128xf32, #tpu.memory_space<vmem>>) offsets(%dma_start3A_58 : memref<128xi32, #tpu.memory_space<vmem>>) semaphore(%arg7 : memref<!tpu.dma_semaphore, #tpu.memory_space<semaphore_mem>>)
      %mul3A_62 = arith.constant 5 : i32
      %mul3A_63 = arith.muli %scan3A_8, %mul3A_62 : i32
      %add3A_64 = arith.constant 4 : i32
      %add3A_65 = arith.addi %mul3A_63, %add3A_64 : i32
      %dma_start3A_66 = arith.constant 512 : i32
      %dma_start3A_67 = arith.constant 0 : i32
      %dma_start3A_68 = tpu.memref_slice %arg6[%dma_start3A_66, %dma_start3A_67] : memref<640x128xf32, #tpu.memory_space<vmem>> -> memref<128x128xf32, #tpu.memory_space<vmem>>
      %dma_start3A_69 = arith.constant 0 : i32
      %dma_start3A_70 = tpu.memref_slice %arg5[%add3A_65, %dma_start3A_69] : memref<40x128xi32, #tpu.memory_space<vmem>> -> memref<1x128xi32, #tpu.memory_space<vmem>>
      %dma_start3A_71 = tpu.memref_squeeze %dma_start3A_70 : memref<1x128xi32, #tpu.memory_space<vmem>> -> memref<128xi32, #tpu.memory_space<vmem>>
      %dma_start3A_72 = arith.constant 0 : i32
      %dma_start3A_73 = arith.constant 0 : i32
      %dma_start3A_74 = tpu.memref_slice %arg2[%dma_start3A_72, %dma_start3A_73] : memref<16384x128xf32, #tpu.memory_space<hbm>> -> memref<16384x128xf32, #tpu.memory_space<hbm>>
      tpu.enqueue_indirect_dma source(%dma_start3A_74 : memref<16384x128xf32, #tpu.memory_space<hbm>>) target(%dma_start3A_68 : memref<128x128xf32, #tpu.memory_space<vmem>>) offsets(%dma_start3A_71 : memref<128xi32, #tpu.memory_space<vmem>>) semaphore(%arg7 : memref<!tpu.dma_semaphore, #tpu.memory_space<semaphore_mem>>)
      %dma_wait3A = arith.constant 0 : i32
      %dma_wait3A_75 = arith.constant 0 : i32
      %dma_wait3A_76 = tpu.memref_slice %arg6[%dma_wait3A, %dma_wait3A_75] : memref<640x128xf32, #tpu.memory_space<vmem>> -> memref<128x128xf32, #tpu.memory_space<vmem>>
      %dma_wait3A_77 = arith.constant 0 : i32
      %dma_wait3A_78 = tpu.memref_slice %arg5[%add3A_14, %dma_wait3A_77] : memref<40x128xi32, #tpu.memory_space<vmem>> -> memref<1x128xi32, #tpu.memory_space<vmem>>
      %dma_wait3A_79 = tpu.memref_squeeze %dma_wait3A_78 : memref<1x128xi32, #tpu.memory_space<vmem>> -> memref<128xi32, #tpu.memory_space<vmem>>
      %dma_wait3A_80 = arith.constant 0 : i32
      %dma_wait3A_81 = arith.constant 0 : i32
      %dma_wait3A_82 = tpu.memref_slice %arg2[%dma_wait3A_80, %dma_wait3A_81] : memref<16384x128xf32, #tpu.memory_space<hbm>> -> memref<16384x128xf32, #tpu.memory_space<hbm>>
      tpu.wait_indirect_dma semaphore(%arg7 : memref<!tpu.dma_semaphore, #tpu.memory_space<semaphore_mem>>) src(%dma_wait3A_82 : memref<16384x128xf32, #tpu.memory_space<hbm>>) dst(%dma_wait3A_76 : memref<128x128xf32, #tpu.memory_space<vmem>>)
      %dma_wait3A_83 = arith.constant 128 : i32
      %dma_wait3A_84 = arith.constant 0 : i32
      %dma_wait3A_85 = tpu.memref_slice %arg6[%dma_wait3A_83, %dma_wait3A_84] : memref<640x128xf32, #tpu.memory_space<vmem>> -> memref<128x128xf32, #tpu.memory_space<vmem>>
      %dma_wait3A_86 = arith.constant 0 : i32
      %dma_wait3A_87 = tpu.memref_slice %arg5[%add3A_26, %dma_wait3A_86] : memref<40x128xi32, #tpu.memory_space<vmem>> -> memref<1x128xi32, #tpu.memory_space<vmem>>
      %dma_wait3A_88 = tpu.memref_squeeze %dma_wait3A_87 : memref<1x128xi32, #tpu.memory_space<vmem>> -> memref<128xi32, #tpu.memory_space<vmem>>
      %dma_wait3A_89 = arith.constant 0 : i32
      %dma_wait3A_90 = arith.constant 0 : i32
      %dma_wait3A_91 = tpu.memref_slice %arg2[%dma_wait3A_89, %dma_wait3A_90] : memref<16384x128xf32, #tpu.memory_space<hbm>> -> memref<16384x128xf32, #tpu.memory_space<hbm>>
      tpu.wait_indirect_dma semaphore(%arg7 : memref<!tpu.dma_semaphore, #tpu.memory_space<semaphore_mem>>) src(%dma_wait3A_91 : memref<16384x128xf32, #tpu.memory_space<hbm>>) dst(%dma_wait3A_85 : memref<128x128xf32, #tpu.memory_space<vmem>>)
      %dma_wait3A_92 = arith.constant 256 : i32
      %dma_wait3A_93 = arith.constant 0 : i32
      %dma_wait3A_94 = tpu.memref_slice %arg6[%dma_wait3A_92, %dma_wait3A_93] : memref<640x128xf32, #tpu.memory_space<vmem>> -> memref<128x128xf32, #tpu.memory_space<vmem>>
      %dma_wait3A_95 = arith.constant 0 : i32
      %dma_wait3A_96 = tpu.memref_slice %arg5[%add3A_39, %dma_wait3A_95] : memref<40x128xi32, #tpu.memory_space<vmem>> -> memref<1x128xi32, #tpu.memory_space<vmem>>
      %dma_wait3A_97 = tpu.memref_squeeze %dma_wait3A_96 : memref<1x128xi32, #tpu.memory_space<vmem>> -> memref<128xi32, #tpu.memory_space<vmem>>
      %dma_wait3A_98 = arith.constant 0 : i32
      %dma_wait3A_99 = arith.constant 0 : i32
      %dma_wait3A_100 = tpu.memref_slice %arg2[%dma_wait3A_98, %dma_wait3A_99] : memref<16384x128xf32, #tpu.memory_space<hbm>> -> memref<16384x128xf32, #tpu.memory_space<hbm>>
      tpu.wait_indirect_dma semaphore(%arg7 : memref<!tpu.dma_semaphore, #tpu.memory_space<semaphore_mem>>) src(%dma_wait3A_100 : memref<16384x128xf32, #tpu.memory_space<hbm>>) dst(%dma_wait3A_94 : memref<128x128xf32, #tpu.memory_space<vmem>>)
      %dma_wait3A_101 = arith.constant 384 : i32
      %dma_wait3A_102 = arith.constant 0 : i32
      %dma_wait3A_103 = tpu.memref_slice %arg6[%dma_wait3A_101, %dma_wait3A_102] : memref<640x128xf32, #tpu.memory_space<vmem>> -> memref<128x128xf32, #tpu.memory_space<vmem>>
      %dma_wait3A_104 = arith.constant 0 : i32
      %dma_wait3A_105 = tpu.memref_slice %arg5[%add3A_52, %dma_wait3A_104] : memref<40x128xi32, #tpu.memory_space<vmem>> -> memref<1x128xi32, #tpu.memory_space<vmem>>
      %dma_wait3A_106 = tpu.memref_squeeze %dma_wait3A_105 : memref<1x128xi32, #tpu.memory_space<vmem>> -> memref<128xi32, #tpu.memory_space<vmem>>
      %dma_wait3A_107 = arith.constant 0 : i32
      %dma_wait3A_108 = arith.constant 0 : i32
      %dma_wait3A_109 = tpu.memref_slice %arg2[%dma_wait3A_107, %dma_wait3A_108] : memref<16384x128xf32, #tpu.memory_space<hbm>> -> memref<16384x128xf32, #tpu.memory_space<hbm>>
      tpu.wait_indirect_dma semaphore(%arg7 : memref<!tpu.dma_semaphore, #tpu.memory_space<semaphore_mem>>) src(%dma_wait3A_109 : memref<16384x128xf32, #tpu.memory_space<hbm>>) dst(%dma_wait3A_103 : memref<128x128xf32, #tpu.memory_space<vmem>>)
      %dma_wait3A_110 = arith.constant 512 : i32
      %dma_wait3A_111 = arith.constant 0 : i32
      %dma_wait3A_112 = tpu.memref_slice %arg6[%dma_wait3A_110, %dma_wait3A_111] : memref<640x128xf32, #tpu.memory_space<vmem>> -> memref<128x128xf32, #tpu.memory_space<vmem>>
      %dma_wait3A_113 = arith.constant 0 : i32
      %dma_wait3A_114 = tpu.memref_slice %arg5[%add3A_65, %dma_wait3A_113] : memref<40x128xi32, #tpu.memory_space<vmem>> -> memref<1x128xi32, #tpu.memory_space<vmem>>
      %dma_wait3A_115 = tpu.memref_squeeze %dma_wait3A_114 : memref<1x128xi32, #tpu.memory_space<vmem>> -> memref<128xi32, #tpu.memory_space<vmem>>
      %dma_wait3A_116 = arith.constant 0 : i32
      %dma_wait3A_117 = arith.constant 0 : i32
      %dma_wait3A_118 = tpu.memref_slice %arg2[%dma_wait3A_116, %dma_wait3A_117] : memref<16384x128xf32, #tpu.memory_space<hbm>> -> memref<16384x128xf32, #tpu.memory_space<hbm>>
      tpu.wait_indirect_dma semaphore(%arg7 : memref<!tpu.dma_semaphore, #tpu.memory_space<semaphore_mem>>) src(%dma_wait3A_118 : memref<16384x128xf32, #tpu.memory_space<hbm>>) dst(%dma_wait3A_112 : memref<128x128xf32, #tpu.memory_space<vmem>>)
      %add3A_119 = arith.addi %mul3A_2, %mul3A_10 : i32
      "tpu.region"() ({
        %run_scoped3A = tpu.sem_alloc : memref<!tpu.dma_semaphore, #tpu.memory_space<semaphore_mem>>
        %dma_start3A_120 = arith.constant 0 : i32
        %dma_start3A_121 = tpu.memref_slice %arg4[%add3A_119, %dma_start3A_120] : memref<163840x128xf32, #tpu.memory_space<hbm>> -> memref<640x128xf32, #tpu.memory_space<hbm>>
        %dma_start3A_122 = arith.constant 0 : i32
        %dma_start3A_123 = tpu.memref_slice %arg4[%add3A_119, %dma_start3A_122] : memref<163840x128xf32, #tpu.memory_space<hbm>> -> memref<640x128xf32, #tpu.memory_space<hbm>>
        tpu.enqueue_dma source(%arg6 : memref<640x128xf32, #tpu.memory_space<vmem>>) target(%dma_start3A_123 : memref<640x128xf32, #tpu.memory_space<hbm>>) target_semaphore(%run_scoped3A : memref<!tpu.dma_semaphore, #tpu.memory_space<semaphore_mem>>)
        %dma_wait3A_124 = arith.constant 0 : i32
        %dma_wait3A_125 = tpu.memref_slice %arg4[%add3A_119, %dma_wait3A_124] : memref<163840x128xf32, #tpu.memory_space<hbm>> -> memref<640x128xf32, #tpu.memory_space<hbm>>
        %dma_wait3A_126 = arith.constant 0 : i32
        %dma_wait3A_127 = tpu.memref_slice %arg4[%add3A_119, %dma_wait3A_126] : memref<163840x128xf32, #tpu.memory_space<hbm>> -> memref<640x128xf32, #tpu.memory_space<hbm>>
        tpu.wait_dma2 semaphore(%run_scoped3A : memref<!tpu.dma_semaphore, #tpu.memory_space<semaphore_mem>>) src(%arg6 : memref<640x128xf32, #tpu.memory_space<vmem>>) dst(%dma_wait3A_127 : memref<640x128xf32, #tpu.memory_space<hbm>>)
        tpu.yield
      }) : () -> ()
    }
    %scan3A_7 = arith.constant 8 : i32
    return
  }
}

#map = affine_map<(d0, d1) -> (0, 0)>
#map1 = affine_map<(d0, d1) -> (0, 0, 0)>
module attributes {stable_mosaic.version = 14 : i64} {
  func.func @gath(%arg0: i32, %arg1: i32, %arg2: memref<16384x128xf32, #tpu.memory_space<hbm>>, %arg3: memref<32x40x128xi32, #tpu.memory_space<hbm>>, %arg4: memref<163840x128xf32, #tpu.memory_space<hbm>>, %arg5: memref<40x128xi32, #tpu.memory_space<vmem>>, %arg6: memref<640x128xf32, #tpu.memory_space<vmem>>, %arg7: memref<!tpu.dma_semaphore, #tpu.memory_space<semaphore_mem>>) attributes {dimension_semantics = [#tpu.dimension_semantics<core_parallel>, #tpu.dimension_semantics<subcore_parallel>], iteration_bounds = array<i64: 2, 16>, scalar_prefetch = 0 : i64, scratch_operands = 3 : i64, tpu.core_type = #tpu.core_type<sc_vector_subcore>, window_params = [{transform_indices = #map}, {transform_indices = #map1}, {transform_indices = #map}]} {
    %mul3A = arith.constant 2 : i32
    %mul3A_0 = arith.muli %arg1, %mul3A : i32
    %add3A = arith.addi %mul3A_0, %arg0 : i32
    %mul3A_1 = arith.constant 5120 : i32
    %mul3A_2 = arith.muli %add3A, %mul3A_1 : i32
    "tpu.region"() ({
      %run_scoped3A = tpu.sem_alloc : memref<!tpu.dma_semaphore, #tpu.memory_space<semaphore_mem>>
      %dma_start3A = arith.constant 0 : i32
      %dma_start3A_8 = arith.constant 0 : i32
      %dma_start3A_9 = tpu.memref_slice %arg3[%add3A, %dma_start3A, %dma_start3A_8] : memref<32x40x128xi32, #tpu.memory_space<hbm>> -> memref<1x40x128xi32, #tpu.memory_space<hbm>>
      %dma_start3A_10 = tpu.memref_squeeze %dma_start3A_9 : memref<1x40x128xi32, #tpu.memory_space<hbm>> -> memref<40x128xi32, #tpu.memory_space<hbm>>
      %dma_start3A_11 = arith.constant 0 : i32
      %dma_start3A_12 = arith.constant 0 : i32
      %dma_start3A_13 = tpu.memref_slice %arg3[%add3A, %dma_start3A_11, %dma_start3A_12] : memref<32x40x128xi32, #tpu.memory_space<hbm>> -> memref<1x40x128xi32, #tpu.memory_space<hbm>>
      %dma_start3A_14 = tpu.memref_squeeze %dma_start3A_13 : memref<1x40x128xi32, #tpu.memory_space<hbm>> -> memref<40x128xi32, #tpu.memory_space<hbm>>
      tpu.enqueue_dma source(%dma_start3A_14 : memref<40x128xi32, #tpu.memory_space<hbm>>) target(%arg5 : memref<40x128xi32, #tpu.memory_space<vmem>>) target_semaphore(%run_scoped3A : memref<!tpu.dma_semaphore, #tpu.memory_space<semaphore_mem>>)
      %dma_wait3A = arith.constant 0 : i32
      %dma_wait3A_15 = arith.constant 0 : i32
      %dma_wait3A_16 = tpu.memref_slice %arg3[%add3A, %dma_wait3A, %dma_wait3A_15] : memref<32x40x128xi32, #tpu.memory_space<hbm>> -> memref<1x40x128xi32, #tpu.memory_space<hbm>>
      %dma_wait3A_17 = tpu.memref_squeeze %dma_wait3A_16 : memref<1x40x128xi32, #tpu.memory_space<hbm>> -> memref<40x128xi32, #tpu.memory_space<hbm>>
      %dma_wait3A_18 = arith.constant 0 : i32
      %dma_wait3A_19 = arith.constant 0 : i32
      %dma_wait3A_20 = tpu.memref_slice %arg3[%add3A, %dma_wait3A_18, %dma_wait3A_19] : memref<32x40x128xi32, #tpu.memory_space<hbm>> -> memref<1x40x128xi32, #tpu.memory_space<hbm>>
      %dma_wait3A_21 = tpu.memref_squeeze %dma_wait3A_20 : memref<1x40x128xi32, #tpu.memory_space<hbm>> -> memref<40x128xi32, #tpu.memory_space<hbm>>
      tpu.wait_dma2 semaphore(%run_scoped3A : memref<!tpu.dma_semaphore, #tpu.memory_space<semaphore_mem>>) src(%dma_wait3A_21 : memref<40x128xi32, #tpu.memory_space<hbm>>) dst(%arg5 : memref<40x128xi32, #tpu.memory_space<vmem>>)
      tpu.yield
    }) : () -> ()
    %scan3A = arith.constant 0 : i32
    %scan3A_3 = arith.constant 0 : i32
    %scan3A_4 = arith.constant 8 : i32
    %scan3A_5 = arith.addi %scan3A_3, %scan3A_4 : i32
    %scan3A_6 = arith.constant 1 : i32
    scf.for %scan3A_8 = %scan3A_3 to %scan3A_5 step %scan3A_6  : i32 {
      %mul3A_9 = arith.constant 640 : i32
      %mul3A_10 = arith.muli %scan3A_8, %mul3A_9 : i32
      %mul3A_11 = arith.constant 5 : i32
      %mul3A_12 = arith.muli %scan3A_8, %mul3A_11 : i32
      %add3A_13 = arith.constant 0 : i32
      %add3A_14 = arith.addi %mul3A_12, %add3A_13 : i32
      %dma_start3A = arith.constant 0 : i32
      %dma_start3A_15 = arith.constant 0 : i32
      %dma_start3A_16 = tpu.memref_slice %arg6[%dma_start3A, %dma_start3A_15] : memref<640x128xf32, #tpu.memory_space<vmem>> -> memref<128x128xf32, #tpu.memory_space<vmem>>
      %dma_start3A_17 = arith.constant 0 : i32
      %dma_start3A_18 = tpu.memref_slice %arg5[%add3A_14, %dma_start3A_17] : memref<40x128xi32, #tpu.memory_space<vmem>> -> memref<1x128xi32, #tpu.memory_space<vmem>>
      %dma_start3A_19 = tpu.memref_squeeze %dma_start3A_18 : memref<1x128xi32, #tpu.memory_space<vmem>> -> memref<128xi32, #tpu.memory_space<vmem>>
      %dma_start3A_20 = arith.constant 0 : i32
      %dma_start3A_21 = arith.constant 0 : i32
      %dma_start3A_22 = tpu.memref_slice %arg2[%dma_start3A_20, %dma_start3A_21] : memref<16384x128xf32, #tpu.memory_space<hbm>> -> memref<16384x128xf32, #tpu.memory_space<hbm>>
      tpu.enqueue_indirect_dma source(%dma_start3A_22 : memref<16384x128xf32, #tpu.memory_space<hbm>>) target(%dma_start3A_16 : memref<128x128xf32, #tpu.memory_space<vmem>>) offsets(%dma_start3A_19 : memref<128xi32, #tpu.memory_space<vmem>>) semaphore(%arg7 : memref<!tpu.dma_semaphore, #tpu.memory_space<semaphore_mem>>)
      %mul3A_23 = arith.constant 5 : i32
      %mul3A_24 = arith.muli %scan3A_8, %mul3A_23 : i32
      %add3A_25 = arith.constant 1 : i32
      %add3A_26 = arith.addi %mul3A_24, %add3A_25 : i32
      %dma_start3A_27 = arith.constant 128 : i32
      %dma_start3A_28 = arith.constant 0 : i32
      %dma_start3A_29 = tpu.memref_slice %arg6[%dma_start3A_27, %dma_start3A_28] : memref<640x128xf32, #tpu.memory_space<vmem>> -> memref<128x128xf32, #tpu.memory_space<vmem>>
      %dma_start3A_30 = arith.constant 0 : i32
      %dma_start3A_31 = tpu.memref_slice %arg5[%add3A_26, %dma_start3A_30] : memref<40x128xi32, #tpu.memory_space<vmem>> -> memref<1x128xi32, #tpu.memory_space<vmem>>
      %dma_start3A_32 = tpu.memref_squeeze %dma_start3A_31 : memref<1x128xi32, #tpu.memory_space<vmem>> -> memref<128xi32, #tpu.memory_space<vmem>>
      %dma_start3A_33 = arith.constant 0 : i32
      %dma_start3A_34 = arith.constant 0 : i32
      %dma_start3A_35 = tpu.memref_slice %arg2[%dma_start3A_33, %dma_start3A_34] : memref<16384x128xf32, #tpu.memory_space<hbm>> -> memref<16384x128xf32, #tpu.memory_space<hbm>>
      tpu.enqueue_indirect_dma source(%dma_start3A_35 : memref<16384x128xf32, #tpu.memory_space<hbm>>) target(%dma_start3A_29 : memref<128x128xf32, #tpu.memory_space<vmem>>) offsets(%dma_start3A_32 : memref<128xi32, #tpu.memory_space<vmem>>) semaphore(%arg7 : memref<!tpu.dma_semaphore, #tpu.memory_space<semaphore_mem>>)
      %mul3A_36 = arith.constant 5 : i32
      %mul3A_37 = arith.muli %scan3A_8, %mul3A_36 : i32
      %add3A_38 = arith.constant 2 : i32
      %add3A_39 = arith.addi %mul3A_37, %add3A_38 : i32
      %dma_start3A_40 = arith.constant 256 : i32
      %dma_start3A_41 = arith.constant 0 : i32
      %dma_start3A_42 = tpu.memref_slice %arg6[%dma_start3A_40, %dma_start3A_41] : memref<640x128xf32, #tpu.memory_space<vmem>> -> memref<128x128xf32, #tpu.memory_space<vmem>>
      %dma_start3A_43 = arith.constant 0 : i32
      %dma_start3A_44 = tpu.memref_slice %arg5[%add3A_39, %dma_start3A_43] : memref<40x128xi32, #tpu.memory_space<vmem>> -> memref<1x128xi32, #tpu.memory_space<vmem>>
      %dma_start3A_45 = tpu.memref_squeeze %dma_start3A_44 : memref<1x128xi32, #tpu.memory_space<vmem>> -> memref<128xi32, #tpu.memory_space<vmem>>
      %dma_start3A_46 = arith.constant 0 : i32
      %dma_start3A_47 = arith.constant 0 : i32
      %dma_start3A_48 = tpu.memref_slice %arg2[%dma_start3A_46, %dma_start3A_47] : memref<16384x128xf32, #tpu.memory_space<hbm>> -> memref<16384x128xf32, #tpu.memory_space<hbm>>
      tpu.enqueue_indirect_dma source(%dma_start3A_48 : memref<16384x128xf32, #tpu.memory_space<hbm>>) target(%dma_start3A_42 : memref<128x128xf32, #tpu.memory_space<vmem>>) offsets(%dma_start3A_45 : memref<128xi32, #tpu.memory_space<vmem>>) semaphore(%arg7 : memref<!tpu.dma_semaphore, #tpu.memory_space<semaphore_mem>>)
      %mul3A_49 = arith.constant 5 : i32
      %mul3A_50 = arith.muli %scan3A_8, %mul3A_49 : i32
      %add3A_51 = arith.constant 3 : i32
      %add3A_52 = arith.addi %mul3A_50, %add3A_51 : i32
      %dma_start3A_53 = arith.constant 384 : i32
      %dma_start3A_54 = arith.constant 0 : i32
      %dma_start3A_55 = tpu.memref_slice %arg6[%dma_start3A_53, %dma_start3A_54] : memref<640x128xf32, #tpu.memory_space<vmem>> -> memref<128x128xf32, #tpu.memory_space<vmem>>
      %dma_start3A_56 = arith.constant 0 : i32
      %dma_start3A_57 = tpu.memref_slice %arg5[%add3A_52, %dma_start3A_56] : memref<40x128xi32, #tpu.memory_space<vmem>> -> memref<1x128xi32, #tpu.memory_space<vmem>>
      %dma_start3A_58 = tpu.memref_squeeze %dma_start3A_57 : memref<1x128xi32, #tpu.memory_space<vmem>> -> memref<128xi32, #tpu.memory_space<vmem>>
      %dma_start3A_59 = arith.constant 0 : i32
      %dma_start3A_60 = arith.constant 0 : i32
      %dma_start3A_61 = tpu.memref_slice %arg2[%dma_start3A_59, %dma_start3A_60] : memref<16384x128xf32, #tpu.memory_space<hbm>> -> memref<16384x128xf32, #tpu.memory_space<hbm>>
      tpu.enqueue_indirect_dma source(%dma_start3A_61 : memref<16384x128xf32, #tpu.memory_space<hbm>>) target(%dma_start3A_55 : memref<128x128xf32, #tpu.memory_space<vmem>>) offsets(%dma_start3A_58 : memref<128xi32, #tpu.memory_space<vmem>>) semaphore(%arg7 : memref<!tpu.dma_semaphore, #tpu.memory_space<semaphore_mem>>)
      %mul3A_62 = arith.constant 5 : i32
      %mul3A_63 = arith.muli %scan3A_8, %mul3A_62 : i32
      %add3A_64 = arith.constant 4 : i32
      %add3A_65 = arith.addi %mul3A_63, %add3A_64 : i32
      %dma_start3A_66 = arith.constant 512 : i32
      %dma_start3A_67 = arith.constant 0 : i32
      %dma_start3A_68 = tpu.memref_slice %arg6[%dma_start3A_66, %dma_start3A_67] : memref<640x128xf32, #tpu.memory_space<vmem>> -> memref<128x128xf32, #tpu.memory_space<vmem>>
      %dma_start3A_69 = arith.constant 0 : i32
      %dma_start3A_70 = tpu.memref_slice %arg5[%add3A_65, %dma_start3A_69] : memref<40x128xi32, #tpu.memory_space<vmem>> -> memref<1x128xi32, #tpu.memory_space<vmem>>
      %dma_start3A_71 = tpu.memref_squeeze %dma_start3A_70 : memref<1x128xi32, #tpu.memory_space<vmem>> -> memref<128xi32, #tpu.memory_space<vmem>>
      %dma_start3A_72 = arith.constant 0 : i32
      %dma_start3A_73 = arith.constant 0 : i32
      %dma_start3A_74 = tpu.memref_slice %arg2[%dma_start3A_72, %dma_start3A_73] : memref<16384x128xf32, #tpu.memory_space<hbm>> -> memref<16384x128xf32, #tpu.memory_space<hbm>>
      tpu.enqueue_indirect_dma source(%dma_start3A_74 : memref<16384x128xf32, #tpu.memory_space<hbm>>) target(%dma_start3A_68 : memref<128x128xf32, #tpu.memory_space<vmem>>) offsets(%dma_start3A_71 : memref<128xi32, #tpu.memory_space<vmem>>) semaphore(%arg7 : memref<!tpu.dma_semaphore, #tpu.memory_space<semaphore_mem>>)
      %dma_wait3A = arith.constant 0 : i32
      %dma_wait3A_75 = arith.constant 0 : i32
      %dma_wait3A_76 = tpu.memref_slice %arg6[%dma_wait3A, %dma_wait3A_75] : memref<640x128xf32, #tpu.memory_space<vmem>> -> memref<128x128xf32, #tpu.memory_space<vmem>>
      %dma_wait3A_77 = arith.constant 0 : i32
      %dma_wait3A_78 = tpu.memref_slice %arg5[%add3A_14, %dma_wait3A_77] : memref<40x128xi32, #tpu.memory_space<vmem>> -> memref<1x128xi32, #tpu.memory_space<vmem>>
      %dma_wait3A_79 = tpu.memref_squeeze %dma_wait3A_78 : memref<1x128xi32, #tpu.memory_space<vmem>> -> memref<128xi32, #tpu.memory_space<vmem>>
      %dma_wait3A_80 = arith.constant 0 : i32
      %dma_wait3A_81 = arith.constant 0 : i32
      %dma_wait3A_82 = tpu.memref_slice %arg2[%dma_wait3A_80, %dma_wait3A_81] : memref<16384x128xf32, #tpu.memory_space<hbm>> -> memref<16384x128xf32, #tpu.memory_space<hbm>>
      tpu.wait_indirect_dma semaphore(%arg7 : memref<!tpu.dma_semaphore, #tpu.memory_space<semaphore_mem>>) src(%dma_wait3A_82 : memref<16384x128xf32, #tpu.memory_space<hbm>>) dst(%dma_wait3A_76 : memref<128x128xf32, #tpu.memory_space<vmem>>)
      %dma_wait3A_83 = arith.constant 128 : i32
      %dma_wait3A_84 = arith.constant 0 : i32
      %dma_wait3A_85 = tpu.memref_slice %arg6[%dma_wait3A_83, %dma_wait3A_84] : memref<640x128xf32, #tpu.memory_space<vmem>> -> memref<128x128xf32, #tpu.memory_space<vmem>>
      %dma_wait3A_86 = arith.constant 0 : i32
      %dma_wait3A_87 = tpu.memref_slice %arg5[%add3A_26, %dma_wait3A_86] : memref<40x128xi32, #tpu.memory_space<vmem>> -> memref<1x128xi32, #tpu.memory_space<vmem>>
      %dma_wait3A_88 = tpu.memref_squeeze %dma_wait3A_87 : memref<1x128xi32, #tpu.memory_space<vmem>> -> memref<128xi32, #tpu.memory_space<vmem>>
      %dma_wait3A_89 = arith.constant 0 : i32
      %dma_wait3A_90 = arith.constant 0 : i32
      %dma_wait3A_91 = tpu.memref_slice %arg2[%dma_wait3A_89, %dma_wait3A_90] : memref<16384x128xf32, #tpu.memory_space<hbm>> -> memref<16384x128xf32, #tpu.memory_space<hbm>>
      tpu.wait_indirect_dma semaphore(%arg7 : memref<!tpu.dma_semaphore, #tpu.memory_space<semaphore_mem>>) src(%dma_wait3A_91 : memref<16384x128xf32, #tpu.memory_space<hbm>>) dst(%dma_wait3A_85 : memref<128x128xf32, #tpu.memory_space<vmem>>)
      %dma_wait3A_92 = arith.constant 256 : i32
      %dma_wait3A_93 = arith.constant 0 : i32
      %dma_wait3A_94 = tpu.memref_slice %arg6[%dma_wait3A_92, %dma_wait3A_93] : memref<640x128xf32, #tpu.memory_space<vmem>> -> memref<128x128xf32, #tpu.memory_space<vmem>>
      %dma_wait3A_95 = arith.constant 0 : i32
      %dma_wait3A_96 = tpu.memref_slice %arg5[%add3A_39, %dma_wait3A_95] : memref<40x128xi32, #tpu.memory_space<vmem>> -> memref<1x128xi32, #tpu.memory_space<vmem>>
      %dma_wait3A_97 = tpu.memref_squeeze %dma_wait3A_96 : memref<1x128xi32, #tpu.memory_space<vmem>> -> memref<128xi32, #tpu.memory_space<vmem>>
      %dma_wait3A_98 = arith.constant 0 : i32
      %dma_wait3A_99 = arith.constant 0 : i32
      %dma_wait3A_100 = tpu.memref_slice %arg2[%dma_wait3A_98, %dma_wait3A_99] : memref<16384x128xf32, #tpu.memory_space<hbm>> -> memref<16384x128xf32, #tpu.memory_space<hbm>>
      tpu.wait_indirect_dma semaphore(%arg7 : memref<!tpu.dma_semaphore, #tpu.memory_space<semaphore_mem>>) src(%dma_wait3A_100 : memref<16384x128xf32, #tpu.memory_space<hbm>>) dst(%dma_wait3A_94 : memref<128x128xf32, #tpu.memory_space<vmem>>)
      %dma_wait3A_101 = arith.constant 384 : i32
      %dma_wait3A_102 = arith.constant 0 : i32
      %dma_wait3A_103 = tpu.memref_slice %arg6[%dma_wait3A_101, %dma_wait3A_102] : memref<640x128xf32, #tpu.memory_space<vmem>> -> memref<128x128xf32, #tpu.memory_space<vmem>>
      %dma_wait3A_104 = arith.constant 0 : i32
      %dma_wait3A_105 = tpu.memref_slice %arg5[%add3A_52, %dma_wait3A_104] : memref<40x128xi32, #tpu.memory_space<vmem>> -> memref<1x128xi32, #tpu.memory_space<vmem>>
      %dma_wait3A_106 = tpu.memref_squeeze %dma_wait3A_105 : memref<1x128xi32, #tpu.memory_space<vmem>> -> memref<128xi32, #tpu.memory_space<vmem>>
      %dma_wait3A_107 = arith.constant 0 : i32
      %dma_wait3A_108 = arith.constant 0 : i32
      %dma_wait3A_109 = tpu.memref_slice %arg2[%dma_wait3A_107, %dma_wait3A_108] : memref<16384x128xf32, #tpu.memory_space<hbm>> -> memref<16384x128xf32, #tpu.memory_space<hbm>>
      tpu.wait_indirect_dma semaphore(%arg7 : memref<!tpu.dma_semaphore, #tpu.memory_space<semaphore_mem>>) src(%dma_wait3A_109 : memref<16384x128xf32, #tpu.memory_space<hbm>>) dst(%dma_wait3A_103 : memref<128x128xf32, #tpu.memory_space<vmem>>)
      %dma_wait3A_110 = arith.constant 512 : i32
      %dma_wait3A_111 = arith.constant 0 : i32
      %dma_wait3A_112 = tpu.memref_slice %arg6[%dma_wait3A_110, %dma_wait3A_111] : memref<640x128xf32, #tpu.memory_space<vmem>> -> memref<128x128xf32, #tpu.memory_space<vmem>>
      %dma_wait3A_113 = arith.constant 0 : i32
      %dma_wait3A_114 = tpu.memref_slice %arg5[%add3A_65, %dma_wait3A_113] : memref<40x128xi32, #tpu.memory_space<vmem>> -> memref<1x128xi32, #tpu.memory_space<vmem>>
      %dma_wait3A_115 = tpu.memref_squeeze %dma_wait3A_114 : memref<1x128xi32, #tpu.memory_space<vmem>> -> memref<128xi32, #tpu.memory_space<vmem>>
      %dma_wait3A_116 = arith.constant 0 : i32
      %dma_wait3A_117 = arith.constant 0 : i32
      %dma_wait3A_118 = tpu.memref_slice %arg2[%dma_wait3A_116, %dma_wait3A_117] : memref<16384x128xf32, #tpu.memory_space<hbm>> -> memref<16384x128xf32, #tpu.memory_space<hbm>>
      tpu.wait_indirect_dma semaphore(%arg7 : memref<!tpu.dma_semaphore, #tpu.memory_space<semaphore_mem>>) src(%dma_wait3A_118 : memref<16384x128xf32, #tpu.memory_space<hbm>>) dst(%dma_wait3A_112 : memref<128x128xf32, #tpu.memory_space<vmem>>)
      %add3A_119 = arith.addi %mul3A_2, %mul3A_10 : i32
      "tpu.region"() ({
        %run_scoped3A = tpu.sem_alloc : memref<!tpu.dma_semaphore, #tpu.memory_space<semaphore_mem>>
        %dma_start3A_120 = arith.constant 0 : i32
        %dma_start3A_121 = tpu.memref_slice %arg4[%add3A_119, %dma_start3A_120] : memref<163840x128xf32, #tpu.memory_space<hbm>> -> memref<640x128xf32, #tpu.memory_space<hbm>>
        %dma_start3A_122 = arith.constant 0 : i32
        %dma_start3A_123 = tpu.memref_slice %arg4[%add3A_119, %dma_start3A_122] : memref<163840x128xf32, #tpu.memory_space<hbm>> -> memref<640x128xf32, #tpu.memory_space<hbm>>
        tpu.enqueue_dma source(%arg6 : memref<640x128xf32, #tpu.memory_space<vmem>>) target(%dma_start3A_123 : memref<640x128xf32, #tpu.memory_space<hbm>>) target_semaphore(%run_scoped3A : memref<!tpu.dma_semaphore, #tpu.memory_space<semaphore_mem>>)
        %dma_wait3A_124 = arith.constant 0 : i32
        %dma_wait3A_125 = tpu.memref_slice %arg4[%add3A_119, %dma_wait3A_124] : memref<163840x128xf32, #tpu.memory_space<hbm>> -> memref<640x128xf32, #tpu.memory_space<hbm>>
        %dma_wait3A_126 = arith.constant 0 : i32
        %dma_wait3A_127 = tpu.memref_slice %arg4[%add3A_119, %dma_wait3A_126] : memref<163840x128xf32, #tpu.memory_space<hbm>> -> memref<640x128xf32, #tpu.memory_space<hbm>>
        tpu.wait_dma2 semaphore(%run_scoped3A : memref<!tpu.dma_semaphore, #tpu.memory_space<semaphore_mem>>) src(%arg6 : memref<640x128xf32, #tpu.memory_space<vmem>>) dst(%dma_wait3A_127 : memref<640x128xf32, #tpu.memory_space<hbm>>)
        tpu.yield
      }) : () -> ()
    }
    %scan3A_7 = arith.constant 8 : i32
    return
  }
}

#map = affine_map<(d0, d1) -> (0, 0)>
#map1 = affine_map<(d0, d1) -> (0, 0, 0)>
module attributes {stable_mosaic.version = 14 : i64} {
  func.func @gath(%arg0: i32, %arg1: i32, %arg2: memref<16384x128xf32, #tpu.memory_space<hbm>>, %arg3: memref<32x40x128xi32, #tpu.memory_space<hbm>>, %arg4: memref<163840x128xf32, #tpu.memory_space<hbm>>, %arg5: memref<40x128xi32, #tpu.memory_space<vmem>>, %arg6: memref<640x128xf32, #tpu.memory_space<vmem>>, %arg7: memref<!tpu.dma_semaphore, #tpu.memory_space<semaphore_mem>>) attributes {dimension_semantics = [#tpu.dimension_semantics<core_parallel>, #tpu.dimension_semantics<subcore_parallel>], iteration_bounds = array<i64: 2, 16>, scalar_prefetch = 0 : i64, scratch_operands = 3 : i64, tpu.core_type = #tpu.core_type<sc_vector_subcore>, window_params = [{transform_indices = #map}, {transform_indices = #map1}, {transform_indices = #map}]} {
    %mul3A = arith.constant 2 : i32
    %mul3A_0 = arith.muli %arg1, %mul3A : i32
    %add3A = arith.addi %mul3A_0, %arg0 : i32
    %mul3A_1 = arith.constant 5120 : i32
    %mul3A_2 = arith.muli %add3A, %mul3A_1 : i32
    "tpu.region"() ({
      %run_scoped3A = tpu.sem_alloc : memref<!tpu.dma_semaphore, #tpu.memory_space<semaphore_mem>>
      %dma_start3A = arith.constant 0 : i32
      %dma_start3A_8 = arith.constant 0 : i32
      %dma_start3A_9 = tpu.memref_slice %arg3[%add3A, %dma_start3A, %dma_start3A_8] : memref<32x40x128xi32, #tpu.memory_space<hbm>> -> memref<1x40x128xi32, #tpu.memory_space<hbm>>
      %dma_start3A_10 = tpu.memref_squeeze %dma_start3A_9 : memref<1x40x128xi32, #tpu.memory_space<hbm>> -> memref<40x128xi32, #tpu.memory_space<hbm>>
      %dma_start3A_11 = arith.constant 0 : i32
      %dma_start3A_12 = arith.constant 0 : i32
      %dma_start3A_13 = tpu.memref_slice %arg3[%add3A, %dma_start3A_11, %dma_start3A_12] : memref<32x40x128xi32, #tpu.memory_space<hbm>> -> memref<1x40x128xi32, #tpu.memory_space<hbm>>
      %dma_start3A_14 = tpu.memref_squeeze %dma_start3A_13 : memref<1x40x128xi32, #tpu.memory_space<hbm>> -> memref<40x128xi32, #tpu.memory_space<hbm>>
      tpu.enqueue_dma source(%dma_start3A_14 : memref<40x128xi32, #tpu.memory_space<hbm>>) target(%arg5 : memref<40x128xi32, #tpu.memory_space<vmem>>) target_semaphore(%run_scoped3A : memref<!tpu.dma_semaphore, #tpu.memory_space<semaphore_mem>>)
      %dma_wait3A = arith.constant 0 : i32
      %dma_wait3A_15 = arith.constant 0 : i32
      %dma_wait3A_16 = tpu.memref_slice %arg3[%add3A, %dma_wait3A, %dma_wait3A_15] : memref<32x40x128xi32, #tpu.memory_space<hbm>> -> memref<1x40x128xi32, #tpu.memory_space<hbm>>
      %dma_wait3A_17 = tpu.memref_squeeze %dma_wait3A_16 : memref<1x40x128xi32, #tpu.memory_space<hbm>> -> memref<40x128xi32, #tpu.memory_space<hbm>>
      %dma_wait3A_18 = arith.constant 0 : i32
      %dma_wait3A_19 = arith.constant 0 : i32
      %dma_wait3A_20 = tpu.memref_slice %arg3[%add3A, %dma_wait3A_18, %dma_wait3A_19] : memref<32x40x128xi32, #tpu.memory_space<hbm>> -> memref<1x40x128xi32, #tpu.memory_space<hbm>>
      %dma_wait3A_21 = tpu.memref_squeeze %dma_wait3A_20 : memref<1x40x128xi32, #tpu.memory_space<hbm>> -> memref<40x128xi32, #tpu.memory_space<hbm>>
      tpu.wait_dma2 semaphore(%run_scoped3A : memref<!tpu.dma_semaphore, #tpu.memory_space<semaphore_mem>>) src(%dma_wait3A_21 : memref<40x128xi32, #tpu.memory_space<hbm>>) dst(%arg5 : memref<40x128xi32, #tpu.memory_space<vmem>>)
      tpu.yield
    }) : () -> ()
    %scan3A = arith.constant 0 : i32
    %scan3A_3 = arith.constant 0 : i32
    %scan3A_4 = arith.constant 8 : i32
    %scan3A_5 = arith.addi %scan3A_3, %scan3A_4 : i32
    %scan3A_6 = arith.constant 1 : i32
    scf.for %scan3A_8 = %scan3A_3 to %scan3A_5 step %scan3A_6  : i32 {
      %mul3A_9 = arith.constant 640 : i32
      %mul3A_10 = arith.muli %scan3A_8, %mul3A_9 : i32
      %mul3A_11 = arith.constant 5 : i32
      %mul3A_12 = arith.muli %scan3A_8, %mul3A_11 : i32
      %add3A_13 = arith.constant 0 : i32
      %add3A_14 = arith.addi %mul3A_12, %add3A_13 : i32
      %dma_start3A = arith.constant 0 : i32
      %dma_start3A_15 = arith.constant 0 : i32
      %dma_start3A_16 = tpu.memref_slice %arg6[%dma_start3A, %dma_start3A_15] : memref<640x128xf32, #tpu.memory_space<vmem>> -> memref<128x128xf32, #tpu.memory_space<vmem>>
      %dma_start3A_17 = arith.constant 0 : i32
      %dma_start3A_18 = tpu.memref_slice %arg5[%add3A_14, %dma_start3A_17] : memref<40x128xi32, #tpu.memory_space<vmem>> -> memref<1x128xi32, #tpu.memory_space<vmem>>
      %dma_start3A_19 = tpu.memref_squeeze %dma_start3A_18 : memref<1x128xi32, #tpu.memory_space<vmem>> -> memref<128xi32, #tpu.memory_space<vmem>>
      %dma_start3A_20 = arith.constant 0 : i32
      %dma_start3A_21 = arith.constant 0 : i32
      %dma_start3A_22 = tpu.memref_slice %arg2[%dma_start3A_20, %dma_start3A_21] : memref<16384x128xf32, #tpu.memory_space<hbm>> -> memref<16384x128xf32, #tpu.memory_space<hbm>>
      tpu.enqueue_indirect_dma source(%dma_start3A_22 : memref<16384x128xf32, #tpu.memory_space<hbm>>) target(%dma_start3A_16 : memref<128x128xf32, #tpu.memory_space<vmem>>) offsets(%dma_start3A_19 : memref<128xi32, #tpu.memory_space<vmem>>) semaphore(%arg7 : memref<!tpu.dma_semaphore, #tpu.memory_space<semaphore_mem>>)
      %mul3A_23 = arith.constant 5 : i32
      %mul3A_24 = arith.muli %scan3A_8, %mul3A_23 : i32
      %add3A_25 = arith.constant 1 : i32
      %add3A_26 = arith.addi %mul3A_24, %add3A_25 : i32
      %dma_start3A_27 = arith.constant 128 : i32
      %dma_start3A_28 = arith.constant 0 : i32
      %dma_start3A_29 = tpu.memref_slice %arg6[%dma_start3A_27, %dma_start3A_28] : memref<640x128xf32, #tpu.memory_space<vmem>> -> memref<128x128xf32, #tpu.memory_space<vmem>>
      %dma_start3A_30 = arith.constant 0 : i32
      %dma_start3A_31 = tpu.memref_slice %arg5[%add3A_26, %dma_start3A_30] : memref<40x128xi32, #tpu.memory_space<vmem>> -> memref<1x128xi32, #tpu.memory_space<vmem>>
      %dma_start3A_32 = tpu.memref_squeeze %dma_start3A_31 : memref<1x128xi32, #tpu.memory_space<vmem>> -> memref<128xi32, #tpu.memory_space<vmem>>
      %dma_start3A_33 = arith.constant 0 : i32
      %dma_start3A_34 = arith.constant 0 : i32
      %dma_start3A_35 = tpu.memref_slice %arg2[%dma_start3A_33, %dma_start3A_34] : memref<16384x128xf32, #tpu.memory_space<hbm>> -> memref<16384x128xf32, #tpu.memory_space<hbm>>
      tpu.enqueue_indirect_dma source(%dma_start3A_35 : memref<16384x128xf32, #tpu.memory_space<hbm>>) target(%dma_start3A_29 : memref<128x128xf32, #tpu.memory_space<vmem>>) offsets(%dma_start3A_32 : memref<128xi32, #tpu.memory_space<vmem>>) semaphore(%arg7 : memref<!tpu.dma_semaphore, #tpu.memory_space<semaphore_mem>>)
      %mul3A_36 = arith.constant 5 : i32
      %mul3A_37 = arith.muli %scan3A_8, %mul3A_36 : i32
      %add3A_38 = arith.constant 2 : i32
      %add3A_39 = arith.addi %mul3A_37, %add3A_38 : i32
      %dma_start3A_40 = arith.constant 256 : i32
      %dma_start3A_41 = arith.constant 0 : i32
      %dma_start3A_42 = tpu.memref_slice %arg6[%dma_start3A_40, %dma_start3A_41] : memref<640x128xf32, #tpu.memory_space<vmem>> -> memref<128x128xf32, #tpu.memory_space<vmem>>
      %dma_start3A_43 = arith.constant 0 : i32
      %dma_start3A_44 = tpu.memref_slice %arg5[%add3A_39, %dma_start3A_43] : memref<40x128xi32, #tpu.memory_space<vmem>> -> memref<1x128xi32, #tpu.memory_space<vmem>>
      %dma_start3A_45 = tpu.memref_squeeze %dma_start3A_44 : memref<1x128xi32, #tpu.memory_space<vmem>> -> memref<128xi32, #tpu.memory_space<vmem>>
      %dma_start3A_46 = arith.constant 0 : i32
      %dma_start3A_47 = arith.constant 0 : i32
      %dma_start3A_48 = tpu.memref_slice %arg2[%dma_start3A_46, %dma_start3A_47] : memref<16384x128xf32, #tpu.memory_space<hbm>> -> memref<16384x128xf32, #tpu.memory_space<hbm>>
      tpu.enqueue_indirect_dma source(%dma_start3A_48 : memref<16384x128xf32, #tpu.memory_space<hbm>>) target(%dma_start3A_42 : memref<128x128xf32, #tpu.memory_space<vmem>>) offsets(%dma_start3A_45 : memref<128xi32, #tpu.memory_space<vmem>>) semaphore(%arg7 : memref<!tpu.dma_semaphore, #tpu.memory_space<semaphore_mem>>)
      %mul3A_49 = arith.constant 5 : i32
      %mul3A_50 = arith.muli %scan3A_8, %mul3A_49 : i32
      %add3A_51 = arith.constant 3 : i32
      %add3A_52 = arith.addi %mul3A_50, %add3A_51 : i32
      %dma_start3A_53 = arith.constant 384 : i32
      %dma_start3A_54 = arith.constant 0 : i32
      %dma_start3A_55 = tpu.memref_slice %arg6[%dma_start3A_53, %dma_start3A_54] : memref<640x128xf32, #tpu.memory_space<vmem>> -> memref<128x128xf32, #tpu.memory_space<vmem>>
      %dma_start3A_56 = arith.constant 0 : i32
      %dma_start3A_57 = tpu.memref_slice %arg5[%add3A_52, %dma_start3A_56] : memref<40x128xi32, #tpu.memory_space<vmem>> -> memref<1x128xi32, #tpu.memory_space<vmem>>
      %dma_start3A_58 = tpu.memref_squeeze %dma_start3A_57 : memref<1x128xi32, #tpu.memory_space<vmem>> -> memref<128xi32, #tpu.memory_space<vmem>>
      %dma_start3A_59 = arith.constant 0 : i32
      %dma_start3A_60 = arith.constant 0 : i32
      %dma_start3A_61 = tpu.memref_slice %arg2[%dma_start3A_59, %dma_start3A_60] : memref<16384x128xf32, #tpu.memory_space<hbm>> -> memref<16384x128xf32, #tpu.memory_space<hbm>>
      tpu.enqueue_indirect_dma source(%dma_start3A_61 : memref<16384x128xf32, #tpu.memory_space<hbm>>) target(%dma_start3A_55 : memref<128x128xf32, #tpu.memory_space<vmem>>) offsets(%dma_start3A_58 : memref<128xi32, #tpu.memory_space<vmem>>) semaphore(%arg7 : memref<!tpu.dma_semaphore, #tpu.memory_space<semaphore_mem>>)
      %mul3A_62 = arith.constant 5 : i32
      %mul3A_63 = arith.muli %scan3A_8, %mul3A_62 : i32
      %add3A_64 = arith.constant 4 : i32
      %add3A_65 = arith.addi %mul3A_63, %add3A_64 : i32
      %dma_start3A_66 = arith.constant 512 : i32
      %dma_start3A_67 = arith.constant 0 : i32
      %dma_start3A_68 = tpu.memref_slice %arg6[%dma_start3A_66, %dma_start3A_67] : memref<640x128xf32, #tpu.memory_space<vmem>> -> memref<128x128xf32, #tpu.memory_space<vmem>>
      %dma_start3A_69 = arith.constant 0 : i32
      %dma_start3A_70 = tpu.memref_slice %arg5[%add3A_65, %dma_start3A_69] : memref<40x128xi32, #tpu.memory_space<vmem>> -> memref<1x128xi32, #tpu.memory_space<vmem>>
      %dma_start3A_71 = tpu.memref_squeeze %dma_start3A_70 : memref<1x128xi32, #tpu.memory_space<vmem>> -> memref<128xi32, #tpu.memory_space<vmem>>
      %dma_start3A_72 = arith.constant 0 : i32
      %dma_start3A_73 = arith.constant 0 : i32
      %dma_start3A_74 = tpu.memref_slice %arg2[%dma_start3A_72, %dma_start3A_73] : memref<16384x128xf32, #tpu.memory_space<hbm>> -> memref<16384x128xf32, #tpu.memory_space<hbm>>
      tpu.enqueue_indirect_dma source(%dma_start3A_74 : memref<16384x128xf32, #tpu.memory_space<hbm>>) target(%dma_start3A_68 : memref<128x128xf32, #tpu.memory_space<vmem>>) offsets(%dma_start3A_71 : memref<128xi32, #tpu.memory_space<vmem>>) semaphore(%arg7 : memref<!tpu.dma_semaphore, #tpu.memory_space<semaphore_mem>>)
      %dma_wait3A = arith.constant 0 : i32
      %dma_wait3A_75 = arith.constant 0 : i32
      %dma_wait3A_76 = tpu.memref_slice %arg6[%dma_wait3A, %dma_wait3A_75] : memref<640x128xf32, #tpu.memory_space<vmem>> -> memref<128x128xf32, #tpu.memory_space<vmem>>
      %dma_wait3A_77 = arith.constant 0 : i32
      %dma_wait3A_78 = tpu.memref_slice %arg5[%add3A_14, %dma_wait3A_77] : memref<40x128xi32, #tpu.memory_space<vmem>> -> memref<1x128xi32, #tpu.memory_space<vmem>>
      %dma_wait3A_79 = tpu.memref_squeeze %dma_wait3A_78 : memref<1x128xi32, #tpu.memory_space<vmem>> -> memref<128xi32, #tpu.memory_space<vmem>>
      %dma_wait3A_80 = arith.constant 0 : i32
      %dma_wait3A_81 = arith.constant 0 : i32
      %dma_wait3A_82 = tpu.memref_slice %arg2[%dma_wait3A_80, %dma_wait3A_81] : memref<16384x128xf32, #tpu.memory_space<hbm>> -> memref<16384x128xf32, #tpu.memory_space<hbm>>
      tpu.wait_indirect_dma semaphore(%arg7 : memref<!tpu.dma_semaphore, #tpu.memory_space<semaphore_mem>>) src(%dma_wait3A_82 : memref<16384x128xf32, #tpu.memory_space<hbm>>) dst(%dma_wait3A_76 : memref<128x128xf32, #tpu.memory_space<vmem>>)
      %dma_wait3A_83 = arith.constant 128 : i32
      %dma_wait3A_84 = arith.constant 0 : i32
      %dma_wait3A_85 = tpu.memref_slice %arg6[%dma_wait3A_83, %dma_wait3A_84] : memref<640x128xf32, #tpu.memory_space<vmem>> -> memref<128x128xf32, #tpu.memory_space<vmem>>
      %dma_wait3A_86 = arith.constant 0 : i32
      %dma_wait3A_87 = tpu.memref_slice %arg5[%add3A_26, %dma_wait3A_86] : memref<40x128xi32, #tpu.memory_space<vmem>> -> memref<1x128xi32, #tpu.memory_space<vmem>>
      %dma_wait3A_88 = tpu.memref_squeeze %dma_wait3A_87 : memref<1x128xi32, #tpu.memory_space<vmem>> -> memref<128xi32, #tpu.memory_space<vmem>>
      %dma_wait3A_89 = arith.constant 0 : i32
      %dma_wait3A_90 = arith.constant 0 : i32
      %dma_wait3A_91 = tpu.memref_slice %arg2[%dma_wait3A_89, %dma_wait3A_90] : memref<16384x128xf32, #tpu.memory_space<hbm>> -> memref<16384x128xf32, #tpu.memory_space<hbm>>
      tpu.wait_indirect_dma semaphore(%arg7 : memref<!tpu.dma_semaphore, #tpu.memory_space<semaphore_mem>>) src(%dma_wait3A_91 : memref<16384x128xf32, #tpu.memory_space<hbm>>) dst(%dma_wait3A_85 : memref<128x128xf32, #tpu.memory_space<vmem>>)
      %dma_wait3A_92 = arith.constant 256 : i32
      %dma_wait3A_93 = arith.constant 0 : i32
      %dma_wait3A_94 = tpu.memref_slice %arg6[%dma_wait3A_92, %dma_wait3A_93] : memref<640x128xf32, #tpu.memory_space<vmem>> -> memref<128x128xf32, #tpu.memory_space<vmem>>
      %dma_wait3A_95 = arith.constant 0 : i32
      %dma_wait3A_96 = tpu.memref_slice %arg5[%add3A_39, %dma_wait3A_95] : memref<40x128xi32, #tpu.memory_space<vmem>> -> memref<1x128xi32, #tpu.memory_space<vmem>>
      %dma_wait3A_97 = tpu.memref_squeeze %dma_wait3A_96 : memref<1x128xi32, #tpu.memory_space<vmem>> -> memref<128xi32, #tpu.memory_space<vmem>>
      %dma_wait3A_98 = arith.constant 0 : i32
      %dma_wait3A_99 = arith.constant 0 : i32
      %dma_wait3A_100 = tpu.memref_slice %arg2[%dma_wait3A_98, %dma_wait3A_99] : memref<16384x128xf32, #tpu.memory_space<hbm>> -> memref<16384x128xf32, #tpu.memory_space<hbm>>
      tpu.wait_indirect_dma semaphore(%arg7 : memref<!tpu.dma_semaphore, #tpu.memory_space<semaphore_mem>>) src(%dma_wait3A_100 : memref<16384x128xf32, #tpu.memory_space<hbm>>) dst(%dma_wait3A_94 : memref<128x128xf32, #tpu.memory_space<vmem>>)
      %dma_wait3A_101 = arith.constant 384 : i32
      %dma_wait3A_102 = arith.constant 0 : i32
      %dma_wait3A_103 = tpu.memref_slice %arg6[%dma_wait3A_101, %dma_wait3A_102] : memref<640x128xf32, #tpu.memory_space<vmem>> -> memref<128x128xf32, #tpu.memory_space<vmem>>
      %dma_wait3A_104 = arith.constant 0 : i32
      %dma_wait3A_105 = tpu.memref_slice %arg5[%add3A_52, %dma_wait3A_104] : memref<40x128xi32, #tpu.memory_space<vmem>> -> memref<1x128xi32, #tpu.memory_space<vmem>>
      %dma_wait3A_106 = tpu.memref_squeeze %dma_wait3A_105 : memref<1x128xi32, #tpu.memory_space<vmem>> -> memref<128xi32, #tpu.memory_space<vmem>>
      %dma_wait3A_107 = arith.constant 0 : i32
      %dma_wait3A_108 = arith.constant 0 : i32
      %dma_wait3A_109 = tpu.memref_slice %arg2[%dma_wait3A_107, %dma_wait3A_108] : memref<16384x128xf32, #tpu.memory_space<hbm>> -> memref<16384x128xf32, #tpu.memory_space<hbm>>
      tpu.wait_indirect_dma semaphore(%arg7 : memref<!tpu.dma_semaphore, #tpu.memory_space<semaphore_mem>>) src(%dma_wait3A_109 : memref<16384x128xf32, #tpu.memory_space<hbm>>) dst(%dma_wait3A_103 : memref<128x128xf32, #tpu.memory_space<vmem>>)
      %dma_wait3A_110 = arith.constant 512 : i32
      %dma_wait3A_111 = arith.constant 0 : i32
      %dma_wait3A_112 = tpu.memref_slice %arg6[%dma_wait3A_110, %dma_wait3A_111] : memref<640x128xf32, #tpu.memory_space<vmem>> -> memref<128x128xf32, #tpu.memory_space<vmem>>
      %dma_wait3A_113 = arith.constant 0 : i32
      %dma_wait3A_114 = tpu.memref_slice %arg5[%add3A_65, %dma_wait3A_113] : memref<40x128xi32, #tpu.memory_space<vmem>> -> memref<1x128xi32, #tpu.memory_space<vmem>>
      %dma_wait3A_115 = tpu.memref_squeeze %dma_wait3A_114 : memref<1x128xi32, #tpu.memory_space<vmem>> -> memref<128xi32, #tpu.memory_space<vmem>>
      %dma_wait3A_116 = arith.constant 0 : i32
      %dma_wait3A_117 = arith.constant 0 : i32
      %dma_wait3A_118 = tpu.memref_slice %arg2[%dma_wait3A_116, %dma_wait3A_117] : memref<16384x128xf32, #tpu.memory_space<hbm>> -> memref<16384x128xf32, #tpu.memory_space<hbm>>
      tpu.wait_indirect_dma semaphore(%arg7 : memref<!tpu.dma_semaphore, #tpu.memory_space<semaphore_mem>>) src(%dma_wait3A_118 : memref<16384x128xf32, #tpu.memory_space<hbm>>) dst(%dma_wait3A_112 : memref<128x128xf32, #tpu.memory_space<vmem>>)
      %add3A_119 = arith.addi %mul3A_2, %mul3A_10 : i32
      "tpu.region"() ({
        %run_scoped3A = tpu.sem_alloc : memref<!tpu.dma_semaphore, #tpu.memory_space<semaphore_mem>>
        %dma_start3A_120 = arith.constant 0 : i32
        %dma_start3A_121 = tpu.memref_slice %arg4[%add3A_119, %dma_start3A_120] : memref<163840x128xf32, #tpu.memory_space<hbm>> -> memref<640x128xf32, #tpu.memory_space<hbm>>
        %dma_start3A_122 = arith.constant 0 : i32
        %dma_start3A_123 = tpu.memref_slice %arg4[%add3A_119, %dma_start3A_122] : memref<163840x128xf32, #tpu.memory_space<hbm>> -> memref<640x128xf32, #tpu.memory_space<hbm>>
        tpu.enqueue_dma source(%arg6 : memref<640x128xf32, #tpu.memory_space<vmem>>) target(%dma_start3A_123 : memref<640x128xf32, #tpu.memory_space<hbm>>) target_semaphore(%run_scoped3A : memref<!tpu.dma_semaphore, #tpu.memory_space<semaphore_mem>>)
        %dma_wait3A_124 = arith.constant 0 : i32
        %dma_wait3A_125 = tpu.memref_slice %arg4[%add3A_119, %dma_wait3A_124] : memref<163840x128xf32, #tpu.memory_space<hbm>> -> memref<640x128xf32, #tpu.memory_space<hbm>>
        %dma_wait3A_126 = arith.constant 0 : i32
        %dma_wait3A_127 = tpu.memref_slice %arg4[%add3A_119, %dma_wait3A_126] : memref<163840x128xf32, #tpu.memory_space<hbm>> -> memref<640x128xf32, #tpu.memory_space<hbm>>
        tpu.wait_dma2 semaphore(%run_scoped3A : memref<!tpu.dma_semaphore, #tpu.memory_space<semaphore_mem>>) src(%arg6 : memref<640x128xf32, #tpu.memory_space<vmem>>) dst(%dma_wait3A_127 : memref<640x128xf32, #tpu.memory_space<hbm>>)
        tpu.yield
      }) : () -> ()
    }
    %scan3A_7 = arith.constant 8 : i32
    return
  }
}

#map = affine_map<(d0, d1) -> (0, 0)>
#map1 = affine_map<(d0, d1) -> (0, 0, 0)>
module attributes {stable_mosaic.version = 14 : i64} {
  func.func @gath(%arg0: i32, %arg1: i32, %arg2: memref<16384x128xf32, #tpu.memory_space<hbm>>, %arg3: memref<32x40x128xi32, #tpu.memory_space<hbm>>, %arg4: memref<163840x128xf32, #tpu.memory_space<hbm>>, %arg5: memref<40x128xi32, #tpu.memory_space<vmem>>, %arg6: memref<640x128xf32, #tpu.memory_space<vmem>>, %arg7: memref<!tpu.dma_semaphore, #tpu.memory_space<semaphore_mem>>) attributes {dimension_semantics = [#tpu.dimension_semantics<core_parallel>, #tpu.dimension_semantics<subcore_parallel>], iteration_bounds = array<i64: 2, 16>, scalar_prefetch = 0 : i64, scratch_operands = 3 : i64, tpu.core_type = #tpu.core_type<sc_vector_subcore>, window_params = [{transform_indices = #map}, {transform_indices = #map1}, {transform_indices = #map}]} {
    %mul3A = arith.constant 2 : i32
    %mul3A_0 = arith.muli %arg1, %mul3A : i32
    %add3A = arith.addi %mul3A_0, %arg0 : i32
    %mul3A_1 = arith.constant 5120 : i32
    %mul3A_2 = arith.muli %add3A, %mul3A_1 : i32
    "tpu.region"() ({
      %run_scoped3A = tpu.sem_alloc : memref<!tpu.dma_semaphore, #tpu.memory_space<semaphore_mem>>
      %dma_start3A = arith.constant 0 : i32
      %dma_start3A_8 = arith.constant 0 : i32
      %dma_start3A_9 = tpu.memref_slice %arg3[%add3A, %dma_start3A, %dma_start3A_8] : memref<32x40x128xi32, #tpu.memory_space<hbm>> -> memref<1x40x128xi32, #tpu.memory_space<hbm>>
      %dma_start3A_10 = tpu.memref_squeeze %dma_start3A_9 : memref<1x40x128xi32, #tpu.memory_space<hbm>> -> memref<40x128xi32, #tpu.memory_space<hbm>>
      %dma_start3A_11 = arith.constant 0 : i32
      %dma_start3A_12 = arith.constant 0 : i32
      %dma_start3A_13 = tpu.memref_slice %arg3[%add3A, %dma_start3A_11, %dma_start3A_12] : memref<32x40x128xi32, #tpu.memory_space<hbm>> -> memref<1x40x128xi32, #tpu.memory_space<hbm>>
      %dma_start3A_14 = tpu.memref_squeeze %dma_start3A_13 : memref<1x40x128xi32, #tpu.memory_space<hbm>> -> memref<40x128xi32, #tpu.memory_space<hbm>>
      tpu.enqueue_dma source(%dma_start3A_14 : memref<40x128xi32, #tpu.memory_space<hbm>>) target(%arg5 : memref<40x128xi32, #tpu.memory_space<vmem>>) target_semaphore(%run_scoped3A : memref<!tpu.dma_semaphore, #tpu.memory_space<semaphore_mem>>)
      %dma_wait3A = arith.constant 0 : i32
      %dma_wait3A_15 = arith.constant 0 : i32
      %dma_wait3A_16 = tpu.memref_slice %arg3[%add3A, %dma_wait3A, %dma_wait3A_15] : memref<32x40x128xi32, #tpu.memory_space<hbm>> -> memref<1x40x128xi32, #tpu.memory_space<hbm>>
      %dma_wait3A_17 = tpu.memref_squeeze %dma_wait3A_16 : memref<1x40x128xi32, #tpu.memory_space<hbm>> -> memref<40x128xi32, #tpu.memory_space<hbm>>
      %dma_wait3A_18 = arith.constant 0 : i32
      %dma_wait3A_19 = arith.constant 0 : i32
      %dma_wait3A_20 = tpu.memref_slice %arg3[%add3A, %dma_wait3A_18, %dma_wait3A_19] : memref<32x40x128xi32, #tpu.memory_space<hbm>> -> memref<1x40x128xi32, #tpu.memory_space<hbm>>
      %dma_wait3A_21 = tpu.memref_squeeze %dma_wait3A_20 : memref<1x40x128xi32, #tpu.memory_space<hbm>> -> memref<40x128xi32, #tpu.memory_space<hbm>>
      tpu.wait_dma2 semaphore(%run_scoped3A : memref<!tpu.dma_semaphore, #tpu.memory_space<semaphore_mem>>) src(%dma_wait3A_21 : memref<40x128xi32, #tpu.memory_space<hbm>>) dst(%arg5 : memref<40x128xi32, #tpu.memory_space<vmem>>)
      tpu.yield
    }) : () -> ()
    %scan3A = arith.constant 0 : i32
    %scan3A_3 = arith.constant 0 : i32
    %scan3A_4 = arith.constant 8 : i32
    %scan3A_5 = arith.addi %scan3A_3, %scan3A_4 : i32
    %scan3A_6 = arith.constant 1 : i32
    scf.for %scan3A_8 = %scan3A_3 to %scan3A_5 step %scan3A_6  : i32 {
      %mul3A_9 = arith.constant 640 : i32
      %mul3A_10 = arith.muli %scan3A_8, %mul3A_9 : i32
      %mul3A_11 = arith.constant 5 : i32
      %mul3A_12 = arith.muli %scan3A_8, %mul3A_11 : i32
      %add3A_13 = arith.constant 0 : i32
      %add3A_14 = arith.addi %mul3A_12, %add3A_13 : i32
      %dma_start3A = arith.constant 0 : i32
      %dma_start3A_15 = arith.constant 0 : i32
      %dma_start3A_16 = tpu.memref_slice %arg6[%dma_start3A, %dma_start3A_15] : memref<640x128xf32, #tpu.memory_space<vmem>> -> memref<128x128xf32, #tpu.memory_space<vmem>>
      %dma_start3A_17 = arith.constant 0 : i32
      %dma_start3A_18 = tpu.memref_slice %arg5[%add3A_14, %dma_start3A_17] : memref<40x128xi32, #tpu.memory_space<vmem>> -> memref<1x128xi32, #tpu.memory_space<vmem>>
      %dma_start3A_19 = tpu.memref_squeeze %dma_start3A_18 : memref<1x128xi32, #tpu.memory_space<vmem>> -> memref<128xi32, #tpu.memory_space<vmem>>
      %dma_start3A_20 = arith.constant 0 : i32
      %dma_start3A_21 = arith.constant 0 : i32
      %dma_start3A_22 = tpu.memref_slice %arg2[%dma_start3A_20, %dma_start3A_21] : memref<16384x128xf32, #tpu.memory_space<hbm>> -> memref<16384x128xf32, #tpu.memory_space<hbm>>
      tpu.enqueue_indirect_dma source(%dma_start3A_22 : memref<16384x128xf32, #tpu.memory_space<hbm>>) target(%dma_start3A_16 : memref<128x128xf32, #tpu.memory_space<vmem>>) offsets(%dma_start3A_19 : memref<128xi32, #tpu.memory_space<vmem>>) semaphore(%arg7 : memref<!tpu.dma_semaphore, #tpu.memory_space<semaphore_mem>>)
      %mul3A_23 = arith.constant 5 : i32
      %mul3A_24 = arith.muli %scan3A_8, %mul3A_23 : i32
      %add3A_25 = arith.constant 1 : i32
      %add3A_26 = arith.addi %mul3A_24, %add3A_25 : i32
      %dma_start3A_27 = arith.constant 128 : i32
      %dma_start3A_28 = arith.constant 0 : i32
      %dma_start3A_29 = tpu.memref_slice %arg6[%dma_start3A_27, %dma_start3A_28] : memref<640x128xf32, #tpu.memory_space<vmem>> -> memref<128x128xf32, #tpu.memory_space<vmem>>
      %dma_start3A_30 = arith.constant 0 : i32
      %dma_start3A_31 = tpu.memref_slice %arg5[%add3A_26, %dma_start3A_30] : memref<40x128xi32, #tpu.memory_space<vmem>> -> memref<1x128xi32, #tpu.memory_space<vmem>>
      %dma_start3A_32 = tpu.memref_squeeze %dma_start3A_31 : memref<1x128xi32, #tpu.memory_space<vmem>> -> memref<128xi32, #tpu.memory_space<vmem>>
      %dma_start3A_33 = arith.constant 0 : i32
      %dma_start3A_34 = arith.constant 0 : i32
      %dma_start3A_35 = tpu.memref_slice %arg2[%dma_start3A_33, %dma_start3A_34] : memref<16384x128xf32, #tpu.memory_space<hbm>> -> memref<16384x128xf32, #tpu.memory_space<hbm>>
      tpu.enqueue_indirect_dma source(%dma_start3A_35 : memref<16384x128xf32, #tpu.memory_space<hbm>>) target(%dma_start3A_29 : memref<128x128xf32, #tpu.memory_space<vmem>>) offsets(%dma_start3A_32 : memref<128xi32, #tpu.memory_space<vmem>>) semaphore(%arg7 : memref<!tpu.dma_semaphore, #tpu.memory_space<semaphore_mem>>)
      %mul3A_36 = arith.constant 5 : i32
      %mul3A_37 = arith.muli %scan3A_8, %mul3A_36 : i32
      %add3A_38 = arith.constant 2 : i32
      %add3A_39 = arith.addi %mul3A_37, %add3A_38 : i32
      %dma_start3A_40 = arith.constant 256 : i32
      %dma_start3A_41 = arith.constant 0 : i32
      %dma_start3A_42 = tpu.memref_slice %arg6[%dma_start3A_40, %dma_start3A_41] : memref<640x128xf32, #tpu.memory_space<vmem>> -> memref<128x128xf32, #tpu.memory_space<vmem>>
      %dma_start3A_43 = arith.constant 0 : i32
      %dma_start3A_44 = tpu.memref_slice %arg5[%add3A_39, %dma_start3A_43] : memref<40x128xi32, #tpu.memory_space<vmem>> -> memref<1x128xi32, #tpu.memory_space<vmem>>
      %dma_start3A_45 = tpu.memref_squeeze %dma_start3A_44 : memref<1x128xi32, #tpu.memory_space<vmem>> -> memref<128xi32, #tpu.memory_space<vmem>>
      %dma_start3A_46 = arith.constant 0 : i32
      %dma_start3A_47 = arith.constant 0 : i32
      %dma_start3A_48 = tpu.memref_slice %arg2[%dma_start3A_46, %dma_start3A_47] : memref<16384x128xf32, #tpu.memory_space<hbm>> -> memref<16384x128xf32, #tpu.memory_space<hbm>>
      tpu.enqueue_indirect_dma source(%dma_start3A_48 : memref<16384x128xf32, #tpu.memory_space<hbm>>) target(%dma_start3A_42 : memref<128x128xf32, #tpu.memory_space<vmem>>) offsets(%dma_start3A_45 : memref<128xi32, #tpu.memory_space<vmem>>) semaphore(%arg7 : memref<!tpu.dma_semaphore, #tpu.memory_space<semaphore_mem>>)
      %mul3A_49 = arith.constant 5 : i32
      %mul3A_50 = arith.muli %scan3A_8, %mul3A_49 : i32
      %add3A_51 = arith.constant 3 : i32
      %add3A_52 = arith.addi %mul3A_50, %add3A_51 : i32
      %dma_start3A_53 = arith.constant 384 : i32
      %dma_start3A_54 = arith.constant 0 : i32
      %dma_start3A_55 = tpu.memref_slice %arg6[%dma_start3A_53, %dma_start3A_54] : memref<640x128xf32, #tpu.memory_space<vmem>> -> memref<128x128xf32, #tpu.memory_space<vmem>>
      %dma_start3A_56 = arith.constant 0 : i32
      %dma_start3A_57 = tpu.memref_slice %arg5[%add3A_52, %dma_start3A_56] : memref<40x128xi32, #tpu.memory_space<vmem>> -> memref<1x128xi32, #tpu.memory_space<vmem>>
      %dma_start3A_58 = tpu.memref_squeeze %dma_start3A_57 : memref<1x128xi32, #tpu.memory_space<vmem>> -> memref<128xi32, #tpu.memory_space<vmem>>
      %dma_start3A_59 = arith.constant 0 : i32
      %dma_start3A_60 = arith.constant 0 : i32
      %dma_start3A_61 = tpu.memref_slice %arg2[%dma_start3A_59, %dma_start3A_60] : memref<16384x128xf32, #tpu.memory_space<hbm>> -> memref<16384x128xf32, #tpu.memory_space<hbm>>
      tpu.enqueue_indirect_dma source(%dma_start3A_61 : memref<16384x128xf32, #tpu.memory_space<hbm>>) target(%dma_start3A_55 : memref<128x128xf32, #tpu.memory_space<vmem>>) offsets(%dma_start3A_58 : memref<128xi32, #tpu.memory_space<vmem>>) semaphore(%arg7 : memref<!tpu.dma_semaphore, #tpu.memory_space<semaphore_mem>>)
      %mul3A_62 = arith.constant 5 : i32
      %mul3A_63 = arith.muli %scan3A_8, %mul3A_62 : i32
      %add3A_64 = arith.constant 4 : i32
      %add3A_65 = arith.addi %mul3A_63, %add3A_64 : i32
      %dma_start3A_66 = arith.constant 512 : i32
      %dma_start3A_67 = arith.constant 0 : i32
      %dma_start3A_68 = tpu.memref_slice %arg6[%dma_start3A_66, %dma_start3A_67] : memref<640x128xf32, #tpu.memory_space<vmem>> -> memref<128x128xf32, #tpu.memory_space<vmem>>
      %dma_start3A_69 = arith.constant 0 : i32
      %dma_start3A_70 = tpu.memref_slice %arg5[%add3A_65, %dma_start3A_69] : memref<40x128xi32, #tpu.memory_space<vmem>> -> memref<1x128xi32, #tpu.memory_space<vmem>>
      %dma_start3A_71 = tpu.memref_squeeze %dma_start3A_70 : memref<1x128xi32, #tpu.memory_space<vmem>> -> memref<128xi32, #tpu.memory_space<vmem>>
      %dma_start3A_72 = arith.constant 0 : i32
      %dma_start3A_73 = arith.constant 0 : i32
      %dma_start3A_74 = tpu.memref_slice %arg2[%dma_start3A_72, %dma_start3A_73] : memref<16384x128xf32, #tpu.memory_space<hbm>> -> memref<16384x128xf32, #tpu.memory_space<hbm>>
      tpu.enqueue_indirect_dma source(%dma_start3A_74 : memref<16384x128xf32, #tpu.memory_space<hbm>>) target(%dma_start3A_68 : memref<128x128xf32, #tpu.memory_space<vmem>>) offsets(%dma_start3A_71 : memref<128xi32, #tpu.memory_space<vmem>>) semaphore(%arg7 : memref<!tpu.dma_semaphore, #tpu.memory_space<semaphore_mem>>)
      %dma_wait3A = arith.constant 0 : i32
      %dma_wait3A_75 = arith.constant 0 : i32
      %dma_wait3A_76 = tpu.memref_slice %arg6[%dma_wait3A, %dma_wait3A_75] : memref<640x128xf32, #tpu.memory_space<vmem>> -> memref<128x128xf32, #tpu.memory_space<vmem>>
      %dma_wait3A_77 = arith.constant 0 : i32
      %dma_wait3A_78 = tpu.memref_slice %arg5[%add3A_14, %dma_wait3A_77] : memref<40x128xi32, #tpu.memory_space<vmem>> -> memref<1x128xi32, #tpu.memory_space<vmem>>
      %dma_wait3A_79 = tpu.memref_squeeze %dma_wait3A_78 : memref<1x128xi32, #tpu.memory_space<vmem>> -> memref<128xi32, #tpu.memory_space<vmem>>
      %dma_wait3A_80 = arith.constant 0 : i32
      %dma_wait3A_81 = arith.constant 0 : i32
      %dma_wait3A_82 = tpu.memref_slice %arg2[%dma_wait3A_80, %dma_wait3A_81] : memref<16384x128xf32, #tpu.memory_space<hbm>> -> memref<16384x128xf32, #tpu.memory_space<hbm>>
      tpu.wait_indirect_dma semaphore(%arg7 : memref<!tpu.dma_semaphore, #tpu.memory_space<semaphore_mem>>) src(%dma_wait3A_82 : memref<16384x128xf32, #tpu.memory_space<hbm>>) dst(%dma_wait3A_76 : memref<128x128xf32, #tpu.memory_space<vmem>>)
      %dma_wait3A_83 = arith.constant 128 : i32
      %dma_wait3A_84 = arith.constant 0 : i32
      %dma_wait3A_85 = tpu.memref_slice %arg6[%dma_wait3A_83, %dma_wait3A_84] : memref<640x128xf32, #tpu.memory_space<vmem>> -> memref<128x128xf32, #tpu.memory_space<vmem>>
      %dma_wait3A_86 = arith.constant 0 : i32
      %dma_wait3A_87 = tpu.memref_slice %arg5[%add3A_26, %dma_wait3A_86] : memref<40x128xi32, #tpu.memory_space<vmem>> -> memref<1x128xi32, #tpu.memory_space<vmem>>
      %dma_wait3A_88 = tpu.memref_squeeze %dma_wait3A_87 : memref<1x128xi32, #tpu.memory_space<vmem>> -> memref<128xi32, #tpu.memory_space<vmem>>
      %dma_wait3A_89 = arith.constant 0 : i32
      %dma_wait3A_90 = arith.constant 0 : i32
      %dma_wait3A_91 = tpu.memref_slice %arg2[%dma_wait3A_89, %dma_wait3A_90] : memref<16384x128xf32, #tpu.memory_space<hbm>> -> memref<16384x128xf32, #tpu.memory_space<hbm>>
      tpu.wait_indirect_dma semaphore(%arg7 : memref<!tpu.dma_semaphore, #tpu.memory_space<semaphore_mem>>) src(%dma_wait3A_91 : memref<16384x128xf32, #tpu.memory_space<hbm>>) dst(%dma_wait3A_85 : memref<128x128xf32, #tpu.memory_space<vmem>>)
      %dma_wait3A_92 = arith.constant 256 : i32
      %dma_wait3A_93 = arith.constant 0 : i32
      %dma_wait3A_94 = tpu.memref_slice %arg6[%dma_wait3A_92, %dma_wait3A_93] : memref<640x128xf32, #tpu.memory_space<vmem>> -> memref<128x128xf32, #tpu.memory_space<vmem>>
      %dma_wait3A_95 = arith.constant 0 : i32
      %dma_wait3A_96 = tpu.memref_slice %arg5[%add3A_39, %dma_wait3A_95] : memref<40x128xi32, #tpu.memory_space<vmem>> -> memref<1x128xi32, #tpu.memory_space<vmem>>
      %dma_wait3A_97 = tpu.memref_squeeze %dma_wait3A_96 : memref<1x128xi32, #tpu.memory_space<vmem>> -> memref<128xi32, #tpu.memory_space<vmem>>
      %dma_wait3A_98 = arith.constant 0 : i32
      %dma_wait3A_99 = arith.constant 0 : i32
      %dma_wait3A_100 = tpu.memref_slice %arg2[%dma_wait3A_98, %dma_wait3A_99] : memref<16384x128xf32, #tpu.memory_space<hbm>> -> memref<16384x128xf32, #tpu.memory_space<hbm>>
      tpu.wait_indirect_dma semaphore(%arg7 : memref<!tpu.dma_semaphore, #tpu.memory_space<semaphore_mem>>) src(%dma_wait3A_100 : memref<16384x128xf32, #tpu.memory_space<hbm>>) dst(%dma_wait3A_94 : memref<128x128xf32, #tpu.memory_space<vmem>>)
      %dma_wait3A_101 = arith.constant 384 : i32
      %dma_wait3A_102 = arith.constant 0 : i32
      %dma_wait3A_103 = tpu.memref_slice %arg6[%dma_wait3A_101, %dma_wait3A_102] : memref<640x128xf32, #tpu.memory_space<vmem>> -> memref<128x128xf32, #tpu.memory_space<vmem>>
      %dma_wait3A_104 = arith.constant 0 : i32
      %dma_wait3A_105 = tpu.memref_slice %arg5[%add3A_52, %dma_wait3A_104] : memref<40x128xi32, #tpu.memory_space<vmem>> -> memref<1x128xi32, #tpu.memory_space<vmem>>
      %dma_wait3A_106 = tpu.memref_squeeze %dma_wait3A_105 : memref<1x128xi32, #tpu.memory_space<vmem>> -> memref<128xi32, #tpu.memory_space<vmem>>
      %dma_wait3A_107 = arith.constant 0 : i32
      %dma_wait3A_108 = arith.constant 0 : i32
      %dma_wait3A_109 = tpu.memref_slice %arg2[%dma_wait3A_107, %dma_wait3A_108] : memref<16384x128xf32, #tpu.memory_space<hbm>> -> memref<16384x128xf32, #tpu.memory_space<hbm>>
      tpu.wait_indirect_dma semaphore(%arg7 : memref<!tpu.dma_semaphore, #tpu.memory_space<semaphore_mem>>) src(%dma_wait3A_109 : memref<16384x128xf32, #tpu.memory_space<hbm>>) dst(%dma_wait3A_103 : memref<128x128xf32, #tpu.memory_space<vmem>>)
      %dma_wait3A_110 = arith.constant 512 : i32
      %dma_wait3A_111 = arith.constant 0 : i32
      %dma_wait3A_112 = tpu.memref_slice %arg6[%dma_wait3A_110, %dma_wait3A_111] : memref<640x128xf32, #tpu.memory_space<vmem>> -> memref<128x128xf32, #tpu.memory_space<vmem>>
      %dma_wait3A_113 = arith.constant 0 : i32
      %dma_wait3A_114 = tpu.memref_slice %arg5[%add3A_65, %dma_wait3A_113] : memref<40x128xi32, #tpu.memory_space<vmem>> -> memref<1x128xi32, #tpu.memory_space<vmem>>
      %dma_wait3A_115 = tpu.memref_squeeze %dma_wait3A_114 : memref<1x128xi32, #tpu.memory_space<vmem>> -> memref<128xi32, #tpu.memory_space<vmem>>
      %dma_wait3A_116 = arith.constant 0 : i32
      %dma_wait3A_117 = arith.constant 0 : i32
      %dma_wait3A_118 = tpu.memref_slice %arg2[%dma_wait3A_116, %dma_wait3A_117] : memref<16384x128xf32, #tpu.memory_space<hbm>> -> memref<16384x128xf32, #tpu.memory_space<hbm>>
      tpu.wait_indirect_dma semaphore(%arg7 : memref<!tpu.dma_semaphore, #tpu.memory_space<semaphore_mem>>) src(%dma_wait3A_118 : memref<16384x128xf32, #tpu.memory_space<hbm>>) dst(%dma_wait3A_112 : memref<128x128xf32, #tpu.memory_space<vmem>>)
      %add3A_119 = arith.addi %mul3A_2, %mul3A_10 : i32
      "tpu.region"() ({
        %run_scoped3A = tpu.sem_alloc : memref<!tpu.dma_semaphore, #tpu.memory_space<semaphore_mem>>
        %dma_start3A_120 = arith.constant 0 : i32
        %dma_start3A_121 = tpu.memref_slice %arg4[%add3A_119, %dma_start3A_120] : memref<163840x128xf32, #tpu.memory_space<hbm>> -> memref<640x128xf32, #tpu.memory_space<hbm>>
        %dma_start3A_122 = arith.constant 0 : i32
        %dma_start3A_123 = tpu.memref_slice %arg4[%add3A_119, %dma_start3A_122] : memref<163840x128xf32, #tpu.memory_space<hbm>> -> memref<640x128xf32, #tpu.memory_space<hbm>>
        tpu.enqueue_dma source(%arg6 : memref<640x128xf32, #tpu.memory_space<vmem>>) target(%dma_start3A_123 : memref<640x128xf32, #tpu.memory_space<hbm>>) target_semaphore(%run_scoped3A : memref<!tpu.dma_semaphore, #tpu.memory_space<semaphore_mem>>)
        %dma_wait3A_124 = arith.constant 0 : i32
        %dma_wait3A_125 = tpu.memref_slice %arg4[%add3A_119, %dma_wait3A_124] : memref<163840x128xf32, #tpu.memory_space<hbm>> -> memref<640x128xf32, #tpu.memory_space<hbm>>
        %dma_wait3A_126 = arith.constant 0 : i32
        %dma_wait3A_127 = tpu.memref_slice %arg4[%add3A_119, %dma_wait3A_126] : memref<163840x128xf32, #tpu.memory_space<hbm>> -> memref<640x128xf32, #tpu.memory_space<hbm>>
        tpu.wait_dma2 semaphore(%run_scoped3A : memref<!tpu.dma_semaphore, #tpu.memory_space<semaphore_mem>>) src(%arg6 : memref<640x128xf32, #tpu.memory_space<vmem>>) dst(%dma_wait3A_127 : memref<640x128xf32, #tpu.memory_space<hbm>>)
        tpu.yield
      }) : () -> ()
    }
    %scan3A_7 = arith.constant 8 : i32
    return
  }
}

#map = affine_map<(d0, d1) -> (0, 0)>
#map1 = affine_map<(d0, d1) -> (0, 0, 0)>
module attributes {stable_mosaic.version = 14 : i64} {
  func.func @gath(%arg0: i32, %arg1: i32, %arg2: memref<16384x128xf32, #tpu.memory_space<hbm>>, %arg3: memref<32x40x128xi32, #tpu.memory_space<hbm>>, %arg4: memref<163840x128xf32, #tpu.memory_space<hbm>>, %arg5: memref<40x128xi32, #tpu.memory_space<vmem>>, %arg6: memref<640x128xf32, #tpu.memory_space<vmem>>, %arg7: memref<!tpu.dma_semaphore, #tpu.memory_space<semaphore_mem>>) attributes {dimension_semantics = [#tpu.dimension_semantics<core_parallel>, #tpu.dimension_semantics<subcore_parallel>], iteration_bounds = array<i64: 2, 16>, scalar_prefetch = 0 : i64, scratch_operands = 3 : i64, tpu.core_type = #tpu.core_type<sc_vector_subcore>, window_params = [{transform_indices = #map}, {transform_indices = #map1}, {transform_indices = #map}]} {
    %mul3A = arith.constant 2 : i32
    %mul3A_0 = arith.muli %arg1, %mul3A : i32
    %add3A = arith.addi %mul3A_0, %arg0 : i32
    %mul3A_1 = arith.constant 5120 : i32
    %mul3A_2 = arith.muli %add3A, %mul3A_1 : i32
    "tpu.region"() ({
      %run_scoped3A = tpu.sem_alloc : memref<!tpu.dma_semaphore, #tpu.memory_space<semaphore_mem>>
      %dma_start3A = arith.constant 0 : i32
      %dma_start3A_8 = arith.constant 0 : i32
      %dma_start3A_9 = tpu.memref_slice %arg3[%add3A, %dma_start3A, %dma_start3A_8] : memref<32x40x128xi32, #tpu.memory_space<hbm>> -> memref<1x40x128xi32, #tpu.memory_space<hbm>>
      %dma_start3A_10 = tpu.memref_squeeze %dma_start3A_9 : memref<1x40x128xi32, #tpu.memory_space<hbm>> -> memref<40x128xi32, #tpu.memory_space<hbm>>
      %dma_start3A_11 = arith.constant 0 : i32
      %dma_start3A_12 = arith.constant 0 : i32
      %dma_start3A_13 = tpu.memref_slice %arg3[%add3A, %dma_start3A_11, %dma_start3A_12] : memref<32x40x128xi32, #tpu.memory_space<hbm>> -> memref<1x40x128xi32, #tpu.memory_space<hbm>>
      %dma_start3A_14 = tpu.memref_squeeze %dma_start3A_13 : memref<1x40x128xi32, #tpu.memory_space<hbm>> -> memref<40x128xi32, #tpu.memory_space<hbm>>
      tpu.enqueue_dma source(%dma_start3A_14 : memref<40x128xi32, #tpu.memory_space<hbm>>) target(%arg5 : memref<40x128xi32, #tpu.memory_space<vmem>>) target_semaphore(%run_scoped3A : memref<!tpu.dma_semaphore, #tpu.memory_space<semaphore_mem>>)
      %dma_wait3A = arith.constant 0 : i32
      %dma_wait3A_15 = arith.constant 0 : i32
      %dma_wait3A_16 = tpu.memref_slice %arg3[%add3A, %dma_wait3A, %dma_wait3A_15] : memref<32x40x128xi32, #tpu.memory_space<hbm>> -> memref<1x40x128xi32, #tpu.memory_space<hbm>>
      %dma_wait3A_17 = tpu.memref_squeeze %dma_wait3A_16 : memref<1x40x128xi32, #tpu.memory_space<hbm>> -> memref<40x128xi32, #tpu.memory_space<hbm>>
      %dma_wait3A_18 = arith.constant 0 : i32
      %dma_wait3A_19 = arith.constant 0 : i32
      %dma_wait3A_20 = tpu.memref_slice %arg3[%add3A, %dma_wait3A_18, %dma_wait3A_19] : memref<32x40x128xi32, #tpu.memory_space<hbm>> -> memref<1x40x128xi32, #tpu.memory_space<hbm>>
      %dma_wait3A_21 = tpu.memref_squeeze %dma_wait3A_20 : memref<1x40x128xi32, #tpu.memory_space<hbm>> -> memref<40x128xi32, #tpu.memory_space<hbm>>
      tpu.wait_dma2 semaphore(%run_scoped3A : memref<!tpu.dma_semaphore, #tpu.memory_space<semaphore_mem>>) src(%dma_wait3A_21 : memref<40x128xi32, #tpu.memory_space<hbm>>) dst(%arg5 : memref<40x128xi32, #tpu.memory_space<vmem>>)
      tpu.yield
    }) : () -> ()
    %scan3A = arith.constant 0 : i32
    %scan3A_3 = arith.constant 0 : i32
    %scan3A_4 = arith.constant 8 : i32
    %scan3A_5 = arith.addi %scan3A_3, %scan3A_4 : i32
    %scan3A_6 = arith.constant 1 : i32
    scf.for %scan3A_8 = %scan3A_3 to %scan3A_5 step %scan3A_6  : i32 {
      %mul3A_9 = arith.constant 640 : i32
      %mul3A_10 = arith.muli %scan3A_8, %mul3A_9 : i32
      %mul3A_11 = arith.constant 5 : i32
      %mul3A_12 = arith.muli %scan3A_8, %mul3A_11 : i32
      %add3A_13 = arith.constant 0 : i32
      %add3A_14 = arith.addi %mul3A_12, %add3A_13 : i32
      %dma_start3A = arith.constant 0 : i32
      %dma_start3A_15 = arith.constant 0 : i32
      %dma_start3A_16 = tpu.memref_slice %arg6[%dma_start3A, %dma_start3A_15] : memref<640x128xf32, #tpu.memory_space<vmem>> -> memref<128x128xf32, #tpu.memory_space<vmem>>
      %dma_start3A_17 = arith.constant 0 : i32
      %dma_start3A_18 = tpu.memref_slice %arg5[%add3A_14, %dma_start3A_17] : memref<40x128xi32, #tpu.memory_space<vmem>> -> memref<1x128xi32, #tpu.memory_space<vmem>>
      %dma_start3A_19 = tpu.memref_squeeze %dma_start3A_18 : memref<1x128xi32, #tpu.memory_space<vmem>> -> memref<128xi32, #tpu.memory_space<vmem>>
      %dma_start3A_20 = arith.constant 0 : i32
      %dma_start3A_21 = arith.constant 0 : i32
      %dma_start3A_22 = tpu.memref_slice %arg2[%dma_start3A_20, %dma_start3A_21] : memref<16384x128xf32, #tpu.memory_space<hbm>> -> memref<16384x128xf32, #tpu.memory_space<hbm>>
      tpu.enqueue_indirect_dma source(%dma_start3A_22 : memref<16384x128xf32, #tpu.memory_space<hbm>>) target(%dma_start3A_16 : memref<128x128xf32, #tpu.memory_space<vmem>>) offsets(%dma_start3A_19 : memref<128xi32, #tpu.memory_space<vmem>>) semaphore(%arg7 : memref<!tpu.dma_semaphore, #tpu.memory_space<semaphore_mem>>)
      %mul3A_23 = arith.constant 5 : i32
      %mul3A_24 = arith.muli %scan3A_8, %mul3A_23 : i32
      %add3A_25 = arith.constant 1 : i32
      %add3A_26 = arith.addi %mul3A_24, %add3A_25 : i32
      %dma_start3A_27 = arith.constant 128 : i32
      %dma_start3A_28 = arith.constant 0 : i32
      %dma_start3A_29 = tpu.memref_slice %arg6[%dma_start3A_27, %dma_start3A_28] : memref<640x128xf32, #tpu.memory_space<vmem>> -> memref<128x128xf32, #tpu.memory_space<vmem>>
      %dma_start3A_30 = arith.constant 0 : i32
      %dma_start3A_31 = tpu.memref_slice %arg5[%add3A_26, %dma_start3A_30] : memref<40x128xi32, #tpu.memory_space<vmem>> -> memref<1x128xi32, #tpu.memory_space<vmem>>
      %dma_start3A_32 = tpu.memref_squeeze %dma_start3A_31 : memref<1x128xi32, #tpu.memory_space<vmem>> -> memref<128xi32, #tpu.memory_space<vmem>>
      %dma_start3A_33 = arith.constant 0 : i32
      %dma_start3A_34 = arith.constant 0 : i32
      %dma_start3A_35 = tpu.memref_slice %arg2[%dma_start3A_33, %dma_start3A_34] : memref<16384x128xf32, #tpu.memory_space<hbm>> -> memref<16384x128xf32, #tpu.memory_space<hbm>>
      tpu.enqueue_indirect_dma source(%dma_start3A_35 : memref<16384x128xf32, #tpu.memory_space<hbm>>) target(%dma_start3A_29 : memref<128x128xf32, #tpu.memory_space<vmem>>) offsets(%dma_start3A_32 : memref<128xi32, #tpu.memory_space<vmem>>) semaphore(%arg7 : memref<!tpu.dma_semaphore, #tpu.memory_space<semaphore_mem>>)
      %mul3A_36 = arith.constant 5 : i32
      %mul3A_37 = arith.muli %scan3A_8, %mul3A_36 : i32
      %add3A_38 = arith.constant 2 : i32
      %add3A_39 = arith.addi %mul3A_37, %add3A_38 : i32
      %dma_start3A_40 = arith.constant 256 : i32
      %dma_start3A_41 = arith.constant 0 : i32
      %dma_start3A_42 = tpu.memref_slice %arg6[%dma_start3A_40, %dma_start3A_41] : memref<640x128xf32, #tpu.memory_space<vmem>> -> memref<128x128xf32, #tpu.memory_space<vmem>>
      %dma_start3A_43 = arith.constant 0 : i32
      %dma_start3A_44 = tpu.memref_slice %arg5[%add3A_39, %dma_start3A_43] : memref<40x128xi32, #tpu.memory_space<vmem>> -> memref<1x128xi32, #tpu.memory_space<vmem>>
      %dma_start3A_45 = tpu.memref_squeeze %dma_start3A_44 : memref<1x128xi32, #tpu.memory_space<vmem>> -> memref<128xi32, #tpu.memory_space<vmem>>
      %dma_start3A_46 = arith.constant 0 : i32
      %dma_start3A_47 = arith.constant 0 : i32
      %dma_start3A_48 = tpu.memref_slice %arg2[%dma_start3A_46, %dma_start3A_47] : memref<16384x128xf32, #tpu.memory_space<hbm>> -> memref<16384x128xf32, #tpu.memory_space<hbm>>
      tpu.enqueue_indirect_dma source(%dma_start3A_48 : memref<16384x128xf32, #tpu.memory_space<hbm>>) target(%dma_start3A_42 : memref<128x128xf32, #tpu.memory_space<vmem>>) offsets(%dma_start3A_45 : memref<128xi32, #tpu.memory_space<vmem>>) semaphore(%arg7 : memref<!tpu.dma_semaphore, #tpu.memory_space<semaphore_mem>>)
      %mul3A_49 = arith.constant 5 : i32
      %mul3A_50 = arith.muli %scan3A_8, %mul3A_49 : i32
      %add3A_51 = arith.constant 3 : i32
      %add3A_52 = arith.addi %mul3A_50, %add3A_51 : i32
      %dma_start3A_53 = arith.constant 384 : i32
      %dma_start3A_54 = arith.constant 0 : i32
      %dma_start3A_55 = tpu.memref_slice %arg6[%dma_start3A_53, %dma_start3A_54] : memref<640x128xf32, #tpu.memory_space<vmem>> -> memref<128x128xf32, #tpu.memory_space<vmem>>
      %dma_start3A_56 = arith.constant 0 : i32
      %dma_start3A_57 = tpu.memref_slice %arg5[%add3A_52, %dma_start3A_56] : memref<40x128xi32, #tpu.memory_space<vmem>> -> memref<1x128xi32, #tpu.memory_space<vmem>>
      %dma_start3A_58 = tpu.memref_squeeze %dma_start3A_57 : memref<1x128xi32, #tpu.memory_space<vmem>> -> memref<128xi32, #tpu.memory_space<vmem>>
      %dma_start3A_59 = arith.constant 0 : i32
      %dma_start3A_60 = arith.constant 0 : i32
      %dma_start3A_61 = tpu.memref_slice %arg2[%dma_start3A_59, %dma_start3A_60] : memref<16384x128xf32, #tpu.memory_space<hbm>> -> memref<16384x128xf32, #tpu.memory_space<hbm>>
      tpu.enqueue_indirect_dma source(%dma_start3A_61 : memref<16384x128xf32, #tpu.memory_space<hbm>>) target(%dma_start3A_55 : memref<128x128xf32, #tpu.memory_space<vmem>>) offsets(%dma_start3A_58 : memref<128xi32, #tpu.memory_space<vmem>>) semaphore(%arg7 : memref<!tpu.dma_semaphore, #tpu.memory_space<semaphore_mem>>)
      %mul3A_62 = arith.constant 5 : i32
      %mul3A_63 = arith.muli %scan3A_8, %mul3A_62 : i32
      %add3A_64 = arith.constant 4 : i32
      %add3A_65 = arith.addi %mul3A_63, %add3A_64 : i32
      %dma_start3A_66 = arith.constant 512 : i32
      %dma_start3A_67 = arith.constant 0 : i32
      %dma_start3A_68 = tpu.memref_slice %arg6[%dma_start3A_66, %dma_start3A_67] : memref<640x128xf32, #tpu.memory_space<vmem>> -> memref<128x128xf32, #tpu.memory_space<vmem>>
      %dma_start3A_69 = arith.constant 0 : i32
      %dma_start3A_70 = tpu.memref_slice %arg5[%add3A_65, %dma_start3A_69] : memref<40x128xi32, #tpu.memory_space<vmem>> -> memref<1x128xi32, #tpu.memory_space<vmem>>
      %dma_start3A_71 = tpu.memref_squeeze %dma_start3A_70 : memref<1x128xi32, #tpu.memory_space<vmem>> -> memref<128xi32, #tpu.memory_space<vmem>>
      %dma_start3A_72 = arith.constant 0 : i32
      %dma_start3A_73 = arith.constant 0 : i32
      %dma_start3A_74 = tpu.memref_slice %arg2[%dma_start3A_72, %dma_start3A_73] : memref<16384x128xf32, #tpu.memory_space<hbm>> -> memref<16384x128xf32, #tpu.memory_space<hbm>>
      tpu.enqueue_indirect_dma source(%dma_start3A_74 : memref<16384x128xf32, #tpu.memory_space<hbm>>) target(%dma_start3A_68 : memref<128x128xf32, #tpu.memory_space<vmem>>) offsets(%dma_start3A_71 : memref<128xi32, #tpu.memory_space<vmem>>) semaphore(%arg7 : memref<!tpu.dma_semaphore, #tpu.memory_space<semaphore_mem>>)
      %dma_wait3A = arith.constant 0 : i32
      %dma_wait3A_75 = arith.constant 0 : i32
      %dma_wait3A_76 = tpu.memref_slice %arg6[%dma_wait3A, %dma_wait3A_75] : memref<640x128xf32, #tpu.memory_space<vmem>> -> memref<128x128xf32, #tpu.memory_space<vmem>>
      %dma_wait3A_77 = arith.constant 0 : i32
      %dma_wait3A_78 = tpu.memref_slice %arg5[%add3A_14, %dma_wait3A_77] : memref<40x128xi32, #tpu.memory_space<vmem>> -> memref<1x128xi32, #tpu.memory_space<vmem>>
      %dma_wait3A_79 = tpu.memref_squeeze %dma_wait3A_78 : memref<1x128xi32, #tpu.memory_space<vmem>> -> memref<128xi32, #tpu.memory_space<vmem>>
      %dma_wait3A_80 = arith.constant 0 : i32
      %dma_wait3A_81 = arith.constant 0 : i32
      %dma_wait3A_82 = tpu.memref_slice %arg2[%dma_wait3A_80, %dma_wait3A_81] : memref<16384x128xf32, #tpu.memory_space<hbm>> -> memref<16384x128xf32, #tpu.memory_space<hbm>>
      tpu.wait_indirect_dma semaphore(%arg7 : memref<!tpu.dma_semaphore, #tpu.memory_space<semaphore_mem>>) src(%dma_wait3A_82 : memref<16384x128xf32, #tpu.memory_space<hbm>>) dst(%dma_wait3A_76 : memref<128x128xf32, #tpu.memory_space<vmem>>)
      %dma_wait3A_83 = arith.constant 128 : i32
      %dma_wait3A_84 = arith.constant 0 : i32
      %dma_wait3A_85 = tpu.memref_slice %arg6[%dma_wait3A_83, %dma_wait3A_84] : memref<640x128xf32, #tpu.memory_space<vmem>> -> memref<128x128xf32, #tpu.memory_space<vmem>>
      %dma_wait3A_86 = arith.constant 0 : i32
      %dma_wait3A_87 = tpu.memref_slice %arg5[%add3A_26, %dma_wait3A_86] : memref<40x128xi32, #tpu.memory_space<vmem>> -> memref<1x128xi32, #tpu.memory_space<vmem>>
      %dma_wait3A_88 = tpu.memref_squeeze %dma_wait3A_87 : memref<1x128xi32, #tpu.memory_space<vmem>> -> memref<128xi32, #tpu.memory_space<vmem>>
      %dma_wait3A_89 = arith.constant 0 : i32
      %dma_wait3A_90 = arith.constant 0 : i32
      %dma_wait3A_91 = tpu.memref_slice %arg2[%dma_wait3A_89, %dma_wait3A_90] : memref<16384x128xf32, #tpu.memory_space<hbm>> -> memref<16384x128xf32, #tpu.memory_space<hbm>>
      tpu.wait_indirect_dma semaphore(%arg7 : memref<!tpu.dma_semaphore, #tpu.memory_space<semaphore_mem>>) src(%dma_wait3A_91 : memref<16384x128xf32, #tpu.memory_space<hbm>>) dst(%dma_wait3A_85 : memref<128x128xf32, #tpu.memory_space<vmem>>)
      %dma_wait3A_92 = arith.constant 256 : i32
      %dma_wait3A_93 = arith.constant 0 : i32
      %dma_wait3A_94 = tpu.memref_slice %arg6[%dma_wait3A_92, %dma_wait3A_93] : memref<640x128xf32, #tpu.memory_space<vmem>> -> memref<128x128xf32, #tpu.memory_space<vmem>>
      %dma_wait3A_95 = arith.constant 0 : i32
      %dma_wait3A_96 = tpu.memref_slice %arg5[%add3A_39, %dma_wait3A_95] : memref<40x128xi32, #tpu.memory_space<vmem>> -> memref<1x128xi32, #tpu.memory_space<vmem>>
      %dma_wait3A_97 = tpu.memref_squeeze %dma_wait3A_96 : memref<1x128xi32, #tpu.memory_space<vmem>> -> memref<128xi32, #tpu.memory_space<vmem>>
      %dma_wait3A_98 = arith.constant 0 : i32
      %dma_wait3A_99 = arith.constant 0 : i32
      %dma_wait3A_100 = tpu.memref_slice %arg2[%dma_wait3A_98, %dma_wait3A_99] : memref<16384x128xf32, #tpu.memory_space<hbm>> -> memref<16384x128xf32, #tpu.memory_space<hbm>>
      tpu.wait_indirect_dma semaphore(%arg7 : memref<!tpu.dma_semaphore, #tpu.memory_space<semaphore_mem>>) src(%dma_wait3A_100 : memref<16384x128xf32, #tpu.memory_space<hbm>>) dst(%dma_wait3A_94 : memref<128x128xf32, #tpu.memory_space<vmem>>)
      %dma_wait3A_101 = arith.constant 384 : i32
      %dma_wait3A_102 = arith.constant 0 : i32
      %dma_wait3A_103 = tpu.memref_slice %arg6[%dma_wait3A_101, %dma_wait3A_102] : memref<640x128xf32, #tpu.memory_space<vmem>> -> memref<128x128xf32, #tpu.memory_space<vmem>>
      %dma_wait3A_104 = arith.constant 0 : i32
      %dma_wait3A_105 = tpu.memref_slice %arg5[%add3A_52, %dma_wait3A_104] : memref<40x128xi32, #tpu.memory_space<vmem>> -> memref<1x128xi32, #tpu.memory_space<vmem>>
      %dma_wait3A_106 = tpu.memref_squeeze %dma_wait3A_105 : memref<1x128xi32, #tpu.memory_space<vmem>> -> memref<128xi32, #tpu.memory_space<vmem>>
      %dma_wait3A_107 = arith.constant 0 : i32
      %dma_wait3A_108 = arith.constant 0 : i32
      %dma_wait3A_109 = tpu.memref_slice %arg2[%dma_wait3A_107, %dma_wait3A_108] : memref<16384x128xf32, #tpu.memory_space<hbm>> -> memref<16384x128xf32, #tpu.memory_space<hbm>>
      tpu.wait_indirect_dma semaphore(%arg7 : memref<!tpu.dma_semaphore, #tpu.memory_space<semaphore_mem>>) src(%dma_wait3A_109 : memref<16384x128xf32, #tpu.memory_space<hbm>>) dst(%dma_wait3A_103 : memref<128x128xf32, #tpu.memory_space<vmem>>)
      %dma_wait3A_110 = arith.constant 512 : i32
      %dma_wait3A_111 = arith.constant 0 : i32
      %dma_wait3A_112 = tpu.memref_slice %arg6[%dma_wait3A_110, %dma_wait3A_111] : memref<640x128xf32, #tpu.memory_space<vmem>> -> memref<128x128xf32, #tpu.memory_space<vmem>>
      %dma_wait3A_113 = arith.constant 0 : i32
      %dma_wait3A_114 = tpu.memref_slice %arg5[%add3A_65, %dma_wait3A_113] : memref<40x128xi32, #tpu.memory_space<vmem>> -> memref<1x128xi32, #tpu.memory_space<vmem>>
      %dma_wait3A_115 = tpu.memref_squeeze %dma_wait3A_114 : memref<1x128xi32, #tpu.memory_space<vmem>> -> memref<128xi32, #tpu.memory_space<vmem>>
      %dma_wait3A_116 = arith.constant 0 : i32
      %dma_wait3A_117 = arith.constant 0 : i32
      %dma_wait3A_118 = tpu.memref_slice %arg2[%dma_wait3A_116, %dma_wait3A_117] : memref<16384x128xf32, #tpu.memory_space<hbm>> -> memref<16384x128xf32, #tpu.memory_space<hbm>>
      tpu.wait_indirect_dma semaphore(%arg7 : memref<!tpu.dma_semaphore, #tpu.memory_space<semaphore_mem>>) src(%dma_wait3A_118 : memref<16384x128xf32, #tpu.memory_space<hbm>>) dst(%dma_wait3A_112 : memref<128x128xf32, #tpu.memory_space<vmem>>)
      %add3A_119 = arith.addi %mul3A_2, %mul3A_10 : i32
      "tpu.region"() ({
        %run_scoped3A = tpu.sem_alloc : memref<!tpu.dma_semaphore, #tpu.memory_space<semaphore_mem>>
        %dma_start3A_120 = arith.constant 0 : i32
        %dma_start3A_121 = tpu.memref_slice %arg4[%add3A_119, %dma_start3A_120] : memref<163840x128xf32, #tpu.memory_space<hbm>> -> memref<640x128xf32, #tpu.memory_space<hbm>>
        %dma_start3A_122 = arith.constant 0 : i32
        %dma_start3A_123 = tpu.memref_slice %arg4[%add3A_119, %dma_start3A_122] : memref<163840x128xf32, #tpu.memory_space<hbm>> -> memref<640x128xf32, #tpu.memory_space<hbm>>
        tpu.enqueue_dma source(%arg6 : memref<640x128xf32, #tpu.memory_space<vmem>>) target(%dma_start3A_123 : memref<640x128xf32, #tpu.memory_space<hbm>>) target_semaphore(%run_scoped3A : memref<!tpu.dma_semaphore, #tpu.memory_space<semaphore_mem>>)
        %dma_wait3A_124 = arith.constant 0 : i32
        %dma_wait3A_125 = tpu.memref_slice %arg4[%add3A_119, %dma_wait3A_124] : memref<163840x128xf32, #tpu.memory_space<hbm>> -> memref<640x128xf32, #tpu.memory_space<hbm>>
        %dma_wait3A_126 = arith.constant 0 : i32
        %dma_wait3A_127 = tpu.memref_slice %arg4[%add3A_119, %dma_wait3A_126] : memref<163840x128xf32, #tpu.memory_space<hbm>> -> memref<640x128xf32, #tpu.memory_space<hbm>>
        tpu.wait_dma2 semaphore(%run_scoped3A : memref<!tpu.dma_semaphore, #tpu.memory_space<semaphore_mem>>) src(%arg6 : memref<640x128xf32, #tpu.memory_space<vmem>>) dst(%dma_wait3A_127 : memref<640x128xf32, #tpu.memory_space<hbm>>)
        tpu.yield
      }) : () -> ()
    }
    %scan3A_7 = arith.constant 8 : i32
    return
  }
}

#map = affine_map<(d0, d1) -> (0, 0)>
#map1 = affine_map<(d0, d1) -> (0, 0, 0)>
module attributes {stable_mosaic.version = 14 : i64} {
  func.func @gath(%arg0: i32, %arg1: i32, %arg2: memref<16384x128xf32, #tpu.memory_space<hbm>>, %arg3: memref<32x40x128xi32, #tpu.memory_space<hbm>>, %arg4: memref<163840x128xf32, #tpu.memory_space<hbm>>, %arg5: memref<40x128xi32, #tpu.memory_space<vmem>>, %arg6: memref<640x128xf32, #tpu.memory_space<vmem>>, %arg7: memref<!tpu.dma_semaphore, #tpu.memory_space<semaphore_mem>>) attributes {dimension_semantics = [#tpu.dimension_semantics<core_parallel>, #tpu.dimension_semantics<subcore_parallel>], iteration_bounds = array<i64: 2, 16>, scalar_prefetch = 0 : i64, scratch_operands = 3 : i64, tpu.core_type = #tpu.core_type<sc_vector_subcore>, window_params = [{transform_indices = #map}, {transform_indices = #map1}, {transform_indices = #map}]} {
    %mul3A = arith.constant 2 : i32
    %mul3A_0 = arith.muli %arg1, %mul3A : i32
    %add3A = arith.addi %mul3A_0, %arg0 : i32
    %mul3A_1 = arith.constant 5120 : i32
    %mul3A_2 = arith.muli %add3A, %mul3A_1 : i32
    "tpu.region"() ({
      %run_scoped3A = tpu.sem_alloc : memref<!tpu.dma_semaphore, #tpu.memory_space<semaphore_mem>>
      %dma_start3A = arith.constant 0 : i32
      %dma_start3A_8 = arith.constant 0 : i32
      %dma_start3A_9 = tpu.memref_slice %arg3[%add3A, %dma_start3A, %dma_start3A_8] : memref<32x40x128xi32, #tpu.memory_space<hbm>> -> memref<1x40x128xi32, #tpu.memory_space<hbm>>
      %dma_start3A_10 = tpu.memref_squeeze %dma_start3A_9 : memref<1x40x128xi32, #tpu.memory_space<hbm>> -> memref<40x128xi32, #tpu.memory_space<hbm>>
      %dma_start3A_11 = arith.constant 0 : i32
      %dma_start3A_12 = arith.constant 0 : i32
      %dma_start3A_13 = tpu.memref_slice %arg3[%add3A, %dma_start3A_11, %dma_start3A_12] : memref<32x40x128xi32, #tpu.memory_space<hbm>> -> memref<1x40x128xi32, #tpu.memory_space<hbm>>
      %dma_start3A_14 = tpu.memref_squeeze %dma_start3A_13 : memref<1x40x128xi32, #tpu.memory_space<hbm>> -> memref<40x128xi32, #tpu.memory_space<hbm>>
      tpu.enqueue_dma source(%dma_start3A_14 : memref<40x128xi32, #tpu.memory_space<hbm>>) target(%arg5 : memref<40x128xi32, #tpu.memory_space<vmem>>) target_semaphore(%run_scoped3A : memref<!tpu.dma_semaphore, #tpu.memory_space<semaphore_mem>>)
      %dma_wait3A = arith.constant 0 : i32
      %dma_wait3A_15 = arith.constant 0 : i32
      %dma_wait3A_16 = tpu.memref_slice %arg3[%add3A, %dma_wait3A, %dma_wait3A_15] : memref<32x40x128xi32, #tpu.memory_space<hbm>> -> memref<1x40x128xi32, #tpu.memory_space<hbm>>
      %dma_wait3A_17 = tpu.memref_squeeze %dma_wait3A_16 : memref<1x40x128xi32, #tpu.memory_space<hbm>> -> memref<40x128xi32, #tpu.memory_space<hbm>>
      %dma_wait3A_18 = arith.constant 0 : i32
      %dma_wait3A_19 = arith.constant 0 : i32
      %dma_wait3A_20 = tpu.memref_slice %arg3[%add3A, %dma_wait3A_18, %dma_wait3A_19] : memref<32x40x128xi32, #tpu.memory_space<hbm>> -> memref<1x40x128xi32, #tpu.memory_space<hbm>>
      %dma_wait3A_21 = tpu.memref_squeeze %dma_wait3A_20 : memref<1x40x128xi32, #tpu.memory_space<hbm>> -> memref<40x128xi32, #tpu.memory_space<hbm>>
      tpu.wait_dma2 semaphore(%run_scoped3A : memref<!tpu.dma_semaphore, #tpu.memory_space<semaphore_mem>>) src(%dma_wait3A_21 : memref<40x128xi32, #tpu.memory_space<hbm>>) dst(%arg5 : memref<40x128xi32, #tpu.memory_space<vmem>>)
      tpu.yield
    }) : () -> ()
    %scan3A = arith.constant 0 : i32
    %scan3A_3 = arith.constant 0 : i32
    %scan3A_4 = arith.constant 8 : i32
    %scan3A_5 = arith.addi %scan3A_3, %scan3A_4 : i32
    %scan3A_6 = arith.constant 1 : i32
    scf.for %scan3A_8 = %scan3A_3 to %scan3A_5 step %scan3A_6  : i32 {
      %mul3A_9 = arith.constant 640 : i32
      %mul3A_10 = arith.muli %scan3A_8, %mul3A_9 : i32
      %mul3A_11 = arith.constant 5 : i32
      %mul3A_12 = arith.muli %scan3A_8, %mul3A_11 : i32
      %add3A_13 = arith.constant 0 : i32
      %add3A_14 = arith.addi %mul3A_12, %add3A_13 : i32
      %dma_start3A = arith.constant 0 : i32
      %dma_start3A_15 = arith.constant 0 : i32
      %dma_start3A_16 = tpu.memref_slice %arg6[%dma_start3A, %dma_start3A_15] : memref<640x128xf32, #tpu.memory_space<vmem>> -> memref<128x128xf32, #tpu.memory_space<vmem>>
      %dma_start3A_17 = arith.constant 0 : i32
      %dma_start3A_18 = tpu.memref_slice %arg5[%add3A_14, %dma_start3A_17] : memref<40x128xi32, #tpu.memory_space<vmem>> -> memref<1x128xi32, #tpu.memory_space<vmem>>
      %dma_start3A_19 = tpu.memref_squeeze %dma_start3A_18 : memref<1x128xi32, #tpu.memory_space<vmem>> -> memref<128xi32, #tpu.memory_space<vmem>>
      %dma_start3A_20 = arith.constant 0 : i32
      %dma_start3A_21 = arith.constant 0 : i32
      %dma_start3A_22 = tpu.memref_slice %arg2[%dma_start3A_20, %dma_start3A_21] : memref<16384x128xf32, #tpu.memory_space<hbm>> -> memref<16384x128xf32, #tpu.memory_space<hbm>>
      tpu.enqueue_indirect_dma source(%dma_start3A_22 : memref<16384x128xf32, #tpu.memory_space<hbm>>) target(%dma_start3A_16 : memref<128x128xf32, #tpu.memory_space<vmem>>) offsets(%dma_start3A_19 : memref<128xi32, #tpu.memory_space<vmem>>) semaphore(%arg7 : memref<!tpu.dma_semaphore, #tpu.memory_space<semaphore_mem>>)
      %mul3A_23 = arith.constant 5 : i32
      %mul3A_24 = arith.muli %scan3A_8, %mul3A_23 : i32
      %add3A_25 = arith.constant 1 : i32
      %add3A_26 = arith.addi %mul3A_24, %add3A_25 : i32
      %dma_start3A_27 = arith.constant 128 : i32
      %dma_start3A_28 = arith.constant 0 : i32
      %dma_start3A_29 = tpu.memref_slice %arg6[%dma_start3A_27, %dma_start3A_28] : memref<640x128xf32, #tpu.memory_space<vmem>> -> memref<128x128xf32, #tpu.memory_space<vmem>>
      %dma_start3A_30 = arith.constant 0 : i32
      %dma_start3A_31 = tpu.memref_slice %arg5[%add3A_26, %dma_start3A_30] : memref<40x128xi32, #tpu.memory_space<vmem>> -> memref<1x128xi32, #tpu.memory_space<vmem>>
      %dma_start3A_32 = tpu.memref_squeeze %dma_start3A_31 : memref<1x128xi32, #tpu.memory_space<vmem>> -> memref<128xi32, #tpu.memory_space<vmem>>
      %dma_start3A_33 = arith.constant 0 : i32
      %dma_start3A_34 = arith.constant 0 : i32
      %dma_start3A_35 = tpu.memref_slice %arg2[%dma_start3A_33, %dma_start3A_34] : memref<16384x128xf32, #tpu.memory_space<hbm>> -> memref<16384x128xf32, #tpu.memory_space<hbm>>
      tpu.enqueue_indirect_dma source(%dma_start3A_35 : memref<16384x128xf32, #tpu.memory_space<hbm>>) target(%dma_start3A_29 : memref<128x128xf32, #tpu.memory_space<vmem>>) offsets(%dma_start3A_32 : memref<128xi32, #tpu.memory_space<vmem>>) semaphore(%arg7 : memref<!tpu.dma_semaphore, #tpu.memory_space<semaphore_mem>>)
      %mul3A_36 = arith.constant 5 : i32
      %mul3A_37 = arith.muli %scan3A_8, %mul3A_36 : i32
      %add3A_38 = arith.constant 2 : i32
      %add3A_39 = arith.addi %mul3A_37, %add3A_38 : i32
      %dma_start3A_40 = arith.constant 256 : i32
      %dma_start3A_41 = arith.constant 0 : i32
      %dma_start3A_42 = tpu.memref_slice %arg6[%dma_start3A_40, %dma_start3A_41] : memref<640x128xf32, #tpu.memory_space<vmem>> -> memref<128x128xf32, #tpu.memory_space<vmem>>
      %dma_start3A_43 = arith.constant 0 : i32
      %dma_start3A_44 = tpu.memref_slice %arg5[%add3A_39, %dma_start3A_43] : memref<40x128xi32, #tpu.memory_space<vmem>> -> memref<1x128xi32, #tpu.memory_space<vmem>>
      %dma_start3A_45 = tpu.memref_squeeze %dma_start3A_44 : memref<1x128xi32, #tpu.memory_space<vmem>> -> memref<128xi32, #tpu.memory_space<vmem>>
      %dma_start3A_46 = arith.constant 0 : i32
      %dma_start3A_47 = arith.constant 0 : i32
      %dma_start3A_48 = tpu.memref_slice %arg2[%dma_start3A_46, %dma_start3A_47] : memref<16384x128xf32, #tpu.memory_space<hbm>> -> memref<16384x128xf32, #tpu.memory_space<hbm>>
      tpu.enqueue_indirect_dma source(%dma_start3A_48 : memref<16384x128xf32, #tpu.memory_space<hbm>>) target(%dma_start3A_42 : memref<128x128xf32, #tpu.memory_space<vmem>>) offsets(%dma_start3A_45 : memref<128xi32, #tpu.memory_space<vmem>>) semaphore(%arg7 : memref<!tpu.dma_semaphore, #tpu.memory_space<semaphore_mem>>)
      %mul3A_49 = arith.constant 5 : i32
      %mul3A_50 = arith.muli %scan3A_8, %mul3A_49 : i32
      %add3A_51 = arith.constant 3 : i32
      %add3A_52 = arith.addi %mul3A_50, %add3A_51 : i32
      %dma_start3A_53 = arith.constant 384 : i32
      %dma_start3A_54 = arith.constant 0 : i32
      %dma_start3A_55 = tpu.memref_slice %arg6[%dma_start3A_53, %dma_start3A_54] : memref<640x128xf32, #tpu.memory_space<vmem>> -> memref<128x128xf32, #tpu.memory_space<vmem>>
      %dma_start3A_56 = arith.constant 0 : i32
      %dma_start3A_57 = tpu.memref_slice %arg5[%add3A_52, %dma_start3A_56] : memref<40x128xi32, #tpu.memory_space<vmem>> -> memref<1x128xi32, #tpu.memory_space<vmem>>
      %dma_start3A_58 = tpu.memref_squeeze %dma_start3A_57 : memref<1x128xi32, #tpu.memory_space<vmem>> -> memref<128xi32, #tpu.memory_space<vmem>>
      %dma_start3A_59 = arith.constant 0 : i32
      %dma_start3A_60 = arith.constant 0 : i32
      %dma_start3A_61 = tpu.memref_slice %arg2[%dma_start3A_59, %dma_start3A_60] : memref<16384x128xf32, #tpu.memory_space<hbm>> -> memref<16384x128xf32, #tpu.memory_space<hbm>>
      tpu.enqueue_indirect_dma source(%dma_start3A_61 : memref<16384x128xf32, #tpu.memory_space<hbm>>) target(%dma_start3A_55 : memref<128x128xf32, #tpu.memory_space<vmem>>) offsets(%dma_start3A_58 : memref<128xi32, #tpu.memory_space<vmem>>) semaphore(%arg7 : memref<!tpu.dma_semaphore, #tpu.memory_space<semaphore_mem>>)
      %mul3A_62 = arith.constant 5 : i32
      %mul3A_63 = arith.muli %scan3A_8, %mul3A_62 : i32
      %add3A_64 = arith.constant 4 : i32
      %add3A_65 = arith.addi %mul3A_63, %add3A_64 : i32
      %dma_start3A_66 = arith.constant 512 : i32
      %dma_start3A_67 = arith.constant 0 : i32
      %dma_start3A_68 = tpu.memref_slice %arg6[%dma_start3A_66, %dma_start3A_67] : memref<640x128xf32, #tpu.memory_space<vmem>> -> memref<128x128xf32, #tpu.memory_space<vmem>>
      %dma_start3A_69 = arith.constant 0 : i32
      %dma_start3A_70 = tpu.memref_slice %arg5[%add3A_65, %dma_start3A_69] : memref<40x128xi32, #tpu.memory_space<vmem>> -> memref<1x128xi32, #tpu.memory_space<vmem>>
      %dma_start3A_71 = tpu.memref_squeeze %dma_start3A_70 : memref<1x128xi32, #tpu.memory_space<vmem>> -> memref<128xi32, #tpu.memory_space<vmem>>
      %dma_start3A_72 = arith.constant 0 : i32
      %dma_start3A_73 = arith.constant 0 : i32
      %dma_start3A_74 = tpu.memref_slice %arg2[%dma_start3A_72, %dma_start3A_73] : memref<16384x128xf32, #tpu.memory_space<hbm>> -> memref<16384x128xf32, #tpu.memory_space<hbm>>
      tpu.enqueue_indirect_dma source(%dma_start3A_74 : memref<16384x128xf32, #tpu.memory_space<hbm>>) target(%dma_start3A_68 : memref<128x128xf32, #tpu.memory_space<vmem>>) offsets(%dma_start3A_71 : memref<128xi32, #tpu.memory_space<vmem>>) semaphore(%arg7 : memref<!tpu.dma_semaphore, #tpu.memory_space<semaphore_mem>>)
      %dma_wait3A = arith.constant 0 : i32
      %dma_wait3A_75 = arith.constant 0 : i32
      %dma_wait3A_76 = tpu.memref_slice %arg6[%dma_wait3A, %dma_wait3A_75] : memref<640x128xf32, #tpu.memory_space<vmem>> -> memref<128x128xf32, #tpu.memory_space<vmem>>
      %dma_wait3A_77 = arith.constant 0 : i32
      %dma_wait3A_78 = tpu.memref_slice %arg5[%add3A_14, %dma_wait3A_77] : memref<40x128xi32, #tpu.memory_space<vmem>> -> memref<1x128xi32, #tpu.memory_space<vmem>>
      %dma_wait3A_79 = tpu.memref_squeeze %dma_wait3A_78 : memref<1x128xi32, #tpu.memory_space<vmem>> -> memref<128xi32, #tpu.memory_space<vmem>>
      %dma_wait3A_80 = arith.constant 0 : i32
      %dma_wait3A_81 = arith.constant 0 : i32
      %dma_wait3A_82 = tpu.memref_slice %arg2[%dma_wait3A_80, %dma_wait3A_81] : memref<16384x128xf32, #tpu.memory_space<hbm>> -> memref<16384x128xf32, #tpu.memory_space<hbm>>
      tpu.wait_indirect_dma semaphore(%arg7 : memref<!tpu.dma_semaphore, #tpu.memory_space<semaphore_mem>>) src(%dma_wait3A_82 : memref<16384x128xf32, #tpu.memory_space<hbm>>) dst(%dma_wait3A_76 : memref<128x128xf32, #tpu.memory_space<vmem>>)
      %dma_wait3A_83 = arith.constant 128 : i32
      %dma_wait3A_84 = arith.constant 0 : i32
      %dma_wait3A_85 = tpu.memref_slice %arg6[%dma_wait3A_83, %dma_wait3A_84] : memref<640x128xf32, #tpu.memory_space<vmem>> -> memref<128x128xf32, #tpu.memory_space<vmem>>
      %dma_wait3A_86 = arith.constant 0 : i32
      %dma_wait3A_87 = tpu.memref_slice %arg5[%add3A_26, %dma_wait3A_86] : memref<40x128xi32, #tpu.memory_space<vmem>> -> memref<1x128xi32, #tpu.memory_space<vmem>>
      %dma_wait3A_88 = tpu.memref_squeeze %dma_wait3A_87 : memref<1x128xi32, #tpu.memory_space<vmem>> -> memref<128xi32, #tpu.memory_space<vmem>>
      %dma_wait3A_89 = arith.constant 0 : i32
      %dma_wait3A_90 = arith.constant 0 : i32
      %dma_wait3A_91 = tpu.memref_slice %arg2[%dma_wait3A_89, %dma_wait3A_90] : memref<16384x128xf32, #tpu.memory_space<hbm>> -> memref<16384x128xf32, #tpu.memory_space<hbm>>
      tpu.wait_indirect_dma semaphore(%arg7 : memref<!tpu.dma_semaphore, #tpu.memory_space<semaphore_mem>>) src(%dma_wait3A_91 : memref<16384x128xf32, #tpu.memory_space<hbm>>) dst(%dma_wait3A_85 : memref<128x128xf32, #tpu.memory_space<vmem>>)
      %dma_wait3A_92 = arith.constant 256 : i32
      %dma_wait3A_93 = arith.constant 0 : i32
      %dma_wait3A_94 = tpu.memref_slice %arg6[%dma_wait3A_92, %dma_wait3A_93] : memref<640x128xf32, #tpu.memory_space<vmem>> -> memref<128x128xf32, #tpu.memory_space<vmem>>
      %dma_wait3A_95 = arith.constant 0 : i32
      %dma_wait3A_96 = tpu.memref_slice %arg5[%add3A_39, %dma_wait3A_95] : memref<40x128xi32, #tpu.memory_space<vmem>> -> memref<1x128xi32, #tpu.memory_space<vmem>>
      %dma_wait3A_97 = tpu.memref_squeeze %dma_wait3A_96 : memref<1x128xi32, #tpu.memory_space<vmem>> -> memref<128xi32, #tpu.memory_space<vmem>>
      %dma_wait3A_98 = arith.constant 0 : i32
      %dma_wait3A_99 = arith.constant 0 : i32
      %dma_wait3A_100 = tpu.memref_slice %arg2[%dma_wait3A_98, %dma_wait3A_99] : memref<16384x128xf32, #tpu.memory_space<hbm>> -> memref<16384x128xf32, #tpu.memory_space<hbm>>
      tpu.wait_indirect_dma semaphore(%arg7 : memref<!tpu.dma_semaphore, #tpu.memory_space<semaphore_mem>>) src(%dma_wait3A_100 : memref<16384x128xf32, #tpu.memory_space<hbm>>) dst(%dma_wait3A_94 : memref<128x128xf32, #tpu.memory_space<vmem>>)
      %dma_wait3A_101 = arith.constant 384 : i32
      %dma_wait3A_102 = arith.constant 0 : i32
      %dma_wait3A_103 = tpu.memref_slice %arg6[%dma_wait3A_101, %dma_wait3A_102] : memref<640x128xf32, #tpu.memory_space<vmem>> -> memref<128x128xf32, #tpu.memory_space<vmem>>
      %dma_wait3A_104 = arith.constant 0 : i32
      %dma_wait3A_105 = tpu.memref_slice %arg5[%add3A_52, %dma_wait3A_104] : memref<40x128xi32, #tpu.memory_space<vmem>> -> memref<1x128xi32, #tpu.memory_space<vmem>>
      %dma_wait3A_106 = tpu.memref_squeeze %dma_wait3A_105 : memref<1x128xi32, #tpu.memory_space<vmem>> -> memref<128xi32, #tpu.memory_space<vmem>>
      %dma_wait3A_107 = arith.constant 0 : i32
      %dma_wait3A_108 = arith.constant 0 : i32
      %dma_wait3A_109 = tpu.memref_slice %arg2[%dma_wait3A_107, %dma_wait3A_108] : memref<16384x128xf32, #tpu.memory_space<hbm>> -> memref<16384x128xf32, #tpu.memory_space<hbm>>
      tpu.wait_indirect_dma semaphore(%arg7 : memref<!tpu.dma_semaphore, #tpu.memory_space<semaphore_mem>>) src(%dma_wait3A_109 : memref<16384x128xf32, #tpu.memory_space<hbm>>) dst(%dma_wait3A_103 : memref<128x128xf32, #tpu.memory_space<vmem>>)
      %dma_wait3A_110 = arith.constant 512 : i32
      %dma_wait3A_111 = arith.constant 0 : i32
      %dma_wait3A_112 = tpu.memref_slice %arg6[%dma_wait3A_110, %dma_wait3A_111] : memref<640x128xf32, #tpu.memory_space<vmem>> -> memref<128x128xf32, #tpu.memory_space<vmem>>
      %dma_wait3A_113 = arith.constant 0 : i32
      %dma_wait3A_114 = tpu.memref_slice %arg5[%add3A_65, %dma_wait3A_113] : memref<40x128xi32, #tpu.memory_space<vmem>> -> memref<1x128xi32, #tpu.memory_space<vmem>>
      %dma_wait3A_115 = tpu.memref_squeeze %dma_wait3A_114 : memref<1x128xi32, #tpu.memory_space<vmem>> -> memref<128xi32, #tpu.memory_space<vmem>>
      %dma_wait3A_116 = arith.constant 0 : i32
      %dma_wait3A_117 = arith.constant 0 : i32
      %dma_wait3A_118 = tpu.memref_slice %arg2[%dma_wait3A_116, %dma_wait3A_117] : memref<16384x128xf32, #tpu.memory_space<hbm>> -> memref<16384x128xf32, #tpu.memory_space<hbm>>
      tpu.wait_indirect_dma semaphore(%arg7 : memref<!tpu.dma_semaphore, #tpu.memory_space<semaphore_mem>>) src(%dma_wait3A_118 : memref<16384x128xf32, #tpu.memory_space<hbm>>) dst(%dma_wait3A_112 : memref<128x128xf32, #tpu.memory_space<vmem>>)
      %add3A_119 = arith.addi %mul3A_2, %mul3A_10 : i32
      "tpu.region"() ({
        %run_scoped3A = tpu.sem_alloc : memref<!tpu.dma_semaphore, #tpu.memory_space<semaphore_mem>>
        %dma_start3A_120 = arith.constant 0 : i32
        %dma_start3A_121 = tpu.memref_slice %arg4[%add3A_119, %dma_start3A_120] : memref<163840x128xf32, #tpu.memory_space<hbm>> -> memref<640x128xf32, #tpu.memory_space<hbm>>
        %dma_start3A_122 = arith.constant 0 : i32
        %dma_start3A_123 = tpu.memref_slice %arg4[%add3A_119, %dma_start3A_122] : memref<163840x128xf32, #tpu.memory_space<hbm>> -> memref<640x128xf32, #tpu.memory_space<hbm>>
        tpu.enqueue_dma source(%arg6 : memref<640x128xf32, #tpu.memory_space<vmem>>) target(%dma_start3A_123 : memref<640x128xf32, #tpu.memory_space<hbm>>) target_semaphore(%run_scoped3A : memref<!tpu.dma_semaphore, #tpu.memory_space<semaphore_mem>>)
        %dma_wait3A_124 = arith.constant 0 : i32
        %dma_wait3A_125 = tpu.memref_slice %arg4[%add3A_119, %dma_wait3A_124] : memref<163840x128xf32, #tpu.memory_space<hbm>> -> memref<640x128xf32, #tpu.memory_space<hbm>>
        %dma_wait3A_126 = arith.constant 0 : i32
        %dma_wait3A_127 = tpu.memref_slice %arg4[%add3A_119, %dma_wait3A_126] : memref<163840x128xf32, #tpu.memory_space<hbm>> -> memref<640x128xf32, #tpu.memory_space<hbm>>
        tpu.wait_dma2 semaphore(%run_scoped3A : memref<!tpu.dma_semaphore, #tpu.memory_space<semaphore_mem>>) src(%arg6 : memref<640x128xf32, #tpu.memory_space<vmem>>) dst(%dma_wait3A_127 : memref<640x128xf32, #tpu.memory_space<hbm>>)
        tpu.yield
      }) : () -> ()
    }
    %scan3A_7 = arith.constant 8 : i32
    return
  }
}

module attributes {stable_mosaic.version = 14 : i64} {
  func.func @_ecstats_body(%arg0: i32, %arg1: i32, %arg2: i32, %arg3: memref<1x1x4096x128xf32, #tpu.memory_space<vmem>>, %arg4: memref<1x4096x128xf32, #tpu.memory_space<vmem>>, %arg5: memref<128x128xf32, #tpu.memory_space<vmem>>, %arg6: memref<1x1x2x128xf32, #tpu.memory_space<vmem>>) attributes {dimension_semantics = [#tpu.dimension_semantics<arbitrary>, #tpu.dimension_semantics<arbitrary>, #tpu.dimension_semantics<arbitrary>], iteration_bounds = array<i64: 2, 1, 20>, scalar_prefetch = 0 : i64, scratch_operands = 0 : i64, tpu.core_type = #tpu.core_type<tc>, window_params = [{transform_indices = @transform_0, window_bounds = array<i64: 1, 1, 4096, 128>}, {transform_indices = @transform_1, window_bounds = array<i64: 1, 4096, 128>}, {pipeline_mode = #tpu.pipeline_mode<synchronous>, transform_indices = @transform_2, window_bounds = array<i64: 128, 128>}, {transform_indices = @transform_3, window_bounds = array<i64: 1, 1, 2, 128>}]} {
    %get3A = arith.constant 0 : index
    %get3A_0 = arith.constant 0 : index
    %get3A_1 = arith.constant 0 : index
    %get3A_2 = vector.load %arg4[%get3A, %get3A_0, %get3A_1] : memref<1x4096x128xf32, #tpu.memory_space<vmem>>, vector<1x4096x128xf32>
    %get3A_3 = vector.shape_cast %get3A_2 : vector<1x4096x128xf32> to vector<4096x128xf32>
    %get3A_4 = arith.constant 0 : index
    %get3A_5 = arith.constant 0 : index
    %get3A_6 = arith.constant 0 : index
    %get3A_7 = arith.constant 0 : index
    %get3A_8 = vector.load %arg3[%get3A_4, %get3A_5, %get3A_6, %get3A_7] : memref<1x1x4096x128xf32, #tpu.memory_space<vmem>>, vector<1x1x4096x128xf32>
    %get3A_9 = vector.shape_cast %get3A_8 : vector<1x1x4096x128xf32> to vector<4096x128xf32>
    %get3A_10 = arith.constant 0 : index
    %get3A_11 = arith.constant 0 : index
    %get3A_12 = vector.load %arg5[%get3A_10, %get3A_11] : memref<128x128xf32, #tpu.memory_space<vmem>>, vector<128x128xf32>
    %iota3A = tpu.iota {dimensions = array<i32: 1>} : vector<4096x128xi32>
    %lt3A = arith.constant 64 : i32
    %lt3A_13 = vector.broadcast %lt3A : i32 to vector<4096x128xi32>
    %lt3A_14 = arith.cmpi slt, %iota3A, %lt3A_13 : vector<4096x128xi32>
    %sub3A = arith.subf %get3A_9, %get3A_3 : vector<4096x128xf32>
    %select_n3A = arith.select %lt3A_14, %get3A_3, %sub3A : vector<4096x128xi1>, vector<4096x128xf32>
    %dot_general3A = arith.constant dense<0.000000e+00> : vector<4096x128xf32>
    %dot_general3A_15 = tpu.matmul %select_n3A, %get3A_12, %dot_general3A {dimension_numbers = #tpu.dot_dimension_numbers<[1], [0], [0], [1], [0, 0, 1, 1], [], []>, transpose_lhs_hint = false} : vector<4096x128xf32>, vector<128x128xf32>, vector<4096x128xf32> -> vector<4096x128xf32>
    %reduce_sum3A = arith.constant dense<0.000000e+00> : vector<128xf32>
    %reduce_sum3A_16 = vector.multi_reduction <add>, %dot_general3A_15, %reduce_sum3A [0] : vector<4096x128xf32> to vector<128xf32>
    %broadcast_in_dim3A = vector.shape_cast %reduce_sum3A_16 : vector<128xf32> to vector<1x128xf32>
    %mul3A = arith.mulf %dot_general3A_15, %dot_general3A_15 : vector<4096x128xf32>
    %reduce_sum3A_17 = arith.constant dense<0.000000e+00> : vector<128xf32>
    %reduce_sum3A_18 = vector.multi_reduction <add>, %mul3A, %reduce_sum3A_17 [0] : vector<4096x128xf32> to vector<128xf32>
    %broadcast_in_dim3A_19 = vector.shape_cast %reduce_sum3A_18 : vector<128xf32> to vector<1x128xf32>
    %concatenate3A = tpu.concatenate %broadcast_in_dim3A, %broadcast_in_dim3A_19 in 0 : vector<1x128xf32>, vector<1x128xf32> -> vector<2x128xf32>
    %broadcast_in_dim3A_20 = vector.shape_cast %concatenate3A : vector<2x128xf32> to vector<1x1x2x128xf32>
    %eq3A = arith.constant 0 : i32
    %eq3A_21 = arith.cmpi eq, %arg2, %eq3A : i32
    %convert_element_type3A = arith.extui %eq3A_21 : i1 to i32
    %cond3A = arith.constant 0 : i32
    %cond3A_22 = arith.cmpi ne, %convert_element_type3A, %cond3A : i32
    scf.if %cond3A_22 {
      %swap3A = arith.constant 0 : index
      %swap3A_27 = arith.constant 0 : index
      %swap3A_28 = arith.constant 0 : index
      %swap3A_29 = arith.constant 0 : index
      %swap3A_30 = vector.load %arg6[%swap3A, %swap3A_27, %swap3A_28, %swap3A_29] : memref<1x1x2x128xf32, #tpu.memory_space<vmem>>, vector<1x1x2x128xf32>
      tpu.vector_store %arg6[%swap3A, %swap3A_27, %swap3A_28, %swap3A_29], %broadcast_in_dim3A_20 {strides = array<i32>} : memref<1x1x2x128xf32, #tpu.memory_space<vmem>>, vector<1x1x2x128xf32>,
    } else {
    }
    %gt3A = arith.constant 0 : i32
    %gt3A_23 = arith.cmpi sgt, %arg2, %gt3A : i32
    %convert_element_type3A_24 = arith.extui %gt3A_23 : i1 to i32
    %cond3A_25 = arith.constant 0 : i32
    %cond3A_26 = arith.cmpi ne, %convert_element_type3A_24, %cond3A_25 : i32
    scf.if %cond3A_26 {
      %get3A_27 = arith.constant 0 : index
      %get3A_28 = arith.constant 0 : index
      %get3A_29 = arith.constant 0 : index
      %get3A_30 = arith.constant 0 : index
      %get3A_31 = vector.load %arg6[%get3A_27, %get3A_28, %get3A_29, %get3A_30] : memref<1x1x2x128xf32, #tpu.memory_space<vmem>>, vector<1x1x2x128xf32>
      %add3A = arith.addf %get3A_31, %broadcast_in_dim3A_20 : vector<1x1x2x128xf32>
      %swap3A = arith.constant 0 : index
      %swap3A_32 = arith.constant 0 : index
      %swap3A_33 = arith.constant 0 : index
      %swap3A_34 = arith.constant 0 : index
      %swap3A_35 = vector.load %arg6[%swap3A, %swap3A_32, %swap3A_33, %swap3A_34] : memref<1x1x2x128xf32, #tpu.memory_space<vmem>>, vector<1x1x2x128xf32>
      tpu.vector_store %arg6[%swap3A, %swap3A_32, %swap3A_33, %swap3A_34], %add3A {strides = array<i32>} : memref<1x1x2x128xf32, #tpu.memory_space<vmem>>, vector<1x1x2x128xf32>,
    } else {
    }
    return
  }
  func.func @transform_0(%arg0: i32, %arg1: i32, %arg2: i32) -> (i32, i32, i32, i32) {
    %c0_i32 = arith.constant 0 : i32
    %c0_i32_0 = arith.constant 0 : i32
    return %arg0, %arg2, %arg1, %c0_i32 : i32, i32, i32, i32
  }
  func.func @transform_1(%arg0: i32, %arg1: i32, %arg2: i32) -> (i32, i32, i32) {
    %add3A = arith.constant 2 : i32
    %add3A_0 = arith.addi %arg0, %add3A : i32
    %c0_i32 = arith.constant 0 : i32
    %c0_i32_1 = arith.constant 0 : i32
    return %add3A_0, %arg1, %c0_i32 : i32, i32, i32
  }
  func.func @transform_2(%arg0: i32, %arg1: i32, %arg2: i32) -> (i32, i32) {
    %c0_i32 = arith.constant 0 : i32
    %c0_i32_0 = arith.constant 0 : i32
    %c0_i32_1 = arith.constant 0 : i32
    return %c0_i32, %c0_i32_0 : i32, i32
  }
  func.func @transform_3(%arg0: i32, %arg1: i32, %arg2: i32) -> (i32, i32, i32, i32) {
    %c0_i32 = arith.constant 0 : i32
    %c0_i32_0 = arith.constant 0 : i32
    %c0_i32_1 = arith.constant 0 : i32
    return %arg0, %arg1, %c0_i32, %c0_i32_0 : i32, i32, i32, i32
  }
}

module attributes {stable_mosaic.version = 14 : i64} {
  func.func @_ecstats_body(%arg0: i32, %arg1: i32, %arg2: i32, %arg3: memref<1x1x4096x128xf32, #tpu.memory_space<vmem>>, %arg4: memref<1x4096x128xf32, #tpu.memory_space<vmem>>, %arg5: memref<128x128xf32, #tpu.memory_space<vmem>>, %arg6: memref<1x1x2x128xf32, #tpu.memory_space<vmem>>) attributes {dimension_semantics = [#tpu.dimension_semantics<arbitrary>, #tpu.dimension_semantics<arbitrary>, #tpu.dimension_semantics<arbitrary>], iteration_bounds = array<i64: 2, 1, 20>, scalar_prefetch = 0 : i64, scratch_operands = 0 : i64, tpu.core_type = #tpu.core_type<tc>, window_params = [{transform_indices = @transform_0, window_bounds = array<i64: 1, 1, 4096, 128>}, {transform_indices = @transform_1, window_bounds = array<i64: 1, 4096, 128>}, {pipeline_mode = #tpu.pipeline_mode<synchronous>, transform_indices = @transform_2, window_bounds = array<i64: 128, 128>}, {transform_indices = @transform_3, window_bounds = array<i64: 1, 1, 2, 128>}]} {
    %get3A = arith.constant 0 : index
    %get3A_0 = arith.constant 0 : index
    %get3A_1 = arith.constant 0 : index
    %get3A_2 = vector.load %arg4[%get3A, %get3A_0, %get3A_1] : memref<1x4096x128xf32, #tpu.memory_space<vmem>>, vector<1x4096x128xf32>
    %get3A_3 = vector.shape_cast %get3A_2 : vector<1x4096x128xf32> to vector<4096x128xf32>
    %get3A_4 = arith.constant 0 : index
    %get3A_5 = arith.constant 0 : index
    %get3A_6 = arith.constant 0 : index
    %get3A_7 = arith.constant 0 : index
    %get3A_8 = vector.load %arg3[%get3A_4, %get3A_5, %get3A_6, %get3A_7] : memref<1x1x4096x128xf32, #tpu.memory_space<vmem>>, vector<1x1x4096x128xf32>
    %get3A_9 = vector.shape_cast %get3A_8 : vector<1x1x4096x128xf32> to vector<4096x128xf32>
    %get3A_10 = arith.constant 0 : index
    %get3A_11 = arith.constant 0 : index
    %get3A_12 = vector.load %arg5[%get3A_10, %get3A_11] : memref<128x128xf32, #tpu.memory_space<vmem>>, vector<128x128xf32>
    %iota3A = tpu.iota {dimensions = array<i32: 1>} : vector<4096x128xi32>
    %lt3A = arith.constant 64 : i32
    %lt3A_13 = vector.broadcast %lt3A : i32 to vector<4096x128xi32>
    %lt3A_14 = arith.cmpi slt, %iota3A, %lt3A_13 : vector<4096x128xi32>
    %sub3A = arith.subf %get3A_9, %get3A_3 : vector<4096x128xf32>
    %select_n3A = arith.select %lt3A_14, %get3A_3, %sub3A : vector<4096x128xi1>, vector<4096x128xf32>
    %dot_general3A = arith.constant dense<0.000000e+00> : vector<4096x128xf32>
    %dot_general3A_15 = tpu.matmul %select_n3A, %get3A_12, %dot_general3A {dimension_numbers = #tpu.dot_dimension_numbers<[1], [0], [0], [1], [0, 0, 1, 1], [], []>, transpose_lhs_hint = false} : vector<4096x128xf32>, vector<128x128xf32>, vector<4096x128xf32> -> vector<4096x128xf32>
    %reduce_sum3A = arith.constant dense<0.000000e+00> : vector<128xf32>
    %reduce_sum3A_16 = vector.multi_reduction <add>, %dot_general3A_15, %reduce_sum3A [0] : vector<4096x128xf32> to vector<128xf32>
    %broadcast_in_dim3A = vector.shape_cast %reduce_sum3A_16 : vector<128xf32> to vector<1x128xf32>
    %mul3A = arith.mulf %dot_general3A_15, %dot_general3A_15 : vector<4096x128xf32>
    %reduce_sum3A_17 = arith.constant dense<0.000000e+00> : vector<128xf32>
    %reduce_sum3A_18 = vector.multi_reduction <add>, %mul3A, %reduce_sum3A_17 [0] : vector<4096x128xf32> to vector<128xf32>
    %broadcast_in_dim3A_19 = vector.shape_cast %reduce_sum3A_18 : vector<128xf32> to vector<1x128xf32>
    %concatenate3A = tpu.concatenate %broadcast_in_dim3A, %broadcast_in_dim3A_19 in 0 : vector<1x128xf32>, vector<1x128xf32> -> vector<2x128xf32>
    %broadcast_in_dim3A_20 = vector.shape_cast %concatenate3A : vector<2x128xf32> to vector<1x1x2x128xf32>
    %eq3A = arith.constant 0 : i32
    %eq3A_21 = arith.cmpi eq, %arg2, %eq3A : i32
    %convert_element_type3A = arith.extui %eq3A_21 : i1 to i32
    %cond3A = arith.constant 0 : i32
    %cond3A_22 = arith.cmpi ne, %convert_element_type3A, %cond3A : i32
    scf.if %cond3A_22 {
      %swap3A = arith.constant 0 : index
      %swap3A_27 = arith.constant 0 : index
      %swap3A_28 = arith.constant 0 : index
      %swap3A_29 = arith.constant 0 : index
      %swap3A_30 = vector.load %arg6[%swap3A, %swap3A_27, %swap3A_28, %swap3A_29] : memref<1x1x2x128xf32, #tpu.memory_space<vmem>>, vector<1x1x2x128xf32>
      tpu.vector_store %arg6[%swap3A, %swap3A_27, %swap3A_28, %swap3A_29], %broadcast_in_dim3A_20 {strides = array<i32>} : memref<1x1x2x128xf32, #tpu.memory_space<vmem>>, vector<1x1x2x128xf32>,
    } else {
    }
    %gt3A = arith.constant 0 : i32
    %gt3A_23 = arith.cmpi sgt, %arg2, %gt3A : i32
    %convert_element_type3A_24 = arith.extui %gt3A_23 : i1 to i32
    %cond3A_25 = arith.constant 0 : i32
    %cond3A_26 = arith.cmpi ne, %convert_element_type3A_24, %cond3A_25 : i32
    scf.if %cond3A_26 {
      %get3A_27 = arith.constant 0 : index
      %get3A_28 = arith.constant 0 : index
      %get3A_29 = arith.constant 0 : index
      %get3A_30 = arith.constant 0 : index
      %get3A_31 = vector.load %arg6[%get3A_27, %get3A_28, %get3A_29, %get3A_30] : memref<1x1x2x128xf32, #tpu.memory_space<vmem>>, vector<1x1x2x128xf32>
      %add3A = arith.addf %get3A_31, %broadcast_in_dim3A_20 : vector<1x1x2x128xf32>
      %swap3A = arith.constant 0 : index
      %swap3A_32 = arith.constant 0 : index
      %swap3A_33 = arith.constant 0 : index
      %swap3A_34 = arith.constant 0 : index
      %swap3A_35 = vector.load %arg6[%swap3A, %swap3A_32, %swap3A_33, %swap3A_34] : memref<1x1x2x128xf32, #tpu.memory_space<vmem>>, vector<1x1x2x128xf32>
      tpu.vector_store %arg6[%swap3A, %swap3A_32, %swap3A_33, %swap3A_34], %add3A {strides = array<i32>} : memref<1x1x2x128xf32, #tpu.memory_space<vmem>>, vector<1x1x2x128xf32>,
    } else {
    }
    return
  }
  func.func @transform_0(%arg0: i32, %arg1: i32, %arg2: i32) -> (i32, i32, i32, i32) {
    %c0_i32 = arith.constant 0 : i32
    %c0_i32_0 = arith.constant 0 : i32
    return %arg0, %arg2, %arg1, %c0_i32 : i32, i32, i32, i32
  }
  func.func @transform_1(%arg0: i32, %arg1: i32, %arg2: i32) -> (i32, i32, i32) {
    %add3A = arith.constant 0 : i32
    %add3A_0 = arith.addi %arg0, %add3A : i32
    %c0_i32 = arith.constant 0 : i32
    %c0_i32_1 = arith.constant 0 : i32
    return %add3A_0, %arg1, %c0_i32 : i32, i32, i32
  }
  func.func @transform_2(%arg0: i32, %arg1: i32, %arg2: i32) -> (i32, i32) {
    %c0_i32 = arith.constant 0 : i32
    %c0_i32_0 = arith.constant 0 : i32
    %c0_i32_1 = arith.constant 0 : i32
    return %c0_i32, %c0_i32_0 : i32, i32
  }
  func.func @transform_3(%arg0: i32, %arg1: i32, %arg2: i32) -> (i32, i32, i32, i32) {
    %c0_i32 = arith.constant 0 : i32
    %c0_i32_0 = arith.constant 0 : i32
    %c0_i32_1 = arith.constant 0 : i32
    return %arg0, %arg1, %c0_i32, %c0_i32_0 : i32, i32, i32, i32
  }
}

module attributes {stable_mosaic.version = 14 : i64} {
  func.func @_ecmain_body(%arg0: i32, %arg1: i32, %arg2: i32, %arg3: memref<1x1x4096x128xf32, #tpu.memory_space<vmem>>, %arg4: memref<1x4096x128xf32, #tpu.memory_space<vmem>>, %arg5: memref<128x128xf32, #tpu.memory_space<vmem>>, %arg6: memref<1x128xf32, #tpu.memory_space<vmem>>, %arg7: memref<1x128xf32, #tpu.memory_space<vmem>>, %arg8: memref<128x128xf32, #tpu.memory_space<vmem>>, %arg9: memref<1x4096x128xf32, #tpu.memory_space<vmem>>, %arg10: memref<1x1x2x128xf32, #tpu.memory_space<vmem>>) attributes {dimension_semantics = [#tpu.dimension_semantics<arbitrary>, #tpu.dimension_semantics<arbitrary>, #tpu.dimension_semantics<arbitrary>], iteration_bounds = array<i64: 2, 1, 20>, scalar_prefetch = 0 : i64, scratch_operands = 0 : i64, tpu.core_type = #tpu.core_type<tc>, window_params = [{transform_indices = @transform_0, window_bounds = array<i64: 1, 1, 4096, 128>}, {transform_indices = @transform_1, window_bounds = array<i64: 1, 4096, 128>}, {pipeline_mode = #tpu.pipeline_mode<synchronous>, transform_indices = @transform_2, window_bounds = array<i64: 128, 128>}, {pipeline_mode = #tpu.pipeline_mode<synchronous>, transform_indices = @transform_3, window_bounds = array<i64: 1, 128>}, {pipeline_mode = #tpu.pipeline_mode<synchronous>, transform_indices = @transform_4, window_bounds = array<i64: 1, 128>}, {pipeline_mode = #tpu.pipeline_mode<synchronous>, transform_indices = @transform_5, window_bounds = array<i64: 128, 128>}, {transform_indices = @transform_6, window_bounds = array<i64: 1, 4096, 128>}, {transform_indices = @transform_7, window_bounds = array<i64: 1, 1, 2, 128>}]} {
    %get3A = arith.constant 0 : index
    %get3A_0 = arith.constant 0 : index
    %get3A_1 = arith.constant 0 : index
    %get3A_2 = vector.load %arg4[%get3A, %get3A_0, %get3A_1] : memref<1x4096x128xf32, #tpu.memory_space<vmem>>, vector<1x4096x128xf32>
    %get3A_3 = vector.shape_cast %get3A_2 : vector<1x4096x128xf32> to vector<4096x128xf32>
    %get3A_4 = arith.constant 0 : index
    %get3A_5 = arith.constant 0 : index
    %get3A_6 = arith.constant 0 : index
    %get3A_7 = arith.constant 0 : index
    %get3A_8 = vector.load %arg3[%get3A_4, %get3A_5, %get3A_6, %get3A_7] : memref<1x1x4096x128xf32, #tpu.memory_space<vmem>>, vector<1x1x4096x128xf32>
    %get3A_9 = vector.shape_cast %get3A_8 : vector<1x1x4096x128xf32> to vector<4096x128xf32>
    %get3A_10 = arith.constant 0 : index
    %get3A_11 = arith.constant 0 : index
    %get3A_12 = vector.load %arg5[%get3A_10, %get3A_11] : memref<128x128xf32, #tpu.memory_space<vmem>>, vector<128x128xf32>
    %iota3A = tpu.iota {dimensions = array<i32: 1>} : vector<4096x128xi32>
    %lt3A = arith.constant 64 : i32
    %lt3A_13 = vector.broadcast %lt3A : i32 to vector<4096x128xi32>
    %lt3A_14 = arith.cmpi slt, %iota3A, %lt3A_13 : vector<4096x128xi32>
    %sub3A = arith.subf %get3A_9, %get3A_3 : vector<4096x128xf32>
    %select_n3A = arith.select %lt3A_14, %get3A_3, %sub3A : vector<4096x128xi1>, vector<4096x128xf32>
    %dot_general3A = arith.constant dense<0.000000e+00> : vector<4096x128xf32>
    %dot_general3A_15 = tpu.matmul %select_n3A, %get3A_12, %dot_general3A {dimension_numbers = #tpu.dot_dimension_numbers<[1], [0], [0], [1], [0, 0, 1, 1], [], []>, transpose_lhs_hint = false} : vector<4096x128xf32>, vector<128x128xf32>, vector<4096x128xf32> -> vector<4096x128xf32>
    %get3A_16 = arith.constant 0 : index
    %get3A_17 = arith.constant 0 : index
    %get3A_18 = vector.load %arg6[%get3A_16, %get3A_17] : memref<1x128xf32, #tpu.memory_space<vmem>>, vector<1x128xf32>
    %sub3A_19 = vector.broadcast %get3A_18 : vector<1x128xf32> to vector<4096x128xf32>
    %sub3A_20 = arith.subf %dot_general3A_15, %sub3A_19 : vector<4096x128xf32>
    %get3A_21 = arith.constant 0 : index
    %get3A_22 = arith.constant 0 : index
    %get3A_23 = vector.load %arg7[%get3A_21, %get3A_22] : memref<1x128xf32, #tpu.memory_space<vmem>>, vector<1x128xf32>
    %mul3A = vector.broadcast %get3A_23 : vector<1x128xf32> to vector<4096x128xf32>
    %mul3A_24 = arith.mulf %sub3A_20, %mul3A : vector<4096x128xf32>
    %max3A = arith.constant 0.000000e+00 : f32
    %max3A_25 = vector.broadcast %max3A : f32 to vector<4096x128xf32>
    %max3A_26 = arith.maximumf %mul3A_24, %max3A_25 : vector<4096x128xf32>
    %get3A_27 = arith.constant 0 : index
    %get3A_28 = arith.constant 0 : index
    %get3A_29 = vector.load %arg8[%get3A_27, %get3A_28] : memref<128x128xf32, #tpu.memory_space<vmem>>, vector<128x128xf32>
    %dot_general3A_30 = arith.constant dense<0.000000e+00> : vector<4096x128xf32>
    %dot_general3A_31 = tpu.matmul %max3A_26, %get3A_29, %dot_general3A_30 {dimension_numbers = #tpu.dot_dimension_numbers<[1], [0], [0], [1], [0, 0, 1, 1], [], []>, transpose_lhs_hint = false} : vector<4096x128xf32>, vector<128x128xf32>, vector<4096x128xf32> -> vector<4096x128xf32>
    %reduce_sum3A = arith.constant dense<0.000000e+00> : vector<128xf32>
    %reduce_sum3A_32 = vector.multi_reduction <add>, %dot_general3A_31, %reduce_sum3A [0] : vector<4096x128xf32> to vector<128xf32>
    %broadcast_in_dim3A = vector.shape_cast %reduce_sum3A_32 : vector<128xf32> to vector<1x128xf32>
    %mul3A_33 = arith.mulf %dot_general3A_31, %dot_general3A_31 : vector<4096x128xf32>
    %reduce_sum3A_34 = arith.constant dense<0.000000e+00> : vector<128xf32>
    %reduce_sum3A_35 = vector.multi_reduction <add>, %mul3A_33, %reduce_sum3A_34 [0] : vector<4096x128xf32> to vector<128xf32>
    %broadcast_in_dim3A_36 = vector.shape_cast %reduce_sum3A_35 : vector<128xf32> to vector<1x128xf32>
    %concatenate3A = tpu.concatenate %broadcast_in_dim3A, %broadcast_in_dim3A_36 in 0 : vector<1x128xf32>, vector<1x128xf32> -> vector<2x128xf32>
    %broadcast_in_dim3A_37 = vector.shape_cast %concatenate3A : vector<2x128xf32> to vector<1x1x2x128xf32>
    %eq3A = arith.constant 0 : i32
    %eq3A_38 = arith.cmpi eq, %arg2, %eq3A : i32
    %convert_element_type3A = arith.extui %eq3A_38 : i1 to i32
    %cond3A = arith.constant 0 : i32
    %cond3A_39 = arith.cmpi ne, %convert_element_type3A, %cond3A : i32
    scf.if %cond3A_39 {
      %swap3A = arith.constant 0 : index
      %swap3A_44 = arith.constant 0 : index
      %swap3A_45 = arith.constant 0 : index
      %swap3A_46 = arith.constant 0 : index
      %swap3A_47 = vector.load %arg10[%swap3A, %swap3A_44, %swap3A_45, %swap3A_46] : memref<1x1x2x128xf32, #tpu.memory_space<vmem>>, vector<1x1x2x128xf32>
      tpu.vector_store %arg10[%swap3A, %swap3A_44, %swap3A_45, %swap3A_46], %broadcast_in_dim3A_37 {strides = array<i32>} : memref<1x1x2x128xf32, #tpu.memory_space<vmem>>, vector<1x1x2x128xf32>,
      %swap3A_48 = arith.constant 0 : index
      %swap3A_49 = arith.constant 0 : index
      %swap3A_50 = arith.constant 0 : index
      %swap3A_51 = vector.load %arg9[%swap3A_48, %swap3A_49, %swap3A_50] : memref<1x4096x128xf32, #tpu.memory_space<vmem>>, vector<1x4096x128xf32>
      %swap3A_52 = vector.shape_cast %swap3A_51 : vector<1x4096x128xf32> to vector<4096x128xf32>
      %swap3A_53 = vector.shape_cast %dot_general3A_31 : vector<4096x128xf32> to vector<1x4096x128xf32>
      tpu.vector_store %arg9[%swap3A_48, %swap3A_49, %swap3A_50], %swap3A_53 {strides = array<i32>} : memref<1x4096x128xf32, #tpu.memory_space<vmem>>, vector<1x4096x128xf32>,
    } else {
    }
    %gt3A = arith.constant 0 : i32
    %gt3A_40 = arith.cmpi sgt, %arg2, %gt3A : i32
    %convert_element_type3A_41 = arith.extui %gt3A_40 : i1 to i32
    %cond3A_42 = arith.constant 0 : i32
    %cond3A_43 = arith.cmpi ne, %convert_element_type3A_41, %cond3A_42 : i32
    scf.if %cond3A_43 {
      %get3A_44 = arith.constant 0 : index
      %get3A_45 = arith.constant 0 : index
      %get3A_46 = arith.constant 0 : index
      %get3A_47 = arith.constant 0 : index
      %get3A_48 = vector.load %arg10[%get3A_44, %get3A_45, %get3A_46, %get3A_47] : memref<1x1x2x128xf32, #tpu.memory_space<vmem>>, vector<1x1x2x128xf32>
      %add3A = arith.addf %get3A_48, %broadcast_in_dim3A_37 : vector<1x1x2x128xf32>
      %swap3A = arith.constant 0 : index
      %swap3A_49 = arith.constant 0 : index
      %swap3A_50 = arith.constant 0 : index
      %swap3A_51 = arith.constant 0 : index
      %swap3A_52 = vector.load %arg10[%swap3A, %swap3A_49, %swap3A_50, %swap3A_51] : memref<1x1x2x128xf32, #tpu.memory_space<vmem>>, vector<1x1x2x128xf32>
      tpu.vector_store %arg10[%swap3A, %swap3A_49, %swap3A_50, %swap3A_51], %add3A {strides = array<i32>} : memref<1x1x2x128xf32, #tpu.memory_space<vmem>>, vector<1x1x2x128xf32>,
      %get3A_53 = arith.constant 0 : index
      %get3A_54 = arith.constant 0 : index
      %get3A_55 = arith.constant 0 : index
      %get3A_56 = vector.load %arg9[%get3A_53, %get3A_54, %get3A_55] : memref<1x4096x128xf32, #tpu.memory_space<vmem>>, vector<1x4096x128xf32>
      %get3A_57 = vector.shape_cast %get3A_56 : vector<1x4096x128xf32> to vector<4096x128xf32>
      %max3A_58 = arith.maximumf %get3A_57, %dot_general3A_31 : vector<4096x128xf32>
      %swap3A_59 = arith.constant 0 : index
      %swap3A_60 = arith.constant 0 : index
      %swap3A_61 = arith.constant 0 : index
      %swap3A_62 = vector.load %arg9[%swap3A_59, %swap3A_60, %swap3A_61] : memref<1x4096x128xf32, #tpu.memory_space<vmem>>, vector<1x4096x128xf32>
      %swap3A_63 = vector.shape_cast %swap3A_62 : vector<1x4096x128xf32> to vector<4096x128xf32>
      %swap3A_64 = vector.shape_cast %max3A_58 : vector<4096x128xf32> to vector<1x4096x128xf32>
      tpu.vector_store %arg9[%swap3A_59, %swap3A_60, %swap3A_61], %swap3A_64 {strides = array<i32>} : memref<1x4096x128xf32, #tpu.memory_space<vmem>>, vector<1x4096x128xf32>,
    } else {
    }
    return
  }
  func.func @transform_0(%arg0: i32, %arg1: i32, %arg2: i32) -> (i32, i32, i32, i32) {
    %c0_i32 = arith.constant 0 : i32
    %c0_i32_0 = arith.constant 0 : i32
    return %arg0, %arg2, %arg1, %c0_i32 : i32, i32, i32, i32
  }
  func.func @transform_1(%arg0: i32, %arg1: i32, %arg2: i32) -> (i32, i32, i32) {
    %add3A = arith.constant 2 : i32
    %add3A_0 = arith.addi %arg0, %add3A : i32
    %c0_i32 = arith.constant 0 : i32
    %c0_i32_1 = arith.constant 0 : i32
    return %add3A_0, %arg1, %c0_i32 : i32, i32, i32
  }
  func.func @transform_2(%arg0: i32, %arg1: i32, %arg2: i32) -> (i32, i32) {
    %c0_i32 = arith.constant 0 : i32
    %c0_i32_0 = arith.constant 0 : i32
    %c0_i32_1 = arith.constant 0 : i32
    return %c0_i32, %c0_i32_0 : i32, i32
  }
  func.func @transform_3(%arg0: i32, %arg1: i32, %arg2: i32) -> (i32, i32) {
    %c0_i32 = arith.constant 0 : i32
    %c0_i32_0 = arith.constant 0 : i32
    %c0_i32_1 = arith.constant 0 : i32
    return %c0_i32, %c0_i32_0 : i32, i32
  }
  func.func @transform_4(%arg0: i32, %arg1: i32, %arg2: i32) -> (i32, i32) {
    %c0_i32 = arith.constant 0 : i32
    %c0_i32_0 = arith.constant 0 : i32
    %c0_i32_1 = arith.constant 0 : i32
    return %c0_i32, %c0_i32_0 : i32, i32
  }
  func.func @transform_5(%arg0: i32, %arg1: i32, %arg2: i32) -> (i32, i32) {
    %c0_i32 = arith.constant 0 : i32
    %c0_i32_0 = arith.constant 0 : i32
    %c0_i32_1 = arith.constant 0 : i32
    return %c0_i32, %c0_i32_0 : i32, i32
  }
  func.func @transform_6(%arg0: i32, %arg1: i32, %arg2: i32) -> (i32, i32, i32) {
    %c0_i32 = arith.constant 0 : i32
    %c0_i32_0 = arith.constant 0 : i32
    return %arg0, %arg1, %c0_i32 : i32, i32, i32
  }
  func.func @transform_7(%arg0: i32, %arg1: i32, %arg2: i32) -> (i32, i32, i32, i32) {
    %c0_i32 = arith.constant 0 : i32
    %c0_i32_0 = arith.constant 0 : i32
    %c0_i32_1 = arith.constant 0 : i32
    return %arg0, %arg1, %c0_i32, %c0_i32_0 : i32, i32, i32, i32
  }
}

module attributes {stable_mosaic.version = 14 : i64} {
  func.func @_ecmain_body(%arg0: i32, %arg1: i32, %arg2: i32, %arg3: memref<1x1x4096x128xf32, #tpu.memory_space<vmem>>, %arg4: memref<1x4096x128xf32, #tpu.memory_space<vmem>>, %arg5: memref<128x128xf32, #tpu.memory_space<vmem>>, %arg6: memref<1x128xf32, #tpu.memory_space<vmem>>, %arg7: memref<1x128xf32, #tpu.memory_space<vmem>>, %arg8: memref<128x128xf32, #tpu.memory_space<vmem>>, %arg9: memref<1x4096x128xf32, #tpu.memory_space<vmem>>, %arg10: memref<1x1x2x128xf32, #tpu.memory_space<vmem>>) attributes {dimension_semantics = [#tpu.dimension_semantics<arbitrary>, #tpu.dimension_semantics<arbitrary>, #tpu.dimension_semantics<arbitrary>], iteration_bounds = array<i64: 2, 1, 20>, scalar_prefetch = 0 : i64, scratch_operands = 0 : i64, tpu.core_type = #tpu.core_type<tc>, window_params = [{transform_indices = @transform_0, window_bounds = array<i64: 1, 1, 4096, 128>}, {transform_indices = @transform_1, window_bounds = array<i64: 1, 4096, 128>}, {pipeline_mode = #tpu.pipeline_mode<synchronous>, transform_indices = @transform_2, window_bounds = array<i64: 128, 128>}, {pipeline_mode = #tpu.pipeline_mode<synchronous>, transform_indices = @transform_3, window_bounds = array<i64: 1, 128>}, {pipeline_mode = #tpu.pipeline_mode<synchronous>, transform_indices = @transform_4, window_bounds = array<i64: 1, 128>}, {pipeline_mode = #tpu.pipeline_mode<synchronous>, transform_indices = @transform_5, window_bounds = array<i64: 128, 128>}, {transform_indices = @transform_6, window_bounds = array<i64: 1, 4096, 128>}, {transform_indices = @transform_7, window_bounds = array<i64: 1, 1, 2, 128>}]} {
    %get3A = arith.constant 0 : index
    %get3A_0 = arith.constant 0 : index
    %get3A_1 = arith.constant 0 : index
    %get3A_2 = vector.load %arg4[%get3A, %get3A_0, %get3A_1] : memref<1x4096x128xf32, #tpu.memory_space<vmem>>, vector<1x4096x128xf32>
    %get3A_3 = vector.shape_cast %get3A_2 : vector<1x4096x128xf32> to vector<4096x128xf32>
    %get3A_4 = arith.constant 0 : index
    %get3A_5 = arith.constant 0 : index
    %get3A_6 = arith.constant 0 : index
    %get3A_7 = arith.constant 0 : index
    %get3A_8 = vector.load %arg3[%get3A_4, %get3A_5, %get3A_6, %get3A_7] : memref<1x1x4096x128xf32, #tpu.memory_space<vmem>>, vector<1x1x4096x128xf32>
    %get3A_9 = vector.shape_cast %get3A_8 : vector<1x1x4096x128xf32> to vector<4096x128xf32>
    %get3A_10 = arith.constant 0 : index
    %get3A_11 = arith.constant 0 : index
    %get3A_12 = vector.load %arg5[%get3A_10, %get3A_11] : memref<128x128xf32, #tpu.memory_space<vmem>>, vector<128x128xf32>
    %iota3A = tpu.iota {dimensions = array<i32: 1>} : vector<4096x128xi32>
    %lt3A = arith.constant 64 : i32
    %lt3A_13 = vector.broadcast %lt3A : i32 to vector<4096x128xi32>
    %lt3A_14 = arith.cmpi slt, %iota3A, %lt3A_13 : vector<4096x128xi32>
    %sub3A = arith.subf %get3A_9, %get3A_3 : vector<4096x128xf32>
    %select_n3A = arith.select %lt3A_14, %get3A_3, %sub3A : vector<4096x128xi1>, vector<4096x128xf32>
    %dot_general3A = arith.constant dense<0.000000e+00> : vector<4096x128xf32>
    %dot_general3A_15 = tpu.matmul %select_n3A, %get3A_12, %dot_general3A {dimension_numbers = #tpu.dot_dimension_numbers<[1], [0], [0], [1], [0, 0, 1, 1], [], []>, transpose_lhs_hint = false} : vector<4096x128xf32>, vector<128x128xf32>, vector<4096x128xf32> -> vector<4096x128xf32>
    %get3A_16 = arith.constant 0 : index
    %get3A_17 = arith.constant 0 : index
    %get3A_18 = vector.load %arg6[%get3A_16, %get3A_17] : memref<1x128xf32, #tpu.memory_space<vmem>>, vector<1x128xf32>
    %sub3A_19 = vector.broadcast %get3A_18 : vector<1x128xf32> to vector<4096x128xf32>
    %sub3A_20 = arith.subf %dot_general3A_15, %sub3A_19 : vector<4096x128xf32>
    %get3A_21 = arith.constant 0 : index
    %get3A_22 = arith.constant 0 : index
    %get3A_23 = vector.load %arg7[%get3A_21, %get3A_22] : memref<1x128xf32, #tpu.memory_space<vmem>>, vector<1x128xf32>
    %mul3A = vector.broadcast %get3A_23 : vector<1x128xf32> to vector<4096x128xf32>
    %mul3A_24 = arith.mulf %sub3A_20, %mul3A : vector<4096x128xf32>
    %max3A = arith.constant 0.000000e+00 : f32
    %max3A_25 = vector.broadcast %max3A : f32 to vector<4096x128xf32>
    %max3A_26 = arith.maximumf %mul3A_24, %max3A_25 : vector<4096x128xf32>
    %get3A_27 = arith.constant 0 : index
    %get3A_28 = arith.constant 0 : index
    %get3A_29 = vector.load %arg8[%get3A_27, %get3A_28] : memref<128x128xf32, #tpu.memory_space<vmem>>, vector<128x128xf32>
    %dot_general3A_30 = arith.constant dense<0.000000e+00> : vector<4096x128xf32>
    %dot_general3A_31 = tpu.matmul %max3A_26, %get3A_29, %dot_general3A_30 {dimension_numbers = #tpu.dot_dimension_numbers<[1], [0], [0], [1], [0, 0, 1, 1], [], []>, transpose_lhs_hint = false} : vector<4096x128xf32>, vector<128x128xf32>, vector<4096x128xf32> -> vector<4096x128xf32>
    %reduce_sum3A = arith.constant dense<0.000000e+00> : vector<128xf32>
    %reduce_sum3A_32 = vector.multi_reduction <add>, %dot_general3A_31, %reduce_sum3A [0] : vector<4096x128xf32> to vector<128xf32>
    %broadcast_in_dim3A = vector.shape_cast %reduce_sum3A_32 : vector<128xf32> to vector<1x128xf32>
    %mul3A_33 = arith.mulf %dot_general3A_31, %dot_general3A_31 : vector<4096x128xf32>
    %reduce_sum3A_34 = arith.constant dense<0.000000e+00> : vector<128xf32>
    %reduce_sum3A_35 = vector.multi_reduction <add>, %mul3A_33, %reduce_sum3A_34 [0] : vector<4096x128xf32> to vector<128xf32>
    %broadcast_in_dim3A_36 = vector.shape_cast %reduce_sum3A_35 : vector<128xf32> to vector<1x128xf32>
    %concatenate3A = tpu.concatenate %broadcast_in_dim3A, %broadcast_in_dim3A_36 in 0 : vector<1x128xf32>, vector<1x128xf32> -> vector<2x128xf32>
    %broadcast_in_dim3A_37 = vector.shape_cast %concatenate3A : vector<2x128xf32> to vector<1x1x2x128xf32>
    %eq3A = arith.constant 0 : i32
    %eq3A_38 = arith.cmpi eq, %arg2, %eq3A : i32
    %convert_element_type3A = arith.extui %eq3A_38 : i1 to i32
    %cond3A = arith.constant 0 : i32
    %cond3A_39 = arith.cmpi ne, %convert_element_type3A, %cond3A : i32
    scf.if %cond3A_39 {
      %swap3A = arith.constant 0 : index
      %swap3A_44 = arith.constant 0 : index
      %swap3A_45 = arith.constant 0 : index
      %swap3A_46 = arith.constant 0 : index
      %swap3A_47 = vector.load %arg10[%swap3A, %swap3A_44, %swap3A_45, %swap3A_46] : memref<1x1x2x128xf32, #tpu.memory_space<vmem>>, vector<1x1x2x128xf32>
      tpu.vector_store %arg10[%swap3A, %swap3A_44, %swap3A_45, %swap3A_46], %broadcast_in_dim3A_37 {strides = array<i32>} : memref<1x1x2x128xf32, #tpu.memory_space<vmem>>, vector<1x1x2x128xf32>,
      %swap3A_48 = arith.constant 0 : index
      %swap3A_49 = arith.constant 0 : index
      %swap3A_50 = arith.constant 0 : index
      %swap3A_51 = vector.load %arg9[%swap3A_48, %swap3A_49, %swap3A_50] : memref<1x4096x128xf32, #tpu.memory_space<vmem>>, vector<1x4096x128xf32>
      %swap3A_52 = vector.shape_cast %swap3A_51 : vector<1x4096x128xf32> to vector<4096x128xf32>
      %swap3A_53 = vector.shape_cast %dot_general3A_31 : vector<4096x128xf32> to vector<1x4096x128xf32>
      tpu.vector_store %arg9[%swap3A_48, %swap3A_49, %swap3A_50], %swap3A_53 {strides = array<i32>} : memref<1x4096x128xf32, #tpu.memory_space<vmem>>, vector<1x4096x128xf32>,
    } else {
    }
    %gt3A = arith.constant 0 : i32
    %gt3A_40 = arith.cmpi sgt, %arg2, %gt3A : i32
    %convert_element_type3A_41 = arith.extui %gt3A_40 : i1 to i32
    %cond3A_42 = arith.constant 0 : i32
    %cond3A_43 = arith.cmpi ne, %convert_element_type3A_41, %cond3A_42 : i32
    scf.if %cond3A_43 {
      %get3A_44 = arith.constant 0 : index
      %get3A_45 = arith.constant 0 : index
      %get3A_46 = arith.constant 0 : index
      %get3A_47 = arith.constant 0 : index
      %get3A_48 = vector.load %arg10[%get3A_44, %get3A_45, %get3A_46, %get3A_47] : memref<1x1x2x128xf32, #tpu.memory_space<vmem>>, vector<1x1x2x128xf32>
      %add3A = arith.addf %get3A_48, %broadcast_in_dim3A_37 : vector<1x1x2x128xf32>
      %swap3A = arith.constant 0 : index
      %swap3A_49 = arith.constant 0 : index
      %swap3A_50 = arith.constant 0 : index
      %swap3A_51 = arith.constant 0 : index
      %swap3A_52 = vector.load %arg10[%swap3A, %swap3A_49, %swap3A_50, %swap3A_51] : memref<1x1x2x128xf32, #tpu.memory_space<vmem>>, vector<1x1x2x128xf32>
      tpu.vector_store %arg10[%swap3A, %swap3A_49, %swap3A_50, %swap3A_51], %add3A {strides = array<i32>} : memref<1x1x2x128xf32, #tpu.memory_space<vmem>>, vector<1x1x2x128xf32>,
      %get3A_53 = arith.constant 0 : index
      %get3A_54 = arith.constant 0 : index
      %get3A_55 = arith.constant 0 : index
      %get3A_56 = vector.load %arg9[%get3A_53, %get3A_54, %get3A_55] : memref<1x4096x128xf32, #tpu.memory_space<vmem>>, vector<1x4096x128xf32>
      %get3A_57 = vector.shape_cast %get3A_56 : vector<1x4096x128xf32> to vector<4096x128xf32>
      %max3A_58 = arith.maximumf %get3A_57, %dot_general3A_31 : vector<4096x128xf32>
      %swap3A_59 = arith.constant 0 : index
      %swap3A_60 = arith.constant 0 : index
      %swap3A_61 = arith.constant 0 : index
      %swap3A_62 = vector.load %arg9[%swap3A_59, %swap3A_60, %swap3A_61] : memref<1x4096x128xf32, #tpu.memory_space<vmem>>, vector<1x4096x128xf32>
      %swap3A_63 = vector.shape_cast %swap3A_62 : vector<1x4096x128xf32> to vector<4096x128xf32>
      %swap3A_64 = vector.shape_cast %max3A_58 : vector<4096x128xf32> to vector<1x4096x128xf32>
      tpu.vector_store %arg9[%swap3A_59, %swap3A_60, %swap3A_61], %swap3A_64 {strides = array<i32>} : memref<1x4096x128xf32, #tpu.memory_space<vmem>>, vector<1x4096x128xf32>,
    } else {
    }
    return
  }
  func.func @transform_0(%arg0: i32, %arg1: i32, %arg2: i32) -> (i32, i32, i32, i32) {
    %c0_i32 = arith.constant 0 : i32
    %c0_i32_0 = arith.constant 0 : i32
    return %arg0, %arg2, %arg1, %c0_i32 : i32, i32, i32, i32
  }
  func.func @transform_1(%arg0: i32, %arg1: i32, %arg2: i32) -> (i32, i32, i32) {
    %add3A = arith.constant 0 : i32
    %add3A_0 = arith.addi %arg0, %add3A : i32
    %c0_i32 = arith.constant 0 : i32
    %c0_i32_1 = arith.constant 0 : i32
    return %add3A_0, %arg1, %c0_i32 : i32, i32, i32
  }
  func.func @transform_2(%arg0: i32, %arg1: i32, %arg2: i32) -> (i32, i32) {
    %c0_i32 = arith.constant 0 : i32
    %c0_i32_0 = arith.constant 0 : i32
    %c0_i32_1 = arith.constant 0 : i32
    return %c0_i32, %c0_i32_0 : i32, i32
  }
  func.func @transform_3(%arg0: i32, %arg1: i32, %arg2: i32) -> (i32, i32) {
    %c0_i32 = arith.constant 0 : i32
    %c0_i32_0 = arith.constant 0 : i32
    %c0_i32_1 = arith.constant 0 : i32
    return %c0_i32, %c0_i32_0 : i32, i32
  }
  func.func @transform_4(%arg0: i32, %arg1: i32, %arg2: i32) -> (i32, i32) {
    %c0_i32 = arith.constant 0 : i32
    %c0_i32_0 = arith.constant 0 : i32
    %c0_i32_1 = arith.constant 0 : i32
    return %c0_i32, %c0_i32_0 : i32, i32
  }
  func.func @transform_5(%arg0: i32, %arg1: i32, %arg2: i32) -> (i32, i32) {
    %c0_i32 = arith.constant 0 : i32
    %c0_i32_0 = arith.constant 0 : i32
    %c0_i32_1 = arith.constant 0 : i32
    return %c0_i32, %c0_i32_0 : i32, i32
  }
  func.func @transform_6(%arg0: i32, %arg1: i32, %arg2: i32) -> (i32, i32, i32) {
    %c0_i32 = arith.constant 0 : i32
    %c0_i32_0 = arith.constant 0 : i32
    return %arg0, %arg1, %c0_i32 : i32, i32, i32
  }
  func.func @transform_7(%arg0: i32, %arg1: i32, %arg2: i32) -> (i32, i32, i32, i32) {
    %c0_i32 = arith.constant 0 : i32
    %c0_i32_0 = arith.constant 0 : i32
    %c0_i32_1 = arith.constant 0 : i32
    return %arg0, %arg1, %c0_i32, %c0_i32_0 : i32, i32, i32, i32
  }
}

module attributes {stable_mosaic.version = 14 : i64} {
  func.func @_fin_body(%arg0: i32, %arg1: i32, %arg2: memref<1x4096x128xf32, #tpu.memory_space<vmem>>, %arg3: memref<1x4096x128xf32, #tpu.memory_space<vmem>>, %arg4: memref<1x128xf32, #tpu.memory_space<vmem>>, %arg5: memref<1x128xf32, #tpu.memory_space<vmem>>, %arg6: memref<1x4096x128xf32, #tpu.memory_space<vmem>>) attributes {dimension_semantics = [#tpu.dimension_semantics<arbitrary>, #tpu.dimension_semantics<arbitrary>], iteration_bounds = array<i64: 4, 1>, scalar_prefetch = 0 : i64, scratch_operands = 0 : i64, tpu.core_type = #tpu.core_type<tc>, window_params = [{transform_indices = @transform_0, window_bounds = array<i64: 1, 4096, 128>}, {transform_indices = @transform_1, window_bounds = array<i64: 1, 4096, 128>}, {pipeline_mode = #tpu.pipeline_mode<synchronous>, transform_indices = @transform_2, window_bounds = array<i64: 1, 128>}, {pipeline_mode = #tpu.pipeline_mode<synchronous>, transform_indices = @transform_3, window_bounds = array<i64: 1, 128>}, {transform_indices = @transform_4, window_bounds = array<i64: 1, 4096, 128>}]} {
    %lt3A = arith.constant 2 : i32
    %lt3A_0 = arith.cmpi slt, %arg0, %lt3A : i32
    %get3A = arith.constant 0 : index
    %get3A_1 = arith.constant 0 : index
    %get3A_2 = arith.constant 0 : index
    %get3A_3 = vector.load %arg2[%get3A, %get3A_1, %get3A_2] : memref<1x4096x128xf32, #tpu.memory_space<vmem>>, vector<1x4096x128xf32>
    %get3A_4 = vector.shape_cast %get3A_3 : vector<1x4096x128xf32> to vector<4096x128xf32>
    %get3A_5 = arith.constant 0 : index
    %get3A_6 = arith.constant 0 : index
    %get3A_7 = arith.constant 0 : index
    %get3A_8 = vector.load %arg3[%get3A_5, %get3A_6, %get3A_7] : memref<1x4096x128xf32, #tpu.memory_space<vmem>>, vector<1x4096x128xf32>
    %get3A_9 = vector.shape_cast %get3A_8 : vector<1x4096x128xf32> to vector<4096x128xf32>
    %select_n3A = arith.select %lt3A_0, %get3A_4, %get3A_9 : vector<4096x128xf32>
    %get3A_10 = arith.constant 0 : index
    %get3A_11 = arith.constant 0 : index
    %get3A_12 = vector.load %arg4[%get3A_10, %get3A_11] : memref<1x128xf32, #tpu.memory_space<vmem>>, vector<1x128xf32>
    %sub3A = vector.broadcast %get3A_12 : vector<1x128xf32> to vector<4096x128xf32>
    %sub3A_13 = arith.subf %select_n3A, %sub3A : vector<4096x128xf32>
    %get3A_14 = arith.constant 0 : index
    %get3A_15 = arith.constant 0 : index
    %get3A_16 = vector.load %arg5[%get3A_14, %get3A_15] : memref<1x128xf32, #tpu.memory_space<vmem>>, vector<1x128xf32>
    %mul3A = vector.broadcast %get3A_16 : vector<1x128xf32> to vector<4096x128xf32>
    %mul3A_17 = arith.mulf %sub3A_13, %mul3A : vector<4096x128xf32>
    %max3A = arith.constant 0.000000e+00 : f32
    %max3A_18 = vector.broadcast %max3A : f32 to vector<4096x128xf32>
    %max3A_19 = arith.maximumf %mul3A_17, %max3A_18 : vector<4096x128xf32>
    %roll3A = arith.constant 64 : i32
    %roll3A_20 = tpu.dynamic_rotate %max3A_19 by %roll3A dim 1 : vector<4096x128xf32>, i32 -> vector<4096x128xf32>
    %add3A = arith.addf %max3A_19, %roll3A_20 : vector<4096x128xf32>
    %swap3A = arith.constant 0 : index
    %swap3A_21 = arith.constant 0 : index
    %swap3A_22 = arith.constant 0 : index
    %swap3A_23 = vector.load %arg6[%swap3A, %swap3A_21, %swap3A_22] : memref<1x4096x128xf32, #tpu.memory_space<vmem>>, vector<1x4096x128xf32>
    %swap3A_24 = vector.shape_cast %swap3A_23 : vector<1x4096x128xf32> to vector<4096x128xf32>
    %swap3A_25 = vector.shape_cast %add3A : vector<4096x128xf32> to vector<1x4096x128xf32>
    tpu.vector_store %arg6[%swap3A, %swap3A_21, %swap3A_22], %swap3A_25 {strides = array<i32>} : memref<1x4096x128xf32, #tpu.memory_space<vmem>>, vector<1x4096x128xf32>,
    return
  }
  func.func @transform_0(%arg0: i32, %arg1: i32) -> (i32, i32, i32) {
    %min3A = arith.constant 1 : i32
    %min3A_0 = arith.minsi %arg0, %min3A : i32
    %c0_i32 = arith.constant 0 : i32
    %c0_i32_1 = arith.constant 0 : i32
    return %min3A_0, %arg1, %c0_i32 : i32, i32, i32
  }
  func.func @transform_1(%arg0: i32, %arg1: i32) -> (i32, i32, i32) {
    %sub3A = arith.constant 2 : i32
    %sub3A_0 = arith.subi %arg0, %sub3A : i32
    %max3A = arith.constant 0 : i32
    %max3A_1 = arith.maxsi %sub3A_0, %max3A : i32
    %c0_i32 = arith.constant 0 : i32
    %c0_i32_2 = arith.constant 0 : i32
    return %max3A_1, %arg1, %c0_i32 : i32, i32, i32
  }
  func.func @transform_2(%arg0: i32, %arg1: i32) -> (i32, i32) {
    %c0_i32 = arith.constant 0 : i32
    %c0_i32_0 = arith.constant 0 : i32
    %c0_i32_1 = arith.constant 0 : i32
    return %c0_i32, %c0_i32_0 : i32, i32
  }
  func.func @transform_3(%arg0: i32, %arg1: i32) -> (i32, i32) {
    %c0_i32 = arith.constant 0 : i32
    %c0_i32_0 = arith.constant 0 : i32
    %c0_i32_1 = arith.constant 0 : i32
    return %c0_i32, %c0_i32_0 : i32, i32
  }
  func.func @transform_4(%arg0: i32, %arg1: i32) -> (i32, i32, i32) {
    %c0_i32 = arith.constant 0 : i32
    %c0_i32_0 = arith.constant 0 : i32
    return %arg0, %arg1, %c0_i32 : i32, i32, i32
  }
}

module attributes {stable_mosaic.version = 14 : i64} {
  func.func @_local_body(%arg0: i32, %arg1: i32, %arg2: memref<1x4096x128xf32, #tpu.memory_space<vmem>>, %arg3: memref<1x4096x128xf32, #tpu.memory_space<vmem>>, %arg4: memref<1x4096x128xf32, #tpu.memory_space<vmem>>, %arg5: memref<128x1024xf32, #tpu.memory_space<vmem>>, %arg6: memref<128x1024xf32, #tpu.memory_space<vmem>>, %arg7: memref<128x1024xf32, #tpu.memory_space<vmem>>, %arg8: memref<1x1x1024xf32, #tpu.memory_space<vmem>>, %arg9: memref<1x1x2x1024xf32, #tpu.memory_space<vmem>>) attributes {dimension_semantics = [#tpu.dimension_semantics<arbitrary>, #tpu.dimension_semantics<arbitrary>], iteration_bounds = array<i64: 4, 1>, scalar_prefetch = 0 : i64, scratch_operands = 0 : i64, tpu.core_type = #tpu.core_type<tc>, window_params = [{transform_indices = @transform_0, window_bounds = array<i64: 1, 4096, 128>}, {transform_indices = @transform_1, window_bounds = array<i64: 1, 4096, 128>}, {transform_indices = @transform_2, window_bounds = array<i64: 1, 4096, 128>}, {pipeline_mode = #tpu.pipeline_mode<synchronous>, transform_indices = @transform_3, window_bounds = array<i64: 128, 1024>}, {pipeline_mode = #tpu.pipeline_mode<synchronous>, transform_indices = @transform_4, window_bounds = array<i64: 128, 1024>}, {pipeline_mode = #tpu.pipeline_mode<synchronous>, transform_indices = @transform_5, window_bounds = array<i64: 128, 1024>}, {transform_indices = @transform_6, window_bounds = array<i64: 1, 1, 1024>}, {transform_indices = @transform_7, window_bounds = array<i64: 1, 1, 2, 1024>}]} {
    %get3A = arith.constant 0 : index
    %get3A_0 = arith.constant 0 : index
    %get3A_1 = arith.constant 0 : index
    %get3A_2 = vector.load %arg2[%get3A, %get3A_0, %get3A_1] : memref<1x4096x128xf32, #tpu.memory_space<vmem>>, vector<1x4096x128xf32>
    %get3A_3 = vector.shape_cast %get3A_2 : vector<1x4096x128xf32> to vector<4096x128xf32>
    %get3A_4 = arith.constant 0 : index
    %get3A_5 = arith.constant 0 : index
    %get3A_6 = vector.load %arg5[%get3A_4, %get3A_5] : memref<128x1024xf32, #tpu.memory_space<vmem>>, vector<128x1024xf32>
    %dot_general3A = arith.constant dense<0.000000e+00> : vector<4096x1024xf32>
    %dot_general3A_7 = tpu.matmul %get3A_3, %get3A_6, %dot_general3A {dimension_numbers = #tpu.dot_dimension_numbers<[1], [0], [0], [1], [0, 0, 1, 1], [], []>, transpose_lhs_hint = false} : vector<4096x128xf32>, vector<128x1024xf32>, vector<4096x1024xf32> -> vector<4096x1024xf32>
    %get3A_8 = arith.constant 0 : index
    %get3A_9 = arith.constant 0 : index
    %get3A_10 = arith.constant 0 : index
    %get3A_11 = vector.load %arg3[%get3A_8, %get3A_9, %get3A_10] : memref<1x4096x128xf32, #tpu.memory_space<vmem>>, vector<1x4096x128xf32>
    %get3A_12 = vector.shape_cast %get3A_11 : vector<1x4096x128xf32> to vector<4096x128xf32>
    %get3A_13 = arith.constant 0 : index
    %get3A_14 = arith.constant 0 : index
    %get3A_15 = vector.load %arg6[%get3A_13, %get3A_14] : memref<128x1024xf32, #tpu.memory_space<vmem>>, vector<128x1024xf32>
    %dot_general3A_16 = arith.constant dense<0.000000e+00> : vector<4096x1024xf32>
    %dot_general3A_17 = tpu.matmul %get3A_12, %get3A_15, %dot_general3A_16 {dimension_numbers = #tpu.dot_dimension_numbers<[1], [0], [0], [1], [0, 0, 1, 1], [], []>, transpose_lhs_hint = false} : vector<4096x128xf32>, vector<128x1024xf32>, vector<4096x1024xf32> -> vector<4096x1024xf32>
    %add3A = arith.addf %dot_general3A_7, %dot_general3A_17 : vector<4096x1024xf32>
    %get3A_18 = arith.constant 0 : index
    %get3A_19 = arith.constant 0 : index
    %get3A_20 = arith.constant 0 : index
    %get3A_21 = vector.load %arg4[%get3A_18, %get3A_19, %get3A_20] : memref<1x4096x128xf32, #tpu.memory_space<vmem>>, vector<1x4096x128xf32>
    %get3A_22 = vector.shape_cast %get3A_21 : vector<1x4096x128xf32> to vector<4096x128xf32>
    %get3A_23 = arith.constant 0 : index
    %get3A_24 = arith.constant 0 : index
    %get3A_25 = vector.load %arg7[%get3A_23, %get3A_24] : memref<128x1024xf32, #tpu.memory_space<vmem>>, vector<128x1024xf32>
    %dot_general3A_26 = arith.constant dense<0.000000e+00> : vector<4096x1024xf32>
    %dot_general3A_27 = tpu.matmul %get3A_22, %get3A_25, %dot_general3A_26 {dimension_numbers = #tpu.dot_dimension_numbers<[1], [0], [0], [1], [0, 0, 1, 1], [], []>, transpose_lhs_hint = false} : vector<4096x128xf32>, vector<128x1024xf32>, vector<4096x1024xf32> -> vector<4096x1024xf32>
    %add3A_28 = arith.addf %add3A, %dot_general3A_27 : vector<4096x1024xf32>
    %reduce_sum3A = arith.constant dense<0.000000e+00> : vector<1024xf32>
    %reduce_sum3A_29 = vector.multi_reduction <add>, %add3A_28, %reduce_sum3A [0] : vector<4096x1024xf32> to vector<1024xf32>
    %broadcast_in_dim3A = vector.shape_cast %reduce_sum3A_29 : vector<1024xf32> to vector<1x1024xf32>
    %mul3A = arith.mulf %add3A_28, %add3A_28 : vector<4096x1024xf32>
    %reduce_sum3A_30 = arith.constant dense<0.000000e+00> : vector<1024xf32>
    %reduce_sum3A_31 = vector.multi_reduction <add>, %mul3A, %reduce_sum3A_30 [0] : vector<4096x1024xf32> to vector<1024xf32>
    %broadcast_in_dim3A_32 = vector.shape_cast %reduce_sum3A_31 : vector<1024xf32> to vector<1x1024xf32>
    %concatenate3A = tpu.concatenate %broadcast_in_dim3A, %broadcast_in_dim3A_32 in 0 : vector<1x1024xf32>, vector<1x1024xf32> -> vector<2x1024xf32>
    %broadcast_in_dim3A_33 = vector.shape_cast %concatenate3A : vector<2x1024xf32> to vector<1x1x2x1024xf32>
    %swap3A = arith.constant 0 : index
    %swap3A_34 = arith.constant 0 : index
    %swap3A_35 = arith.constant 0 : index
    %swap3A_36 = arith.constant 0 : index
    %swap3A_37 = vector.load %arg9[%swap3A, %swap3A_34, %swap3A_35, %swap3A_36] : memref<1x1x2x1024xf32, #tpu.memory_space<vmem>>, vector<1x1x2x1024xf32>
    tpu.vector_store %arg9[%swap3A, %swap3A_34, %swap3A_35, %swap3A_36], %broadcast_in_dim3A_33 {strides = array<i32>} : memref<1x1x2x1024xf32, #tpu.memory_space<vmem>>, vector<1x1x2x1024xf32>,
    %reduce_max3A = arith.constant dense<0xFF800000> : vector<1024xf32>
    %reduce_max3A_38 = vector.multi_reduction <maximumf>, %add3A_28, %reduce_max3A [0] : vector<4096x1024xf32> to vector<1024xf32>
    %broadcast_in_dim3A_39 = vector.shape_cast %reduce_max3A_38 : vector<1024xf32> to vector<1x1024xf32>
    %eq3A = arith.constant 0 : i32
    %eq3A_40 = arith.cmpi eq, %arg1, %eq3A : i32
    %convert_element_type3A = arith.extui %eq3A_40 : i1 to i32
    %cond3A = arith.constant 0 : i32
    %cond3A_41 = arith.cmpi ne, %convert_element_type3A, %cond3A : i32
    scf.if %cond3A_41 {
      %swap3A_46 = arith.constant 0 : index
      %swap3A_47 = arith.constant 0 : index
      %swap3A_48 = arith.constant 0 : index
      %swap3A_49 = vector.load %arg8[%swap3A_46, %swap3A_47, %swap3A_48] : memref<1x1x1024xf32, #tpu.memory_space<vmem>>, vector<1x1x1024xf32>
      %swap3A_50 = vector.shape_cast %swap3A_49 : vector<1x1x1024xf32> to vector<1x1024xf32>
      %swap3A_51 = vector.shape_cast %broadcast_in_dim3A_39 : vector<1x1024xf32> to vector<1x1x1024xf32>
      tpu.vector_store %arg8[%swap3A_46, %swap3A_47, %swap3A_48], %swap3A_51 {strides = array<i32>} : memref<1x1x1024xf32, #tpu.memory_space<vmem>>, vector<1x1x1024xf32>,
    } else {
    }
    %gt3A = arith.constant 0 : i32
    %gt3A_42 = arith.cmpi sgt, %arg1, %gt3A : i32
    %convert_element_type3A_43 = arith.extui %gt3A_42 : i1 to i32
    %cond3A_44 = arith.constant 0 : i32
    %cond3A_45 = arith.cmpi ne, %convert_element_type3A_43, %cond3A_44 : i32
    scf.if %cond3A_45 {
      %get3A_46 = arith.constant 0 : index
      %get3A_47 = arith.constant 0 : index
      %get3A_48 = arith.constant 0 : index
      %get3A_49 = vector.load %arg8[%get3A_46, %get3A_47, %get3A_48] : memref<1x1x1024xf32, #tpu.memory_space<vmem>>, vector<1x1x1024xf32>
      %get3A_50 = vector.shape_cast %get3A_49 : vector<1x1x1024xf32> to vector<1x1024xf32>
      %max3A = arith.maximumf %get3A_50, %broadcast_in_dim3A_39 : vector<1x1024xf32>
      %swap3A_51 = arith.constant 0 : index
      %swap3A_52 = arith.constant 0 : index
      %swap3A_53 = arith.constant 0 : index
      %swap3A_54 = vector.load %arg8[%swap3A_51, %swap3A_52, %swap3A_53] : memref<1x1x1024xf32, #tpu.memory_space<vmem>>, vector<1x1x1024xf32>
      %swap3A_55 = vector.shape_cast %swap3A_54 : vector<1x1x1024xf32> to vector<1x1024xf32>
      %swap3A_56 = vector.shape_cast %max3A : vector<1x1024xf32> to vector<1x1x1024xf32>
      tpu.vector_store %arg8[%swap3A_51, %swap3A_52, %swap3A_53], %swap3A_56 {strides = array<i32>} : memref<1x1x1024xf32, #tpu.memory_space<vmem>>, vector<1x1x1024xf32>,
    } else {
    }
    return
  }
  func.func @transform_0(%arg0: i32, %arg1: i32) -> (i32, i32, i32) {
    %c0_i32 = arith.constant 0 : i32
    %c0_i32_0 = arith.constant 0 : i32
    return %arg0, %arg1, %c0_i32 : i32, i32, i32
  }
  func.func @transform_1(%arg0: i32, %arg1: i32) -> (i32, i32, i32) {
    %c0_i32 = arith.constant 0 : i32
    %c0_i32_0 = arith.constant 0 : i32
    return %arg0, %arg1, %c0_i32 : i32, i32, i32
  }
  func.func @transform_2(%arg0: i32, %arg1: i32) -> (i32, i32, i32) {
    %c0_i32 = arith.constant 0 : i32
    %c0_i32_0 = arith.constant 0 : i32
    return %arg0, %arg1, %c0_i32 : i32, i32, i32
  }
  func.func @transform_3(%arg0: i32, %arg1: i32) -> (i32, i32) {
    %c0_i32 = arith.constant 0 : i32
    %c0_i32_0 = arith.constant 0 : i32
    %c0_i32_1 = arith.constant 0 : i32
    return %c0_i32, %c0_i32_0 : i32, i32
  }
  func.func @transform_4(%arg0: i32, %arg1: i32) -> (i32, i32) {
    %c0_i32 = arith.constant 0 : i32
    %c0_i32_0 = arith.constant 0 : i32
    %c0_i32_1 = arith.constant 0 : i32
    return %c0_i32, %c0_i32_0 : i32, i32
  }
  func.func @transform_5(%arg0: i32, %arg1: i32) -> (i32, i32) {
    %c0_i32 = arith.constant 0 : i32
    %c0_i32_0 = arith.constant 0 : i32
    %c0_i32_1 = arith.constant 0 : i32
    return %c0_i32, %c0_i32_0 : i32, i32
  }
  func.func @transform_6(%arg0: i32, %arg1: i32) -> (i32, i32, i32) {
    %c0_i32 = arith.constant 0 : i32
    %c0_i32_0 = arith.constant 0 : i32
    %c0_i32_1 = arith.constant 0 : i32
    return %arg0, %c0_i32, %c0_i32_0 : i32, i32, i32
  }
  func.func @transform_7(%arg0: i32, %arg1: i32) -> (i32, i32, i32, i32) {
    %c0_i32 = arith.constant 0 : i32
    %c0_i32_0 = arith.constant 0 : i32
    %c0_i32_1 = arith.constant 0 : i32
    return %arg0, %arg1, %c0_i32, %c0_i32_0 : i32, i32, i32, i32
  }
}

module attributes {stable_mosaic.version = 14 : i64} {
  func.func @_useg_body(%arg0: memref<4x1024xf32, #tpu.memory_space<vmem>>, %arg1: memref<1x1024xf32, #tpu.memory_space<vmem>>, %arg2: memref<1x1024xf32, #tpu.memory_space<vmem>>, %arg3: memref<1024x512xf32, #tpu.memory_space<vmem>>, %arg4: memref<4x512xf32, #tpu.memory_space<vmem>>) attributes {dimension_semantics = [], scalar_prefetch = 0 : i64, scratch_operands = 0 : i64, tpu.core_type = #tpu.core_type<tc>} {
    %get3A = arith.constant 0 : index
    %get3A_0 = arith.constant 0 : index
    %get3A_1 = vector.load %arg0[%get3A, %get3A_0] : memref<4x1024xf32, #tpu.memory_space<vmem>>, vector<4x1024xf32>
    %get3A_2 = arith.constant 0 : index
    %get3A_3 = arith.constant 0 : index
    %get3A_4 = vector.load %arg1[%get3A_2, %get3A_3] : memref<1x1024xf32, #tpu.memory_space<vmem>>, vector<1x1024xf32>
    %sub3A = vector.broadcast %get3A_4 : vector<1x1024xf32> to vector<4x1024xf32>
    %sub3A_5 = arith.subf %get3A_1, %sub3A : vector<4x1024xf32>
    %get3A_6 = arith.constant 0 : index
    %get3A_7 = arith.constant 0 : index
    %get3A_8 = vector.load %arg2[%get3A_6, %get3A_7] : memref<1x1024xf32, #tpu.memory_space<vmem>>, vector<1x1024xf32>
    %mul3A = vector.broadcast %get3A_8 : vector<1x1024xf32> to vector<4x1024xf32>
    %mul3A_9 = arith.mulf %sub3A_5, %mul3A : vector<4x1024xf32>
    %max3A = arith.constant 0.000000e+00 : f32
    %max3A_10 = vector.broadcast %max3A : f32 to vector<4x1024xf32>
    %max3A_11 = arith.maximumf %mul3A_9, %max3A_10 : vector<4x1024xf32>
    %get3A_12 = arith.constant 0 : index
    %get3A_13 = arith.constant 0 : index
    %get3A_14 = vector.load %arg3[%get3A_12, %get3A_13] : memref<1024x512xf32, #tpu.memory_space<vmem>>, vector<1024x512xf32>
    %dot_general3A = arith.constant dense<0.000000e+00> : vector<4x512xf32>
    %dot_general3A_15 = tpu.matmul %max3A_11, %get3A_14, %dot_general3A {dimension_numbers = #tpu.dot_dimension_numbers<[1], [0], [0], [1], [0, 0, 1, 1], [], []>, transpose_lhs_hint = false} : vector<4x1024xf32>, vector<1024x512xf32>, vector<4x512xf32> -> vector<4x512xf32>
    %swap3A = arith.constant 0 : index
    %swap3A_16 = arith.constant 0 : index
    %swap3A_17 = vector.load %arg4[%swap3A, %swap3A_16] : memref<4x512xf32, #tpu.memory_space<vmem>>, vector<4x512xf32>
    tpu.vector_store %arg4[%swap3A, %swap3A_16], %dot_general3A_15 {strides = array<i32>} : memref<4x512xf32, #tpu.memory_space<vmem>>, vector<4x512xf32>,
    return
  }
}

module attributes {stable_mosaic.version = 14 : i64} {
  func.func @_s0_body(%arg0: i32, %arg1: i32, %arg2: memref<1x4096x128xf32, #tpu.memory_space<vmem>>, %arg3: memref<1x4096x128xf32, #tpu.memory_space<vmem>>, %arg4: memref<1x4096x128xf32, #tpu.memory_space<vmem>>, %arg5: memref<128x512xf32, #tpu.memory_space<vmem>>, %arg6: memref<128x512xf32, #tpu.memory_space<vmem>>, %arg7: memref<128x512xf32, #tpu.memory_space<vmem>>, %arg8: memref<1x1x512xf32, #tpu.memory_space<vmem>>, %arg9: memref<1x4096x512xf32, #tpu.memory_space<vmem>>, %arg10: memref<1x1x2x512xf32, #tpu.memory_space<vmem>>) attributes {dimension_semantics = [#tpu.dimension_semantics<arbitrary>, #tpu.dimension_semantics<arbitrary>], iteration_bounds = array<i64: 4, 1>, scalar_prefetch = 0 : i64, scratch_operands = 0 : i64, tpu.core_type = #tpu.core_type<tc>, window_params = [{transform_indices = @transform_0, window_bounds = array<i64: 1, 4096, 128>}, {transform_indices = @transform_1, window_bounds = array<i64: 1, 4096, 128>}, {transform_indices = @transform_2, window_bounds = array<i64: 1, 4096, 128>}, {pipeline_mode = #tpu.pipeline_mode<synchronous>, transform_indices = @transform_3, window_bounds = array<i64: 128, 512>}, {pipeline_mode = #tpu.pipeline_mode<synchronous>, transform_indices = @transform_4, window_bounds = array<i64: 128, 512>}, {pipeline_mode = #tpu.pipeline_mode<synchronous>, transform_indices = @transform_5, window_bounds = array<i64: 128, 512>}, {transform_indices = @transform_6, window_bounds = array<i64: 1, 1, 512>}, {transform_indices = @transform_7, window_bounds = array<i64: 1, 4096, 512>}, {transform_indices = @transform_8, window_bounds = array<i64: 1, 1, 2, 512>}]} {
    %get3A = arith.constant 0 : index
    %get3A_0 = arith.constant 0 : index
    %get3A_1 = arith.constant 0 : index
    %get3A_2 = vector.load %arg2[%get3A, %get3A_0, %get3A_1] : memref<1x4096x128xf32, #tpu.memory_space<vmem>>, vector<1x4096x128xf32>
    %get3A_3 = vector.shape_cast %get3A_2 : vector<1x4096x128xf32> to vector<4096x128xf32>
    %get3A_4 = arith.constant 0 : index
    %get3A_5 = arith.constant 0 : index
    %get3A_6 = vector.load %arg5[%get3A_4, %get3A_5] : memref<128x512xf32, #tpu.memory_space<vmem>>, vector<128x512xf32>
    %dot_general3A = arith.constant dense<0.000000e+00> : vector<4096x512xf32>
    %dot_general3A_7 = tpu.matmul %get3A_3, %get3A_6, %dot_general3A {dimension_numbers = #tpu.dot_dimension_numbers<[1], [0], [0], [1], [0, 0, 1, 1], [], []>, transpose_lhs_hint = false} : vector<4096x128xf32>, vector<128x512xf32>, vector<4096x512xf32> -> vector<4096x512xf32>
    %get3A_8 = arith.constant 0 : index
    %get3A_9 = arith.constant 0 : index
    %get3A_10 = arith.constant 0 : index
    %get3A_11 = vector.load %arg3[%get3A_8, %get3A_9, %get3A_10] : memref<1x4096x128xf32, #tpu.memory_space<vmem>>, vector<1x4096x128xf32>
    %get3A_12 = vector.shape_cast %get3A_11 : vector<1x4096x128xf32> to vector<4096x128xf32>
    %get3A_13 = arith.constant 0 : index
    %get3A_14 = arith.constant 0 : index
    %get3A_15 = vector.load %arg6[%get3A_13, %get3A_14] : memref<128x512xf32, #tpu.memory_space<vmem>>, vector<128x512xf32>
    %dot_general3A_16 = arith.constant dense<0.000000e+00> : vector<4096x512xf32>
    %dot_general3A_17 = tpu.matmul %get3A_12, %get3A_15, %dot_general3A_16 {dimension_numbers = #tpu.dot_dimension_numbers<[1], [0], [0], [1], [0, 0, 1, 1], [], []>, transpose_lhs_hint = false} : vector<4096x128xf32>, vector<128x512xf32>, vector<4096x512xf32> -> vector<4096x512xf32>
    %add3A = arith.addf %dot_general3A_7, %dot_general3A_17 : vector<4096x512xf32>
    %get3A_18 = arith.constant 0 : index
    %get3A_19 = arith.constant 0 : index
    %get3A_20 = arith.constant 0 : index
    %get3A_21 = vector.load %arg4[%get3A_18, %get3A_19, %get3A_20] : memref<1x4096x128xf32, #tpu.memory_space<vmem>>, vector<1x4096x128xf32>
    %get3A_22 = vector.shape_cast %get3A_21 : vector<1x4096x128xf32> to vector<4096x128xf32>
    %get3A_23 = arith.constant 0 : index
    %get3A_24 = arith.constant 0 : index
    %get3A_25 = vector.load %arg7[%get3A_23, %get3A_24] : memref<128x512xf32, #tpu.memory_space<vmem>>, vector<128x512xf32>
    %dot_general3A_26 = arith.constant dense<0.000000e+00> : vector<4096x512xf32>
    %dot_general3A_27 = tpu.matmul %get3A_22, %get3A_25, %dot_general3A_26 {dimension_numbers = #tpu.dot_dimension_numbers<[1], [0], [0], [1], [0, 0, 1, 1], [], []>, transpose_lhs_hint = false} : vector<4096x128xf32>, vector<128x512xf32>, vector<4096x512xf32> -> vector<4096x512xf32>
    %add3A_28 = arith.addf %add3A, %dot_general3A_27 : vector<4096x512xf32>
    %get3A_29 = arith.constant 0 : index
    %get3A_30 = arith.constant 0 : index
    %get3A_31 = arith.constant 0 : index
    %get3A_32 = vector.load %arg8[%get3A_29, %get3A_30, %get3A_31] : memref<1x1x512xf32, #tpu.memory_space<vmem>>, vector<1x1x512xf32>
    %get3A_33 = vector.shape_cast %get3A_32 : vector<1x1x512xf32> to vector<1x512xf32>
    %add3A_34 = vector.broadcast %get3A_33 : vector<1x512xf32> to vector<4096x512xf32>
    %add3A_35 = arith.addf %add3A_28, %add3A_34 : vector<4096x512xf32>
    %reduce_sum3A = arith.constant dense<0.000000e+00> : vector<512xf32>
    %reduce_sum3A_36 = vector.multi_reduction <add>, %add3A_35, %reduce_sum3A [0] : vector<4096x512xf32> to vector<512xf32>
    %broadcast_in_dim3A = vector.shape_cast %reduce_sum3A_36 : vector<512xf32> to vector<1x512xf32>
    %mul3A = arith.mulf %add3A_35, %add3A_35 : vector<4096x512xf32>
    %reduce_sum3A_37 = arith.constant dense<0.000000e+00> : vector<512xf32>
    %reduce_sum3A_38 = vector.multi_reduction <add>, %mul3A, %reduce_sum3A_37 [0] : vector<4096x512xf32> to vector<512xf32>
    %broadcast_in_dim3A_39 = vector.shape_cast %reduce_sum3A_38 : vector<512xf32> to vector<1x512xf32>
    %concatenate3A = tpu.concatenate %broadcast_in_dim3A, %broadcast_in_dim3A_39 in 0 : vector<1x512xf32>, vector<1x512xf32> -> vector<2x512xf32>
    %broadcast_in_dim3A_40 = vector.shape_cast %concatenate3A : vector<2x512xf32> to vector<1x1x2x512xf32>
    %swap3A = arith.constant 0 : index
    %swap3A_41 = arith.constant 0 : index
    %swap3A_42 = arith.constant 0 : index
    %swap3A_43 = arith.constant 0 : index
    %swap3A_44 = vector.load %arg10[%swap3A, %swap3A_41, %swap3A_42, %swap3A_43] : memref<1x1x2x512xf32, #tpu.memory_space<vmem>>, vector<1x1x2x512xf32>
    tpu.vector_store %arg10[%swap3A, %swap3A_41, %swap3A_42, %swap3A_43], %broadcast_in_dim3A_40 {strides = array<i32>} : memref<1x1x2x512xf32, #tpu.memory_space<vmem>>, vector<1x1x2x512xf32>,
    %swap3A_45 = arith.constant 0 : index
    %swap3A_46 = arith.constant 0 : index
    %swap3A_47 = arith.constant 0 : index
    %swap3A_48 = vector.load %arg9[%swap3A_45, %swap3A_46, %swap3A_47] : memref<1x4096x512xf32, #tpu.memory_space<vmem>>, vector<1x4096x512xf32>
    %swap3A_49 = vector.shape_cast %swap3A_48 : vector<1x4096x512xf32> to vector<4096x512xf32>
    %swap3A_50 = vector.shape_cast %add3A_35 : vector<4096x512xf32> to vector<1x4096x512xf32>
    tpu.vector_store %arg9[%swap3A_45, %swap3A_46, %swap3A_47], %swap3A_50 {strides = array<i32>} : memref<1x4096x512xf32, #tpu.memory_space<vmem>>, vector<1x4096x512xf32>,
    return
  }
  func.func @transform_0(%arg0: i32, %arg1: i32) -> (i32, i32, i32) {
    %c0_i32 = arith.constant 0 : i32
    %c0_i32_0 = arith.constant 0 : i32
    return %arg0, %arg1, %c0_i32 : i32, i32, i32
  }
  func.func @transform_1(%arg0: i32, %arg1: i32) -> (i32, i32, i32) {
    %c0_i32 = arith.constant 0 : i32
    %c0_i32_0 = arith.constant 0 : i32
    return %arg0, %arg1, %c0_i32 : i32, i32, i32
  }
  func.func @transform_2(%arg0: i32, %arg1: i32) -> (i32, i32, i32) {
    %c0_i32 = arith.constant 0 : i32
    %c0_i32_0 = arith.constant 0 : i32
    return %arg0, %arg1, %c0_i32 : i32, i32, i32
  }
  func.func @transform_3(%arg0: i32, %arg1: i32) -> (i32, i32) {
    %c0_i32 = arith.constant 0 : i32
    %c0_i32_0 = arith.constant 0 : i32
    %c0_i32_1 = arith.constant 0 : i32
    return %c0_i32, %c0_i32_0 : i32, i32
  }
  func.func @transform_4(%arg0: i32, %arg1: i32) -> (i32, i32) {
    %c0_i32 = arith.constant 0 : i32
    %c0_i32_0 = arith.constant 0 : i32
    %c0_i32_1 = arith.constant 0 : i32
    return %c0_i32, %c0_i32_0 : i32, i32
  }
  func.func @transform_5(%arg0: i32, %arg1: i32) -> (i32, i32) {
    %c0_i32 = arith.constant 0 : i32
    %c0_i32_0 = arith.constant 0 : i32
    %c0_i32_1 = arith.constant 0 : i32
    return %c0_i32, %c0_i32_0 : i32, i32
  }
  func.func @transform_6(%arg0: i32, %arg1: i32) -> (i32, i32, i32) {
    %c0_i32 = arith.constant 0 : i32
    %c0_i32_0 = arith.constant 0 : i32
    %c0_i32_1 = arith.constant 0 : i32
    return %arg0, %c0_i32, %c0_i32_0 : i32, i32, i32
  }
  func.func @transform_7(%arg0: i32, %arg1: i32) -> (i32, i32, i32) {
    %c0_i32 = arith.constant 0 : i32
    %c0_i32_0 = arith.constant 0 : i32
    return %arg0, %arg1, %c0_i32 : i32, i32, i32
  }
  func.func @transform_8(%arg0: i32, %arg1: i32) -> (i32, i32, i32, i32) {
    %c0_i32 = arith.constant 0 : i32
    %c0_i32_0 = arith.constant 0 : i32
    %c0_i32_1 = arith.constant 0 : i32
    return %arg0, %arg1, %c0_i32, %c0_i32_0 : i32, i32, i32, i32
  }
}

module attributes {stable_mosaic.version = 14 : i64} {
  func.func @_s1_body(%arg0: i32, %arg1: i32, %arg2: memref<1x4096x512xf32, #tpu.memory_space<vmem>>, %arg3: memref<1x512xf32, #tpu.memory_space<vmem>>, %arg4: memref<1x512xf32, #tpu.memory_space<vmem>>, %arg5: memref<512x256xf32, #tpu.memory_space<vmem>>, %arg6: memref<1x4096x256xf32, #tpu.memory_space<vmem>>, %arg7: memref<1x1x2x256xf32, #tpu.memory_space<vmem>>) attributes {dimension_semantics = [#tpu.dimension_semantics<arbitrary>, #tpu.dimension_semantics<arbitrary>], iteration_bounds = array<i64: 4, 1>, scalar_prefetch = 0 : i64, scratch_operands = 0 : i64, tpu.core_type = #tpu.core_type<tc>, window_params = [{transform_indices = @transform_0, window_bounds = array<i64: 1, 4096, 512>}, {pipeline_mode = #tpu.pipeline_mode<synchronous>, transform_indices = @transform_1, window_bounds = array<i64: 1, 512>}, {pipeline_mode = #tpu.pipeline_mode<synchronous>, transform_indices = @transform_2, window_bounds = array<i64: 1, 512>}, {pipeline_mode = #tpu.pipeline_mode<synchronous>, transform_indices = @transform_3, window_bounds = array<i64: 512, 256>}, {transform_indices = @transform_4, window_bounds = array<i64: 1, 4096, 256>}, {transform_indices = @transform_5, window_bounds = array<i64: 1, 1, 2, 256>}]} {
    %get3A = arith.constant 0 : index
    %get3A_0 = arith.constant 0 : index
    %get3A_1 = arith.constant 0 : index
    %get3A_2 = vector.load %arg2[%get3A, %get3A_0, %get3A_1] : memref<1x4096x512xf32, #tpu.memory_space<vmem>>, vector<1x4096x512xf32>
    %get3A_3 = vector.shape_cast %get3A_2 : vector<1x4096x512xf32> to vector<4096x512xf32>
    %get3A_4 = arith.constant 0 : index
    %get3A_5 = arith.constant 0 : index
    %get3A_6 = vector.load %arg3[%get3A_4, %get3A_5] : memref<1x512xf32, #tpu.memory_space<vmem>>, vector<1x512xf32>
    %sub3A = vector.broadcast %get3A_6 : vector<1x512xf32> to vector<4096x512xf32>
    %sub3A_7 = arith.subf %get3A_3, %sub3A : vector<4096x512xf32>
    %get3A_8 = arith.constant 0 : index
    %get3A_9 = arith.constant 0 : index
    %get3A_10 = vector.load %arg4[%get3A_8, %get3A_9] : memref<1x512xf32, #tpu.memory_space<vmem>>, vector<1x512xf32>
    %mul3A = vector.broadcast %get3A_10 : vector<1x512xf32> to vector<4096x512xf32>
    %mul3A_11 = arith.mulf %sub3A_7, %mul3A : vector<4096x512xf32>
    %max3A = arith.constant 0.000000e+00 : f32
    %max3A_12 = vector.broadcast %max3A : f32 to vector<4096x512xf32>
    %max3A_13 = arith.maximumf %mul3A_11, %max3A_12 : vector<4096x512xf32>
    %get3A_14 = arith.constant 0 : index
    %get3A_15 = arith.constant 0 : index
    %get3A_16 = vector.load %arg5[%get3A_14, %get3A_15] : memref<512x256xf32, #tpu.memory_space<vmem>>, vector<512x256xf32>
    %dot_general3A = arith.constant dense<0.000000e+00> : vector<4096x256xf32>
    %dot_general3A_17 = tpu.matmul %max3A_13, %get3A_16, %dot_general3A {dimension_numbers = #tpu.dot_dimension_numbers<[1], [0], [0], [1], [0, 0, 1, 1], [], []>, transpose_lhs_hint = false} : vector<4096x512xf32>, vector<512x256xf32>, vector<4096x256xf32> -> vector<4096x256xf32>
    %reduce_sum3A = arith.constant dense<0.000000e+00> : vector<256xf32>
    %reduce_sum3A_18 = vector.multi_reduction <add>, %dot_general3A_17, %reduce_sum3A [0] : vector<4096x256xf32> to vector<256xf32>
    %broadcast_in_dim3A = vector.shape_cast %reduce_sum3A_18 : vector<256xf32> to vector<1x256xf32>
    %mul3A_19 = arith.mulf %dot_general3A_17, %dot_general3A_17 : vector<4096x256xf32>
    %reduce_sum3A_20 = arith.constant dense<0.000000e+00> : vector<256xf32>
    %reduce_sum3A_21 = vector.multi_reduction <add>, %mul3A_19, %reduce_sum3A_20 [0] : vector<4096x256xf32> to vector<256xf32>
    %broadcast_in_dim3A_22 = vector.shape_cast %reduce_sum3A_21 : vector<256xf32> to vector<1x256xf32>
    %concatenate3A = tpu.concatenate %broadcast_in_dim3A, %broadcast_in_dim3A_22 in 0 : vector<1x256xf32>, vector<1x256xf32> -> vector<2x256xf32>
    %broadcast_in_dim3A_23 = vector.shape_cast %concatenate3A : vector<2x256xf32> to vector<1x1x2x256xf32>
    %swap3A = arith.constant 0 : index
    %swap3A_24 = arith.constant 0 : index
    %swap3A_25 = arith.constant 0 : index
    %swap3A_26 = arith.constant 0 : index
    %swap3A_27 = vector.load %arg7[%swap3A, %swap3A_24, %swap3A_25, %swap3A_26] : memref<1x1x2x256xf32, #tpu.memory_space<vmem>>, vector<1x1x2x256xf32>
    tpu.vector_store %arg7[%swap3A, %swap3A_24, %swap3A_25, %swap3A_26], %broadcast_in_dim3A_23 {strides = array<i32>} : memref<1x1x2x256xf32, #tpu.memory_space<vmem>>, vector<1x1x2x256xf32>,
    %swap3A_28 = arith.constant 0 : index
    %swap3A_29 = arith.constant 0 : index
    %swap3A_30 = arith.constant 0 : index
    %swap3A_31 = vector.load %arg6[%swap3A_28, %swap3A_29, %swap3A_30] : memref<1x4096x256xf32, #tpu.memory_space<vmem>>, vector<1x4096x256xf32>
    %swap3A_32 = vector.shape_cast %swap3A_31 : vector<1x4096x256xf32> to vector<4096x256xf32>
    %swap3A_33 = vector.shape_cast %dot_general3A_17 : vector<4096x256xf32> to vector<1x4096x256xf32>
    tpu.vector_store %arg6[%swap3A_28, %swap3A_29, %swap3A_30], %swap3A_33 {strides = array<i32>} : memref<1x4096x256xf32, #tpu.memory_space<vmem>>, vector<1x4096x256xf32>,
    return
  }
  func.func @transform_0(%arg0: i32, %arg1: i32) -> (i32, i32, i32) {
    %c0_i32 = arith.constant 0 : i32
    %c0_i32_0 = arith.constant 0 : i32
    return %arg0, %arg1, %c0_i32 : i32, i32, i32
  }
  func.func @transform_1(%arg0: i32, %arg1: i32) -> (i32, i32) {
    %c0_i32 = arith.constant 0 : i32
    %c0_i32_0 = arith.constant 0 : i32
    %c0_i32_1 = arith.constant 0 : i32
    return %c0_i32, %c0_i32_0 : i32, i32
  }
  func.func @transform_2(%arg0: i32, %arg1: i32) -> (i32, i32) {
    %c0_i32 = arith.constant 0 : i32
    %c0_i32_0 = arith.constant 0 : i32
    %c0_i32_1 = arith.constant 0 : i32
    return %c0_i32, %c0_i32_0 : i32, i32
  }
  func.func @transform_3(%arg0: i32, %arg1: i32) -> (i32, i32) {
    %c0_i32 = arith.constant 0 : i32
    %c0_i32_0 = arith.constant 0 : i32
    %c0_i32_1 = arith.constant 0 : i32
    return %c0_i32, %c0_i32_0 : i32, i32
  }
  func.func @transform_4(%arg0: i32, %arg1: i32) -> (i32, i32, i32) {
    %c0_i32 = arith.constant 0 : i32
    %c0_i32_0 = arith.constant 0 : i32
    return %arg0, %arg1, %c0_i32 : i32, i32, i32
  }
  func.func @transform_5(%arg0: i32, %arg1: i32) -> (i32, i32, i32, i32) {
    %c0_i32 = arith.constant 0 : i32
    %c0_i32_0 = arith.constant 0 : i32
    %c0_i32_1 = arith.constant 0 : i32
    return %arg0, %arg1, %c0_i32, %c0_i32_0 : i32, i32, i32, i32
  }
}

module attributes {stable_mosaic.version = 14 : i64} {
  func.func @_s2_body(%arg0: i32, %arg1: i32, %arg2: memref<1x4096x256xf32, #tpu.memory_space<vmem>>, %arg3: memref<1x256xf32, #tpu.memory_space<vmem>>, %arg4: memref<1x256xf32, #tpu.memory_space<vmem>>, %arg5: memref<256x128xf32, #tpu.memory_space<vmem>>, %arg6: memref<1x128xf32, #tpu.memory_space<vmem>>, %arg7: memref<1x4096x128xf32, #tpu.memory_space<vmem>>) attributes {dimension_semantics = [#tpu.dimension_semantics<arbitrary>, #tpu.dimension_semantics<arbitrary>], iteration_bounds = array<i64: 4, 1>, scalar_prefetch = 0 : i64, scratch_operands = 0 : i64, tpu.core_type = #tpu.core_type<tc>, window_params = [{transform_indices = @transform_0, window_bounds = array<i64: 1, 4096, 256>}, {pipeline_mode = #tpu.pipeline_mode<synchronous>, transform_indices = @transform_1, window_bounds = array<i64: 1, 256>}, {pipeline_mode = #tpu.pipeline_mode<synchronous>, transform_indices = @transform_2, window_bounds = array<i64: 1, 256>}, {pipeline_mode = #tpu.pipeline_mode<synchronous>, transform_indices = @transform_3, window_bounds = array<i64: 256, 128>}, {pipeline_mode = #tpu.pipeline_mode<synchronous>, transform_indices = @transform_4, window_bounds = array<i64: 1, 128>}, {transform_indices = @transform_5, window_bounds = array<i64: 1, 4096, 128>}]} {
    %get3A = arith.constant 0 : index
    %get3A_0 = arith.constant 0 : index
    %get3A_1 = arith.constant 0 : index
    %get3A_2 = vector.load %arg2[%get3A, %get3A_0, %get3A_1] : memref<1x4096x256xf32, #tpu.memory_space<vmem>>, vector<1x4096x256xf32>
    %get3A_3 = vector.shape_cast %get3A_2 : vector<1x4096x256xf32> to vector<4096x256xf32>
    %get3A_4 = arith.constant 0 : index
    %get3A_5 = arith.constant 0 : index
    %get3A_6 = vector.load %arg3[%get3A_4, %get3A_5] : memref<1x256xf32, #tpu.memory_space<vmem>>, vector<1x256xf32>
    %sub3A = vector.broadcast %get3A_6 : vector<1x256xf32> to vector<4096x256xf32>
    %sub3A_7 = arith.subf %get3A_3, %sub3A : vector<4096x256xf32>
    %get3A_8 = arith.constant 0 : index
    %get3A_9 = arith.constant 0 : index
    %get3A_10 = vector.load %arg4[%get3A_8, %get3A_9] : memref<1x256xf32, #tpu.memory_space<vmem>>, vector<1x256xf32>
    %mul3A = vector.broadcast %get3A_10 : vector<1x256xf32> to vector<4096x256xf32>
    %mul3A_11 = arith.mulf %sub3A_7, %mul3A : vector<4096x256xf32>
    %max3A = arith.constant 0.000000e+00 : f32
    %max3A_12 = vector.broadcast %max3A : f32 to vector<4096x256xf32>
    %max3A_13 = arith.maximumf %mul3A_11, %max3A_12 : vector<4096x256xf32>
    %get3A_14 = arith.constant 0 : index
    %get3A_15 = arith.constant 0 : index
    %get3A_16 = vector.load %arg5[%get3A_14, %get3A_15] : memref<256x128xf32, #tpu.memory_space<vmem>>, vector<256x128xf32>
    %dot_general3A = arith.constant dense<0.000000e+00> : vector<4096x128xf32>
    %dot_general3A_17 = tpu.matmul %max3A_13, %get3A_16, %dot_general3A {dimension_numbers = #tpu.dot_dimension_numbers<[1], [0], [0], [1], [0, 0, 1, 1], [], []>, transpose_lhs_hint = false} : vector<4096x256xf32>, vector<256x128xf32>, vector<4096x128xf32> -> vector<4096x128xf32>
    %get3A_18 = arith.constant 0 : index
    %get3A_19 = arith.constant 0 : index
    %get3A_20 = vector.load %arg6[%get3A_18, %get3A_19] : memref<1x128xf32, #tpu.memory_space<vmem>>, vector<1x128xf32>
    %add3A = vector.broadcast %get3A_20 : vector<1x128xf32> to vector<4096x128xf32>
    %add3A_21 = arith.addf %dot_general3A_17, %add3A : vector<4096x128xf32>
    %swap3A = arith.constant 0 : index
    %swap3A_22 = arith.constant 0 : index
    %swap3A_23 = arith.constant 0 : index
    %swap3A_24 = vector.load %arg7[%swap3A, %swap3A_22, %swap3A_23] : memref<1x4096x128xf32, #tpu.memory_space<vmem>>, vector<1x4096x128xf32>
    %swap3A_25 = vector.shape_cast %swap3A_24 : vector<1x4096x128xf32> to vector<4096x128xf32>
    %swap3A_26 = vector.shape_cast %add3A_21 : vector<4096x128xf32> to vector<1x4096x128xf32>
    tpu.vector_store %arg7[%swap3A, %swap3A_22, %swap3A_23], %swap3A_26 {strides = array<i32>} : memref<1x4096x128xf32, #tpu.memory_space<vmem>>, vector<1x4096x128xf32>,
    return
  }
  func.func @transform_0(%arg0: i32, %arg1: i32) -> (i32, i32, i32) {
    %c0_i32 = arith.constant 0 : i32
    %c0_i32_0 = arith.constant 0 : i32
    return %arg0, %arg1, %c0_i32 : i32, i32, i32
  }
  func.func @transform_1(%arg0: i32, %arg1: i32) -> (i32, i32) {
    %c0_i32 = arith.constant 0 : i32
    %c0_i32_0 = arith.constant 0 : i32
    %c0_i32_1 = arith.constant 0 : i32
    return %c0_i32, %c0_i32_0 : i32, i32
  }
  func.func @transform_2(%arg0: i32, %arg1: i32) -> (i32, i32) {
    %c0_i32 = arith.constant 0 : i32
    %c0_i32_0 = arith.constant 0 : i32
    %c0_i32_1 = arith.constant 0 : i32
    return %c0_i32, %c0_i32_0 : i32, i32
  }
  func.func @transform_3(%arg0: i32, %arg1: i32) -> (i32, i32) {
    %c0_i32 = arith.constant 0 : i32
    %c0_i32_0 = arith.constant 0 : i32
    %c0_i32_1 = arith.constant 0 : i32
    return %c0_i32, %c0_i32_0 : i32, i32
  }
  func.func @transform_4(%arg0: i32, %arg1: i32) -> (i32, i32) {
    %c0_i32 = arith.constant 0 : i32
    %c0_i32_0 = arith.constant 0 : i32
    %c0_i32_1 = arith.constant 0 : i32
    return %c0_i32, %c0_i32_0 : i32, i32
  }
  func.func @transform_5(%arg0: i32, %arg1: i32) -> (i32, i32, i32) {
    %c0_i32 = arith.constant 0 : i32
    %c0_i32_0 = arith.constant 0 : i32
    return %arg0, %arg1, %c0_i32 : i32, i32, i32
  }
}

</mosaic_0001>

<sc_bundles>
// kernel: kernel.28.cloned.1.call-start
scs
__scs_entry_jumppad:
0x0: {  	(pc) =	sbr.rel $0x88, $3  }
0x1: {  	(tag) =	ssettag $0x0;
	lr =	simm.s32 $0x1  }
0x2: {  	[smem:$0x3F94] =	sst lr;
	_ =	strace $0xD0000000  }
0x3: {  	_ = 	snop  }
0x4: {  	_ = 	snop  }
0x5: {  	_ = 	snop  }
0x6: {  	_ = 	snop  }
0x7: {  	_ = 	snop  }
__scs_overlays_trampoline_lowered:
0x8: {  	[smem:$0x3FA3] =	sst s0  }
0x9: {  	[smem:$0x3FA4] =	sst s1  }
0xa: {  	[smem:$0x3FA5] =	sst s2  }
0xb: {  	[smem:$0x3FA6] =	sst s3  }
0xc: {  	[smem:$0x3FA7] =	sst s4  }
0xd: {  	[smem:$0x3FA8] =	sst s5  }
0xe: {  	[smem:$0x3FA9] =	sst s6  }
0xf: {  	[smem:$0x3FAA] =	sst s7  }
0x10: {  	[smem:$0x3FAB] =	sst s8  }
0x11: {  	[smem:$0x3FAC] =	sst s9;
	s0 =	simm.s32 @!p0 $0x0  }
0x12: {  	s1 =	sld [smem:$0x3F92];
	s0 =	simm.s32 @p0 $0x1  }
0x13: {  	[smem:$0x3FAD] =	sst s0;
	s0 =	simm.s32 @!p1 $0x0  }
0x14: {  	s2 =	sld [smem:$0x3F91];
	s0 =	simm.s32 @p1 $0x1  }
0x15: {  	[smem:$0x3FAE] =	sst s0;
	s0 =	simm.s32 @!p2 $0x0  }
0x16: {  	s3 =	sld [smem:$0x3FDB];
	s0 =	simm.s32 @p2 $0x1  }
0x17: {  	s4 =	simm.s32 $0x1BF5;
	[smem:$0x3FB0] =	sst s0  }
0x18: {  	s0 =	sld [smem:$0x3F93];
	_ =	swait.ge [sflag:s4], $0x0  }
0x19: {  	s7 =	sld [smem:$0x3F94]  }
0x1a: {  	s8 =	sadd.s32 $0xFFFFE003, lr  }
0x1b: {  	s9 =	sadd.s32 $0xFFFFFEF7, lr;
	s5 =	simm.s32 $0xFFFFFFFF;
	p2 =	slt.u32 s8, $0xFFFFF086  }
0x1c: {  	p1 =	slt.u32 s9, $0xF7A;
	s5 =	simm.s32 @!p2 $0x0  }
0x1d: {  	s5 =	simm.s32 @p1 $0x1;
	p0 =	seq.s32 s7, s2  }
0x1e: {  	s7 =	smul.u32 @!p0 $0xF7A, s2;
	p2 =	seq.s32 @!p0 s5, $0x0  }
0x1f: {  	s9 =	smul.u32 $0xF7A, s1;
	s8 =	simm.s32 @!p0 $0x1BF5;
	p2 =	por !p2, p0  }
0x20: {  	[sflag:s8] =	ssyncset.s32 @!p0 $0xFFFFF086;
	s6 =	sadd.s32 @!p0 s3, s7;
	s7 =	simm.s32 @!p0 $0x108  }
0x21: {  	s3 =	sadd.s32 s3, s9;
	s6 =	sadd.s32 @!p0 $0x88, s6;
	s7 =	simm.s32 @p2 $0x1082  }
0x22: {  	[simem:s7], [sflag:s8] =	dma.local @!p0 [hbm:s6], $0xF7A  }
0x23: {  	s9 =	sor.u32 $0xD0000000, s2;
	s6 =	simm.s32 $0x108;
	_ =	swait.ge @!p0 [sflag:s8], $0x0  }
0x24: {  	s3 =	sadd.s32 $0x88, s3;
	s6 =	simm.s32 @!p1 $0x1082;
	[sflag:s4] =	ssyncset.s32 $0xFFFFF086  }
0x25: {  	[simem:s6], [sflag:s4] =	dma.local [hbm:s3], $0xF7A  }
0x26: {  	[smem:$0x3F94] =	sst s1;
	(tag) =	ssettag s2;
	_ =	strace s9  }
0x27: {  	s1 =	sld [smem:$0x3FA4]  }
0x28: {  	s2 =	sld [smem:$0x3FA5]  }
0x29: {  	s4 =	sld [smem:$0x3FA7]  }
0x2a: {  	p0 =	seq.s32 s5, $0x0;
	s5 =	sld [smem:$0x3FA8]  }
0x2b: {  	s6 =	sld [smem:$0x3FA9]  }
0x2c: {  	s7 =	sld [smem:$0x3FAA]  }
0x2d: {  	s3 =	simm.s32 $0x108;
	s8 =	sld [smem:$0x3FAB]  }
0x2e: {  	s3 =	simm.s32 @!p0 $0x1082;
	s9 =	sld [smem:$0x3FAC]  }
0x2f: {  	lr =	sadd.s32 s0, s3;
	s0 =	sld [smem:$0x3FA3]  }
0x30: {  	s3 =	sld [smem:$0x3FA6]  }
0x31: {  	[smem:$0x3FAF] =	sst s10  }
0x32: {  	s10 =	sld [smem:$0x3FAD];
	_ =	sdelay $0x3  }
0x33: {  	p0 =	seq.s32 s10, $0x1;
	s10 =	sld [smem:$0x3FAF];
	_ =	sdelay $0x3  }
0x34: {  	[smem:$0x3FAF] =	sst s10  }
0x35: {  	s10 =	sld [smem:$0x3FAE];
	_ =	sdelay $0x3  }
0x36: {  	p1 =	seq.s32 s10, $0x1;
	s10 =	sld [smem:$0x3FAF];
	_ =	sdelay $0x3  }
0x37: {  	[smem:$0x3FAF] =	sst s10  }
0x38: {  	s10 =	sld [smem:$0x3FB0]  }
0x39: {  	_ = 	snop;
	(pc) =	sbr.ind lr, $3  }
0x3a: {  	_ = 	snop  }
0x3b: {  	_ = 	snop  }
0x3c: {  	p2 =	seq.s32 s10, $0x1;
	s10 =	sld [smem:$0x3FAF]  }
0x3d: {  	_ =	shalt  }
0x3e: {  	_ =	shalt  }
0x3f: {  	_ =	shalt  }
0x40: {  	_ =	shalt  }
0x41: {  	_ =	shalt  }
0x42: {  	_ =	shalt  }
0x43: {  	_ =	shalt  }
0x44: {  	_ =	shalt  }
0x45: {  	_ =	shalt  }
0x46: {  	_ =	shalt  }
0x47: {  	_ =	shalt  }
0x48: {  	_ =	shalt  }
0x49: {  	_ =	shalt  }
0x4a: {  	_ =	shalt  }
0x4b: {  	_ =	shalt  }
0x4c: {  	_ =	shalt  }
0x4d: {  	_ =	shalt  }
0x4e: {  	_ =	shalt  }
0x4f: {  	_ =	shalt  }
0x50: {  	_ =	shalt  }
0x51: {  	_ =	shalt  }
0x52: {  	_ =	shalt  }
0x53: {  	_ =	shalt  }
0x54: {  	_ =	shalt  }
0x55: {  	_ =	shalt  }
0x56: {  	_ =	shalt  }
0x57: {  	_ =	shalt  }
0x58: {  	_ =	shalt  }
0x59: {  	_ =	shalt  }
0x5a: {  	_ =	shalt  }
0x5b: {  	_ =	shalt  }
0x5c: {  	_ =	shalt  }
0x5d: {  	_ =	shalt  }
0x5e: {  	_ =	shalt  }
0x5f: {  	_ =	shalt  }
0x60: {  	_ =	shalt  }
0x61: {  	_ =	shalt  }
0x62: {  	_ =	shalt  }
0x63: {  	_ =	shalt  }
0x64: {  	_ =	shalt  }
0x65: {  	_ =	shalt  }
0x66: {  	_ =	shalt  }
0x67: {  	_ =	shalt  }
0x68: {  	_ =	shalt  }
0x69: {  	_ =	shalt  }
0x6a: {  	_ =	shalt  }
0x6b: {  	_ =	shalt  }
0x6c: {  	_ =	shalt  }
0x6d: {  	_ =	shalt  }
0x6e: {  	_ =	shalt  }
0x6f: {  	_ =	shalt  }
0x70: {  	_ =	shalt  }
0x71: {  	_ =	shalt  }
0x72: {  	_ =	shalt  }
0x73: {  	_ =	shalt  }
0x74: {  	_ =	shalt  }
0x75: {  	_ =	shalt  }
0x76: {  	_ =	shalt  }
0x77: {  	_ =	shalt  }
0x78: {  	_ =	shalt  }
0x79: {  	_ =	shalt  }
0x7a: {  	_ =	shalt  }
0x7b: {  	_ =	shalt  }
0x7c: {  	_ =	shalt  }
0x7d: {  	_ =	shalt  }
0x7e: {  	_ =	shalt  }
0x7f: {  	_ =	shalt  }
0x80: {  	_ =	shalt  }
0x81: {  	_ =	shalt  }
0x82: {  	_ =	shalt  }
0x83: {  	_ =	shalt  }
0x84: {  	_ =	shalt  }
0x85: {  	_ =	shalt  }
0x86: {  	_ =	shalt  }
0x87: {  	_ =	shalt  }
.Lfunc_end0:
.L_simem_size_0:
called_computation_lowered:
.L_overlay_start_0:
0x88: {  	s2 =	sld [smem:$0x3FD9]  }
0x89: {  	s3 =	sld [smem:$0x3FFE];
	_ =	sdelay $0x1  }
0x8a: {  	s1 =	srdreg.scid  }
0x8b: {  	s0 =	sand.u32 $0x1, s1  }
0x8c: {  	s17 =	sshll.u32 s0, $0xA;
	s2 =	sadd.s32 s3, s2  }
0x8d: {  	s2 =	sadd.s32 s2, s17  }
0x8e: {  	[smem:$0x3FBB] =	sst s2  }
0x8f: {  	_ = 	snop  }
0x90: {  	s18 =	sld [smem:$0x3FD0];
	(tm) =	ssettm $0x1  }
0x91: {  	s19 =	sld [smem:$0x3FFB];
	_ =	sdelay $0x3  }
0x92: {  	_ =	strace s19  }
0x93: {  	s2 =	sld [smem:$0x3FFC];
	_ =	sdelay $0x3  }
0x94: {  	_ =	strace s2  }
0x95: {  	s2 =	sld [smem:$0x3FFD];
	_ =	sdelay $0x3  }
0x96: {  	_ =	strace s2  }
0x97: {  	_ =	strace $0x8FFFFFFF  }
0x98: {  	s20 =	sld [smem:$0x3FDB];
	_ =	sdelay $0x1  }
0x99: {  	s4 =	simm.s32 $_scs_section_size  }
0x9a: {  	s5 =	simm.s32 $_size__tile_overlayer_lowered;
	s6 =	simm.s32 $_tile_overlayer_lowered  }
0x9b: {  	s7 =	simm.s32 $0x1BFF;
	s21 =	sshll.u32 s6, $0x1;
	s4 =	sadd.s32 s4, s20  }
0x9c: {  	s22 =	simm.s32 $0x0;
	s5 =	sshll.u32 s5, $0x1;
	s6 =	sadd.s32 s21, s4  }
0x9d: {  	[timem:s22], [sflag:s7] =	dma.local [hbm:s6], s5  }
0x9e: {  	_ =	swait.ge [sflag:s7], s5  }
0x9f: {  	s5 =	ssub.s32 $0x0, s5;
	[sflag:s7] =	ssyncset.done $0x0  }
0xa0: {  	[sflag:s7] =	ssyncadd.s32 s5;
	_ =	sdelay $0x1  }
0xa1: {  	s23 =	simm.s32 $0x1B8B  }
0xa2: {  	_ =	swait.ge [sflag:s23], $0x1  }
0xa3: {  	[sflag:s23] =	ssyncset.done $0x0  }
0xa4: {  	[sflag:s23] =	ssyncadd.s32 $0xFFFFFFFF  }
0xa5: {  	s5 =	sld [smem:$0x0]  }
0xa6: {  	s6 =	sand.u32 $0xFFFFFFFE, s1  }
0xa7: {  	p0 =	sne.s32 s1, s6  }
0xa8: {  	s6 =	sshll.u32 @p0 s6, $0xE  }
0xa9: {  	s6 =	sadd.s32 @p0 $0x11B8D, s6;
	s7 =	sshll.u32 @p0 s5, $0x11  }
0xaa: {  	s6 =	sor.u32 @p0 s7, s6  }
0xab: {  	[sflag:s6] =	ssyncadd.remote.s32 @p0 $0x1;
	_ =	sdelay $0x1  }
0xac: {  	s6 =	simm.s32 @p0 $0x1B8D  }
0xad: {  	_ =	swait.eq @p0 [sflag:s6], $0x1  }
0xae: {  	[sflag:s6] =	ssyncadd.s32 @p0 $0xFFFFFFFF  }
0xaf: {  	s7 =	sshll.u32 @!p0 s1, $0xE  }
0xb0: {  	s7 =	sor.u32 @!p0 $0x4000, s7;
	s6 =	simm.s32 @!p0 $0x1B8D  }
0xb1: {  	s5 =	sshll.u32 @!p0 s5, $0x11;
	s7 =	sadd.s32 @!p0 $0x11B8D, s7;
	_ =	swait.eq @!p0 [sflag:s6], $0x1  }
0xb2: {  	s5 =	sor.u32 @!p0 s5, s7;
	[sflag:s6] =	ssyncadd.s32 @!p0 $0xFFFFFFFF  }
0xb3: {  	s25 =	simm.s32 $0x1B8E;
	s24 =	sld [smem:$0x3FFE];
	[sflag:s5] =	ssyncadd.remote.s32 @!p0 $0x1  }
0xb4: {  	s26 =	simm.s32 $execute0_lowered;
	[smem:$0x3FD2] =	sst s25  }
0xb5: {  	s6 =	sshll.u32 s26, $0x1;
	_ =	strace $0x80000049;
	[dreg:$0x1] =	wrdreg $0xFFFFFFFF  }
0xb6: {  	s28 =	simm.s32 $_size_execute0_lowered;
	s4 =	sadd.s32 s4, s6;
	[dreg:$0x0] =	wrdreg $0x0  }
0xb7: {  	s6 =	sshll.u32 s28, $0x1;
	[dreg:$0x2] =	wrdreg s4  }
0xb8: {  	[dreg:$0x3] =	wrdreg s6  }
0xb9: {  	[dreg:$0x4] =	wrdreg $0xC0  }
0xba: {  	_ =	task [dreg:s22], $0x5FFFF  }
0xbb: {  	[dreg:$0x1] =	wrdreg $0xFFFFFFFF  }
0xbc: {  	[dreg:$0x0] =	wrdreg $0x60  }
0xbd: {  	[dreg:$0x2] =	wrdreg s24  }
0xbe: {  	[dreg:$0x3] =	wrdreg s18  }
0xbf: {  	[dreg:$0x4] =	wrdreg $0x9  }
0xc0: {  	_ =	task.clear_ibuf [dreg:s22], $0x5FFFF;
	_ =	strace $0x90000049  }
0xc1: {  	s29 =	simm.s32 $0x9;
	_ =	strace $0x8000004B  }
0xc2: {  	_ =	swait.ge [sflag:s29], $0x1  }
0xc3: {  	[sflag:s29] =	ssyncadd.s32 $0xFFFFFFFF  }
0xc4: {  	_ =	strace $0x9000004B  }
0xc5: {  	_ =	sfence  }
0xc6: {  	s30 =	sld [smem:$0x0];
	_ =	sdelay $0x2  }
0xc7: {  	s31 =	sshll.u32 s1, $0xD;
	s1 =	sshrl.u32 s1, $0x2  }
0xc8: {  	s4 =	sand.u32 $0x4000, s31;
	s1 =	sadd.s32 s1, s30  }
0xc9: {  	s0 =	sor.u32 s4, s0;
	s1 =	sshll.u32 s1, $0x11  }
0xca: {  	s0 =	sor.u32 s1, s0  }
0xcb: {  	s0 =	sadd.s32 $0x8F2B, s0  }
0xcc: {  	[sflag:s0] =	ssyncadd.remote.s32 $0x1  }
0xcd: {  	_ =	sfence.sel $0xFFFF  }
0xce: {  	[dreg:$0x0] =	wrdreg $0xFFFFFFFF;
	(pc) =	sbr.abs _section_cstart, $3  }
0xcf: {  	[dreg:$0x1] =	wrdreg $0xFFFFFFFF  }
0xd0: {  	_ =	task.clear_ibuf [dreg:s22], $0x2FFFF;
	_ =	strace $0x9FFFFFFF  }
0xd1: {  	(tm) =	ssettm $0x7FFFFFFF  }
tec
execute0_lowered:
.L_overlay_start_1:
0x0: {  	(tag) =	ssettag $0x1  }
0x1: {  	s4 =	rddreg [dreg:$0x0]  }
0x2: {  	s5 =	rddreg [dreg:$0x1];
	s1 =	stileid.u32  }
0x3: {  	s2 =	srdreg.scid;
	s0 =	rddreg [dreg:$0x2];
	s10 =	simm.s32 $0x5400  }
0x4: {  	s11 =	simm.s32 $0x9400;
	s12 =	simm.s32 $0xD400;
	s13 =	simm.s32 $0x11400  }
0x5: {  	s14 =	simm.s32 $0x1;
	s15 =	simm.s32 $0x0;
	s3 =	sand.u32 $0x1, s2  }
0x6: {  	s6 =	sshll.u32 s1, $0x1;
	s2 =	simm.s32 $0x0;
	s7 =	smul.u32 $0x28000, s1  }
0x7: {  	s6 =	sor.u32 s3, s6;
	[smem:$0x7FF] =	sst s2;
	s9 =	smul.u32 $0x14000, s3  }
0x8: {  	s8 =	ssub.s32 $0x2, s3;
	s3 =	sadd.s32 $0x4000, s4;
	s6 =	smul.u32 $0x1400, s6  }
0x9: {  	_ =	strace $0x8000004A;
	s4 =	sadd.s32 s7, s4;
	s30 =	sshrl.u32 s8, $0x1  }
0xa: {  	s7 =	ssub.s32 s8, s30;
	s31 =	sadd.s32 s9, s4;
	s6 =	sshrl.u32 s6, $0x3  }
0xb: {  	s8 =	simm.s32 $0x80;
	s9 =	simm.s32 $0x1400;
	s4 =	sadd.s32 s5, s6  }
0xc: {  	s5 =	smax.u32 s7, $0x1;
	s6 =	sadd.s32 $0x2C9000, s31;
	s7 =	simm.s32 $0x2  }
.LBB2_1:
0xd: {  	[tilespmem:s2], [sflag:$0x2] =	stream.linear.gather [hbm4b:s4+s2], $0x1400, $0x38;
	[tilespmem:$0x15400] =	vst v63  }
0xe: {  	_ =	swait.ge [sflag:s7], $0x1400  }
0xf: {  	[sflag:s7] =	ssyncset.done $0x0  }
0x10: {  	s16 =	simm.s32 $0x0;
	[sflag:s7] =	ssyncadd.s32 $0xFFFFEC00  }
0x11: {  	[tilespmem:s9], [sflag:$0x1] =	stream.indirect.gather [hbm4b:s3+s8], $0x80, s16, s8, $0xb8;
	[tilespmem:$0x15400] =	vst v63  }
0x12: {  	s28 =	simm.s32 $0x80  }
0x13: {  	[tilespmem:s10], [sflag:$0x1] =	stream.indirect.gather [hbm4b:s3+s8], $0x80, s28, s8, $0xb8;
	[tilespmem:$0x15400] =	vst v63  }
0x14: {  	s29 =	simm.s32 $0x100  }
0x15: {  	[tilespmem:s11], [sflag:$0x1] =	stream.indirect.gather [hbm4b:s3+s8], $0x80, s29, s8, $0xb8;
	[tilespmem:$0x15400] =	vst v63  }
0x16: {  	s30 =	simm.s32 $0x180  }
0x17: {  	[tilespmem:s12], [sflag:$0x1] =	stream.indirect.gather [hbm4b:s3+s8], $0x80, s30, s8, $0xb8;
	[tilespmem:$0x15400] =	vst v63  }
0x18: {  	s31 =	simm.s32 $0x200  }
0x19: {  	[tilespmem:s13], [sflag:$0x1] =	stream.indirect.gather [hbm4b:s3+s8], $0x80, s31, s8, $0xb8;
	[tilespmem:$0x15400] =	vst v63  }
0x1a: {  	_ =	swait.ge [sflag:s14], $0x4000  }
0x1b: {  	[sflag:s14] =	ssyncset.done $0x0  }
0x1c: {  	[sflag:s14] =	ssyncadd.s32 $0xFFFFC000  }
0x1d: {  	_ =	swait.ge [sflag:s14], $0x4000  }
0x1e: {  	[sflag:s14] =	ssyncset.done $0x0  }
0x1f: {  	[sflag:s14] =	ssyncadd.s32 $0xFFFFC000  }
0x20: {  	_ =	swait.ge [sflag:s14], $0x4000  }
0x21: {  	[sflag:s14] =	ssyncset.done $0x0  }
0x22: {  	[sflag:s14] =	ssyncadd.s32 $0xFFFFC000  }
0x23: {  	_ =	swait.ge [sflag:s14], $0x4000  }
0x24: {  	[sflag:s14] =	ssyncset.done $0x0  }
0x25: {  	[sflag:s14] =	ssyncadd.s32 $0xFFFFC000  }
0x26: {  	_ =	swait.ge [sflag:s14], $0x4000  }
0x27: {  	[sflag:s14] =	ssyncset.done $0x0  }
0x28: {  	[sflag:s14] =	ssyncadd.s32 $0xFFFFC000  }
0x29: {  	[hbm4b:s6+s2] =	stream.linear.scatter [tilespmem:s9], [sflag:$0x2], $0x14000, $0x38;
	[tilespmem:$0x15400] =	vst v63  }
0x2a: {  	s17 =	simm.s32 $0xA00;
	_ =	swait.ge [sflag:s7], $0x14000  }
0x2b: {  	s18 =	simm.s32 $0x1400;
	s16 =	sadd.s32 $0x2800, s6;
	[sflag:s7] =	ssyncset.done $0x0  }
.LBB2_2:
0x2c: {  	s19 =	sshra.s32 s17, $0x2  }
0x2d: {  	[sflag:s7] =	ssyncadd.s32 $0xFFFEC000;
	s17 =	smov.u32 s18;
	s20 =	sadd.s32 $0xA00, s18  }
0x2e: {  	[tilespmem:s9], [sflag:$0x1] =	stream.indirect.gather [hbm4b:s3+s8], $0x80, s19, s8, $0xb8;
	[tilespmem:$0x15400] =	vst v63  }
0x2f: {  	p0 =	sne.s32 s18, $0x4600;
	s18 =	sadd.s32 $0x80, s19  }
0x30: {  	[tilespmem:s10], [sflag:$0x1] =	stream.indirect.gather [hbm4b:s3+s8], $0x80, s18, s8, $0xb8;
	[tilespmem:$0x15400] =	vst v63  }
0x31: {  	s18 =	sadd.s32 $0x100, s19  }
0x32: {  	[tilespmem:s11], [sflag:$0x1] =	stream.indirect.gather [hbm4b:s3+s8], $0x80, s18, s8, $0xb8;
	[tilespmem:$0x15400] =	vst v63  }
0x33: {  	s18 =	sadd.s32 $0x180, s19  }
0x34: {  	[tilespmem:s12], [sflag:$0x1] =	stream.indirect.gather [hbm4b:s3+s8], $0x80, s18, s8, $0xb8;
	[tilespmem:$0x15400] =	vst v63  }
0x35: {  	s18 =	sadd.s32 $0x200, s19  }
0x36: {  	[tilespmem:s13], [sflag:$0x1] =	stream.indirect.gather [hbm4b:s3+s8], $0x80, s18, s8, $0xb8;
	[tilespmem:$0x15400] =	vst v63  }
0x37: {  	_ =	swait.ge [sflag:s14], $0x4000  }
0x38: {  	[sflag:s14] =	ssyncset.done $0x0  }
0x39: {  	[sflag:s14] =	ssyncadd.s32 $0xFFFFC000  }
0x3a: {  	_ =	swait.ge [sflag:s14], $0x4000  }
0x3b: {  	[sflag:s14] =	ssyncset.done $0x0  }
0x3c: {  	[sflag:s14] =	ssyncadd.s32 $0xFFFFC000  }
0x3d: {  	_ =	swait.ge [sflag:s14], $0x4000  }
0x3e: {  	[sflag:s14] =	ssyncset.done $0x0  }
0x3f: {  	[sflag:s14] =	ssyncadd.s32 $0xFFFFC000  }
0x40: {  	_ =	swait.ge [sflag:s14], $0x4000  }
0x41: {  	[sflag:s14] =	ssyncset.done $0x0  }
0x42: {  	[sflag:s14] =	ssyncadd.s32 $0xFFFFC000  }
0x43: {  	_ =	swait.ge [sflag:s14], $0x4000  }
.Ltmp0:
0x44: {  	[sflag:s14] =	ssyncset.done $0x0;
	(pc) =	sbr.rel @p0 .LBB2_2-.Ltmp0, $4  }
0x45: {  	[sflag:s14] =	ssyncadd.s32 $0xFFFFC000  }
0x46: {  	[hbm4b:s16+s2] =	stream.linear.scatter [tilespmem:s9], [sflag:$0x2], $0x14000, $0x38;
	[tilespmem:$0x15400] =	vst v63  }
0x47: {  	_ =	swait.ge [sflag:s7], $0x14000  }
0x48: {  	s18 =	smov.u32 s20;
	s16 =	sadd.s32 $0x2800, s16;
	[sflag:s7] =	ssyncset.done $0x0  }
0x49: {  	s17 =	sshra.s32 s17, $0x2;
	[sflag:s7] =	ssyncadd.s32 $0xFFFEC000  }
0x4a: {  	[tilespmem:s9], [sflag:$0x1] =	stream.indirect.gather [hbm4b:s3+s8], $0x80, s17, s8, $0xb8;
	[tilespmem:$0x15400] =	vst v63  }
0x4b: {  	s18 =	sadd.s32 $0x80, s17  }
0x4c: {  	[tilespmem:s10], [sflag:$0x1] =	stream.indirect.gather [hbm4b:s3+s8], $0x80, s18, s8, $0xb8;
	[tilespmem:$0x15400] =	vst v63  }
0x4d: {  	s30 =	sadd.s32 $0x100, s17  }
0x4e: {  	[tilespmem:s11], [sflag:$0x1] =	stream.indirect.gather [hbm4b:s3+s8], $0x80, s30, s8, $0xb8;
	[tilespmem:$0x15400] =	vst v63  }
0x4f: {  	s31 =	sadd.s32 $0x180, s17  }
0x50: {  	[tilespmem:s12], [sflag:$0x1] =	stream.indirect.gather [hbm4b:s3+s8], $0x80, s31, s8, $0xb8;
	[tilespmem:$0x15400] =	vst v63  }
0x51: {  	s17 =	sadd.s32 $0x200, s17  }
0x52: {  	[tilespmem:s13], [sflag:$0x1] =	stream.indirect.gather [hbm4b:s3+s8], $0x80, s17, s8, $0xb8;
	[tilespmem:$0x15400] =	vst v63  }
0x53: {  	_ =	swait.ge [sflag:s14], $0x4000  }
0x54: {  	[sflag:s14] =	ssyncset.done $0x0  }
0x55: {  	[sflag:s14] =	ssyncadd.s32 $0xFFFFC000  }
0x56: {  	_ =	swait.ge [sflag:s14], $0x4000  }
0x57: {  	[sflag:s14] =	ssyncset.done $0x0  }
0x58: {  	[sflag:s14] =	ssyncadd.s32 $0xFFFFC000  }
0x59: {  	_ =	swait.ge [sflag:s14], $0x4000  }
0x5a: {  	[sflag:s14] =	ssyncset.done $0x0  }
0x5b: {  	[sflag:s14] =	ssyncadd.s32 $0xFFFFC000  }
0x5c: {  	_ =	swait.ge [sflag:s14], $0x4000  }
0x5d: {  	[sflag:s14] =	ssyncset.done $0x0  }
0x5e: {  	[sflag:s14] =	ssyncadd.s32 $0xFFFFC000  }
0x5f: {  	s15 =	sadd.s32 $0x1, s15;
	_ =	swait.ge [sflag:s14], $0x4000  }
0x60: {  	p0 =	sne.s32 s15, s5;
	[sflag:s14] =	ssyncset.done $0x0  }
.Ltmp1:
0x61: {  	[sflag:s14] =	ssyncadd.s32 $0xFFFFC000;
	(pc) =	sbr.rel @p0 .LBB2_1-.Ltmp1, $4  }
0x62: {  	[hbm4b:s16+s2] =	stream.linear.scatter [tilespmem:s9], [sflag:$0x2], $0x14000, $0x38;
	[tilespmem:$0x15400] =	vst v63  }
0x63: {  	_ =	swait.ge [sflag:s7], $0x14000  }
0x64: {  	[sflag:s7] =	ssyncset.done $0x0  }
0x65: {  	[sflag:s7] =	ssyncadd.s32 $0xFFFEC000  }
0x66: {  	_ =	sfence.sel $0x180000  }
0x67: {  	[bflag:$0x0] =	sbarrier.arrive $0xFFFF  }
0x68: {  	p0 =	sne.s32 s1, $0x0;
	_ =	strace $0x9000004A  }
0x69: {  	s0 =	sadd.s32 @!p0 $0x100000, s0;
	[bflag:$0x2] =	sbarrier.arrive $0xFFFF  }
0x6a: {  	[sflag:s0] =	ssyncadd.tile.s32 @!p0 $0x1;
	_ =	shalt  }
.Lfunc_end2:
_tile_overlayer_lowered:
.L_overlay_start_2:
0x6b: {  	(tag) =	ssettag $0x2  }
0x6c: {  	s0 =	rddreg [dreg:$0x0];
	s2 =	stileid.u32  }
0x6d: {  	s1 =	rddreg [dreg:$0x1];
	p0 =	sne.s32 s2, $0x0  }
0x6e: {  	s3 =	rddreg [dreg:$0x2];
	[bflag:$0x3] =	sbarrier.arrive $0xFFFF;
	s2 =	simm.s32 @!p0 $0x1C02  }
0x6f: {  	[timem:s3], [sflag:s2] =	dma.local @!p0 [hbm:s0], s1  }
0x70: {  	s0 =	simm.s32 @!p0 $0x2  }
0x71: {  	_ =	swait.ge @!p0 [sflag:s0], s1  }
0x72: {  	s1 =	ssub.s32 @!p0 $0x0, s1;
	[sflag:s0] =	ssyncset.done @!p0 $0x0  }
0x73: {  	[sflag:s0] =	ssyncadd.s32 @!p0 s1  }
0x74: {  	[bflag:$0x3] =	sbarrier.arrive $0xFFFF  }
0x75: {  	_ =	shalt  }

// kernel: kernel.31.cloned.1.call-start
scs
__scs_entry_jumppad:
0x0: {  	(pc) =	sbr.rel $0x88, $3  }
0x1: {  	(tag) =	ssettag $0x0;
	lr =	simm.s32 $0x1  }
0x2: {  	[smem:$0x3F94] =	sst lr;
	_ =	strace $0xD0000000  }
0x3: {  	_ = 	snop  }
0x4: {  	_ = 	snop  }
0x5: {  	_ = 	snop  }
0x6: {  	_ = 	snop  }
0x7: {  	_ = 	snop  }
__scs_overlays_trampoline_lowered:
0x8: {  	[smem:$0x3FA3] =	sst s0  }
0x9: {  	[smem:$0x3FA4] =	sst s1  }
0xa: {  	[smem:$0x3FA5] =	sst s2  }
0xb: {  	[smem:$0x3FA6] =	sst s3  }
0xc: {  	[smem:$0x3FA7] =	sst s4  }
0xd: {  	[smem:$0x3FA8] =	sst s5  }
0xe: {  	[smem:$0x3FA9] =	sst s6  }
0xf: {  	[smem:$0x3FAA] =	sst s7  }
0x10: {  	[smem:$0x3FAB] =	sst s8  }
0x11: {  	[smem:$0x3FAC] =	sst s9;
	s0 =	simm.s32 @!p0 $0x0  }
0x12: {  	s1 =	sld [smem:$0x3F92];
	s0 =	simm.s32 @p0 $0x1  }
0x13: {  	[smem:$0x3FAD] =	sst s0;
	s0 =	simm.s32 @!p1 $0x0  }
0x14: {  	s2 =	sld [smem:$0x3F91];
	s0 =	simm.s32 @p1 $0x1  }
0x15: {  	[smem:$0x3FAE] =	sst s0;
	s0 =	simm.s32 @!p2 $0x0  }
0x16: {  	s3 =	sld [smem:$0x3FDB];
	s0 =	simm.s32 @p2 $0x1  }
0x17: {  	s4 =	simm.s32 $0x1BF5;
	[smem:$0x3FB0] =	sst s0  }
0x18: {  	s0 =	sld [smem:$0x3F93];
	_ =	swait.ge [sflag:s4], $0x0  }
0x19: {  	s7 =	sld [smem:$0x3F94]  }
0x1a: {  	s8 =	sadd.s32 $0xFFFFE003, lr  }
0x1b: {  	s9 =	sadd.s32 $0xFFFFFEF7, lr;
	s5 =	simm.s32 $0xFFFFFFFF;
	p2 =	slt.u32 s8, $0xFFFFF086  }
0x1c: {  	p1 =	slt.u32 s9, $0xF7A;
	s5 =	simm.s32 @!p2 $0x0  }
0x1d: {  	s5 =	simm.s32 @p1 $0x1;
	p0 =	seq.s32 s7, s2  }
0x1e: {  	s7 =	smul.u32 @!p0 $0xF7A, s2;
	p2 =	seq.s32 @!p0 s5, $0x0  }
0x1f: {  	s9 =	smul.u32 $0xF7A, s1;
	s8 =	simm.s32 @!p0 $0x1BF5;
	p2 =	por !p2, p0  }
0x20: {  	[sflag:s8] =	ssyncset.s32 @!p0 $0xFFFFF086;
	s6 =	sadd.s32 @!p0 s3, s7;
	s7 =	simm.s32 @!p0 $0x108  }
0x21: {  	s3 =	sadd.s32 s3, s9;
	s6 =	sadd.s32 @!p0 $0x88, s6;
	s7 =	simm.s32 @p2 $0x1082  }
0x22: {  	[simem:s7], [sflag:s8] =	dma.local @!p0 [hbm:s6], $0xF7A  }
0x23: {  	s9 =	sor.u32 $0xD0000000, s2;
	s6 =	simm.s32 $0x108;
	_ =	swait.ge @!p0 [sflag:s8], $0x0  }
0x24: {  	s3 =	sadd.s32 $0x88, s3;
	s6 =	simm.s32 @!p1 $0x1082;
	[sflag:s4] =	ssyncset.s32 $0xFFFFF086  }
0x25: {  	[simem:s6], [sflag:s4] =	dma.local [hbm:s3], $0xF7A  }
0x26: {  	[smem:$0x3F94] =	sst s1;
	(tag) =	ssettag s2;
	_ =	strace s9  }
0x27: {  	s1 =	sld [smem:$0x3FA4]  }
0x28: {  	s2 =	sld [smem:$0x3FA5]  }
0x29: {  	s4 =	sld [smem:$0x3FA7]  }
0x2a: {  	p0 =	seq.s32 s5, $0x0;
	s5 =	sld [smem:$0x3FA8]  }
0x2b: {  	s6 =	sld [smem:$0x3FA9]  }
0x2c: {  	s7 =	sld [smem:$0x3FAA]  }
0x2d: {  	s3 =	simm.s32 $0x108;
	s8 =	sld [smem:$0x3FAB]  }
0x2e: {  	s3 =	simm.s32 @!p0 $0x1082;
	s9 =	sld [smem:$0x3FAC]  }
0x2f: {  	lr =	sadd.s32 s0, s3;
	s0 =	sld [smem:$0x3FA3]  }
0x30: {  	s3 =	sld [smem:$0x3FA6]  }
0x31: {  	[smem:$0x3FAF] =	sst s10  }
0x32: {  	s10 =	sld [smem:$0x3FAD];
	_ =	sdelay $0x3  }
0x33: {  	p0 =	seq.s32 s10, $0x1;
	s10 =	sld [smem:$0x3FAF];
	_ =	sdelay $0x3  }
0x34: {  	[smem:$0x3FAF] =	sst s10  }
0x35: {  	s10 =	sld [smem:$0x3FAE];
	_ =	sdelay $0x3  }
0x36: {  	p1 =	seq.s32 s10, $0x1;
	s10 =	sld [smem:$0x3FAF];
	_ =	sdelay $0x3  }
0x37: {  	[smem:$0x3FAF] =	sst s10  }
0x38: {  	s10 =	sld [smem:$0x3FB0]  }
0x39: {  	_ = 	snop;
	(pc) =	sbr.ind lr, $3  }
0x3a: {  	_ = 	snop  }
0x3b: {  	_ = 	snop  }
0x3c: {  	p2 =	seq.s32 s10, $0x1;
	s10 =	sld [smem:$0x3FAF]  }
0x3d: {  	_ =	shalt  }
0x3e: {  	_ =	shalt  }
0x3f: {  	_ =	shalt  }
0x40: {  	_ =	shalt  }
0x41: {  	_ =	shalt  }
0x42: {  	_ =	shalt  }
0x43: {  	_ =	shalt  }
0x44: {  	_ =	shalt  }
0x45: {  	_ =	shalt  }
0x46: {  	_ =	shalt  }
0x47: {  	_ =	shalt  }
0x48: {  	_ =	shalt  }
0x49: {  	_ =	shalt  }
0x4a: {  	_ =	shalt  }
0x4b: {  	_ =	shalt  }
0x4c: {  	_ =	shalt  }
0x4d: {  	_ =	shalt  }
0x4e: {  	_ =	shalt  }
0x4f: {  	_ =	shalt  }
0x50: {  	_ =	shalt  }
0x51: {  	_ =	shalt  }
0x52: {  	_ =	shalt  }
0x53: {  	_ =	shalt  }
0x54: {  	_ =	shalt  }
0x55: {  	_ =	shalt  }
0x56: {  	_ =	shalt  }
0x57: {  	_ =	shalt  }
0x58: {  	_ =	shalt  }
0x59: {  	_ =	shalt  }
0x5a: {  	_ =	shalt  }
0x5b: {  	_ =	shalt  }
0x5c: {  	_ =	shalt  }
0x5d: {  	_ =	shalt  }
0x5e: {  	_ =	shalt  }
0x5f: {  	_ =	shalt  }
0x60: {  	_ =	shalt  }
0x61: {  	_ =	shalt  }
0x62: {  	_ =	shalt  }
0x63: {  	_ =	shalt  }
0x64: {  	_ =	shalt  }
0x65: {  	_ =	shalt  }
0x66: {  	_ =	shalt  }
0x67: {  	_ =	shalt  }
0x68: {  	_ =	shalt  }
0x69: {  	_ =	shalt  }
0x6a: {  	_ =	shalt  }
0x6b: {  	_ =	shalt  }
0x6c: {  	_ =	shalt  }
0x6d: {  	_ =	shalt  }
0x6e: {  	_ =	shalt  }
0x6f: {  	_ =	shalt  }
0x70: {  	_ =	shalt  }
0x71: {  	_ =	shalt  }
0x72: {  	_ =	shalt  }
0x73: {  	_ =	shalt  }
0x74: {  	_ =	shalt  }
0x75: {  	_ =	shalt  }
0x76: {  	_ =	shalt  }
0x77: {  	_ =	shalt  }
0x78: {  	_ =	shalt  }
0x79: {  	_ =	shalt  }
0x7a: {  	_ =	shalt  }
0x7b: {  	_ =	shalt  }
0x7c: {  	_ =	shalt  }
0x7d: {  	_ =	shalt  }
0x7e: {  	_ =	shalt  }
0x7f: {  	_ =	shalt  }
0x80: {  	_ =	shalt  }
0x81: {  	_ =	shalt  }
0x82: {  	_ =	shalt  }
0x83: {  	_ =	shalt  }
0x84: {  	_ =	shalt  }
0x85: {  	_ =	shalt  }
0x86: {  	_ =	shalt  }
0x87: {  	_ =	shalt  }
.Lfunc_end0:
.L_simem_size_0:
called_computation.1_lowered:
.L_overlay_start_0:
0x88: {  	s2 =	sld [smem:$0x3FD9]  }
0x89: {  	s3 =	sld [smem:$0x3FFE];
	_ =	sdelay $0x1  }
0x8a: {  	s1 =	srdreg.scid  }
0x8b: {  	s0 =	sand.u32 $0x1, s1  }
0x8c: {  	s16 =	sshll.u32 s0, $0xA;
	s2 =	sadd.s32 s3, s2  }
0x8d: {  	s2 =	sadd.s32 s2, s16  }
0x8e: {  	[smem:$0x3FBB] =	sst s2  }
0x8f: {  	_ = 	snop  }
0x90: {  	(tm) =	ssettm $0x1  }
0x91: {  	s17 =	sld [smem:$0x3FFB];
	_ =	sdelay $0x3  }
0x92: {  	_ =	strace s17  }
0x93: {  	s2 =	sld [smem:$0x3FFC];
	_ =	sdelay $0x3  }
0x94: {  	_ =	strace s2  }
0x95: {  	s2 =	sld [smem:$0x3FFD];
	_ =	sdelay $0x3  }
0x96: {  	_ =	strace s2  }
0x97: {  	_ =	strace $0x8FFFFFFF  }
0x98: {  	s18 =	sld [smem:$0x3FDB];
	_ =	sdelay $0x1  }
0x99: {  	s19 =	simm.s32 $_scs_section_size  }
0x9a: {  	s4 =	simm.s32 $_size__tile_overlayer_lowered;
	s5 =	simm.s32 $_tile_overlayer_lowered  }
0x9b: {  	s22 =	simm.s32 $0x1BFF;
	s21 =	sshll.u32 s5, $0x1;
	s2 =	sadd.s32 s19, s18  }
0x9c: {  	s6 =	simm.s32 $0x0;
	s20 =	sshll.u32 s4, $0x1;
	s4 =	sadd.s32 s21, s2  }
0x9d: {  	[timem:s6], [sflag:s22] =	dma.local [hbm:s4], s20  }
0x9e: {  	_ =	swait.ge [sflag:s22], s20  }
0x9f: {  	s3 =	ssub.s32 $0x0, s20;
	[sflag:s22] =	ssyncset.done $0x0  }
0xa0: {  	[sflag:s22] =	ssyncadd.s32 s3;
	_ =	sdelay $0x1  }
0xa1: {  	s23 =	simm.s32 $0x1B8B  }
0xa2: {  	_ =	swait.ge [sflag:s23], $0x1  }
0xa3: {  	[sflag:s23] =	ssyncset.done $0x0  }
0xa4: {  	s25 =	simm.s32 $0x1B8E;
	s24 =	sld [smem:$0x3FFE];
	[sflag:s23] =	ssyncadd.s32 $0xFFFFFFFF  }
0xa5: {  	s26 =	simm.s32 $execute0_lowered;
	[smem:$0x3FD2] =	sst s25  }
0xa6: {  	s4 =	sshll.u32 s26, $0x1;
	_ =	strace $0x80000046;
	[dreg:$0x1] =	wrdreg $0xFFFFFFFF  }
0xa7: {  	s28 =	simm.s32 $_size_execute0_lowered;
	s2 =	sadd.s32 s2, s4;
	[dreg:$0x0] =	wrdreg $0x0  }
0xa8: {  	s4 =	sshll.u32 s28, $0x1;
	[dreg:$0x2] =	wrdreg s2  }
0xa9: {  	[dreg:$0x3] =	wrdreg s4  }
0xaa: {  	[dreg:$0x4] =	wrdreg $0xC0  }
0xab: {  	_ =	task [dreg:s6], $0x5FFFF  }
0xac: {  	[dreg:$0x1] =	wrdreg $0xFFFFFFFF  }
0xad: {  	[dreg:$0x0] =	wrdreg $0x60  }
0xae: {  	[dreg:$0x2] =	wrdreg s24  }
0xaf: {  	[dreg:$0x3] =	wrdreg $0xA  }
0xb0: {  	_ =	task.clear_ibuf [dreg:s6], $0x4FFFF;
	_ =	strace $0x90000046  }
0xb1: {  	s29 =	simm.s32 $0xA;
	_ =	strace $0x80000048  }
0xb2: {  	_ =	swait.ge [sflag:s29], $0x1  }
0xb3: {  	[sflag:s29] =	ssyncadd.s32 $0xFFFFFFFF  }
0xb4: {  	_ =	strace $0x90000048  }
0xb5: {  	_ =	sfence  }
0xb6: {  	s30 =	sld [smem:$0x0];
	_ =	sdelay $0x2  }
0xb7: {  	s31 =	sshll.u32 s1, $0xD;
	s1 =	sshrl.u32 s1, $0x2  }
0xb8: {  	s3 =	sand.u32 $0x4000, s31;
	s1 =	sadd.s32 s1, s30  }
0xb9: {  	s0 =	sor.u32 s3, s0;
	s1 =	sshll.u32 s1, $0x11  }
0xba: {  	s0 =	sor.u32 s1, s0  }
0xbb: {  	s0 =	sadd.s32 $0x8F2B, s0  }
0xbc: {  	[sflag:s0] =	ssyncadd.remote.s32 $0x1  }
0xbd: {  	_ =	sfence.sel $0xFFFF  }
0xbe: {  	[dreg:$0x0] =	wrdreg $0xFFFFFFFF;
	(pc) =	sbr.abs _section_cstart, $3  }
0xbf: {  	[dreg:$0x1] =	wrdreg $0xFFFFFFFF  }
0xc0: {  	_ =	task.clear_ibuf [dreg:s6], $0x2FFFF;
	_ =	strace $0x9FFFFFFF  }
0xc1: {  	(tm) =	ssettm $0x7FFFFFFF  }
tec
execute0_lowered:
.L_overlay_start_1:
0x0: {  	(tag) =	ssettag $0x1  }
0x1: {  	s1 =	srdreg.scid  }
0x2: {  	s0 =	stileid.u32;
	s4 =	rddreg [dreg:$0x0]  }
0x3: {  	s2 =	simm.s32 $0x0;
	s10 =	simm.s32 $0x5400;
	s11 =	simm.s32 $0x9400  }
0x4: {  	s12 =	simm.s32 $0xD400;
	s13 =	simm.s32 $0x11400;
	s14 =	simm.s32 $0x1  }
0x5: {  	s15 =	simm.s32 $0x0;
	s5 =	sand.u32 $0x1, s1;
	s1 =	rddreg [dreg:$0x1]  }
0x6: {  	s3 =	sshll.u32 s0, $0x1;
	[smem:$0x7FF] =	sst s2;
	s7 =	smul.u32 $0x28000, s0  }
0x7: {  	s3 =	sor.u32 s5, s3;
	s8 =	ssub.s32 $0x2, s5;
	s5 =	smul.u32 $0x14000, s5  }
0x8: {  	_ =	strace $0x80000047;
	s6 =	smul.u32 $0x1400, s3;
	s9 =	sshrl.u32 s8, $0x1  }
0x9: {  	s3 =	sadd.s32 $0x4000, s4;
	s7 =	sadd.s32 s7, s4;
	s31 =	ssub.s32 s8, s9  }
0xa: {  	s7 =	sadd.s32 s5, s7;
	s8 =	simm.s32 $0x80;
	s6 =	sshrl.u32 s6, $0x3  }
0xb: {  	s9 =	simm.s32 $0x1400;
	s5 =	smax.u32 s31, $0x1;
	s4 =	sadd.s32 s6, s4  }
0xc: {  	s6 =	sadd.s32 $0x49000, s7;
	s7 =	simm.s32 $0x2;
	s4 =	sadd.s32 $0x44000, s4  }
.LBB2_1:
0xd: {  	[tilespmem:s2], [sflag:$0x2] =	stream.linear.gather [hbm4b:s4+s2], $0x1400, $0x38;
	[tilespmem:$0x15400] =	vst v63  }
0xe: {  	_ =	swait.ge [sflag:s7], $0x1400  }
0xf: {  	[sflag:s7] =	ssyncset.done $0x0  }
0x10: {  	s16 =	simm.s32 $0x0;
	[sflag:s7] =	ssyncadd.s32 $0xFFFFEC00  }
0x11: {  	[tilespmem:s9], [sflag:$0x1] =	stream.indirect.gather [hbm4b:s3+s8], $0x80, s16, s8, $0xb8;
	[tilespmem:$0x15400] =	vst v63  }
0x12: {  	s28 =	simm.s32 $0x80  }
0x13: {  	[tilespmem:s10], [sflag:$0x1] =	stream.indirect.gather [hbm4b:s3+s8], $0x80, s28, s8, $0xb8;
	[tilespmem:$0x15400] =	vst v63  }
0x14: {  	s29 =	simm.s32 $0x100  }
0x15: {  	[tilespmem:s11], [sflag:$0x1] =	stream.indirect.gather [hbm4b:s3+s8], $0x80, s29, s8, $0xb8;
	[tilespmem:$0x15400] =	vst v63  }
0x16: {  	s30 =	simm.s32 $0x180  }
0x17: {  	[tilespmem:s12], [sflag:$0x1] =	stream.indirect.gather [hbm4b:s3+s8], $0x80, s30, s8, $0xb8;
	[tilespmem:$0x15400] =	vst v63  }
0x18: {  	s31 =	simm.s32 $0x200  }
0x19: {  	[tilespmem:s13], [sflag:$0x1] =	stream.indirect.gather [hbm4b:s3+s8], $0x80, s31, s8, $0xb8;
	[tilespmem:$0x15400] =	vst v63  }
0x1a: {  	_ =	swait.ge [sflag:s14], $0x4000  }
0x1b: {  	[sflag:s14] =	ssyncset.done $0x0  }
0x1c: {  	[sflag:s14] =	ssyncadd.s32 $0xFFFFC000  }
0x1d: {  	_ =	swait.ge [sflag:s14], $0x4000  }
0x1e: {  	[sflag:s14] =	ssyncset.done $0x0  }
0x1f: {  	[sflag:s14] =	ssyncadd.s32 $0xFFFFC000  }
0x20: {  	_ =	swait.ge [sflag:s14], $0x4000  }
0x21: {  	[sflag:s14] =	ssyncset.done $0x0  }
0x22: {  	[sflag:s14] =	ssyncadd.s32 $0xFFFFC000  }
0x23: {  	_ =	swait.ge [sflag:s14], $0x4000  }
0x24: {  	[sflag:s14] =	ssyncset.done $0x0  }
0x25: {  	[sflag:s14] =	ssyncadd.s32 $0xFFFFC000  }
0x26: {  	_ =	swait.ge [sflag:s14], $0x4000  }
0x27: {  	[sflag:s14] =	ssyncset.done $0x0  }
0x28: {  	[sflag:s14] =	ssyncadd.s32 $0xFFFFC000  }
0x29: {  	[hbm4b:s6+s2] =	stream.linear.scatter [tilespmem:s9], [sflag:$0x2], $0x14000, $0x38;
	[tilespmem:$0x15400] =	vst v63  }
0x2a: {  	s17 =	simm.s32 $0xA00;
	_ =	swait.ge [sflag:s7], $0x14000  }
0x2b: {  	s18 =	simm.s32 $0x1400;
	s16 =	sadd.s32 $0x2800, s6;
	[sflag:s7] =	ssyncset.done $0x0  }
.LBB2_2:
0x2c: {  	s19 =	sshra.s32 s17, $0x2  }
0x2d: {  	[sflag:s7] =	ssyncadd.s32 $0xFFFEC000;
	s17 =	smov.u32 s18;
	s20 =	sadd.s32 $0xA00, s18  }
0x2e: {  	[tilespmem:s9], [sflag:$0x1] =	stream.indirect.gather [hbm4b:s3+s8], $0x80, s19, s8, $0xb8;
	[tilespmem:$0x15400] =	vst v63  }
0x2f: {  	p0 =	sne.s32 s18, $0x4600;
	s18 =	sadd.s32 $0x80, s19  }
0x30: {  	[tilespmem:s10], [sflag:$0x1] =	stream.indirect.gather [hbm4b:s3+s8], $0x80, s18, s8, $0xb8;
	[tilespmem:$0x15400] =	vst v63  }
0x31: {  	s18 =	sadd.s32 $0x100, s19  }
0x32: {  	[tilespmem:s11], [sflag:$0x1] =	stream.indirect.gather [hbm4b:s3+s8], $0x80, s18, s8, $0xb8;
	[tilespmem:$0x15400] =	vst v63  }
0x33: {  	s18 =	sadd.s32 $0x180, s19  }
0x34: {  	[tilespmem:s12], [sflag:$0x1] =	stream.indirect.gather [hbm4b:s3+s8], $0x80, s18, s8, $0xb8;
	[tilespmem:$0x15400] =	vst v63  }
0x35: {  	s18 =	sadd.s32 $0x200, s19  }
0x36: {  	[tilespmem:s13], [sflag:$0x1] =	stream.indirect.gather [hbm4b:s3+s8], $0x80, s18, s8, $0xb8;
	[tilespmem:$0x15400] =	vst v63  }
0x37: {  	_ =	swait.ge [sflag:s14], $0x4000  }
0x38: {  	[sflag:s14] =	ssyncset.done $0x0  }
0x39: {  	[sflag:s14] =	ssyncadd.s32 $0xFFFFC000  }
0x3a: {  	_ =	swait.ge [sflag:s14], $0x4000  }
0x3b: {  	[sflag:s14] =	ssyncset.done $0x0  }
0x3c: {  	[sflag:s14] =	ssyncadd.s32 $0xFFFFC000  }
0x3d: {  	_ =	swait.ge [sflag:s14], $0x4000  }
0x3e: {  	[sflag:s14] =	ssyncset.done $0x0  }
0x3f: {  	[sflag:s14] =	ssyncadd.s32 $0xFFFFC000  }
0x40: {  	_ =	swait.ge [sflag:s14], $0x4000  }
0x41: {  	[sflag:s14] =	ssyncset.done $0x0  }
0x42: {  	[sflag:s14] =	ssyncadd.s32 $0xFFFFC000  }
0x43: {  	_ =	swait.ge [sflag:s14], $0x4000  }
.Ltmp0:
0x44: {  	[sflag:s14] =	ssyncset.done $0x0;
	(pc) =	sbr.rel @p0 .LBB2_2-.Ltmp0, $4  }
0x45: {  	[sflag:s14] =	ssyncadd.s32 $0xFFFFC000  }
0x46: {  	[hbm4b:s16+s2] =	stream.linear.scatter [tilespmem:s9], [sflag:$0x2], $0x14000, $0x38;
	[tilespmem:$0x15400] =	vst v63  }
0x47: {  	_ =	swait.ge [sflag:s7], $0x14000  }
0x48: {  	s18 =	smov.u32 s20;
	s16 =	sadd.s32 $0x2800, s16;
	[sflag:s7] =	ssyncset.done $0x0  }
0x49: {  	s17 =	sshra.s32 s17, $0x2;
	[sflag:s7] =	ssyncadd.s32 $0xFFFEC000  }
0x4a: {  	[tilespmem:s9], [sflag:$0x1] =	stream.indirect.gather [hbm4b:s3+s8], $0x80, s17, s8, $0xb8;
	[tilespmem:$0x15400] =	vst v63  }
0x4b: {  	s18 =	sadd.s32 $0x80, s17  }
0x4c: {  	[tilespmem:s10], [sflag:$0x1] =	stream.indirect.gather [hbm4b:s3+s8], $0x80, s18, s8, $0xb8;
	[tilespmem:$0x15400] =	vst v63  }
0x4d: {  	s30 =	sadd.s32 $0x100, s17  }
0x4e: {  	[tilespmem:s11], [sflag:$0x1] =	stream.indirect.gather [hbm4b:s3+s8], $0x80, s30, s8, $0xb8;
	[tilespmem:$0x15400] =	vst v63  }
0x4f: {  	s31 =	sadd.s32 $0x180, s17  }
0x50: {  	[tilespmem:s12], [sflag:$0x1] =	stream.indirect.gather [hbm4b:s3+s8], $0x80, s31, s8, $0xb8;
	[tilespmem:$0x15400] =	vst v63  }
0x51: {  	s17 =	sadd.s32 $0x200, s17  }
0x52: {  	[tilespmem:s13], [sflag:$0x1] =	stream.indirect.gather [hbm4b:s3+s8], $0x80, s17, s8, $0xb8;
	[tilespmem:$0x15400] =	vst v63  }
0x53: {  	_ =	swait.ge [sflag:s14], $0x4000  }
0x54: {  	[sflag:s14] =	ssyncset.done $0x0  }
0x55: {  	[sflag:s14] =	ssyncadd.s32 $0xFFFFC000  }
0x56: {  	_ =	swait.ge [sflag:s14], $0x4000  }
0x57: {  	[sflag:s14] =	ssyncset.done $0x0  }
0x58: {  	[sflag:s14] =	ssyncadd.s32 $0xFFFFC000  }
0x59: {  	_ =	swait.ge [sflag:s14], $0x4000  }
0x5a: {  	[sflag:s14] =	ssyncset.done $0x0  }
0x5b: {  	[sflag:s14] =	ssyncadd.s32 $0xFFFFC000  }
0x5c: {  	_ =	swait.ge [sflag:s14], $0x4000  }
0x5d: {  	[sflag:s14] =	ssyncset.done $0x0  }
0x5e: {  	[sflag:s14] =	ssyncadd.s32 $0xFFFFC000  }
0x5f: {  	s15 =	sadd.s32 $0x1, s15;
	_ =	swait.ge [sflag:s14], $0x4000  }
0x60: {  	p0 =	sne.s32 s15, s5;
	[sflag:s14] =	ssyncset.done $0x0  }
.Ltmp1:
0x61: {  	[sflag:s14] =	ssyncadd.s32 $0xFFFFC000;
	(pc) =	sbr.rel @p0 .LBB2_1-.Ltmp1, $4  }
0x62: {  	[hbm4b:s16+s2] =	stream.linear.scatter [tilespmem:s9], [sflag:$0x2], $0x14000, $0x38;
	[tilespmem:$0x15400] =	vst v63  }
0x63: {  	_ =	swait.ge [sflag:s7], $0x14000  }
0x64: {  	[sflag:s7] =	ssyncset.done $0x0  }
0x65: {  	[sflag:s7] =	ssyncadd.s32 $0xFFFEC000  }
0x66: {  	_ =	sfence.sel $0x180000  }
0x67: {  	[bflag:$0x0] =	sbarrier.arrive $0xFFFF  }
0x68: {  	p0 =	sne.s32 s0, $0x0;
	_ =	strace $0x90000047  }
0x69: {  	s0 =	sadd.s32 @!p0 $0x100000, s1;
	[bflag:$0x2] =	sbarrier.arrive $0xFFFF  }
0x6a: {  	[sflag:s0] =	ssyncadd.tile.s32 @!p0 $0x1;
	_ =	shalt  }
.Lfunc_end2:
_tile_overlayer_lowered:
.L_overlay_start_2:
0x6b: {  	(tag) =	ssettag $0x2  }
0x6c: {  	s0 =	rddreg [dreg:$0x0];
	s2 =	stileid.u32  }
0x6d: {  	s1 =	rddreg [dreg:$0x1];
	p0 =	sne.s32 s2, $0x0  }
0x6e: {  	s3 =	rddreg [dreg:$0x2];
	[bflag:$0x3] =	sbarrier.arrive $0xFFFF;
	s2 =	simm.s32 @!p0 $0x1C02  }
0x6f: {  	[timem:s3], [sflag:s2] =	dma.local @!p0 [hbm:s0], s1  }
0x70: {  	s0 =	simm.s32 @!p0 $0x2  }
0x71: {  	_ =	swait.ge @!p0 [sflag:s0], s1  }
0x72: {  	s1 =	ssub.s32 @!p0 $0x0, s1;
	[sflag:s0] =	ssyncset.done @!p0 $0x0  }
0x73: {  	[sflag:s0] =	ssyncadd.s32 @!p0 s1  }
0x74: {  	[bflag:$0x3] =	sbarrier.arrive $0xFFFF  }
0x75: {  	_ =	shalt  }

// kernel: kernel.34.cloned.1.call-start
scs
__scs_entry_jumppad:
0x0: {  	(pc) =	sbr.rel $0x88, $3  }
0x1: {  	(tag) =	ssettag $0x0;
	lr =	simm.s32 $0x1  }
0x2: {  	[smem:$0x3F94] =	sst lr;
	_ =	strace $0xD0000000  }
0x3: {  	_ = 	snop  }
0x4: {  	_ = 	snop  }
0x5: {  	_ = 	snop  }
0x6: {  	_ = 	snop  }
0x7: {  	_ = 	snop  }
__scs_overlays_trampoline_lowered:
0x8: {  	[smem:$0x3FA3] =	sst s0  }
0x9: {  	[smem:$0x3FA4] =	sst s1  }
0xa: {  	[smem:$0x3FA5] =	sst s2  }
0xb: {  	[smem:$0x3FA6] =	sst s3  }
0xc: {  	[smem:$0x3FA7] =	sst s4  }
0xd: {  	[smem:$0x3FA8] =	sst s5  }
0xe: {  	[smem:$0x3FA9] =	sst s6  }
0xf: {  	[smem:$0x3FAA] =	sst s7  }
0x10: {  	[smem:$0x3FAB] =	sst s8  }
0x11: {  	[smem:$0x3FAC] =	sst s9;
	s0 =	simm.s32 @!p0 $0x0  }
0x12: {  	s1 =	sld [smem:$0x3F92];
	s0 =	simm.s32 @p0 $0x1  }
0x13: {  	[smem:$0x3FAD] =	sst s0;
	s0 =	simm.s32 @!p1 $0x0  }
0x14: {  	s2 =	sld [smem:$0x3F91];
	s0 =	simm.s32 @p1 $0x1  }
0x15: {  	[smem:$0x3FAE] =	sst s0;
	s0 =	simm.s32 @!p2 $0x0  }
0x16: {  	s3 =	sld [smem:$0x3FDB];
	s0 =	simm.s32 @p2 $0x1  }
0x17: {  	s4 =	simm.s32 $0x1BF5;
	[smem:$0x3FB0] =	sst s0  }
0x18: {  	s0 =	sld [smem:$0x3F93];
	_ =	swait.ge [sflag:s4], $0x0  }
0x19: {  	s7 =	sld [smem:$0x3F94]  }
0x1a: {  	s8 =	sadd.s32 $0xFFFFE003, lr  }
0x1b: {  	s9 =	sadd.s32 $0xFFFFFEF7, lr;
	s5 =	simm.s32 $0xFFFFFFFF;
	p2 =	slt.u32 s8, $0xFFFFF086  }
0x1c: {  	p1 =	slt.u32 s9, $0xF7A;
	s5 =	simm.s32 @!p2 $0x0  }
0x1d: {  	s5 =	simm.s32 @p1 $0x1;
	p0 =	seq.s32 s7, s2  }
0x1e: {  	s7 =	smul.u32 @!p0 $0xF7A, s2;
	p2 =	seq.s32 @!p0 s5, $0x0  }
0x1f: {  	s9 =	smul.u32 $0xF7A, s1;
	s8 =	simm.s32 @!p0 $0x1BF5;
	p2 =	por !p2, p0  }
0x20: {  	[sflag:s8] =	ssyncset.s32 @!p0 $0xFFFFF086;
	s6 =	sadd.s32 @!p0 s3, s7;
	s7 =	simm.s32 @!p0 $0x108  }
0x21: {  	s3 =	sadd.s32 s3, s9;
	s6 =	sadd.s32 @!p0 $0x88, s6;
	s7 =	simm.s32 @p2 $0x1082  }
0x22: {  	[simem:s7], [sflag:s8] =	dma.local @!p0 [hbm:s6], $0xF7A  }
0x23: {  	s9 =	sor.u32 $0xD0000000, s2;
	s6 =	simm.s32 $0x108;
	_ =	swait.ge @!p0 [sflag:s8], $0x0  }
0x24: {  	s3 =	sadd.s32 $0x88, s3;
	s6 =	simm.s32 @!p1 $0x1082;
	[sflag:s4] =	ssyncset.s32 $0xFFFFF086  }
0x25: {  	[simem:s6], [sflag:s4] =	dma.local [hbm:s3], $0xF7A  }
0x26: {  	[smem:$0x3F94] =	sst s1;
	(tag) =	ssettag s2;
	_ =	strace s9  }
0x27: {  	s1 =	sld [smem:$0x3FA4]  }
0x28: {  	s2 =	sld [smem:$0x3FA5]  }
0x29: {  	s4 =	sld [smem:$0x3FA7]  }
0x2a: {  	p0 =	seq.s32 s5, $0x0;
	s5 =	sld [smem:$0x3FA8]  }
0x2b: {  	s6 =	sld [smem:$0x3FA9]  }
0x2c: {  	s7 =	sld [smem:$0x3FAA]  }
0x2d: {  	s3 =	simm.s32 $0x108;
	s8 =	sld [smem:$0x3FAB]  }
0x2e: {  	s3 =	simm.s32 @!p0 $0x1082;
	s9 =	sld [smem:$0x3FAC]  }
0x2f: {  	lr =	sadd.s32 s0, s3;
	s0 =	sld [smem:$0x3FA3]  }
0x30: {  	s3 =	sld [smem:$0x3FA6]  }
0x31: {  	[smem:$0x3FAF] =	sst s10  }
0x32: {  	s10 =	sld [smem:$0x3FAD];
	_ =	sdelay $0x3  }
0x33: {  	p0 =	seq.s32 s10, $0x1;
	s10 =	sld [smem:$0x3FAF];
	_ =	sdelay $0x3  }
0x34: {  	[smem:$0x3FAF] =	sst s10  }
0x35: {  	s10 =	sld [smem:$0x3FAE];
	_ =	sdelay $0x3  }
0x36: {  	p1 =	seq.s32 s10, $0x1;
	s10 =	sld [smem:$0x3FAF];
	_ =	sdelay $0x3  }
0x37: {  	[smem:$0x3FAF] =	sst s10  }
0x38: {  	s10 =	sld [smem:$0x3FB0]  }
0x39: {  	_ = 	snop;
	(pc) =	sbr.ind lr, $3  }
0x3a: {  	_ = 	snop  }
0x3b: {  	_ = 	snop  }
0x3c: {  	p2 =	seq.s32 s10, $0x1;
	s10 =	sld [smem:$0x3FAF]  }
0x3d: {  	_ =	shalt  }
0x3e: {  	_ =	shalt  }
0x3f: {  	_ =	shalt  }
0x40: {  	_ =	shalt  }
0x41: {  	_ =	shalt  }
0x42: {  	_ =	shalt  }
0x43: {  	_ =	shalt  }
0x44: {  	_ =	shalt  }
0x45: {  	_ =	shalt  }
0x46: {  	_ =	shalt  }
0x47: {  	_ =	shalt  }
0x48: {  	_ =	shalt  }
0x49: {  	_ =	shalt  }
0x4a: {  	_ =	shalt  }
0x4b: {  	_ =	shalt  }
0x4c: {  	_ =	shalt  }
0x4d: {  	_ =	shalt  }
0x4e: {  	_ =	shalt  }
0x4f: {  	_ =	shalt  }
0x50: {  	_ =	shalt  }
0x51: {  	_ =	shalt  }
0x52: {  	_ =	shalt  }
0x53: {  	_ =	shalt  }
0x54: {  	_ =	shalt  }
0x55: {  	_ =	shalt  }
0x56: {  	_ =	shalt  }
0x57: {  	_ =	shalt  }
0x58: {  	_ =	shalt  }
0x59: {  	_ =	shalt  }
0x5a: {  	_ =	shalt  }
0x5b: {  	_ =	shalt  }
0x5c: {  	_ =	shalt  }
0x5d: {  	_ =	shalt  }
0x5e: {  	_ =	shalt  }
0x5f: {  	_ =	shalt  }
0x60: {  	_ =	shalt  }
0x61: {  	_ =	shalt  }
0x62: {  	_ =	shalt  }
0x63: {  	_ =	shalt  }
0x64: {  	_ =	shalt  }
0x65: {  	_ =	shalt  }
0x66: {  	_ =	shalt  }
0x67: {  	_ =	shalt  }
0x68: {  	_ =	shalt  }
0x69: {  	_ =	shalt  }
0x6a: {  	_ =	shalt  }
0x6b: {  	_ =	shalt  }
0x6c: {  	_ =	shalt  }
0x6d: {  	_ =	shalt  }
0x6e: {  	_ =	shalt  }
0x6f: {  	_ =	shalt  }
0x70: {  	_ =	shalt  }
0x71: {  	_ =	shalt  }
0x72: {  	_ =	shalt  }
0x73: {  	_ =	shalt  }
0x74: {  	_ =	shalt  }
0x75: {  	_ =	shalt  }
0x76: {  	_ =	shalt  }
0x77: {  	_ =	shalt  }
0x78: {  	_ =	shalt  }
0x79: {  	_ =	shalt  }
0x7a: {  	_ =	shalt  }
0x7b: {  	_ =	shalt  }
0x7c: {  	_ =	shalt  }
0x7d: {  	_ =	shalt  }
0x7e: {  	_ =	shalt  }
0x7f: {  	_ =	shalt  }
0x80: {  	_ =	shalt  }
0x81: {  	_ =	shalt  }
0x82: {  	_ =	shalt  }
0x83: {  	_ =	shalt  }
0x84: {  	_ =	shalt  }
0x85: {  	_ =	shalt  }
0x86: {  	_ =	shalt  }
0x87: {  	_ =	shalt  }
.Lfunc_end0:
.L_simem_size_0:
called_computation.2_lowered:
.L_overlay_start_0:
0x88: {  	s2 =	sld [smem:$0x3FD9]  }
0x89: {  	s3 =	sld [smem:$0x3FFE];
	_ =	sdelay $0x1  }
0x8a: {  	s1 =	srdreg.scid  }
0x8b: {  	s0 =	sand.u32 $0x1, s1  }
0x8c: {  	s17 =	sshll.u32 s0, $0xA;
	s2 =	sadd.s32 s3, s2  }
0x8d: {  	s2 =	sadd.s32 s2, s17  }
0x8e: {  	[smem:$0x3FBB] =	sst s2  }
0x8f: {  	_ = 	snop  }
0x90: {  	s18 =	sld [smem:$0x3FD0];
	(tm) =	ssettm $0x1  }
0x91: {  	s19 =	sld [smem:$0x3FFB];
	_ =	sdelay $0x3  }
0x92: {  	_ =	strace s19  }
0x93: {  	s2 =	sld [smem:$0x3FFC];
	_ =	sdelay $0x3  }
0x94: {  	_ =	strace s2  }
0x95: {  	s2 =	sld [smem:$0x3FFD];
	_ =	sdelay $0x3  }
0x96: {  	_ =	strace s2  }
0x97: {  	_ =	strace $0x8FFFFFFF  }
0x98: {  	s20 =	sld [smem:$0x3FDB];
	_ =	sdelay $0x1  }
0x99: {  	s4 =	simm.s32 $_scs_section_size  }
0x9a: {  	s5 =	simm.s32 $_size__tile_overlayer_lowered;
	s6 =	simm.s32 $_tile_overlayer_lowered  }
0x9b: {  	s7 =	simm.s32 $0x1BFF;
	s21 =	sshll.u32 s6, $0x1;
	s4 =	sadd.s32 s4, s20  }
0x9c: {  	s22 =	simm.s32 $0x0;
	s5 =	sshll.u32 s5, $0x1;
	s6 =	sadd.s32 s21, s4  }
0x9d: {  	[timem:s22], [sflag:s7] =	dma.local [hbm:s6], s5  }
0x9e: {  	_ =	swait.ge [sflag:s7], s5  }
0x9f: {  	s5 =	ssub.s32 $0x0, s5;
	[sflag:s7] =	ssyncset.done $0x0  }
0xa0: {  	[sflag:s7] =	ssyncadd.s32 s5;
	_ =	sdelay $0x1  }
0xa1: {  	s23 =	simm.s32 $0x1B8B  }
0xa2: {  	_ =	swait.ge [sflag:s23], $0x1  }
0xa3: {  	[sflag:s23] =	ssyncset.done $0x0  }
0xa4: {  	[sflag:s23] =	ssyncadd.s32 $0xFFFFFFFF  }
0xa5: {  	s5 =	sld [smem:$0x0]  }
0xa6: {  	s6 =	sand.u32 $0xFFFFFFFE, s1  }
0xa7: {  	p0 =	sne.s32 s1, s6  }
0xa8: {  	s6 =	sshll.u32 @p0 s6, $0xE  }
0xa9: {  	s6 =	sadd.s32 @p0 $0x11B8D, s6;
	s7 =	sshll.u32 @p0 s5, $0x11  }
0xaa: {  	s6 =	sor.u32 @p0 s7, s6  }
0xab: {  	[sflag:s6] =	ssyncadd.remote.s32 @p0 $0x1;
	_ =	sdelay $0x1  }
0xac: {  	s6 =	simm.s32 @p0 $0x1B8D  }
0xad: {  	_ =	swait.eq @p0 [sflag:s6], $0x1  }
0xae: {  	[sflag:s6] =	ssyncadd.s32 @p0 $0xFFFFFFFF  }
0xaf: {  	s7 =	sshll.u32 @!p0 s1, $0xE  }
0xb0: {  	s7 =	sor.u32 @!p0 $0x4000, s7;
	s6 =	simm.s32 @!p0 $0x1B8D  }
0xb1: {  	s5 =	sshll.u32 @!p0 s5, $0x11;
	s7 =	sadd.s32 @!p0 $0x11B8D, s7;
	_ =	swait.eq @!p0 [sflag:s6], $0x1  }
0xb2: {  	s5 =	sor.u32 @!p0 s5, s7;
	[sflag:s6] =	ssyncadd.s32 @!p0 $0xFFFFFFFF  }
0xb3: {  	s25 =	simm.s32 $0x1B8E;
	s24 =	sld [smem:$0x3FFE];
	[sflag:s5] =	ssyncadd.remote.s32 @!p0 $0x1  }
0xb4: {  	s26 =	simm.s32 $execute0_lowered;
	[smem:$0x3FD2] =	sst s25  }
0xb5: {  	s6 =	sshll.u32 s26, $0x1;
	_ =	strace $0x8000004F;
	[dreg:$0x1] =	wrdreg $0xFFFFFFFF  }
0xb6: {  	s28 =	simm.s32 $_size_execute0_lowered;
	s4 =	sadd.s32 s4, s6;
	[dreg:$0x0] =	wrdreg $0x0  }
0xb7: {  	s6 =	sshll.u32 s28, $0x1;
	[dreg:$0x2] =	wrdreg s4  }
0xb8: {  	[dreg:$0x3] =	wrdreg s6  }
0xb9: {  	[dreg:$0x4] =	wrdreg $0xC0  }
0xba: {  	_ =	task [dreg:s22], $0x5FFFF  }
0xbb: {  	[dreg:$0x1] =	wrdreg $0xFFFFFFFF  }
0xbc: {  	[dreg:$0x0] =	wrdreg $0x60  }
0xbd: {  	[dreg:$0x2] =	wrdreg s24  }
0xbe: {  	[dreg:$0x3] =	wrdreg s18  }
0xbf: {  	[dreg:$0x4] =	wrdreg $0x9  }
0xc0: {  	_ =	task.clear_ibuf [dreg:s22], $0x5FFFF;
	_ =	strace $0x9000004F  }
0xc1: {  	s29 =	simm.s32 $0x9;
	_ =	strace $0x80000051  }
0xc2: {  	_ =	swait.ge [sflag:s29], $0x1  }
0xc3: {  	[sflag:s29] =	ssyncadd.s32 $0xFFFFFFFF  }
0xc4: {  	_ =	strace $0x90000051  }
0xc5: {  	_ =	sfence  }
0xc6: {  	s30 =	sld [smem:$0x0];
	_ =	sdelay $0x2  }
0xc7: {  	s31 =	sshll.u32 s1, $0xD;
	s1 =	sshrl.u32 s1, $0x2  }
0xc8: {  	s4 =	sand.u32 $0x4000, s31;
	s1 =	sadd.s32 s1, s30  }
0xc9: {  	s0 =	sor.u32 s4, s0;
	s1 =	sshll.u32 s1, $0x11  }
0xca: {  	s0 =	sor.u32 s1, s0  }
0xcb: {  	s0 =	sadd.s32 $0x8F2B, s0  }
0xcc: {  	[sflag:s0] =	ssyncadd.remote.s32 $0x1  }
0xcd: {  	_ =	sfence.sel $0xFFFF  }
0xce: {  	[dreg:$0x0] =	wrdreg $0xFFFFFFFF;
	(pc) =	sbr.abs _section_cstart, $3  }
0xcf: {  	[dreg:$0x1] =	wrdreg $0xFFFFFFFF  }
0xd0: {  	_ =	task.clear_ibuf [dreg:s22], $0x2FFFF;
	_ =	strace $0x9FFFFFFF  }
0xd1: {  	(tm) =	ssettm $0x7FFFFFFF  }
tec
execute0_lowered:
.L_overlay_start_1:
0x0: {  	(tag) =	ssettag $0x1  }
0x1: {  	s4 =	rddreg [dreg:$0x0]  }
0x2: {  	s5 =	rddreg [dreg:$0x1];
	s1 =	stileid.u32  }
0x3: {  	s2 =	srdreg.scid;
	s0 =	rddreg [dreg:$0x2];
	s10 =	simm.s32 $0x5400  }
0x4: {  	s11 =	simm.s32 $0x9400;
	s12 =	simm.s32 $0xD400;
	s13 =	simm.s32 $0x11400  }
0x5: {  	s14 =	simm.s32 $0x1;
	s15 =	simm.s32 $0x0;
	s3 =	sand.u32 $0x1, s2  }
0x6: {  	s6 =	sshll.u32 s1, $0x1;
	s2 =	simm.s32 $0x0;
	s7 =	smul.u32 $0x28000, s1  }
0x7: {  	s6 =	sor.u32 s3, s6;
	[smem:$0x7FF] =	sst s2;
	s9 =	smul.u32 $0x14000, s3  }
0x8: {  	s8 =	ssub.s32 $0x2, s3;
	s3 =	sadd.s32 $0x4000, s4;
	s6 =	smul.u32 $0x1400, s6  }
0x9: {  	_ =	strace $0x80000050;
	s4 =	sadd.s32 s7, s4;
	s30 =	sshrl.u32 s8, $0x1  }
0xa: {  	s7 =	ssub.s32 s8, s30;
	s31 =	sadd.s32 s9, s4;
	s6 =	sshrl.u32 s6, $0x3  }
0xb: {  	s8 =	simm.s32 $0x80;
	s9 =	simm.s32 $0x1400;
	s4 =	sadd.s32 s5, s6  }
0xc: {  	s5 =	smax.u32 s7, $0x1;
	s6 =	sadd.s32 $0x2C9000, s31;
	s7 =	simm.s32 $0x2  }
.LBB2_1:
0xd: {  	[tilespmem:s2], [sflag:$0x2] =	stream.linear.gather [hbm4b:s4+s2], $0x1400, $0x38;
	[tilespmem:$0x15400] =	vst v63  }
0xe: {  	_ =	swait.ge [sflag:s7], $0x1400  }
0xf: {  	[sflag:s7] =	ssyncset.done $0x0  }
0x10: {  	s16 =	simm.s32 $0x0;
	[sflag:s7] =	ssyncadd.s32 $0xFFFFEC00  }
0x11: {  	[tilespmem:s9], [sflag:$0x1] =	stream.indirect.gather [hbm4b:s3+s8], $0x80, s16, s8, $0xb8;
	[tilespmem:$0x15400] =	vst v63  }
0x12: {  	s28 =	simm.s32 $0x80  }
0x13: {  	[tilespmem:s10], [sflag:$0x1] =	stream.indirect.gather [hbm4b:s3+s8], $0x80, s28, s8, $0xb8;
	[tilespmem:$0x15400] =	vst v63  }
0x14: {  	s29 =	simm.s32 $0x100  }
0x15: {  	[tilespmem:s11], [sflag:$0x1] =	stream.indirect.gather [hbm4b:s3+s8], $0x80, s29, s8, $0xb8;
	[tilespmem:$0x15400] =	vst v63  }
0x16: {  	s30 =	simm.s32 $0x180  }
0x17: {  	[tilespmem:s12], [sflag:$0x1] =	stream.indirect.gather [hbm4b:s3+s8], $0x80, s30, s8, $0xb8;
	[tilespmem:$0x15400] =	vst v63  }
0x18: {  	s31 =	simm.s32 $0x200  }
0x19: {  	[tilespmem:s13], [sflag:$0x1] =	stream.indirect.gather [hbm4b:s3+s8], $0x80, s31, s8, $0xb8;
	[tilespmem:$0x15400] =	vst v63  }
0x1a: {  	_ =	swait.ge [sflag:s14], $0x4000  }
0x1b: {  	[sflag:s14] =	ssyncset.done $0x0  }
0x1c: {  	[sflag:s14] =	ssyncadd.s32 $0xFFFFC000  }
0x1d: {  	_ =	swait.ge [sflag:s14], $0x4000  }
0x1e: {  	[sflag:s14] =	ssyncset.done $0x0  }
0x1f: {  	[sflag:s14] =	ssyncadd.s32 $0xFFFFC000  }
0x20: {  	_ =	swait.ge [sflag:s14], $0x4000  }
0x21: {  	[sflag:s14] =	ssyncset.done $0x0  }
0x22: {  	[sflag:s14] =	ssyncadd.s32 $0xFFFFC000  }
0x23: {  	_ =	swait.ge [sflag:s14], $0x4000  }
0x24: {  	[sflag:s14] =	ssyncset.done $0x0  }
0x25: {  	[sflag:s14] =	ssyncadd.s32 $0xFFFFC000  }
0x26: {  	_ =	swait.ge [sflag:s14], $0x4000  }
0x27: {  	[sflag:s14] =	ssyncset.done $0x0  }
0x28: {  	[sflag:s14] =	ssyncadd.s32 $0xFFFFC000  }
0x29: {  	[hbm4b:s6+s2] =	stream.linear.scatter [tilespmem:s9], [sflag:$0x2], $0x14000, $0x38;
	[tilespmem:$0x15400] =	vst v63  }
0x2a: {  	s17 =	simm.s32 $0xA00;
	_ =	swait.ge [sflag:s7], $0x14000  }
0x2b: {  	s18 =	simm.s32 $0x1400;
	s16 =	sadd.s32 $0x2800, s6;
	[sflag:s7] =	ssyncset.done $0x0  }
.LBB2_2:
0x2c: {  	s19 =	sshra.s32 s17, $0x2  }
0x2d: {  	[sflag:s7] =	ssyncadd.s32 $0xFFFEC000;
	s17 =	smov.u32 s18;
	s20 =	sadd.s32 $0xA00, s18  }
0x2e: {  	[tilespmem:s9], [sflag:$0x1] =	stream.indirect.gather [hbm4b:s3+s8], $0x80, s19, s8, $0xb8;
	[tilespmem:$0x15400] =	vst v63  }
0x2f: {  	p0 =	sne.s32 s18, $0x4600;
	s18 =	sadd.s32 $0x80, s19  }
0x30: {  	[tilespmem:s10], [sflag:$0x1] =	stream.indirect.gather [hbm4b:s3+s8], $0x80, s18, s8, $0xb8;
	[tilespmem:$0x15400] =	vst v63  }
0x31: {  	s18 =	sadd.s32 $0x100, s19  }
0x32: {  	[tilespmem:s11], [sflag:$0x1] =	stream.indirect.gather [hbm4b:s3+s8], $0x80, s18, s8, $0xb8;
	[tilespmem:$0x15400] =	vst v63  }
0x33: {  	s18 =	sadd.s32 $0x180, s19  }
0x34: {  	[tilespmem:s12], [sflag:$0x1] =	stream.indirect.gather [hbm4b:s3+s8], $0x80, s18, s8, $0xb8;
	[tilespmem:$0x15400] =	vst v63  }
0x35: {  	s18 =	sadd.s32 $0x200, s19  }
0x36: {  	[tilespmem:s13], [sflag:$0x1] =	stream.indirect.gather [hbm4b:s3+s8], $0x80, s18, s8, $0xb8;
	[tilespmem:$0x15400] =	vst v63  }
0x37: {  	_ =	swait.ge [sflag:s14], $0x4000  }
0x38: {  	[sflag:s14] =	ssyncset.done $0x0  }
0x39: {  	[sflag:s14] =	ssyncadd.s32 $0xFFFFC000  }
0x3a: {  	_ =	swait.ge [sflag:s14], $0x4000  }
0x3b: {  	[sflag:s14] =	ssyncset.done $0x0  }
0x3c: {  	[sflag:s14] =	ssyncadd.s32 $0xFFFFC000  }
0x3d: {  	_ =	swait.ge [sflag:s14], $0x4000  }
0x3e: {  	[sflag:s14] =	ssyncset.done $0x0  }
0x3f: {  	[sflag:s14] =	ssyncadd.s32 $0xFFFFC000  }
0x40: {  	_ =	swait.ge [sflag:s14], $0x4000  }
0x41: {  	[sflag:s14] =	ssyncset.done $0x0  }
0x42: {  	[sflag:s14] =	ssyncadd.s32 $0xFFFFC000  }
0x43: {  	_ =	swait.ge [sflag:s14], $0x4000  }
.Ltmp0:
0x44: {  	[sflag:s14] =	ssyncset.done $0x0;
	(pc) =	sbr.rel @p0 .LBB2_2-.Ltmp0, $4  }
0x45: {  	[sflag:s14] =	ssyncadd.s32 $0xFFFFC000  }
0x46: {  	[hbm4b:s16+s2] =	stream.linear.scatter [tilespmem:s9], [sflag:$0x2], $0x14000, $0x38;
	[tilespmem:$0x15400] =	vst v63  }
0x47: {  	_ =	swait.ge [sflag:s7], $0x14000  }
0x48: {  	s18 =	smov.u32 s20;
	s16 =	sadd.s32 $0x2800, s16;
	[sflag:s7] =	ssyncset.done $0x0  }
0x49: {  	s17 =	sshra.s32 s17, $0x2;
	[sflag:s7] =	ssyncadd.s32 $0xFFFEC000  }
0x4a: {  	[tilespmem:s9], [sflag:$0x1] =	stream.indirect.gather [hbm4b:s3+s8], $0x80, s17, s8, $0xb8;
	[tilespmem:$0x15400] =	vst v63  }
0x4b: {  	s18 =	sadd.s32 $0x80, s17  }
0x4c: {  	[tilespmem:s10], [sflag:$0x1] =	stream.indirect.gather [hbm4b:s3+s8], $0x80, s18, s8, $0xb8;
	[tilespmem:$0x15400] =	vst v63  }
0x4d: {  	s30 =	sadd.s32 $0x100, s17  }
0x4e: {  	[tilespmem:s11], [sflag:$0x1] =	stream.indirect.gather [hbm4b:s3+s8], $0x80, s30, s8, $0xb8;
	[tilespmem:$0x15400] =	vst v63  }
0x4f: {  	s31 =	sadd.s32 $0x180, s17  }
0x50: {  	[tilespmem:s12], [sflag:$0x1] =	stream.indirect.gather [hbm4b:s3+s8], $0x80, s31, s8, $0xb8;
	[tilespmem:$0x15400] =	vst v63  }
0x51: {  	s17 =	sadd.s32 $0x200, s17  }
0x52: {  	[tilespmem:s13], [sflag:$0x1] =	stream.indirect.gather [hbm4b:s3+s8], $0x80, s17, s8, $0xb8;
	[tilespmem:$0x15400] =	vst v63  }
0x53: {  	_ =	swait.ge [sflag:s14], $0x4000  }
0x54: {  	[sflag:s14] =	ssyncset.done $0x0  }
0x55: {  	[sflag:s14] =	ssyncadd.s32 $0xFFFFC000  }
0x56: {  	_ =	swait.ge [sflag:s14], $0x4000  }
0x57: {  	[sflag:s14] =	ssyncset.done $0x0  }
0x58: {  	[sflag:s14] =	ssyncadd.s32 $0xFFFFC000  }
0x59: {  	_ =	swait.ge [sflag:s14], $0x4000  }
0x5a: {  	[sflag:s14] =	ssyncset.done $0x0  }
0x5b: {  	[sflag:s14] =	ssyncadd.s32 $0xFFFFC000  }
0x5c: {  	_ =	swait.ge [sflag:s14], $0x4000  }
0x5d: {  	[sflag:s14] =	ssyncset.done $0x0  }
0x5e: {  	[sflag:s14] =	ssyncadd.s32 $0xFFFFC000  }
0x5f: {  	s15 =	sadd.s32 $0x1, s15;
	_ =	swait.ge [sflag:s14], $0x4000  }
0x60: {  	p0 =	sne.s32 s15, s5;
	[sflag:s14] =	ssyncset.done $0x0  }
.Ltmp1:
0x61: {  	[sflag:s14] =	ssyncadd.s32 $0xFFFFC000;
	(pc) =	sbr.rel @p0 .LBB2_1-.Ltmp1, $4  }
0x62: {  	[hbm4b:s16+s2] =	stream.linear.scatter [tilespmem:s9], [sflag:$0x2], $0x14000, $0x38;
	[tilespmem:$0x15400] =	vst v63  }
0x63: {  	_ =	swait.ge [sflag:s7], $0x14000  }
0x64: {  	[sflag:s7] =	ssyncset.done $0x0  }
0x65: {  	[sflag:s7] =	ssyncadd.s32 $0xFFFEC000  }
0x66: {  	_ =	sfence.sel $0x180000  }
0x67: {  	[bflag:$0x0] =	sbarrier.arrive $0xFFFF  }
0x68: {  	p0 =	sne.s32 s1, $0x0;
	_ =	strace $0x90000050  }
0x69: {  	s0 =	sadd.s32 @!p0 $0x100000, s0;
	[bflag:$0x2] =	sbarrier.arrive $0xFFFF  }
0x6a: {  	[sflag:s0] =	ssyncadd.tile.s32 @!p0 $0x1;
	_ =	shalt  }
.Lfunc_end2:
_tile_overlayer_lowered:
.L_overlay_start_2:
0x6b: {  	(tag) =	ssettag $0x2  }
0x6c: {  	s0 =	rddreg [dreg:$0x0];
	s2 =	stileid.u32  }
0x6d: {  	s1 =	rddreg [dreg:$0x1];
	p0 =	sne.s32 s2, $0x0  }
0x6e: {  	s3 =	rddreg [dreg:$0x2];
	[bflag:$0x3] =	sbarrier.arrive $0xFFFF;
	s2 =	simm.s32 @!p0 $0x1C02  }
0x6f: {  	[timem:s3], [sflag:s2] =	dma.local @!p0 [hbm:s0], s1  }
0x70: {  	s0 =	simm.s32 @!p0 $0x2  }
0x71: {  	_ =	swait.ge @!p0 [sflag:s0], s1  }
0x72: {  	s1 =	ssub.s32 @!p0 $0x0, s1;
	[sflag:s0] =	ssyncset.done @!p0 $0x0  }
0x73: {  	[sflag:s0] =	ssyncadd.s32 @!p0 s1  }
0x74: {  	[bflag:$0x3] =	sbarrier.arrive $0xFFFF  }
0x75: {  	_ =	shalt  }

// kernel: kernel.37.cloned.1.call-start
scs
__scs_entry_jumppad:
0x0: {  	(pc) =	sbr.rel $0x88, $3  }
0x1: {  	(tag) =	ssettag $0x0;
	lr =	simm.s32 $0x1  }
0x2: {  	[smem:$0x3F94] =	sst lr;
	_ =	strace $0xD0000000  }
0x3: {  	_ = 	snop  }
0x4: {  	_ = 	snop  }
0x5: {  	_ = 	snop  }
0x6: {  	_ = 	snop  }
0x7: {  	_ = 	snop  }
__scs_overlays_trampoline_lowered:
0x8: {  	[smem:$0x3FA3] =	sst s0  }
0x9: {  	[smem:$0x3FA4] =	sst s1  }
0xa: {  	[smem:$0x3FA5] =	sst s2  }
0xb: {  	[smem:$0x3FA6] =	sst s3  }
0xc: {  	[smem:$0x3FA7] =	sst s4  }
0xd: {  	[smem:$0x3FA8] =	sst s5  }
0xe: {  	[smem:$0x3FA9] =	sst s6  }
0xf: {  	[smem:$0x3FAA] =	sst s7  }
0x10: {  	[smem:$0x3FAB] =	sst s8  }
0x11: {  	[smem:$0x3FAC] =	sst s9;
	s0 =	simm.s32 @!p0 $0x0  }
0x12: {  	s1 =	sld [smem:$0x3F92];
	s0 =	simm.s32 @p0 $0x1  }
0x13: {  	[smem:$0x3FAD] =	sst s0;
	s0 =	simm.s32 @!p1 $0x0  }
0x14: {  	s2 =	sld [smem:$0x3F91];
	s0 =	simm.s32 @p1 $0x1  }
0x15: {  	[smem:$0x3FAE] =	sst s0;
	s0 =	simm.s32 @!p2 $0x0  }
0x16: {  	s3 =	sld [smem:$0x3FDB];
	s0 =	simm.s32 @p2 $0x1  }
0x17: {  	s4 =	simm.s32 $0x1BF5;
	[smem:$0x3FB0] =	sst s0  }
0x18: {  	s0 =	sld [smem:$0x3F93];
	_ =	swait.ge [sflag:s4], $0x0  }
0x19: {  	s7 =	sld [smem:$0x3F94]  }
0x1a: {  	s8 =	sadd.s32 $0xFFFFE003, lr  }
0x1b: {  	s9 =	sadd.s32 $0xFFFFFEF7, lr;
	s5 =	simm.s32 $0xFFFFFFFF;
	p2 =	slt.u32 s8, $0xFFFFF086  }
0x1c: {  	p1 =	slt.u32 s9, $0xF7A;
	s5 =	simm.s32 @!p2 $0x0  }
0x1d: {  	s5 =	simm.s32 @p1 $0x1;
	p0 =	seq.s32 s7, s2  }
0x1e: {  	s7 =	smul.u32 @!p0 $0xF7A, s2;
	p2 =	seq.s32 @!p0 s5, $0x0  }
0x1f: {  	s9 =	smul.u32 $0xF7A, s1;
	s8 =	simm.s32 @!p0 $0x1BF5;
	p2 =	por !p2, p0  }
0x20: {  	[sflag:s8] =	ssyncset.s32 @!p0 $0xFFFFF086;
	s6 =	sadd.s32 @!p0 s3, s7;
	s7 =	simm.s32 @!p0 $0x108  }
0x21: {  	s3 =	sadd.s32 s3, s9;
	s6 =	sadd.s32 @!p0 $0x88, s6;
	s7 =	simm.s32 @p2 $0x1082  }
0x22: {  	[simem:s7], [sflag:s8] =	dma.local @!p0 [hbm:s6], $0xF7A  }
0x23: {  	s9 =	sor.u32 $0xD0000000, s2;
	s6 =	simm.s32 $0x108;
	_ =	swait.ge @!p0 [sflag:s8], $0x0  }
0x24: {  	s3 =	sadd.s32 $0x88, s3;
	s6 =	simm.s32 @!p1 $0x1082;
	[sflag:s4] =	ssyncset.s32 $0xFFFFF086  }
0x25: {  	[simem:s6], [sflag:s4] =	dma.local [hbm:s3], $0xF7A  }
0x26: {  	[smem:$0x3F94] =	sst s1;
	(tag) =	ssettag s2;
	_ =	strace s9  }
0x27: {  	s1 =	sld [smem:$0x3FA4]  }
0x28: {  	s2 =	sld [smem:$0x3FA5]  }
0x29: {  	s4 =	sld [smem:$0x3FA7]  }
0x2a: {  	p0 =	seq.s32 s5, $0x0;
	s5 =	sld [smem:$0x3FA8]  }
0x2b: {  	s6 =	sld [smem:$0x3FA9]  }
0x2c: {  	s7 =	sld [smem:$0x3FAA]  }
0x2d: {  	s3 =	simm.s32 $0x108;
	s8 =	sld [smem:$0x3FAB]  }
0x2e: {  	s3 =	simm.s32 @!p0 $0x1082;
	s9 =	sld [smem:$0x3FAC]  }
0x2f: {  	lr =	sadd.s32 s0, s3;
	s0 =	sld [smem:$0x3FA3]  }
0x30: {  	s3 =	sld [smem:$0x3FA6]  }
0x31: {  	[smem:$0x3FAF] =	sst s10  }
0x32: {  	s10 =	sld [smem:$0x3FAD];
	_ =	sdelay $0x3  }
0x33: {  	p0 =	seq.s32 s10, $0x1;
	s10 =	sld [smem:$0x3FAF];
	_ =	sdelay $0x3  }
0x34: {  	[smem:$0x3FAF] =	sst s10  }
0x35: {  	s10 =	sld [smem:$0x3FAE];
	_ =	sdelay $0x3  }
0x36: {  	p1 =	seq.s32 s10, $0x1;
	s10 =	sld [smem:$0x3FAF];
	_ =	sdelay $0x3  }
0x37: {  	[smem:$0x3FAF] =	sst s10  }
0x38: {  	s10 =	sld [smem:$0x3FB0]  }
0x39: {  	_ = 	snop;
	(pc) =	sbr.ind lr, $3  }
0x3a: {  	_ = 	snop  }
0x3b: {  	_ = 	snop  }
0x3c: {  	p2 =	seq.s32 s10, $0x1;
	s10 =	sld [smem:$0x3FAF]  }
0x3d: {  	_ =	shalt  }
0x3e: {  	_ =	shalt  }
0x3f: {  	_ =	shalt  }
0x40: {  	_ =	shalt  }
0x41: {  	_ =	shalt  }
0x42: {  	_ =	shalt  }
0x43: {  	_ =	shalt  }
0x44: {  	_ =	shalt  }
0x45: {  	_ =	shalt  }
0x46: {  	_ =	shalt  }
0x47: {  	_ =	shalt  }
0x48: {  	_ =	shalt  }
0x49: {  	_ =	shalt  }
0x4a: {  	_ =	shalt  }
0x4b: {  	_ =	shalt  }
0x4c: {  	_ =	shalt  }
0x4d: {  	_ =	shalt  }
0x4e: {  	_ =	shalt  }
0x4f: {  	_ =	shalt  }
0x50: {  	_ =	shalt  }
0x51: {  	_ =	shalt  }
0x52: {  	_ =	shalt  }
0x53: {  	_ =	shalt  }
0x54: {  	_ =	shalt  }
0x55: {  	_ =	shalt  }
0x56: {  	_ =	shalt  }
0x57: {  	_ =	shalt  }
0x58: {  	_ =	shalt  }
0x59: {  	_ =	shalt  }
0x5a: {  	_ =	shalt  }
0x5b: {  	_ =	shalt  }
0x5c: {  	_ =	shalt  }
0x5d: {  	_ =	shalt  }
0x5e: {  	_ =	shalt  }
0x5f: {  	_ =	shalt  }
0x60: {  	_ =	shalt  }
0x61: {  	_ =	shalt  }
0x62: {  	_ =	shalt  }
0x63: {  	_ =	shalt  }
0x64: {  	_ =	shalt  }
0x65: {  	_ =	shalt  }
0x66: {  	_ =	shalt  }
0x67: {  	_ =	shalt  }
0x68: {  	_ =	shalt  }
0x69: {  	_ =	shalt  }
0x6a: {  	_ =	shalt  }
0x6b: {  	_ =	shalt  }
0x6c: {  	_ =	shalt  }
0x6d: {  	_ =	shalt  }
0x6e: {  	_ =	shalt  }
0x6f: {  	_ =	shalt  }
0x70: {  	_ =	shalt  }
0x71: {  	_ =	shalt  }
0x72: {  	_ =	shalt  }
0x73: {  	_ =	shalt  }
0x74: {  	_ =	shalt  }
0x75: {  	_ =	shalt  }
0x76: {  	_ =	shalt  }
0x77: {  	_ =	shalt  }
0x78: {  	_ =	shalt  }
0x79: {  	_ =	shalt  }
0x7a: {  	_ =	shalt  }
0x7b: {  	_ =	shalt  }
0x7c: {  	_ =	shalt  }
0x7d: {  	_ =	shalt  }
0x7e: {  	_ =	shalt  }
0x7f: {  	_ =	shalt  }
0x80: {  	_ =	shalt  }
0x81: {  	_ =	shalt  }
0x82: {  	_ =	shalt  }
0x83: {  	_ =	shalt  }
0x84: {  	_ =	shalt  }
0x85: {  	_ =	shalt  }
0x86: {  	_ =	shalt  }
0x87: {  	_ =	shalt  }
.Lfunc_end0:
.L_simem_size_0:
called_computation.3_lowered:
.L_overlay_start_0:
0x88: {  	s2 =	sld [smem:$0x3FD9]  }
0x89: {  	s3 =	sld [smem:$0x3FFE];
	_ =	sdelay $0x1  }
0x8a: {  	s1 =	srdreg.scid  }
0x8b: {  	s0 =	sand.u32 $0x1, s1  }
0x8c: {  	s16 =	sshll.u32 s0, $0xA;
	s2 =	sadd.s32 s3, s2  }
0x8d: {  	s2 =	sadd.s32 s2, s16  }
0x8e: {  	[smem:$0x3FBB] =	sst s2  }
0x8f: {  	_ = 	snop  }
0x90: {  	(tm) =	ssettm $0x1  }
0x91: {  	s17 =	sld [smem:$0x3FFB];
	_ =	sdelay $0x3  }
0x92: {  	_ =	strace s17  }
0x93: {  	s2 =	sld [smem:$0x3FFC];
	_ =	sdelay $0x3  }
0x94: {  	_ =	strace s2  }
0x95: {  	s2 =	sld [smem:$0x3FFD];
	_ =	sdelay $0x3  }
0x96: {  	_ =	strace s2  }
0x97: {  	_ =	strace $0x8FFFFFFF  }
0x98: {  	s18 =	sld [smem:$0x3FDB];
	_ =	sdelay $0x1  }
0x99: {  	s19 =	simm.s32 $_scs_section_size  }
0x9a: {  	s4 =	simm.s32 $_size__tile_overlayer_lowered;
	s5 =	simm.s32 $_tile_overlayer_lowered  }
0x9b: {  	s22 =	simm.s32 $0x1BFF;
	s21 =	sshll.u32 s5, $0x1;
	s2 =	sadd.s32 s19, s18  }
0x9c: {  	s6 =	simm.s32 $0x0;
	s20 =	sshll.u32 s4, $0x1;
	s4 =	sadd.s32 s21, s2  }
0x9d: {  	[timem:s6], [sflag:s22] =	dma.local [hbm:s4], s20  }
0x9e: {  	_ =	swait.ge [sflag:s22], s20  }
0x9f: {  	s3 =	ssub.s32 $0x0, s20;
	[sflag:s22] =	ssyncset.done $0x0  }
0xa0: {  	[sflag:s22] =	ssyncadd.s32 s3;
	_ =	sdelay $0x1  }
0xa1: {  	s23 =	simm.s32 $0x1B8B  }
0xa2: {  	_ =	swait.ge [sflag:s23], $0x1  }
0xa3: {  	[sflag:s23] =	ssyncset.done $0x0  }
0xa4: {  	s25 =	simm.s32 $0x1B8E;
	s24 =	sld [smem:$0x3FFE];
	[sflag:s23] =	ssyncadd.s32 $0xFFFFFFFF  }
0xa5: {  	s26 =	simm.s32 $execute0_lowered;
	[smem:$0x3FD2] =	sst s25  }
0xa6: {  	s4 =	sshll.u32 s26, $0x1;
	_ =	strace $0x8000004C;
	[dreg:$0x1] =	wrdreg $0xFFFFFFFF  }
0xa7: {  	s28 =	simm.s32 $_size_execute0_lowered;
	s2 =	sadd.s32 s2, s4;
	[dreg:$0x0] =	wrdreg $0x0  }
0xa8: {  	s4 =	sshll.u32 s28, $0x1;
	[dreg:$0x2] =	wrdreg s2  }
0xa9: {  	[dreg:$0x3] =	wrdreg s4  }
0xaa: {  	[dreg:$0x4] =	wrdreg $0xC0  }
0xab: {  	_ =	task [dreg:s6], $0x5FFFF  }
0xac: {  	[dreg:$0x1] =	wrdreg $0xFFFFFFFF  }
0xad: {  	[dreg:$0x0] =	wrdreg $0x60  }
0xae: {  	[dreg:$0x2] =	wrdreg s24  }
0xaf: {  	[dreg:$0x3] =	wrdreg $0xA  }
0xb0: {  	_ =	task.clear_ibuf [dreg:s6], $0x4FFFF;
	_ =	strace $0x9000004C  }
0xb1: {  	s29 =	simm.s32 $0xA;
	_ =	strace $0x8000004E  }
0xb2: {  	_ =	swait.ge [sflag:s29], $0x1  }
0xb3: {  	[sflag:s29] =	ssyncadd.s32 $0xFFFFFFFF  }
0xb4: {  	_ =	strace $0x9000004E  }
0xb5: {  	_ =	sfence  }
0xb6: {  	s30 =	sld [smem:$0x0];
	_ =	sdelay $0x2  }
0xb7: {  	s31 =	sshll.u32 s1, $0xD;
	s1 =	sshrl.u32 s1, $0x2  }
0xb8: {  	s3 =	sand.u32 $0x4000, s31;
	s1 =	sadd.s32 s1, s30  }
0xb9: {  	s0 =	sor.u32 s3, s0;
	s1 =	sshll.u32 s1, $0x11  }
0xba: {  	s0 =	sor.u32 s1, s0  }
0xbb: {  	s0 =	sadd.s32 $0x8F2B, s0  }
0xbc: {  	[sflag:s0] =	ssyncadd.remote.s32 $0x1  }
0xbd: {  	_ =	sfence.sel $0xFFFF  }
0xbe: {  	[dreg:$0x0] =	wrdreg $0xFFFFFFFF;
	(pc) =	sbr.abs _section_cstart, $3  }
0xbf: {  	[dreg:$0x1] =	wrdreg $0xFFFFFFFF  }
0xc0: {  	_ =	task.clear_ibuf [dreg:s6], $0x2FFFF;
	_ =	strace $0x9FFFFFFF  }
0xc1: {  	(tm) =	ssettm $0x7FFFFFFF  }
tec
execute0_lowered:
.L_overlay_start_1:
0x0: {  	(tag) =	ssettag $0x1  }
0x1: {  	s1 =	srdreg.scid  }
0x2: {  	s0 =	stileid.u32;
	s4 =	rddreg [dreg:$0x0]  }
0x3: {  	s2 =	simm.s32 $0x0;
	s10 =	simm.s32 $0x5400;
	s11 =	simm.s32 $0x9400  }
0x4: {  	s12 =	simm.s32 $0xD400;
	s13 =	simm.s32 $0x11400;
	s14 =	simm.s32 $0x1  }
0x5: {  	s15 =	simm.s32 $0x0;
	s5 =	sand.u32 $0x1, s1;
	s1 =	rddreg [dreg:$0x1]  }
0x6: {  	s3 =	sshll.u32 s0, $0x1;
	[smem:$0x7FF] =	sst s2;
	s7 =	smul.u32 $0x28000, s0  }
0x7: {  	s3 =	sor.u32 s5, s3;
	s8 =	ssub.s32 $0x2, s5;
	s5 =	smul.u32 $0x14000, s5  }
0x8: {  	_ =	strace $0x8000004D;
	s6 =	smul.u32 $0x1400, s3;
	s9 =	sshrl.u32 s8, $0x1  }
0x9: {  	s3 =	sadd.s32 $0x4000, s4;
	s7 =	sadd.s32 s7, s4;
	s31 =	ssub.s32 s8, s9  }
0xa: {  	s7 =	sadd.s32 s5, s7;
	s8 =	simm.s32 $0x80;
	s6 =	sshrl.u32 s6, $0x3  }
0xb: {  	s9 =	simm.s32 $0x1400;
	s5 =	smax.u32 s31, $0x1;
	s4 =	sadd.s32 s6, s4  }
0xc: {  	s6 =	sadd.s32 $0x49000, s7;
	s7 =	simm.s32 $0x2;
	s4 =	sadd.s32 $0x44000, s4  }
.LBB2_1:
0xd: {  	[tilespmem:s2], [sflag:$0x2] =	stream.linear.gather [hbm4b:s4+s2], $0x1400, $0x38;
	[tilespmem:$0x15400] =	vst v63  }
0xe: {  	_ =	swait.ge [sflag:s7], $0x1400  }
0xf: {  	[sflag:s7] =	ssyncset.done $0x0  }
0x10: {  	s16 =	simm.s32 $0x0;
	[sflag:s7] =	ssyncadd.s32 $0xFFFFEC00  }
0x11: {  	[tilespmem:s9], [sflag:$0x1] =	stream.indirect.gather [hbm4b:s3+s8], $0x80, s16, s8, $0xb8;
	[tilespmem:$0x15400] =	vst v63  }
0x12: {  	s28 =	simm.s32 $0x80  }
0x13: {  	[tilespmem:s10], [sflag:$0x1] =	stream.indirect.gather [hbm4b:s3+s8], $0x80, s28, s8, $0xb8;
	[tilespmem:$0x15400] =	vst v63  }
0x14: {  	s29 =	simm.s32 $0x100  }
0x15: {  	[tilespmem:s11], [sflag:$0x1] =	stream.indirect.gather [hbm4b:s3+s8], $0x80, s29, s8, $0xb8;
	[tilespmem:$0x15400] =	vst v63  }
0x16: {  	s30 =	simm.s32 $0x180  }
0x17: {  	[tilespmem:s12], [sflag:$0x1] =	stream.indirect.gather [hbm4b:s3+s8], $0x80, s30, s8, $0xb8;
	[tilespmem:$0x15400] =	vst v63  }
0x18: {  	s31 =	simm.s32 $0x200  }
0x19: {  	[tilespmem:s13], [sflag:$0x1] =	stream.indirect.gather [hbm4b:s3+s8], $0x80, s31, s8, $0xb8;
	[tilespmem:$0x15400] =	vst v63  }
0x1a: {  	_ =	swait.ge [sflag:s14], $0x4000  }
0x1b: {  	[sflag:s14] =	ssyncset.done $0x0  }
0x1c: {  	[sflag:s14] =	ssyncadd.s32 $0xFFFFC000  }
0x1d: {  	_ =	swait.ge [sflag:s14], $0x4000  }
0x1e: {  	[sflag:s14] =	ssyncset.done $0x0  }
0x1f: {  	[sflag:s14] =	ssyncadd.s32 $0xFFFFC000  }
0x20: {  	_ =	swait.ge [sflag:s14], $0x4000  }
0x21: {  	[sflag:s14] =	ssyncset.done $0x0  }
0x22: {  	[sflag:s14] =	ssyncadd.s32 $0xFFFFC000  }
0x23: {  	_ =	swait.ge [sflag:s14], $0x4000  }
0x24: {  	[sflag:s14] =	ssyncset.done $0x0  }
0x25: {  	[sflag:s14] =	ssyncadd.s32 $0xFFFFC000  }
0x26: {  	_ =	swait.ge [sflag:s14], $0x4000  }
0x27: {  	[sflag:s14] =	ssyncset.done $0x0  }
0x28: {  	[sflag:s14] =	ssyncadd.s32 $0xFFFFC000  }
0x29: {  	[hbm4b:s6+s2] =	stream.linear.scatter [tilespmem:s9], [sflag:$0x2], $0x14000, $0x38;
	[tilespmem:$0x15400] =	vst v63  }
0x2a: {  	s17 =	simm.s32 $0xA00;
	_ =	swait.ge [sflag:s7], $0x14000  }
0x2b: {  	s18 =	simm.s32 $0x1400;
	s16 =	sadd.s32 $0x2800, s6;
	[sflag:s7] =	ssyncset.done $0x0  }
.LBB2_2:
0x2c: {  	s19 =	sshra.s32 s17, $0x2  }
0x2d: {  	[sflag:s7] =	ssyncadd.s32 $0xFFFEC000;
	s17 =	smov.u32 s18;
	s20 =	sadd.s32 $0xA00, s18  }
0x2e: {  	[tilespmem:s9], [sflag:$0x1] =	stream.indirect.gather [hbm4b:s3+s8], $0x80, s19, s8, $0xb8;
	[tilespmem:$0x15400] =	vst v63  }
0x2f: {  	p0 =	sne.s32 s18, $0x4600;
	s18 =	sadd.s32 $0x80, s19  }
0x30: {  	[tilespmem:s10], [sflag:$0x1] =	stream.indirect.gather [hbm4b:s3+s8], $0x80, s18, s8, $0xb8;
	[tilespmem:$0x15400] =	vst v63  }
0x31: {  	s18 =	sadd.s32 $0x100, s19  }
0x32: {  	[tilespmem:s11], [sflag:$0x1] =	stream.indirect.gather [hbm4b:s3+s8], $0x80, s18, s8, $0xb8;
	[tilespmem:$0x15400] =	vst v63  }
0x33: {  	s18 =	sadd.s32 $0x180, s19  }
0x34: {  	[tilespmem:s12], [sflag:$0x1] =	stream.indirect.gather [hbm4b:s3+s8], $0x80, s18, s8, $0xb8;
	[tilespmem:$0x15400] =	vst v63  }
0x35: {  	s18 =	sadd.s32 $0x200, s19  }
0x36: {  	[tilespmem:s13], [sflag:$0x1] =	stream.indirect.gather [hbm4b:s3+s8], $0x80, s18, s8, $0xb8;
	[tilespmem:$0x15400] =	vst v63  }
0x37: {  	_ =	swait.ge [sflag:s14], $0x4000  }
0x38: {  	[sflag:s14] =	ssyncset.done $0x0  }
0x39: {  	[sflag:s14] =	ssyncadd.s32 $0xFFFFC000  }
0x3a: {  	_ =	swait.ge [sflag:s14], $0x4000  }
0x3b: {  	[sflag:s14] =	ssyncset.done $0x0  }
0x3c: {  	[sflag:s14] =	ssyncadd.s32 $0xFFFFC000  }
0x3d: {  	_ =	swait.ge [sflag:s14], $0x4000  }
0x3e: {  	[sflag:s14] =	ssyncset.done $0x0  }
0x3f: {  	[sflag:s14] =	ssyncadd.s32 $0xFFFFC000  }
0x40: {  	_ =	swait.ge [sflag:s14], $0x4000  }
0x41: {  	[sflag:s14] =	ssyncset.done $0x0  }
0x42: {  	[sflag:s14] =	ssyncadd.s32 $0xFFFFC000  }
0x43: {  	_ =	swait.ge [sflag:s14], $0x4000  }
.Ltmp0:
0x44: {  	[sflag:s14] =	ssyncset.done $0x0;
	(pc) =	sbr.rel @p0 .LBB2_2-.Ltmp0, $4  }
0x45: {  	[sflag:s14] =	ssyncadd.s32 $0xFFFFC000  }
0x46: {  	[hbm4b:s16+s2] =	stream.linear.scatter [tilespmem:s9], [sflag:$0x2], $0x14000, $0x38;
	[tilespmem:$0x15400] =	vst v63  }
0x47: {  	_ =	swait.ge [sflag:s7], $0x14000  }
0x48: {  	s18 =	smov.u32 s20;
	s16 =	sadd.s32 $0x2800, s16;
	[sflag:s7] =	ssyncset.done $0x0  }
0x49: {  	s17 =	sshra.s32 s17, $0x2;
	[sflag:s7] =	ssyncadd.s32 $0xFFFEC000  }
0x4a: {  	[tilespmem:s9], [sflag:$0x1] =	stream.indirect.gather [hbm4b:s3+s8], $0x80, s17, s8, $0xb8;
	[tilespmem:$0x15400] =	vst v63  }
0x4b: {  	s18 =	sadd.s32 $0x80, s17  }
0x4c: {  	[tilespmem:s10], [sflag:$0x1] =	stream.indirect.gather [hbm4b:s3+s8], $0x80, s18, s8, $0xb8;
	[tilespmem:$0x15400] =	vst v63  }
0x4d: {  	s30 =	sadd.s32 $0x100, s17  }
0x4e: {  	[tilespmem:s11], [sflag:$0x1] =	stream.indirect.gather [hbm4b:s3+s8], $0x80, s30, s8, $0xb8;
	[tilespmem:$0x15400] =	vst v63  }
0x4f: {  	s31 =	sadd.s32 $0x180, s17  }
0x50: {  	[tilespmem:s12], [sflag:$0x1] =	stream.indirect.gather [hbm4b:s3+s8], $0x80, s31, s8, $0xb8;
	[tilespmem:$0x15400] =	vst v63  }
0x51: {  	s17 =	sadd.s32 $0x200, s17  }
0x52: {  	[tilespmem:s13], [sflag:$0x1] =	stream.indirect.gather [hbm4b:s3+s8], $0x80, s17, s8, $0xb8;
	[tilespmem:$0x15400] =	vst v63  }
0x53: {  	_ =	swait.ge [sflag:s14], $0x4000  }
0x54: {  	[sflag:s14] =	ssyncset.done $0x0  }
0x55: {  	[sflag:s14] =	ssyncadd.s32 $0xFFFFC000  }
0x56: {  	_ =	swait.ge [sflag:s14], $0x4000  }
0x57: {  	[sflag:s14] =	ssyncset.done $0x0  }
0x58: {  	[sflag:s14] =	ssyncadd.s32 $0xFFFFC000  }
0x59: {  	_ =	swait.ge [sflag:s14], $0x4000  }
0x5a: {  	[sflag:s14] =	ssyncset.done $0x0  }
0x5b: {  	[sflag:s14] =	ssyncadd.s32 $0xFFFFC000  }
0x5c: {  	_ =	swait.ge [sflag:s14], $0x4000  }
0x5d: {  	[sflag:s14] =	ssyncset.done $0x0  }
0x5e: {  	[sflag:s14] =	ssyncadd.s32 $0xFFFFC000  }
0x5f: {  	s15 =	sadd.s32 $0x1, s15;
	_ =	swait.ge [sflag:s14], $0x4000  }
0x60: {  	p0 =	sne.s32 s15, s5;
	[sflag:s14] =	ssyncset.done $0x0  }
.Ltmp1:
0x61: {  	[sflag:s14] =	ssyncadd.s32 $0xFFFFC000;
	(pc) =	sbr.rel @p0 .LBB2_1-.Ltmp1, $4  }
0x62: {  	[hbm4b:s16+s2] =	stream.linear.scatter [tilespmem:s9], [sflag:$0x2], $0x14000, $0x38;
	[tilespmem:$0x15400] =	vst v63  }
0x63: {  	_ =	swait.ge [sflag:s7], $0x14000  }
0x64: {  	[sflag:s7] =	ssyncset.done $0x0  }
0x65: {  	[sflag:s7] =	ssyncadd.s32 $0xFFFEC000  }
0x66: {  	_ =	sfence.sel $0x180000  }
0x67: {  	[bflag:$0x0] =	sbarrier.arrive $0xFFFF  }
0x68: {  	p0 =	sne.s32 s0, $0x0;
	_ =	strace $0x9000004D  }
0x69: {  	s0 =	sadd.s32 @!p0 $0x100000, s1;
	[bflag:$0x2] =	sbarrier.arrive $0xFFFF  }
0x6a: {  	[sflag:s0] =	ssyncadd.tile.s32 @!p0 $0x1;
	_ =	shalt  }
.Lfunc_end2:
_tile_overlayer_lowered:
.L_overlay_start_2:
0x6b: {  	(tag) =	ssettag $0x2  }
0x6c: {  	s0 =	rddreg [dreg:$0x0];
	s2 =	stileid.u32  }
0x6d: {  	s1 =	rddreg [dreg:$0x1];
	p0 =	sne.s32 s2, $0x0  }
0x6e: {  	s3 =	rddreg [dreg:$0x2];
	[bflag:$0x3] =	sbarrier.arrive $0xFFFF;
	s2 =	simm.s32 @!p0 $0x1C02  }
0x6f: {  	[timem:s3], [sflag:s2] =	dma.local @!p0 [hbm:s0], s1  }
0x70: {  	s0 =	simm.s32 @!p0 $0x2  }
0x71: {  	_ =	swait.ge @!p0 [sflag:s0], s1  }
0x72: {  	s1 =	ssub.s32 @!p0 $0x0, s1;
	[sflag:s0] =	ssyncset.done @!p0 $0x0  }
0x73: {  	[sflag:s0] =	ssyncadd.s32 @!p0 s1  }
0x74: {  	[bflag:$0x3] =	sbarrier.arrive $0xFFFF  }
0x75: {  	_ =	shalt  }

// kernel: kernel.40.cloned.1.call-start
scs
__scs_entry_jumppad:
0x0: {  	(pc) =	sbr.rel $0x88, $3  }
0x1: {  	(tag) =	ssettag $0x0;
	lr =	simm.s32 $0x1  }
0x2: {  	[smem:$0x3F94] =	sst lr;
	_ =	strace $0xD0000000  }
0x3: {  	_ = 	snop  }
0x4: {  	_ = 	snop  }
0x5: {  	_ = 	snop  }
0x6: {  	_ = 	snop  }
0x7: {  	_ = 	snop  }
__scs_overlays_trampoline_lowered:
0x8: {  	[smem:$0x3FA3] =	sst s0  }
0x9: {  	[smem:$0x3FA4] =	sst s1  }
0xa: {  	[smem:$0x3FA5] =	sst s2  }
0xb: {  	[smem:$0x3FA6] =	sst s3  }
0xc: {  	[smem:$0x3FA7] =	sst s4  }
0xd: {  	[smem:$0x3FA8] =	sst s5  }
0xe: {  	[smem:$0x3FA9] =	sst s6  }
0xf: {  	[smem:$0x3FAA] =	sst s7  }
0x10: {  	[smem:$0x3FAB] =	sst s8  }
0x11: {  	[smem:$0x3FAC] =	sst s9;
	s0 =	simm.s32 @!p0 $0x0  }
0x12: {  	s1 =	sld [smem:$0x3F92];
	s0 =	simm.s32 @p0 $0x1  }
0x13: {  	[smem:$0x3FAD] =	sst s0;
	s0 =	simm.s32 @!p1 $0x0  }
0x14: {  	s2 =	sld [smem:$0x3F91];
	s0 =	simm.s32 @p1 $0x1  }
0x15: {  	[smem:$0x3FAE] =	sst s0;
	s0 =	simm.s32 @!p2 $0x0  }
0x16: {  	s3 =	sld [smem:$0x3FDB];
	s0 =	simm.s32 @p2 $0x1  }
0x17: {  	s4 =	simm.s32 $0x1BF5;
	[smem:$0x3FB0] =	sst s0  }
0x18: {  	s0 =	sld [smem:$0x3F93];
	_ =	swait.ge [sflag:s4], $0x0  }
0x19: {  	s7 =	sld [smem:$0x3F94]  }
0x1a: {  	s8 =	sadd.s32 $0xFFFFE003, lr  }
0x1b: {  	s9 =	sadd.s32 $0xFFFFFEF7, lr;
	s5 =	simm.s32 $0xFFFFFFFF;
	p2 =	slt.u32 s8, $0xFFFFF086  }
0x1c: {  	p1 =	slt.u32 s9, $0xF7A;
	s5 =	simm.s32 @!p2 $0x0  }
0x1d: {  	s5 =	simm.s32 @p1 $0x1;
	p0 =	seq.s32 s7, s2  }
0x1e: {  	s7 =	smul.u32 @!p0 $0xF7A, s2;
	p2 =	seq.s32 @!p0 s5, $0x0  }
0x1f: {  	s9 =	smul.u32 $0xF7A, s1;
	s8 =	simm.s32 @!p0 $0x1BF5;
	p2 =	por !p2, p0  }
0x20: {  	[sflag:s8] =	ssyncset.s32 @!p0 $0xFFFFF086;
	s6 =	sadd.s32 @!p0 s3, s7;
	s7 =	simm.s32 @!p0 $0x108  }
0x21: {  	s3 =	sadd.s32 s3, s9;
	s6 =	sadd.s32 @!p0 $0x88, s6;
	s7 =	simm.s32 @p2 $0x1082  }
0x22: {  	[simem:s7], [sflag:s8] =	dma.local @!p0 [hbm:s6], $0xF7A  }
0x23: {  	s9 =	sor.u32 $0xD0000000, s2;
	s6 =	simm.s32 $0x108;
	_ =	swait.ge @!p0 [sflag:s8], $0x0  }
0x24: {  	s3 =	sadd.s32 $0x88, s3;
	s6 =	simm.s32 @!p1 $0x1082;
	[sflag:s4] =	ssyncset.s32 $0xFFFFF086  }
0x25: {  	[simem:s6], [sflag:s4] =	dma.local [hbm:s3], $0xF7A  }
0x26: {  	[smem:$0x3F94] =	sst s1;
	(tag) =	ssettag s2;
	_ =	strace s9  }
0x27: {  	s1 =	sld [smem:$0x3FA4]  }
0x28: {  	s2 =	sld [smem:$0x3FA5]  }
0x29: {  	s4 =	sld [smem:$0x3FA7]  }
0x2a: {  	p0 =	seq.s32 s5, $0x0;
	s5 =	sld [smem:$0x3FA8]  }
0x2b: {  	s6 =	sld [smem:$0x3FA9]  }
0x2c: {  	s7 =	sld [smem:$0x3FAA]  }
0x2d: {  	s3 =	simm.s32 $0x108;
	s8 =	sld [smem:$0x3FAB]  }
0x2e: {  	s3 =	simm.s32 @!p0 $0x1082;
	s9 =	sld [smem:$0x3FAC]  }
0x2f: {  	lr =	sadd.s32 s0, s3;
	s0 =	sld [smem:$0x3FA3]  }
0x30: {  	s3 =	sld [smem:$0x3FA6]  }
0x31: {  	[smem:$0x3FAF] =	sst s10  }
0x32: {  	s10 =	sld [smem:$0x3FAD];
	_ =	sdelay $0x3  }
0x33: {  	p0 =	seq.s32 s10, $0x1;
	s10 =	sld [smem:$0x3FAF];
	_ =	sdelay $0x3  }
0x34: {  	[smem:$0x3FAF] =	sst s10  }
0x35: {  	s10 =	sld [smem:$0x3FAE];
	_ =	sdelay $0x3  }
0x36: {  	p1 =	seq.s32 s10, $0x1;
	s10 =	sld [smem:$0x3FAF];
	_ =	sdelay $0x3  }
0x37: {  	[smem:$0x3FAF] =	sst s10  }
0x38: {  	s10 =	sld [smem:$0x3FB0]  }
0x39: {  	_ = 	snop;
	(pc) =	sbr.ind lr, $3  }
0x3a: {  	_ = 	snop  }
0x3b: {  	_ = 	snop  }
0x3c: {  	p2 =	seq.s32 s10, $0x1;
	s10 =	sld [smem:$0x3FAF]  }
0x3d: {  	_ =	shalt  }
0x3e: {  	_ =	shalt  }
0x3f: {  	_ =	shalt  }
0x40: {  	_ =	shalt  }
0x41: {  	_ =	shalt  }
0x42: {  	_ =	shalt  }
0x43: {  	_ =	shalt  }
0x44: {  	_ =	shalt  }
0x45: {  	_ =	shalt  }
0x46: {  	_ =	shalt  }
0x47: {  	_ =	shalt  }
0x48: {  	_ =	shalt  }
0x49: {  	_ =	shalt  }
0x4a: {  	_ =	shalt  }
0x4b: {  	_ =	shalt  }
0x4c: {  	_ =	shalt  }
0x4d: {  	_ =	shalt  }
0x4e: {  	_ =	shalt  }
0x4f: {  	_ =	shalt  }
0x50: {  	_ =	shalt  }
0x51: {  	_ =	shalt  }
0x52: {  	_ =	shalt  }
0x53: {  	_ =	shalt  }
0x54: {  	_ =	shalt  }
0x55: {  	_ =	shalt  }
0x56: {  	_ =	shalt  }
0x57: {  	_ =	shalt  }
0x58: {  	_ =	shalt  }
0x59: {  	_ =	shalt  }
0x5a: {  	_ =	shalt  }
0x5b: {  	_ =	shalt  }
0x5c: {  	_ =	shalt  }
0x5d: {  	_ =	shalt  }
0x5e: {  	_ =	shalt  }
0x5f: {  	_ =	shalt  }
0x60: {  	_ =	shalt  }
0x61: {  	_ =	shalt  }
0x62: {  	_ =	shalt  }
0x63: {  	_ =	shalt  }
0x64: {  	_ =	shalt  }
0x65: {  	_ =	shalt  }
0x66: {  	_ =	shalt  }
0x67: {  	_ =	shalt  }
0x68: {  	_ =	shalt  }
0x69: {  	_ =	shalt  }
0x6a: {  	_ =	shalt  }
0x6b: {  	_ =	shalt  }
0x6c: {  	_ =	shalt  }
0x6d: {  	_ =	shalt  }
0x6e: {  	_ =	shalt  }
0x6f: {  	_ =	shalt  }
0x70: {  	_ =	shalt  }
0x71: {  	_ =	shalt  }
0x72: {  	_ =	shalt  }
0x73: {  	_ =	shalt  }
0x74: {  	_ =	shalt  }
0x75: {  	_ =	shalt  }
0x76: {  	_ =	shalt  }
0x77: {  	_ =	shalt  }
0x78: {  	_ =	shalt  }
0x79: {  	_ =	shalt  }
0x7a: {  	_ =	shalt  }
0x7b: {  	_ =	shalt  }
0x7c: {  	_ =	shalt  }
0x7d: {  	_ =	shalt  }
0x7e: {  	_ =	shalt  }
0x7f: {  	_ =	shalt  }
0x80: {  	_ =	shalt  }
0x81: {  	_ =	shalt  }
0x82: {  	_ =	shalt  }
0x83: {  	_ =	shalt  }
0x84: {  	_ =	shalt  }
0x85: {  	_ =	shalt  }
0x86: {  	_ =	shalt  }
0x87: {  	_ =	shalt  }
.Lfunc_end0:
.L_simem_size_0:
called_computation.4_lowered:
.L_overlay_start_0:
0x88: {  	s2 =	sld [smem:$0x3FD9]  }
0x89: {  	s3 =	sld [smem:$0x3FFE];
	_ =	sdelay $0x1  }
0x8a: {  	s1 =	srdreg.scid  }
0x8b: {  	s0 =	sand.u32 $0x1, s1  }
0x8c: {  	s17 =	sshll.u32 s0, $0xA;
	s2 =	sadd.s32 s3, s2  }
0x8d: {  	s2 =	sadd.s32 s2, s17  }
0x8e: {  	[smem:$0x3FBB] =	sst s2  }
0x8f: {  	_ = 	snop  }
0x90: {  	s18 =	sld [smem:$0x3FD0];
	(tm) =	ssettm $0x1  }
0x91: {  	s19 =	sld [smem:$0x3FFB];
	_ =	sdelay $0x3  }
0x92: {  	_ =	strace s19  }
0x93: {  	s2 =	sld [smem:$0x3FFC];
	_ =	sdelay $0x3  }
0x94: {  	_ =	strace s2  }
0x95: {  	s2 =	sld [smem:$0x3FFD];
	_ =	sdelay $0x3  }
0x96: {  	_ =	strace s2  }
0x97: {  	_ =	strace $0x8FFFFFFF  }
0x98: {  	s20 =	sld [smem:$0x3FDB];
	_ =	sdelay $0x1  }
0x99: {  	s4 =	simm.s32 $_scs_section_size  }
0x9a: {  	s5 =	simm.s32 $_size__tile_overlayer_lowered;
	s6 =	simm.s32 $_tile_overlayer_lowered  }
0x9b: {  	s7 =	simm.s32 $0x1BFF;
	s21 =	sshll.u32 s6, $0x1;
	s4 =	sadd.s32 s4, s20  }
0x9c: {  	s22 =	simm.s32 $0x0;
	s5 =	sshll.u32 s5, $0x1;
	s6 =	sadd.s32 s21, s4  }
0x9d: {  	[timem:s22], [sflag:s7] =	dma.local [hbm:s6], s5  }
0x9e: {  	_ =	swait.ge [sflag:s7], s5  }
0x9f: {  	s5 =	ssub.s32 $0x0, s5;
	[sflag:s7] =	ssyncset.done $0x0  }
0xa0: {  	[sflag:s7] =	ssyncadd.s32 s5;
	_ =	sdelay $0x1  }
0xa1: {  	s23 =	simm.s32 $0x1B8B  }
0xa2: {  	_ =	swait.ge [sflag:s23], $0x1  }
0xa3: {  	[sflag:s23] =	ssyncset.done $0x0  }
0xa4: {  	[sflag:s23] =	ssyncadd.s32 $0xFFFFFFFF  }
0xa5: {  	s5 =	sld [smem:$0x0]  }
0xa6: {  	s6 =	sand.u32 $0xFFFFFFFE, s1  }
0xa7: {  	p0 =	sne.s32 s1, s6  }
0xa8: {  	s6 =	sshll.u32 @p0 s6, $0xE  }
0xa9: {  	s6 =	sadd.s32 @p0 $0x11B8D, s6;
	s7 =	sshll.u32 @p0 s5, $0x11  }
0xaa: {  	s6 =	sor.u32 @p0 s7, s6  }
0xab: {  	[sflag:s6] =	ssyncadd.remote.s32 @p0 $0x1;
	_ =	sdelay $0x1  }
0xac: {  	s6 =	simm.s32 @p0 $0x1B8D  }
0xad: {  	_ =	swait.eq @p0 [sflag:s6], $0x1  }
0xae: {  	[sflag:s6] =	ssyncadd.s32 @p0 $0xFFFFFFFF  }
0xaf: {  	s7 =	sshll.u32 @!p0 s1, $0xE  }
0xb0: {  	s7 =	sor.u32 @!p0 $0x4000, s7;
	s6 =	simm.s32 @!p0 $0x1B8D  }
0xb1: {  	s5 =	sshll.u32 @!p0 s5, $0x11;
	s7 =	sadd.s32 @!p0 $0x11B8D, s7;
	_ =	swait.eq @!p0 [sflag:s6], $0x1  }
0xb2: {  	s5 =	sor.u32 @!p0 s5, s7;
	[sflag:s6] =	ssyncadd.s32 @!p0 $0xFFFFFFFF  }
0xb3: {  	s25 =	simm.s32 $0x1B8E;
	s24 =	sld [smem:$0x3FFE];
	[sflag:s5] =	ssyncadd.remote.s32 @!p0 $0x1  }
0xb4: {  	s26 =	simm.s32 $execute0_lowered;
	[smem:$0x3FD2] =	sst s25  }
0xb5: {  	s6 =	sshll.u32 s26, $0x1;
	_ =	strace $0x80000055;
	[dreg:$0x1] =	wrdreg $0xFFFFFFFF  }
0xb6: {  	s28 =	simm.s32 $_size_execute0_lowered;
	s4 =	sadd.s32 s4, s6;
	[dreg:$0x0] =	wrdreg $0x0  }
0xb7: {  	s6 =	sshll.u32 s28, $0x1;
	[dreg:$0x2] =	wrdreg s4  }
0xb8: {  	[dreg:$0x3] =	wrdreg s6  }
0xb9: {  	[dreg:$0x4] =	wrdreg $0xC0  }
0xba: {  	_ =	task [dreg:s22], $0x5FFFF  }
0xbb: {  	[dreg:$0x1] =	wrdreg $0xFFFFFFFF  }
0xbc: {  	[dreg:$0x0] =	wrdreg $0x60  }
0xbd: {  	[dreg:$0x2] =	wrdreg s24  }
0xbe: {  	[dreg:$0x3] =	wrdreg s18  }
0xbf: {  	[dreg:$0x4] =	wrdreg $0x9  }
0xc0: {  	_ =	task.clear_ibuf [dreg:s22], $0x5FFFF;
	_ =	strace $0x90000055  }
0xc1: {  	s29 =	simm.s32 $0x9;
	_ =	strace $0x80000057  }
0xc2: {  	_ =	swait.ge [sflag:s29], $0x1  }
0xc3: {  	[sflag:s29] =	ssyncadd.s32 $0xFFFFFFFF  }
0xc4: {  	_ =	strace $0x90000057  }
0xc5: {  	_ =	sfence  }
0xc6: {  	s30 =	sld [smem:$0x0];
	_ =	sdelay $0x2  }
0xc7: {  	s31 =	sshll.u32 s1, $0xD;
	s1 =	sshrl.u32 s1, $0x2  }
0xc8: {  	s4 =	sand.u32 $0x4000, s31;
	s1 =	sadd.s32 s1, s30  }
0xc9: {  	s0 =	sor.u32 s4, s0;
	s1 =	sshll.u32 s1, $0x11  }
0xca: {  	s0 =	sor.u32 s1, s0  }
0xcb: {  	s0 =	sadd.s32 $0x8F2B, s0  }
0xcc: {  	[sflag:s0] =	ssyncadd.remote.s32 $0x1  }
0xcd: {  	_ =	sfence.sel $0xFFFF  }
0xce: {  	[dreg:$0x0] =	wrdreg $0xFFFFFFFF;
	(pc) =	sbr.abs _section_cstart, $3  }
0xcf: {  	[dreg:$0x1] =	wrdreg $0xFFFFFFFF  }
0xd0: {  	_ =	task.clear_ibuf [dreg:s22], $0x2FFFF;
	_ =	strace $0x9FFFFFFF  }
0xd1: {  	(tm) =	ssettm $0x7FFFFFFF  }
tec
execute0_lowered:
.L_overlay_start_1:
0x0: {  	(tag) =	ssettag $0x1  }
0x1: {  	s4 =	rddreg [dreg:$0x0]  }
0x2: {  	s5 =	rddreg [dreg:$0x1];
	s1 =	stileid.u32  }
0x3: {  	s2 =	srdreg.scid;
	s0 =	rddreg [dreg:$0x2];
	s10 =	simm.s32 $0x5400  }
0x4: {  	s11 =	simm.s32 $0x9400;
	s12 =	simm.s32 $0xD400;
	s13 =	simm.s32 $0x11400  }
0x5: {  	s14 =	simm.s32 $0x1;
	s15 =	simm.s32 $0x0;
	s3 =	sand.u32 $0x1, s2  }
0x6: {  	s6 =	sshll.u32 s1, $0x1;
	s2 =	simm.s32 $0x0;
	s7 =	smul.u32 $0x28000, s1  }
0x7: {  	s6 =	sor.u32 s3, s6;
	[smem:$0x7FF] =	sst s2;
	s9 =	smul.u32 $0x14000, s3  }
0x8: {  	s8 =	ssub.s32 $0x2, s3;
	s3 =	sadd.s32 $0x49000, s4;
	s6 =	smul.u32 $0x1400, s6  }
0x9: {  	_ =	strace $0x80000056;
	s4 =	sadd.s32 s7, s4;
	s30 =	sshrl.u32 s8, $0x1  }
0xa: {  	s7 =	ssub.s32 s8, s30;
	s31 =	sadd.s32 s9, s4;
	s6 =	sshrl.u32 s6, $0x3  }
0xb: {  	s8 =	simm.s32 $0x80;
	s9 =	simm.s32 $0x1400;
	s4 =	sadd.s32 s5, s6  }
0xc: {  	s5 =	smax.u32 s7, $0x1;
	s6 =	sadd.s32 $0x309000, s31;
	s7 =	simm.s32 $0x2  }
.LBB2_1:
0xd: {  	[tilespmem:s2], [sflag:$0x2] =	stream.linear.gather [hbm4b:s4+s2], $0x1400, $0x38;
	[tilespmem:$0x15400] =	vst v63  }
0xe: {  	_ =	swait.ge [sflag:s7], $0x1400  }
0xf: {  	[sflag:s7] =	ssyncset.done $0x0  }
0x10: {  	s16 =	simm.s32 $0x0;
	[sflag:s7] =	ssyncadd.s32 $0xFFFFEC00  }
0x11: {  	[tilespmem:s9], [sflag:$0x1] =	stream.indirect.gather [hbm4b:s3+s8], $0x80, s16, s8, $0xb8;
	[tilespmem:$0x15400] =	vst v63  }
0x12: {  	s28 =	simm.s32 $0x80  }
0x13: {  	[tilespmem:s10], [sflag:$0x1] =	stream.indirect.gather [hbm4b:s3+s8], $0x80, s28, s8, $0xb8;
	[tilespmem:$0x15400] =	vst v63  }
0x14: {  	s29 =	simm.s32 $0x100  }
0x15: {  	[tilespmem:s11], [sflag:$0x1] =	stream.indirect.gather [hbm4b:s3+s8], $0x80, s29, s8, $0xb8;
	[tilespmem:$0x15400] =	vst v63  }
0x16: {  	s30 =	simm.s32 $0x180  }
0x17: {  	[tilespmem:s12], [sflag:$0x1] =	stream.indirect.gather [hbm4b:s3+s8], $0x80, s30, s8, $0xb8;
	[tilespmem:$0x15400] =	vst v63  }
0x18: {  	s31 =	simm.s32 $0x200  }
0x19: {  	[tilespmem:s13], [sflag:$0x1] =	stream.indirect.gather [hbm4b:s3+s8], $0x80, s31, s8, $0xb8;
	[tilespmem:$0x15400] =	vst v63  }
0x1a: {  	_ =	swait.ge [sflag:s14], $0x4000  }
0x1b: {  	[sflag:s14] =	ssyncset.done $0x0  }
0x1c: {  	[sflag:s14] =	ssyncadd.s32 $0xFFFFC000  }
0x1d: {  	_ =	swait.ge [sflag:s14], $0x4000  }
0x1e: {  	[sflag:s14] =	ssyncset.done $0x0  }
0x1f: {  	[sflag:s14] =	ssyncadd.s32 $0xFFFFC000  }
0x20: {  	_ =	swait.ge [sflag:s14], $0x4000  }
0x21: {  	[sflag:s14] =	ssyncset.done $0x0  }
0x22: {  	[sflag:s14] =	ssyncadd.s32 $0xFFFFC000  }
0x23: {  	_ =	swait.ge [sflag:s14], $0x4000  }
0x24: {  	[sflag:s14] =	ssyncset.done $0x0  }
0x25: {  	[sflag:s14] =	ssyncadd.s32 $0xFFFFC000  }
0x26: {  	_ =	swait.ge [sflag:s14], $0x4000  }
0x27: {  	[sflag:s14] =	ssyncset.done $0x0  }
0x28: {  	[sflag:s14] =	ssyncadd.s32 $0xFFFFC000  }
0x29: {  	[hbm4b:s6+s2] =	stream.linear.scatter [tilespmem:s9], [sflag:$0x2], $0x14000, $0x38;
	[tilespmem:$0x15400] =	vst v63  }
0x2a: {  	s17 =	simm.s32 $0xA00;
	_ =	swait.ge [sflag:s7], $0x14000  }
0x2b: {  	s18 =	simm.s32 $0x1400;
	s16 =	sadd.s32 $0x2800, s6;
	[sflag:s7] =	ssyncset.done $0x0  }
.LBB2_2:
0x2c: {  	s19 =	sshra.s32 s17, $0x2  }
0x2d: {  	[sflag:s7] =	ssyncadd.s32 $0xFFFEC000;
	s17 =	smov.u32 s18;
	s20 =	sadd.s32 $0xA00, s18  }
0x2e: {  	[tilespmem:s9], [sflag:$0x1] =	stream.indirect.gather [hbm4b:s3+s8], $0x80, s19, s8, $0xb8;
	[tilespmem:$0x15400] =	vst v63  }
0x2f: {  	p0 =	sne.s32 s18, $0x4600;
	s18 =	sadd.s32 $0x80, s19  }
0x30: {  	[tilespmem:s10], [sflag:$0x1] =	stream.indirect.gather [hbm4b:s3+s8], $0x80, s18, s8, $0xb8;
	[tilespmem:$0x15400] =	vst v63  }
0x31: {  	s18 =	sadd.s32 $0x100, s19  }
0x32: {  	[tilespmem:s11], [sflag:$0x1] =	stream.indirect.gather [hbm4b:s3+s8], $0x80, s18, s8, $0xb8;
	[tilespmem:$0x15400] =	vst v63  }
0x33: {  	s18 =	sadd.s32 $0x180, s19  }
0x34: {  	[tilespmem:s12], [sflag:$0x1] =	stream.indirect.gather [hbm4b:s3+s8], $0x80, s18, s8, $0xb8;
	[tilespmem:$0x15400] =	vst v63  }
0x35: {  	s18 =	sadd.s32 $0x200, s19  }
0x36: {  	[tilespmem:s13], [sflag:$0x1] =	stream.indirect.gather [hbm4b:s3+s8], $0x80, s18, s8, $0xb8;
	[tilespmem:$0x15400] =	vst v63  }
0x37: {  	_ =	swait.ge [sflag:s14], $0x4000  }
0x38: {  	[sflag:s14] =	ssyncset.done $0x0  }
0x39: {  	[sflag:s14] =	ssyncadd.s32 $0xFFFFC000  }
0x3a: {  	_ =	swait.ge [sflag:s14], $0x4000  }
0x3b: {  	[sflag:s14] =	ssyncset.done $0x0  }
0x3c: {  	[sflag:s14] =	ssyncadd.s32 $0xFFFFC000  }
0x3d: {  	_ =	swait.ge [sflag:s14], $0x4000  }
0x3e: {  	[sflag:s14] =	ssyncset.done $0x0  }
0x3f: {  	[sflag:s14] =	ssyncadd.s32 $0xFFFFC000  }
0x40: {  	_ =	swait.ge [sflag:s14], $0x4000  }
0x41: {  	[sflag:s14] =	ssyncset.done $0x0  }
0x42: {  	[sflag:s14] =	ssyncadd.s32 $0xFFFFC000  }
0x43: {  	_ =	swait.ge [sflag:s14], $0x4000  }
.Ltmp0:
0x44: {  	[sflag:s14] =	ssyncset.done $0x0;
	(pc) =	sbr.rel @p0 .LBB2_2-.Ltmp0, $4  }
0x45: {  	[sflag:s14] =	ssyncadd.s32 $0xFFFFC000  }
0x46: {  	[hbm4b:s16+s2] =	stream.linear.scatter [tilespmem:s9], [sflag:$0x2], $0x14000, $0x38;
	[tilespmem:$0x15400] =	vst v63  }
0x47: {  	_ =	swait.ge [sflag:s7], $0x14000  }
0x48: {  	s18 =	smov.u32 s20;
	s16 =	sadd.s32 $0x2800, s16;
	[sflag:s7] =	ssyncset.done $0x0  }
0x49: {  	s17 =	sshra.s32 s17, $0x2;
	[sflag:s7] =	ssyncadd.s32 $0xFFFEC000  }
0x4a: {  	[tilespmem:s9], [sflag:$0x1] =	stream.indirect.gather [hbm4b:s3+s8], $0x80, s17, s8, $0xb8;
	[tilespmem:$0x15400] =	vst v63  }
0x4b: {  	s18 =	sadd.s32 $0x80, s17  }
0x4c: {  	[tilespmem:s10], [sflag:$0x1] =	stream.indirect.gather [hbm4b:s3+s8], $0x80, s18, s8, $0xb8;
	[tilespmem:$0x15400] =	vst v63  }
0x4d: {  	s30 =	sadd.s32 $0x100, s17  }
0x4e: {  	[tilespmem:s11], [sflag:$0x1] =	stream.indirect.gather [hbm4b:s3+s8], $0x80, s30, s8, $0xb8;
	[tilespmem:$0x15400] =	vst v63  }
0x4f: {  	s31 =	sadd.s32 $0x180, s17  }
0x50: {  	[tilespmem:s12], [sflag:$0x1] =	stream.indirect.gather [hbm4b:s3+s8], $0x80, s31, s8, $0xb8;
	[tilespmem:$0x15400] =	vst v63  }
0x51: {  	s17 =	sadd.s32 $0x200, s17  }
0x52: {  	[tilespmem:s13], [sflag:$0x1] =	stream.indirect.gather [hbm4b:s3+s8], $0x80, s17, s8, $0xb8;
	[tilespmem:$0x15400] =	vst v63  }
0x53: {  	_ =	swait.ge [sflag:s14], $0x4000  }
0x54: {  	[sflag:s14] =	ssyncset.done $0x0  }
0x55: {  	[sflag:s14] =	ssyncadd.s32 $0xFFFFC000  }
0x56: {  	_ =	swait.ge [sflag:s14], $0x4000  }
0x57: {  	[sflag:s14] =	ssyncset.done $0x0  }
0x58: {  	[sflag:s14] =	ssyncadd.s32 $0xFFFFC000  }
0x59: {  	_ =	swait.ge [sflag:s14], $0x4000  }
0x5a: {  	[sflag:s14] =	ssyncset.done $0x0  }
0x5b: {  	[sflag:s14] =	ssyncadd.s32 $0xFFFFC000  }
0x5c: {  	_ =	swait.ge [sflag:s14], $0x4000  }
0x5d: {  	[sflag:s14] =	ssyncset.done $0x0  }
0x5e: {  	[sflag:s14] =	ssyncadd.s32 $0xFFFFC000  }
0x5f: {  	s15 =	sadd.s32 $0x1, s15;
	_ =	swait.ge [sflag:s14], $0x4000  }
0x60: {  	p0 =	sne.s32 s15, s5;
	[sflag:s14] =	ssyncset.done $0x0  }
.Ltmp1:
0x61: {  	[sflag:s14] =	ssyncadd.s32 $0xFFFFC000;
	(pc) =	sbr.rel @p0 .LBB2_1-.Ltmp1, $4  }
0x62: {  	[hbm4b:s16+s2] =	stream.linear.scatter [tilespmem:s9], [sflag:$0x2], $0x14000, $0x38;
	[tilespmem:$0x15400] =	vst v63  }
0x63: {  	_ =	swait.ge [sflag:s7], $0x14000  }
0x64: {  	[sflag:s7] =	ssyncset.done $0x0  }
0x65: {  	[sflag:s7] =	ssyncadd.s32 $0xFFFEC000  }
0x66: {  	_ =	sfence.sel $0x180000  }
0x67: {  	[bflag:$0x0] =	sbarrier.arrive $0xFFFF  }
0x68: {  	p0 =	sne.s32 s1, $0x0;
	_ =	strace $0x90000056  }
0x69: {  	s0 =	sadd.s32 @!p0 $0x100000, s0;
	[bflag:$0x2] =	sbarrier.arrive $0xFFFF  }
0x6a: {  	[sflag:s0] =	ssyncadd.tile.s32 @!p0 $0x1;
	_ =	shalt  }
.Lfunc_end2:
_tile_overlayer_lowered:
.L_overlay_start_2:
0x6b: {  	(tag) =	ssettag $0x2  }
0x6c: {  	s0 =	rddreg [dreg:$0x0];
	s2 =	stileid.u32  }
0x6d: {  	s1 =	rddreg [dreg:$0x1];
	p0 =	sne.s32 s2, $0x0  }
0x6e: {  	s3 =	rddreg [dreg:$0x2];
	[bflag:$0x3] =	sbarrier.arrive $0xFFFF;
	s2 =	simm.s32 @!p0 $0x1C02  }
0x6f: {  	[timem:s3], [sflag:s2] =	dma.local @!p0 [hbm:s0], s1  }
0x70: {  	s0 =	simm.s32 @!p0 $0x2  }
0x71: {  	_ =	swait.ge @!p0 [sflag:s0], s1  }
0x72: {  	s1 =	ssub.s32 @!p0 $0x0, s1;
	[sflag:s0] =	ssyncset.done @!p0 $0x0  }
0x73: {  	[sflag:s0] =	ssyncadd.s32 @!p0 s1  }
0x74: {  	[bflag:$0x3] =	sbarrier.arrive $0xFFFF  }
0x75: {  	_ =	shalt  }

// kernel: kernel.43.cloned.1.call-start
scs
__scs_entry_jumppad:
0x0: {  	(pc) =	sbr.rel $0x88, $3  }
0x1: {  	(tag) =	ssettag $0x0;
	lr =	simm.s32 $0x1  }
0x2: {  	[smem:$0x3F94] =	sst lr;
	_ =	strace $0xD0000000  }
0x3: {  	_ = 	snop  }
0x4: {  	_ = 	snop  }
0x5: {  	_ = 	snop  }
0x6: {  	_ = 	snop  }
0x7: {  	_ = 	snop  }
__scs_overlays_trampoline_lowered:
0x8: {  	[smem:$0x3FA3] =	sst s0  }
0x9: {  	[smem:$0x3FA4] =	sst s1  }
0xa: {  	[smem:$0x3FA5] =	sst s2  }
0xb: {  	[smem:$0x3FA6] =	sst s3  }
0xc: {  	[smem:$0x3FA7] =	sst s4  }
0xd: {  	[smem:$0x3FA8] =	sst s5  }
0xe: {  	[smem:$0x3FA9] =	sst s6  }
0xf: {  	[smem:$0x3FAA] =	sst s7  }
0x10: {  	[smem:$0x3FAB] =	sst s8  }
0x11: {  	[smem:$0x3FAC] =	sst s9;
	s0 =	simm.s32 @!p0 $0x0  }
0x12: {  	s1 =	sld [smem:$0x3F92];
	s0 =	simm.s32 @p0 $0x1  }
0x13: {  	[smem:$0x3FAD] =	sst s0;
	s0 =	simm.s32 @!p1 $0x0  }
0x14: {  	s2 =	sld [smem:$0x3F91];
	s0 =	simm.s32 @p1 $0x1  }
0x15: {  	[smem:$0x3FAE] =	sst s0;
	s0 =	simm.s32 @!p2 $0x0  }
0x16: {  	s3 =	sld [smem:$0x3FDB];
	s0 =	simm.s32 @p2 $0x1  }
0x17: {  	s4 =	simm.s32 $0x1BF5;
	[smem:$0x3FB0] =	sst s0  }
0x18: {  	s0 =	sld [smem:$0x3F93];
	_ =	swait.ge [sflag:s4], $0x0  }
0x19: {  	s7 =	sld [smem:$0x3F94]  }
0x1a: {  	s8 =	sadd.s32 $0xFFFFE003, lr  }
0x1b: {  	s9 =	sadd.s32 $0xFFFFFEF7, lr;
	s5 =	simm.s32 $0xFFFFFFFF;
	p2 =	slt.u32 s8, $0xFFFFF086  }
0x1c: {  	p1 =	slt.u32 s9, $0xF7A;
	s5 =	simm.s32 @!p2 $0x0  }
0x1d: {  	s5 =	simm.s32 @p1 $0x1;
	p0 =	seq.s32 s7, s2  }
0x1e: {  	s7 =	smul.u32 @!p0 $0xF7A, s2;
	p2 =	seq.s32 @!p0 s5, $0x0  }
0x1f: {  	s9 =	smul.u32 $0xF7A, s1;
	s8 =	simm.s32 @!p0 $0x1BF5;
	p2 =	por !p2, p0  }
0x20: {  	[sflag:s8] =	ssyncset.s32 @!p0 $0xFFFFF086;
	s6 =	sadd.s32 @!p0 s3, s7;
	s7 =	simm.s32 @!p0 $0x108  }
0x21: {  	s3 =	sadd.s32 s3, s9;
	s6 =	sadd.s32 @!p0 $0x88, s6;
	s7 =	simm.s32 @p2 $0x1082  }
0x22: {  	[simem:s7], [sflag:s8] =	dma.local @!p0 [hbm:s6], $0xF7A  }
0x23: {  	s9 =	sor.u32 $0xD0000000, s2;
	s6 =	simm.s32 $0x108;
	_ =	swait.ge @!p0 [sflag:s8], $0x0  }
0x24: {  	s3 =	sadd.s32 $0x88, s3;
	s6 =	simm.s32 @!p1 $0x1082;
	[sflag:s4] =	ssyncset.s32 $0xFFFFF086  }
0x25: {  	[simem:s6], [sflag:s4] =	dma.local [hbm:s3], $0xF7A  }
0x26: {  	[smem:$0x3F94] =	sst s1;
	(tag) =	ssettag s2;
	_ =	strace s9  }
0x27: {  	s1 =	sld [smem:$0x3FA4]  }
0x28: {  	s2 =	sld [smem:$0x3FA5]  }
0x29: {  	s4 =	sld [smem:$0x3FA7]  }
0x2a: {  	p0 =	seq.s32 s5, $0x0;
	s5 =	sld [smem:$0x3FA8]  }
0x2b: {  	s6 =	sld [smem:$0x3FA9]  }
0x2c: {  	s7 =	sld [smem:$0x3FAA]  }
0x2d: {  	s3 =	simm.s32 $0x108;
	s8 =	sld [smem:$0x3FAB]  }
0x2e: {  	s3 =	simm.s32 @!p0 $0x1082;
	s9 =	sld [smem:$0x3FAC]  }
0x2f: {  	lr =	sadd.s32 s0, s3;
	s0 =	sld [smem:$0x3FA3]  }
0x30: {  	s3 =	sld [smem:$0x3FA6]  }
0x31: {  	[smem:$0x3FAF] =	sst s10  }
0x32: {  	s10 =	sld [smem:$0x3FAD];
	_ =	sdelay $0x3  }
0x33: {  	p0 =	seq.s32 s10, $0x1;
	s10 =	sld [smem:$0x3FAF];
	_ =	sdelay $0x3  }
0x34: {  	[smem:$0x3FAF] =	sst s10  }
0x35: {  	s10 =	sld [smem:$0x3FAE];
	_ =	sdelay $0x3  }
0x36: {  	p1 =	seq.s32 s10, $0x1;
	s10 =	sld [smem:$0x3FAF];
	_ =	sdelay $0x3  }
0x37: {  	[smem:$0x3FAF] =	sst s10  }
0x38: {  	s10 =	sld [smem:$0x3FB0]  }
0x39: {  	_ = 	snop;
	(pc) =	sbr.ind lr, $3  }
0x3a: {  	_ = 	snop  }
0x3b: {  	_ = 	snop  }
0x3c: {  	p2 =	seq.s32 s10, $0x1;
	s10 =	sld [smem:$0x3FAF]  }
0x3d: {  	_ =	shalt  }
0x3e: {  	_ =	shalt  }
0x3f: {  	_ =	shalt  }
0x40: {  	_ =	shalt  }
0x41: {  	_ =	shalt  }
0x42: {  	_ =	shalt  }
0x43: {  	_ =	shalt  }
0x44: {  	_ =	shalt  }
0x45: {  	_ =	shalt  }
0x46: {  	_ =	shalt  }
0x47: {  	_ =	shalt  }
0x48: {  	_ =	shalt  }
0x49: {  	_ =	shalt  }
0x4a: {  	_ =	shalt  }
0x4b: {  	_ =	shalt  }
0x4c: {  	_ =	shalt  }
0x4d: {  	_ =	shalt  }
0x4e: {  	_ =	shalt  }
0x4f: {  	_ =	shalt  }
0x50: {  	_ =	shalt  }
0x51: {  	_ =	shalt  }
0x52: {  	_ =	shalt  }
0x53: {  	_ =	shalt  }
0x54: {  	_ =	shalt  }
0x55: {  	_ =	shalt  }
0x56: {  	_ =	shalt  }
0x57: {  	_ =	shalt  }
0x58: {  	_ =	shalt  }
0x59: {  	_ =	shalt  }
0x5a: {  	_ =	shalt  }
0x5b: {  	_ =	shalt  }
0x5c: {  	_ =	shalt  }
0x5d: {  	_ =	shalt  }
0x5e: {  	_ =	shalt  }
0x5f: {  	_ =	shalt  }
0x60: {  	_ =	shalt  }
0x61: {  	_ =	shalt  }
0x62: {  	_ =	shalt  }
0x63: {  	_ =	shalt  }
0x64: {  	_ =	shalt  }
0x65: {  	_ =	shalt  }
0x66: {  	_ =	shalt  }
0x67: {  	_ =	shalt  }
0x68: {  	_ =	shalt  }
0x69: {  	_ =	shalt  }
0x6a: {  	_ =	shalt  }
0x6b: {  	_ =	shalt  }
0x6c: {  	_ =	shalt  }
0x6d: {  	_ =	shalt  }
0x6e: {  	_ =	shalt  }
0x6f: {  	_ =	shalt  }
0x70: {  	_ =	shalt  }
0x71: {  	_ =	shalt  }
0x72: {  	_ =	shalt  }
0x73: {  	_ =	shalt  }
0x74: {  	_ =	shalt  }
0x75: {  	_ =	shalt  }
0x76: {  	_ =	shalt  }
0x77: {  	_ =	shalt  }
0x78: {  	_ =	shalt  }
0x79: {  	_ =	shalt  }
0x7a: {  	_ =	shalt  }
0x7b: {  	_ =	shalt  }
0x7c: {  	_ =	shalt  }
0x7d: {  	_ =	shalt  }
0x7e: {  	_ =	shalt  }
0x7f: {  	_ =	shalt  }
0x80: {  	_ =	shalt  }
0x81: {  	_ =	shalt  }
0x82: {  	_ =	shalt  }
0x83: {  	_ =	shalt  }
0x84: {  	_ =	shalt  }
0x85: {  	_ =	shalt  }
0x86: {  	_ =	shalt  }
0x87: {  	_ =	shalt  }
.Lfunc_end0:
.L_simem_size_0:
called_computation.5_lowered:
.L_overlay_start_0:
0x88: {  	s2 =	sld [smem:$0x3FD9]  }
0x89: {  	s3 =	sld [smem:$0x3FFE];
	_ =	sdelay $0x1  }
0x8a: {  	s1 =	srdreg.scid  }
0x8b: {  	s0 =	sand.u32 $0x1, s1  }
0x8c: {  	s16 =	sshll.u32 s0, $0xA;
	s2 =	sadd.s32 s3, s2  }
0x8d: {  	s2 =	sadd.s32 s2, s16  }
0x8e: {  	[smem:$0x3FBB] =	sst s2  }
0x8f: {  	_ = 	snop  }
0x90: {  	(tm) =	ssettm $0x1  }
0x91: {  	s17 =	sld [smem:$0x3FFB];
	_ =	sdelay $0x3  }
0x92: {  	_ =	strace s17  }
0x93: {  	s2 =	sld [smem:$0x3FFC];
	_ =	sdelay $0x3  }
0x94: {  	_ =	strace s2  }
0x95: {  	s2 =	sld [smem:$0x3FFD];
	_ =	sdelay $0x3  }
0x96: {  	_ =	strace s2  }
0x97: {  	_ =	strace $0x8FFFFFFF  }
0x98: {  	s18 =	sld [smem:$0x3FDB];
	_ =	sdelay $0x1  }
0x99: {  	s19 =	simm.s32 $_scs_section_size  }
0x9a: {  	s4 =	simm.s32 $_size__tile_overlayer_lowered;
	s5 =	simm.s32 $_tile_overlayer_lowered  }
0x9b: {  	s22 =	simm.s32 $0x1BFF;
	s21 =	sshll.u32 s5, $0x1;
	s2 =	sadd.s32 s19, s18  }
0x9c: {  	s6 =	simm.s32 $0x0;
	s20 =	sshll.u32 s4, $0x1;
	s4 =	sadd.s32 s21, s2  }
0x9d: {  	[timem:s6], [sflag:s22] =	dma.local [hbm:s4], s20  }
0x9e: {  	_ =	swait.ge [sflag:s22], s20  }
0x9f: {  	s3 =	ssub.s32 $0x0, s20;
	[sflag:s22] =	ssyncset.done $0x0  }
0xa0: {  	[sflag:s22] =	ssyncadd.s32 s3;
	_ =	sdelay $0x1  }
0xa1: {  	s23 =	simm.s32 $0x1B8B  }
0xa2: {  	_ =	swait.ge [sflag:s23], $0x1  }
0xa3: {  	[sflag:s23] =	ssyncset.done $0x0  }
0xa4: {  	s25 =	simm.s32 $0x1B8E;
	s24 =	sld [smem:$0x3FFE];
	[sflag:s23] =	ssyncadd.s32 $0xFFFFFFFF  }
0xa5: {  	s26 =	simm.s32 $execute0_lowered;
	[smem:$0x3FD2] =	sst s25  }
0xa6: {  	s4 =	sshll.u32 s26, $0x1;
	_ =	strace $0x80000052;
	[dreg:$0x1] =	wrdreg $0xFFFFFFFF  }
0xa7: {  	s28 =	simm.s32 $_size_execute0_lowered;
	s2 =	sadd.s32 s2, s4;
	[dreg:$0x0] =	wrdreg $0x0  }
0xa8: {  	s4 =	sshll.u32 s28, $0x1;
	[dreg:$0x2] =	wrdreg s2  }
0xa9: {  	[dreg:$0x3] =	wrdreg s4  }
0xaa: {  	[dreg:$0x4] =	wrdreg $0xC0  }
0xab: {  	_ =	task [dreg:s6], $0x5FFFF  }
0xac: {  	[dreg:$0x1] =	wrdreg $0xFFFFFFFF  }
0xad: {  	[dreg:$0x0] =	wrdreg $0x60  }
0xae: {  	[dreg:$0x2] =	wrdreg s24  }
0xaf: {  	[dreg:$0x3] =	wrdreg $0xA  }
0xb0: {  	_ =	task.clear_ibuf [dreg:s6], $0x4FFFF;
	_ =	strace $0x90000052  }
0xb1: {  	s29 =	simm.s32 $0xA;
	_ =	strace $0x80000054  }
0xb2: {  	_ =	swait.ge [sflag:s29], $0x1  }
0xb3: {  	[sflag:s29] =	ssyncadd.s32 $0xFFFFFFFF  }
0xb4: {  	_ =	strace $0x90000054  }
0xb5: {  	_ =	sfence  }
0xb6: {  	s30 =	sld [smem:$0x0];
	_ =	sdelay $0x2  }
0xb7: {  	s31 =	sshll.u32 s1, $0xD;
	s1 =	sshrl.u32 s1, $0x2  }
0xb8: {  	s3 =	sand.u32 $0x4000, s31;
	s1 =	sadd.s32 s1, s30  }
0xb9: {  	s0 =	sor.u32 s3, s0;
	s1 =	sshll.u32 s1, $0x11  }
0xba: {  	s0 =	sor.u32 s1, s0  }
0xbb: {  	s0 =	sadd.s32 $0x8F2B, s0  }
0xbc: {  	[sflag:s0] =	ssyncadd.remote.s32 $0x1  }
0xbd: {  	_ =	sfence.sel $0xFFFF  }
0xbe: {  	[dreg:$0x0] =	wrdreg $0xFFFFFFFF;
	(pc) =	sbr.abs _section_cstart, $3  }
0xbf: {  	[dreg:$0x1] =	wrdreg $0xFFFFFFFF  }
0xc0: {  	_ =	task.clear_ibuf [dreg:s6], $0x2FFFF;
	_ =	strace $0x9FFFFFFF  }
0xc1: {  	(tm) =	ssettm $0x7FFFFFFF  }
tec
execute0_lowered:
.L_overlay_start_1:
0x0: {  	(tag) =	ssettag $0x1  }
0x1: {  	s1 =	srdreg.scid  }
0x2: {  	s0 =	stileid.u32;
	s4 =	rddreg [dreg:$0x0]  }
0x3: {  	s2 =	simm.s32 $0x0;
	s10 =	simm.s32 $0x5400;
	s11 =	simm.s32 $0x9400  }
0x4: {  	s12 =	simm.s32 $0xD400;
	s13 =	simm.s32 $0x11400;
	s14 =	simm.s32 $0x1  }
0x5: {  	s15 =	simm.s32 $0x0;
	s5 =	sand.u32 $0x1, s1;
	s1 =	rddreg [dreg:$0x1]  }
0x6: {  	s3 =	sshll.u32 s0, $0x1;
	[smem:$0x7FF] =	sst s2;
	s7 =	smul.u32 $0x28000, s0  }
0x7: {  	s3 =	sor.u32 s5, s3;
	s8 =	ssub.s32 $0x2, s5;
	s5 =	smul.u32 $0x14000, s5  }
0x8: {  	_ =	strace $0x80000053;
	s6 =	smul.u32 $0x1400, s3;
	s9 =	sshrl.u32 s8, $0x1  }
0x9: {  	s3 =	sadd.s32 $0x49000, s4;
	s7 =	sadd.s32 s7, s4;
	s31 =	ssub.s32 s8, s9  }
0xa: {  	s7 =	sadd.s32 s5, s7;
	s8 =	simm.s32 $0x80;
	s6 =	sshrl.u32 s6, $0x3  }
0xb: {  	s9 =	simm.s32 $0x1400;
	s5 =	smax.u32 s31, $0x1;
	s4 =	sadd.s32 s6, s4  }
0xc: {  	s6 =	sadd.s32 $0x89000, s7;
	s7 =	simm.s32 $0x2;
	s4 =	sadd.s32 $0x44000, s4  }
.LBB2_1:
0xd: {  	[tilespmem:s2], [sflag:$0x2] =	stream.linear.gather [hbm4b:s4+s2], $0x1400, $0x38;
	[tilespmem:$0x15400] =	vst v63  }
0xe: {  	_ =	swait.ge [sflag:s7], $0x1400  }
0xf: {  	[sflag:s7] =	ssyncset.done $0x0  }
0x10: {  	s16 =	simm.s32 $0x0;
	[sflag:s7] =	ssyncadd.s32 $0xFFFFEC00  }
0x11: {  	[tilespmem:s9], [sflag:$0x1] =	stream.indirect.gather [hbm4b:s3+s8], $0x80, s16, s8, $0xb8;
	[tilespmem:$0x15400] =	vst v63  }
0x12: {  	s28 =	simm.s32 $0x80  }
0x13: {  	[tilespmem:s10], [sflag:$0x1] =	stream.indirect.gather [hbm4b:s3+s8], $0x80, s28, s8, $0xb8;
	[tilespmem:$0x15400] =	vst v63  }
0x14: {  	s29 =	simm.s32 $0x100  }
0x15: {  	[tilespmem:s11], [sflag:$0x1] =	stream.indirect.gather [hbm4b:s3+s8], $0x80, s29, s8, $0xb8;
	[tilespmem:$0x15400] =	vst v63  }
0x16: {  	s30 =	simm.s32 $0x180  }
0x17: {  	[tilespmem:s12], [sflag:$0x1] =	stream.indirect.gather [hbm4b:s3+s8], $0x80, s30, s8, $0xb8;
	[tilespmem:$0x15400] =	vst v63  }
0x18: {  	s31 =	simm.s32 $0x200  }
0x19: {  	[tilespmem:s13], [sflag:$0x1] =	stream.indirect.gather [hbm4b:s3+s8], $0x80, s31, s8, $0xb8;
	[tilespmem:$0x15400] =	vst v63  }
0x1a: {  	_ =	swait.ge [sflag:s14], $0x4000  }
0x1b: {  	[sflag:s14] =	ssyncset.done $0x0  }
0x1c: {  	[sflag:s14] =	ssyncadd.s32 $0xFFFFC000  }
0x1d: {  	_ =	swait.ge [sflag:s14], $0x4000  }
0x1e: {  	[sflag:s14] =	ssyncset.done $0x0  }
0x1f: {  	[sflag:s14] =	ssyncadd.s32 $0xFFFFC000  }
0x20: {  	_ =	swait.ge [sflag:s14], $0x4000  }
0x21: {  	[sflag:s14] =	ssyncset.done $0x0  }
0x22: {  	[sflag:s14] =	ssyncadd.s32 $0xFFFFC000  }
0x23: {  	_ =	swait.ge [sflag:s14], $0x4000  }
0x24: {  	[sflag:s14] =	ssyncset.done $0x0  }
0x25: {  	[sflag:s14] =	ssyncadd.s32 $0xFFFFC000  }
0x26: {  	_ =	swait.ge [sflag:s14], $0x4000  }
0x27: {  	[sflag:s14] =	ssyncset.done $0x0  }
0x28: {  	[sflag:s14] =	ssyncadd.s32 $0xFFFFC000  }
0x29: {  	[hbm4b:s6+s2] =	stream.linear.scatter [tilespmem:s9], [sflag:$0x2], $0x14000, $0x38;
	[tilespmem:$0x15400] =	vst v63  }
0x2a: {  	s17 =	simm.s32 $0xA00;
	_ =	swait.ge [sflag:s7], $0x14000  }
0x2b: {  	s18 =	simm.s32 $0x1400;
	s16 =	sadd.s32 $0x2800, s6;
	[sflag:s7] =	ssyncset.done $0x0  }
.LBB2_2:
0x2c: {  	s19 =	sshra.s32 s17, $0x2  }
0x2d: {  	[sflag:s7] =	ssyncadd.s32 $0xFFFEC000;
	s17 =	smov.u32 s18;
	s20 =	sadd.s32 $0xA00, s18  }
0x2e: {  	[tilespmem:s9], [sflag:$0x1] =	stream.indirect.gather [hbm4b:s3+s8], $0x80, s19, s8, $0xb8;
	[tilespmem:$0x15400] =	vst v63  }
0x2f: {  	p0 =	sne.s32 s18, $0x4600;
	s18 =	sadd.s32 $0x80, s19  }
0x30: {  	[tilespmem:s10], [sflag:$0x1] =	stream.indirect.gather [hbm4b:s3+s8], $0x80, s18, s8, $0xb8;
	[tilespmem:$0x15400] =	vst v63  }
0x31: {  	s18 =	sadd.s32 $0x100, s19  }
0x32: {  	[tilespmem:s11], [sflag:$0x1] =	stream.indirect.gather [hbm4b:s3+s8], $0x80, s18, s8, $0xb8;
	[tilespmem:$0x15400] =	vst v63  }
0x33: {  	s18 =	sadd.s32 $0x180, s19  }
0x34: {  	[tilespmem:s12], [sflag:$0x1] =	stream.indirect.gather [hbm4b:s3+s8], $0x80, s18, s8, $0xb8;
	[tilespmem:$0x15400] =	vst v63  }
0x35: {  	s18 =	sadd.s32 $0x200, s19  }
0x36: {  	[tilespmem:s13], [sflag:$0x1] =	stream.indirect.gather [hbm4b:s3+s8], $0x80, s18, s8, $0xb8;
	[tilespmem:$0x15400] =	vst v63  }
0x37: {  	_ =	swait.ge [sflag:s14], $0x4000  }
0x38: {  	[sflag:s14] =	ssyncset.done $0x0  }
0x39: {  	[sflag:s14] =	ssyncadd.s32 $0xFFFFC000  }
0x3a: {  	_ =	swait.ge [sflag:s14], $0x4000  }
0x3b: {  	[sflag:s14] =	ssyncset.done $0x0  }
0x3c: {  	[sflag:s14] =	ssyncadd.s32 $0xFFFFC000  }
0x3d: {  	_ =	swait.ge [sflag:s14], $0x4000  }
0x3e: {  	[sflag:s14] =	ssyncset.done $0x0  }
0x3f: {  	[sflag:s14] =	ssyncadd.s32 $0xFFFFC000  }
0x40: {  	_ =	swait.ge [sflag:s14], $0x4000  }
0x41: {  	[sflag:s14] =	ssyncset.done $0x0  }
0x42: {  	[sflag:s14] =	ssyncadd.s32 $0xFFFFC000  }
0x43: {  	_ =	swait.ge [sflag:s14], $0x4000  }
.Ltmp0:
0x44: {  	[sflag:s14] =	ssyncset.done $0x0;
	(pc) =	sbr.rel @p0 .LBB2_2-.Ltmp0, $4  }
0x45: {  	[sflag:s14] =	ssyncadd.s32 $0xFFFFC000  }
0x46: {  	[hbm4b:s16+s2] =	stream.linear.scatter [tilespmem:s9], [sflag:$0x2], $0x14000, $0x38;
	[tilespmem:$0x15400] =	vst v63  }
0x47: {  	_ =	swait.ge [sflag:s7], $0x14000  }
0x48: {  	s18 =	smov.u32 s20;
	s16 =	sadd.s32 $0x2800, s16;
	[sflag:s7] =	ssyncset.done $0x0  }
0x49: {  	s17 =	sshra.s32 s17, $0x2;
	[sflag:s7] =	ssyncadd.s32 $0xFFFEC000  }
0x4a: {  	[tilespmem:s9], [sflag:$0x1] =	stream.indirect.gather [hbm4b:s3+s8], $0x80, s17, s8, $0xb8;
	[tilespmem:$0x15400] =	vst v63  }
0x4b: {  	s18 =	sadd.s32 $0x80, s17  }
0x4c: {  	[tilespmem:s10], [sflag:$0x1] =	stream.indirect.gather [hbm4b:s3+s8], $0x80, s18, s8, $0xb8;
	[tilespmem:$0x15400] =	vst v63  }
0x4d: {  	s30 =	sadd.s32 $0x100, s17  }
0x4e: {  	[tilespmem:s11], [sflag:$0x1] =	stream.indirect.gather [hbm4b:s3+s8], $0x80, s30, s8, $0xb8;
	[tilespmem:$0x15400] =	vst v63  }
0x4f: {  	s31 =	sadd.s32 $0x180, s17  }
0x50: {  	[tilespmem:s12], [sflag:$0x1] =	stream.indirect.gather [hbm4b:s3+s8], $0x80, s31, s8, $0xb8;
	[tilespmem:$0x15400] =	vst v63  }
0x51: {  	s17 =	sadd.s32 $0x200, s17  }
0x52: {  	[tilespmem:s13], [sflag:$0x1] =	stream.indirect.gather [hbm4b:s3+s8], $0x80, s17, s8, $0xb8;
	[tilespmem:$0x15400] =	vst v63  }
0x53: {  	_ =	swait.ge [sflag:s14], $0x4000  }
0x54: {  	[sflag:s14] =	ssyncset.done $0x0  }
0x55: {  	[sflag:s14] =	ssyncadd.s32 $0xFFFFC000  }
0x56: {  	_ =	swait.ge [sflag:s14], $0x4000  }
0x57: {  	[sflag:s14] =	ssyncset.done $0x0  }
0x58: {  	[sflag:s14] =	ssyncadd.s32 $0xFFFFC000  }
0x59: {  	_ =	swait.ge [sflag:s14], $0x4000  }
0x5a: {  	[sflag:s14] =	ssyncset.done $0x0  }
0x5b: {  	[sflag:s14] =	ssyncadd.s32 $0xFFFFC000  }
0x5c: {  	_ =	swait.ge [sflag:s14], $0x4000  }
0x5d: {  	[sflag:s14] =	ssyncset.done $0x0  }
0x5e: {  	[sflag:s14] =	ssyncadd.s32 $0xFFFFC000  }
0x5f: {  	s15 =	sadd.s32 $0x1, s15;
	_ =	swait.ge [sflag:s14], $0x4000  }
0x60: {  	p0 =	sne.s32 s15, s5;
	[sflag:s14] =	ssyncset.done $0x0  }
.Ltmp1:
0x61: {  	[sflag:s14] =	ssyncadd.s32 $0xFFFFC000;
	(pc) =	sbr.rel @p0 .LBB2_1-.Ltmp1, $4  }
0x62: {  	[hbm4b:s16+s2] =	stream.linear.scatter [tilespmem:s9], [sflag:$0x2], $0x14000, $0x38;
	[tilespmem:$0x15400] =	vst v63  }
0x63: {  	_ =	swait.ge [sflag:s7], $0x14000  }
0x64: {  	[sflag:s7] =	ssyncset.done $0x0  }
0x65: {  	[sflag:s7] =	ssyncadd.s32 $0xFFFEC000  }
0x66: {  	_ =	sfence.sel $0x180000  }
0x67: {  	[bflag:$0x0] =	sbarrier.arrive $0xFFFF  }
0x68: {  	p0 =	sne.s32 s0, $0x0;
	_ =	strace $0x90000053  }
0x69: {  	s0 =	sadd.s32 @!p0 $0x100000, s1;
	[bflag:$0x2] =	sbarrier.arrive $0xFFFF  }
0x6a: {  	[sflag:s0] =	ssyncadd.tile.s32 @!p0 $0x1;
	_ =	shalt  }
.Lfunc_end2:
_tile_overlayer_lowered:
.L_overlay_start_2:
0x6b: {  	(tag) =	ssettag $0x2  }
0x6c: {  	s0 =	rddreg [dreg:$0x0];
	s2 =	stileid.u32  }
0x6d: {  	s1 =	rddreg [dreg:$0x1];
	p0 =	sne.s32 s2, $0x0  }
0x6e: {  	s3 =	rddreg [dreg:$0x2];
	[bflag:$0x3] =	sbarrier.arrive $0xFFFF;
	s2 =	simm.s32 @!p0 $0x1C02  }
0x6f: {  	[timem:s3], [sflag:s2] =	dma.local @!p0 [hbm:s0], s1  }
0x70: {  	s0 =	simm.s32 @!p0 $0x2  }
0x71: {  	_ =	swait.ge @!p0 [sflag:s0], s1  }
0x72: {  	s1 =	ssub.s32 @!p0 $0x0, s1;
	[sflag:s0] =	ssyncset.done @!p0 $0x0  }
0x73: {  	[sflag:s0] =	ssyncadd.s32 @!p0 s1  }
0x74: {  	[bflag:$0x3] =	sbarrier.arrive $0xFFFF  }
0x75: {  	_ =	shalt  }

</sc_bundles>
